<compile_context>
chip_gen: v7x
topology: tpu7x:2x2x1
jax: 0.10.2.dev20260603
libtpu: 0.0.44.dev20260713+nightly
codegen_flags: <defaults>
</compile_context>

<pallas_src>
import functools

import jax
import jax.numpy as jnp
from jax import lax
from jax.experimental import pallas as pl
from jax.experimental.pallas import tpu as pltpu
from jax.experimental.pallas import tpu_sc as plsc

_NC = 2
_NS = 16
_L = 16
_B = 80


def _sq_nodes(x):
    n, d = x.shape

    def body(x_ref, o_ref):
        v = x_ref[...]
        o_ref[...] = jnp.sum(v * v, axis=1, keepdims=True)

    out = pl.pallas_call(
        body,
        out_shape=jax.ShapeDtypeStruct((n, 1), jnp.float32),
    )(x)
    return out.reshape(n)


def _phase_a(x, sq, src, dst):
    n = x.shape[0]
    d = x.shape[1] * 2
    e = src.shape[0]
    nw = _NC * _NS
    epw = e // nw
    nblk = epw // _B
    assert epw * nw == e and nblk * _B == epw and nblk % 2 == 1
    ngrp = _B // _L
    mesh = plsc.VectorSubcoreMesh(core_axis_name="c", subcore_axis_name="s")

    @functools.partial(
        pl.kernel,
        out_type=jax.ShapeDtypeStruct((e,), jnp.float32),
        mesh=mesh,
        compiler_params=pltpu.CompilerParams(needs_layout_passes=False, use_tc_tiling_on_sc=False),
        scratch_types=[
            pltpu.VMEM((n,), jnp.float32),
            pltpu.VMEM((epw,), jnp.int32),
            pltpu.VMEM((epw,), jnp.int32),
            pltpu.VMEM((epw,), jnp.float32),
            pltpu.VMEM((_B, d // 2), jnp.int32),
            pltpu.VMEM((_B, d // 2), jnp.int32),
            pltpu.VMEM((_B, d // 2), jnp.int32),
            pltpu.VMEM((_B, d // 2), jnp.int32),
            pltpu.VMEM((_L, _L + 1), jnp.float32),
            pltpu.SemaphoreType.DMA,
            pltpu.SemaphoreType.DMA,
            pltpu.SemaphoreType.DMA,
            pltpu.SemaphoreType.DMA,
        ],
    )
    def k(x_hbm, sq_hbm, src_hbm, dst_hbm, out_hbm, sqtab, idx_s, idx_d,
          out_all, rs0, rs1, rd0, rd1, tbuf, ss0, ss1, sd0, sd1):
        wid = lax.axis_index("s") * _NC + lax.axis_index("c")
        tbase = wid * epw
        pltpu.sync_copy(sq_hbm, sqtab)
        pltpu.sync_copy(src_hbm.at[pl.ds(tbase, epw)], idx_s)
        pltpu.sync_copy(dst_hbm.at[pl.ds(tbase, epw)], idx_d)
        lane = lax.iota(jnp.int32, _L)

        def fire(b, rs, rd, ss, sd):
            pltpu.async_copy(x_hbm.at[idx_s.at[pl.ds(b * _B, _B)]], rs, ss)
            pltpu.async_copy(x_hbm.at[idx_d.at[pl.ds(b * _B, _B)]], rd, sd)

        def wait(b, rs, rd, ss, sd):
            pltpu.make_async_copy(
                x_hbm.at[idx_s.at[pl.ds(b * _B, _B)]], rs, ss).wait()
            pltpu.make_async_copy(
                x_hbm.at[idx_d.at[pl.ds(b * _B, _B)]], rd, sd).wait()

        def compute(b, rs, rd):
            @pl.loop(0, ngrp)
            def _grp(g):
                off = b * _B + g * _L
                iv_s = idx_s[pl.ds(off, _L)]
                iv_d = idx_d[pl.ds(off, _L)]
                s1 = plsc.load_gather(sqtab, [iv_s])
                s2 = plsc.load_gather(sqtab, [iv_d])
                for ee in range(_L):
                    row = g * _L + ee
                    parts = []
                    for cc in range(d // (2 * _L)):
                        va = plsc.bitcast(
                            rs[row, pl.ds(cc * _L, _L)], jnp.bfloat16)
                        vb = plsc.bitcast(
                            rd[row, pl.ds(cc * _L, _L)], jnp.bfloat16)
                        w = plsc.bitcast(va * vb, jnp.int32)
                        hi = plsc.bitcast(
                            jnp.bitwise_and(w, jnp.int32(-65536)), jnp.float32)
                        lo = plsc.bitcast(
                            lax.shift_left(w, jnp.int32(16)), jnp.float32)
                        parts.append(hi + lo)
                    while len(parts) > 1:
                        parts = [parts[i] + parts[i + 1]
                                 for i in range(0, len(parts) - 1, 2)] + (
                                     [parts[-1]] if len(parts) % 2 else [])
                    plsc.store_scatter(
                        tbuf, [lane, jnp.full((_L,), ee, jnp.int32)],
                        parts[0])
                cols = [tbuf[j, pl.ds(0, _L)] for j in range(_L)]
                while len(cols) > 1:
                    cols = [cols[i] + cols[i + 1]
                            for i in range(0, len(cols), 2)]
                dd = cols[0]
                am = 1.0 - 2.0 * dd + s2
                bm = 1.0 - s1
                den = jnp.maximum(1.0 - 2.0 * dd + s1 * s2, 1e-15)
                num2 = am * am * s1 - 2.0 * am * bm * dd + bm * bm * s2
                num2 = jnp.maximum(num2, 0.0)
                out_all[pl.ds(off, _L)] = num2 / (den * den)

        fire(0, rs0, rd0, ss0, sd0)

        @pl.loop(0, nblk - 1, step=2)
        def _blk(bb):
            fire(bb + 1, rs1, rd1, ss1, sd1)
            wait(bb, rs0, rd0, ss0, sd0)
            compute(bb, rs0, rd0)
            fire(bb + 2, rs0, rd0, ss0, sd0)
            wait(bb + 1, rs1, rd1, ss1, sd1)
            compute(bb + 1, rs1, rd1)

        wait(nblk - 1, rs0, rd0, ss0, sd0)
        compute(nblk - 1, rs0, rd0)
        pltpu.sync_copy(out_all, out_hbm.at[pl.ds(tbase, epw)])

    return k(x, sq, src, dst)


def _phase_b(ma2, beta, con):
    e = ma2.shape[0]
    cols = 512
    rows = e // cols
    assert rows * cols == e
    m2 = ma2.reshape(rows, cols)

    def body(b_ref, c_ref, m_ref, o_ref):
        z = jnp.sqrt(m_ref[...])
        z = jnp.clip(z, -1.0 + 1e-7, 1.0 - 1e-7)
        a = 0.5 * (jnp.log1p(z) - jnp.log1p(-z))
        o_ref[...] = jnp.tanh(b_ref[0] * (4.0 * a * a) + c_ref[0])

    out = pl.pallas_call(
        body,
        out_shape=jax.ShapeDtypeStruct((rows, cols), jnp.float32),
        in_specs=[
            pl.BlockSpec(memory_space=pltpu.SMEM),
            pl.BlockSpec(memory_space=pltpu.SMEM),
            pl.BlockSpec(memory_space=pltpu.VMEM),
        ],
        out_specs=pl.BlockSpec(memory_space=pltpu.VMEM),
    )(beta, con, m2)
    return out.reshape(e)


def _phase_c(src, edge_e, n):
    e = src.shape[0]
    nw = _NC * _NS
    epw = e // nw
    ngrp = epw // _L
    accrows = (n + 127) // 128
    accrows = ((accrows + 7) // 8) * 8
    assert accrows <= 128
    mesh = plsc.VectorSubcoreMesh(core_axis_name="c", subcore_axis_name="s")

    @functools.partial(
        pl.kernel,
        out_type=jax.ShapeDtypeStruct((_NC, accrows, 128), jnp.float32),
        mesh=mesh,
        compiler_params=pltpu.CompilerParams(needs_layout_passes=False, use_tc_tiling_on_sc=False),
        scratch_types=[
            pltpu.VMEM((epw,), jnp.int32),
            pltpu.VMEM((epw,), jnp.float32),
            pltpu.VMEM((accrows, 128), jnp.float32),
            pltpu.VMEM((accrows,), jnp.int32),
            pltpu.VMEM_SHARED((accrows, 128), jnp.float32),
        ],
    )
    def k(src_hbm, ee_hbm, out_hbm, idx_all, val_all, acc, rowid, shacc):
        c = lax.axis_index("c")
        s = lax.axis_index("s")
        wid = s * _NC + c
        tbase = wid * epw
        zz = jnp.zeros((_L,), jnp.float32)

        @pl.loop(0, accrows)
        def _zr(i):
            for j in range(128 // _L):
                acc[i, pl.ds(j * _L, _L)] = zz

        @pl.loop(0, accrows // _L)
        def _rid(i):
            rowid[pl.ds(i * _L, _L)] = i * _L + lax.iota(jnp.int32, _L)

        @pl.when(s == 0)
        def _():
            pltpu.sync_copy(acc, shacc)

        plsc.subcore_barrier()

        pltpu.sync_copy(src_hbm.at[pl.ds(tbase, epw)], idx_all)
        pltpu.sync_copy(ee_hbm.at[pl.ds(tbase, epw)], val_all)

        @pl.loop(0, ngrp)
        def _grp(g):
            iv = idx_all[pl.ds(g * _L, _L)]
            vv = jnp.abs(val_all[pl.ds(g * _L, _L)])
            r = lax.shift_right_logical(iv, 7)
            col = jnp.bitwise_and(iv, 127)
            plsc.addupdate_scatter(acc, [r, col], vv)

        pltpu.sync_copy(acc, shacc.at[rowid], add=True)
        plsc.subcore_barrier()

        @pl.when(s == 0)
        def _():
            pltpu.sync_copy(shacc, out_hbm.at[c])

    return k(src, edge_e)


def kernel(x, edge_index, beta, con):
    n = x.shape[0]
    src = edge_index[0]
    dst = edge_index[1]
    sq = _sq_nodes(x)
    xp = lax.bitcast_convert_type(
        x.astype(jnp.bfloat16).reshape(n, x.shape[1] // 2, 2), jnp.int32)
    ma2 = _phase_a(xp, sq, src, dst)
    edge_e = _phase_b(ma2, beta, con)
    parts = _phase_c(src, edge_e, n)
    rowsum = parts.reshape(_NC, -1).sum(axis=0)[:n] + 1e-10
    return edge_e, rowsum[:, None]

# --- scband reference (transcript-rebuilt; emitter-appended) ---
"""Pipeline reference for scband-geometric-aware-hyp-agg-att-29240137351634 (READ-ONLY COPY).

The authoritative reference and input builder live on the scoring server;
editing this copy changes nothing except your own understanding.
"""

import jax, jax.numpy as jnp
import numpy as np

N = 10000
E = 320000
D = 128


def artanh(x):
    x = jnp.clip(x, -1.0 + 1e-7, 1.0 - 1e-7)
    return 0.5 * (jnp.log1p(x) - jnp.log1p(-x))


def mobius_add(x, y, c):
    x2 = jnp.sum(x * x, axis=-1, keepdims=True)
    y2 = jnp.sum(y * y, axis=-1, keepdims=True)
    xy = jnp.sum(x * y, axis=-1, keepdims=True)
    num = (1.0 + 2.0 * c * xy + c * y2) * x + (1.0 - c * x2) * y
    denom = 1.0 + 2.0 * c * xy + (c ** 2) * x2 * y2
    return num / jnp.maximum(denom, 1e-15)


def poincare_sqdist(p1, p2, c):
    sqrt_c = c ** 0.5
    ma = mobius_add(-p1, p2, c)
    dist_c = artanh(sqrt_c * jnp.linalg.norm(ma, axis=-1))
    dist = dist_c * 2.0 / sqrt_c
    return dist ** 2


def setup_inputs(seed: int = 0):
    key = jax.random.key(seed)
    k1, k2 = jax.random.split(key)
    # points inside the Poincare ball (small norm so sqdist is well-conditioned)
    x = (jax.random.uniform(k1, (N, D), dtype=jnp.float32) - 0.5) * 0.1
    edge_index = jax.random.randint(k2, (2, E), 0, N, dtype=jnp.int32)
    beta = jnp.array([1e-6], dtype=jnp.float32)
    con = jnp.array([1e-6], dtype=jnp.float32)
    return {"x": x, "edge_index": edge_index, "beta": beta, "con": con}


def reference(x, edge_index, beta, con):
    c = 1.0
    n = x.shape[0]
    src = edge_index[0, :]
    dst = edge_index[1, :]
    # edge_h = beta * sqdist(x[edge0], x[edge1], c) + con   (gather-heavy)
    edge_h = beta * poincare_sqdist(x[src, :], x[dst, :], c) + con
    edge_e = jnp.tanh(edge_h)
    # special_spmm(edge, |edge_e|, [n,n], ones(n,1)) == per-row (src) sum of |edge_e|
    e_rowsum = jax.ops.segment_sum(jnp.abs(edge_e), src, num_segments=n)[:, None] + 1e-10
    return edge_e, e_rowsum

if __name__ == "__main__":
    import jax
    _d = setup_inputs()
    print(jax.jit(kernel)(*tuple(_d.values())))

</pallas_src>

<mosaic_0001>
#map = affine_map<(d0, d1) -> (0)>
#map1 = affine_map<(d0, d1) -> (0, 0, 0)>
module attributes {stable_mosaic.version = 14 : i64} {
  func.func @k(%arg0: i32, %arg1: i32, %arg2: memref<320000xi32, #tpu.memory_space<hbm>>, %arg3: memref<320000xf32, #tpu.memory_space<hbm>>, %arg4: memref<2x80x128xf32, #tpu.memory_space<hbm>>, %arg5: memref<10000xi32, #tpu.memory_space<vmem>>, %arg6: memref<10000xf32, #tpu.memory_space<vmem>>, %arg7: memref<80x128xf32, #tpu.memory_space<vmem>>, %arg8: memref<80xi32, #tpu.memory_space<vmem>>, %arg9: memref<80x128xf32, #tpu.memory_space<vmem_shared>>) attributes {dimension_semantics = [#tpu.dimension_semantics<core_parallel>, #tpu.dimension_semantics<subcore_parallel>], iteration_bounds = array<i64: 2, 16>, scalar_prefetch = 0 : i64, scratch_operands = 5 : i64, tpu.core_type = #tpu.core_type<sc_vector_subcore>, window_params = [{transform_indices = #map}, {transform_indices = #map}, {transform_indices = #map1}]} {
    %mul3A = arith.constant 2 : i32
    %mul3A_0 = arith.muli %arg1, %mul3A : i32
    %add3A = arith.addi %mul3A_0, %arg0 : i32
    %mul3A_1 = arith.constant 10000 : i32
    %mul3A_2 = arith.muli %add3A, %mul3A_1 : i32
    %broadcast_in_dim3A = arith.constant 0.000000e+00 : f32
    %broadcast_in_dim3A_3 = vector.broadcast %broadcast_in_dim3A : f32 to vector<16xf32>
    %scan3A = arith.constant 0 : i32
    %scan3A_4 = arith.constant 80 : i32
    %scan3A_5 = arith.addi %scan3A, %scan3A_4 : i32
    %scan3A_6 = arith.constant 1 : i32
    scf.for %scan3A_26 = %scan3A to %scan3A_5 step %scan3A_6  : i32 {
      %mul3A_27 = arith.constant 1 : i32
      %mul3A_28 = arith.muli %scan3A_26, %mul3A_27 : i32
      %add3A_29 = arith.constant 0 : i32
      %add3A_30 = arith.addi %add3A_29, %mul3A_28 : i32
      %swap3A = arith.index_cast %add3A_30 : i32 to index
      %swap3A_31 = arith.constant 0 : index
      %swap3A_32 = tpu.vector_load %arg7[%swap3A, %swap3A_31] {strides = array<i32>} : memref<80x128xf32, #tpu.memory_space<vmem>>, vector<16xf32>,
      tpu.vector_store %arg7[%swap3A, %swap3A_31], %broadcast_in_dim3A_3 {strides = array<i32>} : memref<80x128xf32, #tpu.memory_space<vmem>>, vector<16xf32>,
      %swap3A_33 = arith.index_cast %add3A_30 : i32 to index
      %swap3A_34 = arith.constant 16 : index
      %swap3A_35 = tpu.vector_load %arg7[%swap3A_33, %swap3A_34] {strides = array<i32>} : memref<80x128xf32, #tpu.memory_space<vmem>>, vector<16xf32>,
      tpu.vector_store %arg7[%swap3A_33, %swap3A_34], %broadcast_in_dim3A_3 {strides = array<i32>} : memref<80x128xf32, #tpu.memory_space<vmem>>, vector<16xf32>,
      %swap3A_36 = arith.index_cast %add3A_30 : i32 to index
      %swap3A_37 = arith.constant 32 : index
      %swap3A_38 = tpu.vector_load %arg7[%swap3A_36, %swap3A_37] {strides = array<i32>} : memref<80x128xf32, #tpu.memory_space<vmem>>, vector<16xf32>,
      tpu.vector_store %arg7[%swap3A_36, %swap3A_37], %broadcast_in_dim3A_3 {strides = array<i32>} : memref<80x128xf32, #tpu.memory_space<vmem>>, vector<16xf32>,
      %swap3A_39 = arith.index_cast %add3A_30 : i32 to index
      %swap3A_40 = arith.constant 48 : index
      %swap3A_41 = tpu.vector_load %arg7[%swap3A_39, %swap3A_40] {strides = array<i32>} : memref<80x128xf32, #tpu.memory_space<vmem>>, vector<16xf32>,
      tpu.vector_store %arg7[%swap3A_39, %swap3A_40], %broadcast_in_dim3A_3 {strides = array<i32>} : memref<80x128xf32, #tpu.memory_space<vmem>>, vector<16xf32>,
      %swap3A_42 = arith.index_cast %add3A_30 : i32 to index
      %swap3A_43 = arith.constant 64 : index
      %swap3A_44 = tpu.vector_load %arg7[%swap3A_42, %swap3A_43] {strides = array<i32>} : memref<80x128xf32, #tpu.memory_space<vmem>>, vector<16xf32>,
      tpu.vector_store %arg7[%swap3A_42, %swap3A_43], %broadcast_in_dim3A_3 {strides = array<i32>} : memref<80x128xf32, #tpu.memory_space<vmem>>, vector<16xf32>,
      %swap3A_45 = arith.index_cast %add3A_30 : i32 to index
      %swap3A_46 = arith.constant 80 : index
      %swap3A_47 = tpu.vector_load %arg7[%swap3A_45, %swap3A_46] {strides = array<i32>} : memref<80x128xf32, #tpu.memory_space<vmem>>, vector<16xf32>,
      tpu.vector_store %arg7[%swap3A_45, %swap3A_46], %broadcast_in_dim3A_3 {strides = array<i32>} : memref<80x128xf32, #tpu.memory_space<vmem>>, vector<16xf32>,
      %swap3A_48 = arith.index_cast %add3A_30 : i32 to index
      %swap3A_49 = arith.constant 96 : index
      %swap3A_50 = tpu.vector_load %arg7[%swap3A_48, %swap3A_49] {strides = array<i32>} : memref<80x128xf32, #tpu.memory_space<vmem>>, vector<16xf32>,
      tpu.vector_store %arg7[%swap3A_48, %swap3A_49], %broadcast_in_dim3A_3 {strides = array<i32>} : memref<80x128xf32, #tpu.memory_space<vmem>>, vector<16xf32>,
      %swap3A_51 = arith.index_cast %add3A_30 : i32 to index
      %swap3A_52 = arith.constant 112 : index
      %swap3A_53 = tpu.vector_load %arg7[%swap3A_51, %swap3A_52] {strides = array<i32>} : memref<80x128xf32, #tpu.memory_space<vmem>>, vector<16xf32>,
      tpu.vector_store %arg7[%swap3A_51, %swap3A_52], %broadcast_in_dim3A_3 {strides = array<i32>} : memref<80x128xf32, #tpu.memory_space<vmem>>, vector<16xf32>,
    }
    %scan3A_7 = arith.constant 80 : i32
    %scan3A_8 = arith.constant 0 : i32
    %scan3A_9 = arith.constant 5 : i32
    %scan3A_10 = arith.addi %scan3A_8, %scan3A_9 : i32
    %scan3A_11 = arith.constant 1 : i32
    scf.for %scan3A_26 = %scan3A_8 to %scan3A_10 step %scan3A_11  : i32 {
      %mul3A_27 = arith.constant 1 : i32
      %mul3A_28 = arith.muli %scan3A_26, %mul3A_27 : i32
      %add3A_29 = arith.constant 0 : i32
      %add3A_30 = arith.addi %add3A_29, %mul3A_28 : i32
      %mul3A_31 = arith.constant 16 : i32
      %mul3A_32 = arith.muli %add3A_30, %mul3A_31 : i32
      %iota3A = tpu.iota {dimensions = array<i32: 0>} : vector<16xi32>
      %add3A_33 = vector.broadcast %mul3A_32 : i32 to vector<16xi32>
      %add3A_34 = arith.addi %add3A_33, %iota3A : vector<16xi32>
      %mul3A_35 = arith.constant 16 : i32
      %mul3A_36 = arith.muli %add3A_30, %mul3A_35 : i32
      %swap3A = arith.index_cast %mul3A_36 : i32 to index
      %swap3A_37 = tpu.vector_load %arg8[%swap3A] {strides = array<i32>} : memref<80xi32, #tpu.memory_space<vmem>>, vector<16xi32>,
      tpu.vector_store %arg8[%swap3A], %add3A_34 {strides = array<i32>} : memref<80xi32, #tpu.memory_space<vmem>>, vector<16xi32>,
    }
    %scan3A_12 = arith.constant 5 : i32
    %eq3A = arith.constant 0 : i32
    %eq3A_13 = arith.cmpi eq, %arg1, %eq3A : i32
    %convert_element_type3A = arith.extui %eq3A_13 : i1 to i32
    %cond3A = arith.constant 0 : i32
    %cond3A_14 = arith.cmpi ne, %convert_element_type3A, %cond3A : i32
    scf.if %cond3A_14 {
      "tpu.region"() ({
        %run_scoped3A = tpu.sem_alloc : memref<!tpu.dma_semaphore, #tpu.memory_space<semaphore_mem>>
        tpu.enqueue_dma source(%arg7 : memref<80x128xf32, #tpu.memory_space<vmem>>) target(%arg9 : memref<80x128xf32, #tpu.memory_space<vmem_shared>>) target_semaphore(%run_scoped3A : memref<!tpu.dma_semaphore, #tpu.memory_space<semaphore_mem>>)
        tpu.wait_dma2 semaphore(%run_scoped3A : memref<!tpu.dma_semaphore, #tpu.memory_space<semaphore_mem>>) src(%arg7 : memref<80x128xf32, #tpu.memory_space<vmem>>) dst(%arg9 : memref<80x128xf32, #tpu.memory_space<vmem_shared>>)
        tpu.yield
      }) : () -> ()
    } else {
    }
    %barrier3A = arith.constant 0 : index
    tpu.barrier barrier_id(%barrier3A)
    "tpu.region"() ({
      %run_scoped3A = tpu.sem_alloc : memref<!tpu.dma_semaphore, #tpu.memory_space<semaphore_mem>>
      %dma_start3A = tpu.memref_slice %arg2[%mul3A_2] : memref<320000xi32, #tpu.memory_space<hbm>> -> memref<10000xi32, #tpu.memory_space<hbm>>
      %dma_start3A_26 = tpu.memref_slice %arg2[%mul3A_2] : memref<320000xi32, #tpu.memory_space<hbm>> -> memref<10000xi32, #tpu.memory_space<hbm>>
      tpu.enqueue_dma source(%dma_start3A_26 : memref<10000xi32, #tpu.memory_space<hbm>>) target(%arg5 : memref<10000xi32, #tpu.memory_space<vmem>>) target_semaphore(%run_scoped3A : memref<!tpu.dma_semaphore, #tpu.memory_space<semaphore_mem>>)
      %dma_wait3A = tpu.memref_slice %arg2[%mul3A_2] : memref<320000xi32, #tpu.memory_space<hbm>> -> memref<10000xi32, #tpu.memory_space<hbm>>
      %dma_wait3A_27 = tpu.memref_slice %arg2[%mul3A_2] : memref<320000xi32, #tpu.memory_space<hbm>> -> memref<10000xi32, #tpu.memory_space<hbm>>
      tpu.wait_dma2 semaphore(%run_scoped3A : memref<!tpu.dma_semaphore, #tpu.memory_space<semaphore_mem>>) src(%dma_wait3A_27 : memref<10000xi32, #tpu.memory_space<hbm>>) dst(%arg5 : memref<10000xi32, #tpu.memory_space<vmem>>)
      tpu.yield
    }) : () -> ()
    "tpu.region"() ({
      %run_scoped3A = tpu.sem_alloc : memref<!tpu.dma_semaphore, #tpu.memory_space<semaphore_mem>>
      %dma_start3A = tpu.memref_slice %arg3[%mul3A_2] : memref<320000xf32, #tpu.memory_space<hbm>> -> memref<10000xf32, #tpu.memory_space<hbm>>
      %dma_start3A_26 = tpu.memref_slice %arg3[%mul3A_2] : memref<320000xf32, #tpu.memory_space<hbm>> -> memref<10000xf32, #tpu.memory_space<hbm>>
      tpu.enqueue_dma source(%dma_start3A_26 : memref<10000xf32, #tpu.memory_space<hbm>>) target(%arg6 : memref<10000xf32, #tpu.memory_space<vmem>>) target_semaphore(%run_scoped3A : memref<!tpu.dma_semaphore, #tpu.memory_space<semaphore_mem>>)
      %dma_wait3A = tpu.memref_slice %arg3[%mul3A_2] : memref<320000xf32, #tpu.memory_space<hbm>> -> memref<10000xf32, #tpu.memory_space<hbm>>
      %dma_wait3A_27 = tpu.memref_slice %arg3[%mul3A_2] : memref<320000xf32, #tpu.memory_space<hbm>> -> memref<10000xf32, #tpu.memory_space<hbm>>
      tpu.wait_dma2 semaphore(%run_scoped3A : memref<!tpu.dma_semaphore, #tpu.memory_space<semaphore_mem>>) src(%dma_wait3A_27 : memref<10000xf32, #tpu.memory_space<hbm>>) dst(%arg6 : memref<10000xf32, #tpu.memory_space<vmem>>)
      tpu.yield
    }) : () -> ()
    %scan3A_15 = arith.constant 0 : i32
    %scan3A_16 = arith.constant 625 : i32
    %scan3A_17 = arith.addi %scan3A_15, %scan3A_16 : i32
    %scan3A_18 = arith.constant 1 : i32
    scf.for %scan3A_26 = %scan3A_15 to %scan3A_17 step %scan3A_18  : i32 {
      %mul3A_27 = arith.constant 1 : i32
      %mul3A_28 = arith.muli %scan3A_26, %mul3A_27 : i32
      %add3A_29 = arith.constant 0 : i32
      %add3A_30 = arith.addi %add3A_29, %mul3A_28 : i32
      %mul3A_31 = arith.constant 16 : i32
      %mul3A_32 = arith.muli %add3A_30, %mul3A_31 : i32
      %get3A = arith.index_cast %mul3A_32 : i32 to index
      %get3A_33 = tpu.vector_load %arg5[%get3A] {strides = array<i32>} : memref<10000xi32, #tpu.memory_space<vmem>>, vector<16xi32>,
      %mul3A_34 = arith.constant 16 : i32
      %mul3A_35 = arith.muli %add3A_30, %mul3A_34 : i32
      %get3A_36 = arith.index_cast %mul3A_35 : i32 to index
      %get3A_37 = tpu.vector_load %arg6[%get3A_36] {strides = array<i32>} : memref<10000xf32, #tpu.memory_space<vmem>>, vector<16xf32>,
      %abs3A = math.absf %get3A_37 : vector<16xf32>
      %shift_right_logical3A = arith.constant 7 : i32
      %shift_right_logical3A_38 = vector.broadcast %shift_right_logical3A : i32 to vector<16xi32>
      %shift_right_logical3A_39 = arith.shrui %get3A_33, %shift_right_logical3A_38 : vector<16xi32>
      %and3A = arith.constant 127 : i32
      %and3A_40 = vector.broadcast %and3A : i32 to vector<16xi32>
      %and3A_41 = arith.andi %get3A_33, %and3A_40 : vector<16xi32>
      tpu.vector_store_idx %arg7[%shift_right_logical3A_39, %and3A_41], %abs3A {add = true} : memref<80x128xf32, #tpu.memory_space<vmem>>[vector<16xi32>, vector<16xi32>], vector<16xf32>,
    }
    %scan3A_19 = arith.constant 625 : i32
    "tpu.region"() ({
      %run_scoped3A = tpu.sem_alloc : memref<!tpu.dma_semaphore, #tpu.memory_space<semaphore_mem>>
      %dma_start3A = arith.constant 0 : i32
      %dma_start3A_26 = arith.constant 0 : i32
      %dma_start3A_27 = tpu.memref_slice %arg9[%dma_start3A, %dma_start3A_26] : memref<80x128xf32, #tpu.memory_space<vmem_shared>> -> memref<80x128xf32, #tpu.memory_space<vmem_shared>>
      tpu.enqueue_indirect_dma source(%arg7 : memref<80x128xf32, #tpu.memory_space<vmem>>) target(%dma_start3A_27 : memref<80x128xf32, #tpu.memory_space<vmem_shared>>) offsets(%arg8 : memref<80xi32, #tpu.memory_space<vmem>>) semaphore(%run_scoped3A : memref<!tpu.dma_semaphore, #tpu.memory_space<semaphore_mem>>) {add = true}
      %dma_wait3A = arith.constant 0 : i32
      %dma_wait3A_28 = arith.constant 0 : i32
      %dma_wait3A_29 = tpu.memref_slice %arg9[%dma_wait3A, %dma_wait3A_28] : memref<80x128xf32, #tpu.memory_space<vmem_shared>> -> memref<80x128xf32, #tpu.memory_space<vmem_shared>>
      tpu.wait_indirect_dma semaphore(%run_scoped3A : memref<!tpu.dma_semaphore, #tpu.memory_space<semaphore_mem>>) src(%arg7 : memref<80x128xf32, #tpu.memory_space<vmem>>) dst(%dma_wait3A_29 : memref<80x128xf32, #tpu.memory_space<vmem_shared>>)
      tpu.yield
    }) : () -> ()
    %barrier3A_20 = arith.constant 0 : index
    tpu.barrier barrier_id(%barrier3A_20)
    %eq3A_21 = arith.constant 0 : i32
    %eq3A_22 = arith.cmpi eq, %arg1, %eq3A_21 : i32
    %convert_element_type3A_23 = arith.extui %eq3A_22 : i1 to i32
    %cond3A_24 = arith.constant 0 : i32
    %cond3A_25 = arith.cmpi ne, %convert_element_type3A_23, %cond3A_24 : i32
    scf.if %cond3A_25 {
      "tpu.region"() ({
        %run_scoped3A = tpu.sem_alloc : memref<!tpu.dma_semaphore, #tpu.memory_space<semaphore_mem>>
        %dma_start3A = arith.constant 0 : i32
        %dma_start3A_26 = arith.constant 0 : i32
        %dma_start3A_27 = tpu.memref_slice %arg4[%arg0, %dma_start3A, %dma_start3A_26] : memref<2x80x128xf32, #tpu.memory_space<hbm>> -> memref<1x80x128xf32, #tpu.memory_space<hbm>>
        %dma_start3A_28 = tpu.memref_squeeze %dma_start3A_27 : memref<1x80x128xf32, #tpu.memory_space<hbm>> -> memref<80x128xf32, #tpu.memory_space<hbm>>
        tpu.enqueue_dma source(%arg9 : memref<80x128xf32, #tpu.memory_space<vmem_shared>>) target(%dma_start3A_28 : memref<80x128xf32, #tpu.memory_space<hbm>>) target_semaphore(%run_scoped3A : memref<!tpu.dma_semaphore, #tpu.memory_space<semaphore_mem>>)
        %dma_wait3A = arith.constant 0 : i32
        %dma_wait3A_29 = arith.constant 0 : i32
        %dma_wait3A_30 = tpu.memref_slice %arg4[%arg0, %dma_wait3A, %dma_wait3A_29] : memref<2x80x128xf32, #tpu.memory_space<hbm>> -> memref<1x80x128xf32, #tpu.memory_space<hbm>>
        %dma_wait3A_31 = tpu.memref_squeeze %dma_wait3A_30 : memref<1x80x128xf32, #tpu.memory_space<hbm>> -> memref<80x128xf32, #tpu.memory_space<hbm>>
        tpu.wait_dma2 semaphore(%run_scoped3A : memref<!tpu.dma_semaphore, #tpu.memory_space<semaphore_mem>>) src(%arg9 : memref<80x128xf32, #tpu.memory_space<vmem_shared>>) dst(%dma_wait3A_31 : memref<80x128xf32, #tpu.memory_space<hbm>>)
        tpu.yield
      }) : () -> ()
    } else {
    }
    return
  }
}

#map = affine_map<(d0, d1) -> (0, 0)>
#map1 = affine_map<(d0, d1) -> (0)>
module attributes {stable_mosaic.version = 14 : i64} {
  func.func @k(%arg0: i32, %arg1: i32, %arg2: memref<10000x64xi32, #tpu.memory_space<hbm>>, %arg3: memref<10000xf32, #tpu.memory_space<hbm>>, %arg4: memref<320000xi32, #tpu.memory_space<hbm>>, %arg5: memref<320000xi32, #tpu.memory_space<hbm>>, %arg6: memref<320000xf32, #tpu.memory_space<hbm>>, %arg7: memref<10000xf32, #tpu.memory_space<vmem>>, %arg8: memref<10000xi32, #tpu.memory_space<vmem>>, %arg9: memref<10000xi32, #tpu.memory_space<vmem>>, %arg10: memref<10000xf32, #tpu.memory_space<vmem>>, %arg11: memref<80x64xi32, #tpu.memory_space<vmem>>, %arg12: memref<80x64xi32, #tpu.memory_space<vmem>>, %arg13: memref<80x64xi32, #tpu.memory_space<vmem>>, %arg14: memref<80x64xi32, #tpu.memory_space<vmem>>, %arg15: memref<16x17xf32, #tpu.memory_space<vmem>>, %arg16: memref<!tpu.dma_semaphore, #tpu.memory_space<semaphore_mem>>, %arg17: memref<!tpu.dma_semaphore, #tpu.memory_space<semaphore_mem>>, %arg18: memref<!tpu.dma_semaphore, #tpu.memory_space<semaphore_mem>>, %arg19: memref<!tpu.dma_semaphore, #tpu.memory_space<semaphore_mem>>) attributes {dimension_semantics = [#tpu.dimension_semantics<core_parallel>, #tpu.dimension_semantics<subcore_parallel>], iteration_bounds = array<i64: 2, 16>, scalar_prefetch = 0 : i64, scratch_operands = 13 : i64, tpu.core_type = #tpu.core_type<sc_vector_subcore>, window_params = [{transform_indices = #map}, {transform_indices = #map1}, {transform_indices = #map1}, {transform_indices = #map1}, {transform_indices = #map1}]} {
    %mul3A = arith.constant 2 : i32
    %mul3A_0 = arith.muli %arg1, %mul3A : i32
    %add3A = arith.addi %mul3A_0, %arg0 : i32
    %mul3A_1 = arith.constant 10000 : i32
    %mul3A_2 = arith.muli %add3A, %mul3A_1 : i32
    "tpu.region"() ({
      %run_scoped3A = tpu.sem_alloc : memref<!tpu.dma_semaphore, #tpu.memory_space<semaphore_mem>>
      tpu.enqueue_dma source(%arg3 : memref<10000xf32, #tpu.memory_space<hbm>>) target(%arg7 : memref<10000xf32, #tpu.memory_space<vmem>>) target_semaphore(%run_scoped3A : memref<!tpu.dma_semaphore, #tpu.memory_space<semaphore_mem>>)
      tpu.wait_dma2 semaphore(%run_scoped3A : memref<!tpu.dma_semaphore, #tpu.memory_space<semaphore_mem>>) src(%arg3 : memref<10000xf32, #tpu.memory_space<hbm>>) dst(%arg7 : memref<10000xf32, #tpu.memory_space<vmem>>)
      tpu.yield
    }) : () -> ()
    "tpu.region"() ({
      %run_scoped3A = tpu.sem_alloc : memref<!tpu.dma_semaphore, #tpu.memory_space<semaphore_mem>>
      %dma_start3A_30 = tpu.memref_slice %arg4[%mul3A_2] : memref<320000xi32, #tpu.memory_space<hbm>> -> memref<10000xi32, #tpu.memory_space<hbm>>
      %dma_start3A_31 = tpu.memref_slice %arg4[%mul3A_2] : memref<320000xi32, #tpu.memory_space<hbm>> -> memref<10000xi32, #tpu.memory_space<hbm>>
      tpu.enqueue_dma source(%dma_start3A_31 : memref<10000xi32, #tpu.memory_space<hbm>>) target(%arg8 : memref<10000xi32, #tpu.memory_space<vmem>>) target_semaphore(%run_scoped3A : memref<!tpu.dma_semaphore, #tpu.memory_space<semaphore_mem>>)
      %dma_wait3A_32 = tpu.memref_slice %arg4[%mul3A_2] : memref<320000xi32, #tpu.memory_space<hbm>> -> memref<10000xi32, #tpu.memory_space<hbm>>
      %dma_wait3A_33 = tpu.memref_slice %arg4[%mul3A_2] : memref<320000xi32, #tpu.memory_space<hbm>> -> memref<10000xi32, #tpu.memory_space<hbm>>
      tpu.wait_dma2 semaphore(%run_scoped3A : memref<!tpu.dma_semaphore, #tpu.memory_space<semaphore_mem>>) src(%dma_wait3A_33 : memref<10000xi32, #tpu.memory_space<hbm>>) dst(%arg8 : memref<10000xi32, #tpu.memory_space<vmem>>)
      tpu.yield
    }) : () -> ()
    "tpu.region"() ({
      %run_scoped3A = tpu.sem_alloc : memref<!tpu.dma_semaphore, #tpu.memory_space<semaphore_mem>>
      %dma_start3A_30 = tpu.memref_slice %arg5[%mul3A_2] : memref<320000xi32, #tpu.memory_space<hbm>> -> memref<10000xi32, #tpu.memory_space<hbm>>
      %dma_start3A_31 = tpu.memref_slice %arg5[%mul3A_2] : memref<320000xi32, #tpu.memory_space<hbm>> -> memref<10000xi32, #tpu.memory_space<hbm>>
      tpu.enqueue_dma source(%dma_start3A_31 : memref<10000xi32, #tpu.memory_space<hbm>>) target(%arg9 : memref<10000xi32, #tpu.memory_space<vmem>>) target_semaphore(%run_scoped3A : memref<!tpu.dma_semaphore, #tpu.memory_space<semaphore_mem>>)
      %dma_wait3A_32 = tpu.memref_slice %arg5[%mul3A_2] : memref<320000xi32, #tpu.memory_space<hbm>> -> memref<10000xi32, #tpu.memory_space<hbm>>
      %dma_wait3A_33 = tpu.memref_slice %arg5[%mul3A_2] : memref<320000xi32, #tpu.memory_space<hbm>> -> memref<10000xi32, #tpu.memory_space<hbm>>
      tpu.wait_dma2 semaphore(%run_scoped3A : memref<!tpu.dma_semaphore, #tpu.memory_space<semaphore_mem>>) src(%dma_wait3A_33 : memref<10000xi32, #tpu.memory_space<hbm>>) dst(%arg9 : memref<10000xi32, #tpu.memory_space<vmem>>)
      tpu.yield
    }) : () -> ()
    %iota3A = tpu.iota {dimensions = array<i32: 0>} : vector<16xi32>
    %dma_start3A = arith.constant 0 : i32
    %dma_start3A_3 = tpu.memref_slice %arg8[%dma_start3A] : memref<10000xi32, #tpu.memory_space<vmem>> -> memref<80xi32, #tpu.memory_space<vmem>>
    %dma_start3A_4 = arith.constant 0 : i32
    %dma_start3A_5 = arith.constant 0 : i32
    %dma_start3A_6 = tpu.memref_slice %arg2[%dma_start3A_4, %dma_start3A_5] : memref<10000x64xi32, #tpu.memory_space<hbm>> -> memref<10000x64xi32, #tpu.memory_space<hbm>>
    tpu.enqueue_indirect_dma source(%dma_start3A_6 : memref<10000x64xi32, #tpu.memory_space<hbm>>) target(%arg11 : memref<80x64xi32, #tpu.memory_space<vmem>>) offsets(%dma_start3A_3 : memref<80xi32, #tpu.memory_space<vmem>>) semaphore(%arg16 : memref<!tpu.dma_semaphore, #tpu.memory_space<semaphore_mem>>)
    %dma_start3A_7 = arith.constant 0 : i32
    %dma_start3A_8 = tpu.memref_slice %arg9[%dma_start3A_7] : memref<10000xi32, #tpu.memory_space<vmem>> -> memref<80xi32, #tpu.memory_space<vmem>>
    %dma_start3A_9 = arith.constant 0 : i32
    %dma_start3A_10 = arith.constant 0 : i32
    %dma_start3A_11 = tpu.memref_slice %arg2[%dma_start3A_9, %dma_start3A_10] : memref<10000x64xi32, #tpu.memory_space<hbm>> -> memref<10000x64xi32, #tpu.memory_space<hbm>>
    tpu.enqueue_indirect_dma source(%dma_start3A_11 : memref<10000x64xi32, #tpu.memory_space<hbm>>) target(%arg13 : memref<80x64xi32, #tpu.memory_space<vmem>>) offsets(%dma_start3A_8 : memref<80xi32, #tpu.memory_space<vmem>>) semaphore(%arg18 : memref<!tpu.dma_semaphore, #tpu.memory_space<semaphore_mem>>)
    %scan3A = arith.constant 0 : i32
    %scan3A_12 = arith.constant 62 : i32
    %scan3A_13 = arith.addi %scan3A, %scan3A_12 : i32
    %scan3A_14 = arith.constant 1 : i32
    scf.for %scan3A_30 = %scan3A to %scan3A_13 step %scan3A_14  : i32 {
      %mul3A_31 = arith.constant 2 : i32
      %mul3A_32 = arith.muli %scan3A_30, %mul3A_31 : i32
      %add3A_33 = arith.constant 0 : i32
      %add3A_34 = arith.addi %add3A_33, %mul3A_32 : i32
      %add3A_35 = arith.constant 1 : i32
      %add3A_36 = arith.addi %add3A_34, %add3A_35 : i32
      %mul3A_37 = arith.constant 80 : i32
      %mul3A_38 = arith.muli %add3A_36, %mul3A_37 : i32
      %dma_start3A_39 = tpu.memref_slice %arg8[%mul3A_38] : memref<10000xi32, #tpu.memory_space<vmem>> -> memref<80xi32, #tpu.memory_space<vmem>>
      %dma_start3A_40 = arith.constant 0 : i32
      %dma_start3A_41 = arith.constant 0 : i32
      %dma_start3A_42 = tpu.memref_slice %arg2[%dma_start3A_40, %dma_start3A_41] : memref<10000x64xi32, #tpu.memory_space<hbm>> -> memref<10000x64xi32, #tpu.memory_space<hbm>>
      tpu.enqueue_indirect_dma source(%dma_start3A_42 : memref<10000x64xi32, #tpu.memory_space<hbm>>) target(%arg12 : memref<80x64xi32, #tpu.memory_space<vmem>>) offsets(%dma_start3A_39 : memref<80xi32, #tpu.memory_space<vmem>>) semaphore(%arg17 : memref<!tpu.dma_semaphore, #tpu.memory_space<semaphore_mem>>)
      %mul3A_43 = arith.constant 80 : i32
      %mul3A_44 = arith.muli %add3A_36, %mul3A_43 : i32
      %dma_start3A_45 = tpu.memref_slice %arg9[%mul3A_44] : memref<10000xi32, #tpu.memory_space<vmem>> -> memref<80xi32, #tpu.memory_space<vmem>>
      %dma_start3A_46 = arith.constant 0 : i32
      %dma_start3A_47 = arith.constant 0 : i32
      %dma_start3A_48 = tpu.memref_slice %arg2[%dma_start3A_46, %dma_start3A_47] : memref<10000x64xi32, #tpu.memory_space<hbm>> -> memref<10000x64xi32, #tpu.memory_space<hbm>>
      tpu.enqueue_indirect_dma source(%dma_start3A_48 : memref<10000x64xi32, #tpu.memory_space<hbm>>) target(%arg14 : memref<80x64xi32, #tpu.memory_space<vmem>>) offsets(%dma_start3A_45 : memref<80xi32, #tpu.memory_space<vmem>>) semaphore(%arg19 : memref<!tpu.dma_semaphore, #tpu.memory_space<semaphore_mem>>)
      %mul3A_49 = arith.constant 80 : i32
      %mul3A_50 = arith.muli %add3A_34, %mul3A_49 : i32
      %dma_wait3A_51 = tpu.memref_slice %arg8[%mul3A_50] : memref<10000xi32, #tpu.memory_space<vmem>> -> memref<80xi32, #tpu.memory_space<vmem>>
      %dma_wait3A_52 = arith.constant 0 : i32
      %dma_wait3A_53 = arith.constant 0 : i32
      %dma_wait3A_54 = tpu.memref_slice %arg2[%dma_wait3A_52, %dma_wait3A_53] : memref<10000x64xi32, #tpu.memory_space<hbm>> -> memref<10000x64xi32, #tpu.memory_space<hbm>>
      tpu.wait_indirect_dma semaphore(%arg16 : memref<!tpu.dma_semaphore, #tpu.memory_space<semaphore_mem>>) src(%dma_wait3A_54 : memref<10000x64xi32, #tpu.memory_space<hbm>>) dst(%arg11 : memref<80x64xi32, #tpu.memory_space<vmem>>)
      %mul3A_55 = arith.constant 80 : i32
      %mul3A_56 = arith.muli %add3A_34, %mul3A_55 : i32
      %dma_wait3A_57 = tpu.memref_slice %arg9[%mul3A_56] : memref<10000xi32, #tpu.memory_space<vmem>> -> memref<80xi32, #tpu.memory_space<vmem>>
      %dma_wait3A_58 = arith.constant 0 : i32
      %dma_wait3A_59 = arith.constant 0 : i32
      %dma_wait3A_60 = tpu.memref_slice %arg2[%dma_wait3A_58, %dma_wait3A_59] : memref<10000x64xi32, #tpu.memory_space<hbm>> -> memref<10000x64xi32, #tpu.memory_space<hbm>>
      tpu.wait_indirect_dma semaphore(%arg18 : memref<!tpu.dma_semaphore, #tpu.memory_space<semaphore_mem>>) src(%dma_wait3A_60 : memref<10000x64xi32, #tpu.memory_space<hbm>>) dst(%arg13 : memref<80x64xi32, #tpu.memory_space<vmem>>)
      %scan3A_61 = arith.constant 0 : i32
      %scan3A_62 = arith.constant 5 : i32
      %scan3A_63 = arith.addi %scan3A_61, %scan3A_62 : i32
      %scan3A_64 = arith.constant 1 : i32
      scf.for %scan3A_101 = %scan3A_61 to %scan3A_63 step %scan3A_64  : i32 {
        %mul3A_102 = arith.constant 1 : i32
        %mul3A_103 = arith.muli %scan3A_101, %mul3A_102 : i32
        %add3A_104 = arith.constant 0 : i32
        %add3A_105 = arith.addi %add3A_104, %mul3A_103 : i32
        %mul3A_106 = arith.constant 80 : i32
        %mul3A_107 = arith.muli %add3A_34, %mul3A_106 : i32
        %mul3A_108 = arith.constant 16 : i32
        %mul3A_109 = arith.muli %add3A_105, %mul3A_108 : i32
        %add3A_110 = arith.addi %mul3A_107, %mul3A_109 : i32
        %get3A = arith.index_cast %add3A_110 : i32 to index
        %get3A_111 = tpu.vector_load %arg8[%get3A] {strides = array<i32>} : memref<10000xi32, #tpu.memory_space<vmem>>, vector<16xi32>,
        %get3A_112 = arith.index_cast %add3A_110 : i32 to index
        %get3A_113 = tpu.vector_load %arg9[%get3A_112] {strides = array<i32>} : memref<10000xi32, #tpu.memory_space<vmem>>, vector<16xi32>,
        %gather3A = tpu.vector_load_idx %arg7[%get3A_111] : memref<10000xf32, #tpu.memory_space<vmem>>[vector<16xi32>], vector<16xf32>,
        %gather3A_114 = tpu.vector_load_idx %arg7[%get3A_113] : memref<10000xf32, #tpu.memory_space<vmem>>[vector<16xi32>], vector<16xf32>,
        %mul3A_115 = arith.constant 16 : i32
        %mul3A_116 = arith.muli %add3A_105, %mul3A_115 : i32
        %add3A_117 = arith.constant 0 : i32
        %add3A_118 = arith.addi %mul3A_116, %add3A_117 : i32
        %get3A_119 = arith.index_cast %add3A_118 : i32 to index
        %get3A_120 = arith.constant 0 : index
        %get3A_121 = tpu.vector_load %arg11[%get3A_119, %get3A_120] {strides = array<i32>} : memref<80x64xi32, #tpu.memory_space<vmem>>, vector<16xi32>,
        %bitcast3A = vector.bitcast %get3A_121 : vector<16xi32> to vector<32xbf16>
        %get3A_122 = arith.index_cast %add3A_118 : i32 to index
        %get3A_123 = arith.constant 0 : index
        %get3A_124 = tpu.vector_load %arg13[%get3A_122, %get3A_123] {strides = array<i32>} : memref<80x64xi32, #tpu.memory_space<vmem>>, vector<16xi32>,
        %bitcast3A_125 = vector.bitcast %get3A_124 : vector<16xi32> to vector<32xbf16>
        %mul3A_126 = arith.mulf %bitcast3A, %bitcast3A_125 : vector<32xbf16>
        %bitcast3A_127 = vector.bitcast %mul3A_126 : vector<32xbf16> to vector<16xi32>
        %and3A = arith.constant -65536 : i32
        %and3A_128 = vector.broadcast %and3A : i32 to vector<16xi32>
        %and3A_129 = arith.andi %bitcast3A_127, %and3A_128 : vector<16xi32>
        %bitcast3A_130 = vector.bitcast %and3A_129 : vector<16xi32> to vector<16xf32>
        %shift_left3A = arith.constant 16 : i32
        %shift_left3A_131 = vector.broadcast %shift_left3A : i32 to vector<16xi32>
        %shift_left3A_132 = arith.shli %bitcast3A_127, %shift_left3A_131 : vector<16xi32>
        %bitcast3A_133 = vector.bitcast %shift_left3A_132 : vector<16xi32> to vector<16xf32>
        %add3A_134 = arith.addf %bitcast3A_130, %bitcast3A_133 : vector<16xf32>
        %get3A_135 = arith.index_cast %add3A_118 : i32 to index
        %get3A_136 = arith.constant 16 : index
        %get3A_137 = tpu.vector_load %arg11[%get3A_135, %get3A_136] {strides = array<i32>} : memref<80x64xi32, #tpu.memory_space<vmem>>, vector<16xi32>,
        %bitcast3A_138 = vector.bitcast %get3A_137 : vector<16xi32> to vector<32xbf16>
        %get3A_139 = arith.index_cast %add3A_118 : i32 to index
        %get3A_140 = arith.constant 16 : index
        %get3A_141 = tpu.vector_load %arg13[%get3A_139, %get3A_140] {strides = array<i32>} : memref<80x64xi32, #tpu.memory_space<vmem>>, vector<16xi32>,
        %bitcast3A_142 = vector.bitcast %get3A_141 : vector<16xi32> to vector<32xbf16>
        %mul3A_143 = arith.mulf %bitcast3A_138, %bitcast3A_142 : vector<32xbf16>
        %bitcast3A_144 = vector.bitcast %mul3A_143 : vector<32xbf16> to vector<16xi32>
        %and3A_145 = arith.constant -65536 : i32
        %and3A_146 = vector.broadcast %and3A_145 : i32 to vector<16xi32>
        %and3A_147 = arith.andi %bitcast3A_144, %and3A_146 : vector<16xi32>
        %bitcast3A_148 = vector.bitcast %and3A_147 : vector<16xi32> to vector<16xf32>
        %shift_left3A_149 = arith.constant 16 : i32
        %shift_left3A_150 = vector.broadcast %shift_left3A_149 : i32 to vector<16xi32>
        %shift_left3A_151 = arith.shli %bitcast3A_144, %shift_left3A_150 : vector<16xi32>
        %bitcast3A_152 = vector.bitcast %shift_left3A_151 : vector<16xi32> to vector<16xf32>
        %add3A_153 = arith.addf %bitcast3A_148, %bitcast3A_152 : vector<16xf32>
        %get3A_154 = arith.index_cast %add3A_118 : i32 to index
        %get3A_155 = arith.constant 32 : index
        %get3A_156 = tpu.vector_load %arg11[%get3A_154, %get3A_155] {strides = array<i32>} : memref<80x64xi32, #tpu.memory_space<vmem>>, vector<16xi32>,
        %bitcast3A_157 = vector.bitcast %get3A_156 : vector<16xi32> to vector<32xbf16>
        %get3A_158 = arith.index_cast %add3A_118 : i32 to index
        %get3A_159 = arith.constant 32 : index
        %get3A_160 = tpu.vector_load %arg13[%get3A_158, %get3A_159] {strides = array<i32>} : memref<80x64xi32, #tpu.memory_space<vmem>>, vector<16xi32>,
        %bitcast3A_161 = vector.bitcast %get3A_160 : vector<16xi32> to vector<32xbf16>
        %mul3A_162 = arith.mulf %bitcast3A_157, %bitcast3A_161 : vector<32xbf16>
        %bitcast3A_163 = vector.bitcast %mul3A_162 : vector<32xbf16> to vector<16xi32>
        %and3A_164 = arith.constant -65536 : i32
        %and3A_165 = vector.broadcast %and3A_164 : i32 to vector<16xi32>
        %and3A_166 = arith.andi %bitcast3A_163, %and3A_165 : vector<16xi32>
        %bitcast3A_167 = vector.bitcast %and3A_166 : vector<16xi32> to vector<16xf32>
        %shift_left3A_168 = arith.constant 16 : i32
        %shift_left3A_169 = vector.broadcast %shift_left3A_168 : i32 to vector<16xi32>
        %shift_left3A_170 = arith.shli %bitcast3A_163, %shift_left3A_169 : vector<16xi32>
        %bitcast3A_171 = vector.bitcast %shift_left3A_170 : vector<16xi32> to vector<16xf32>
        %add3A_172 = arith.addf %bitcast3A_167, %bitcast3A_171 : vector<16xf32>
        %get3A_173 = arith.index_cast %add3A_118 : i32 to index
        %get3A_174 = arith.constant 48 : index
        %get3A_175 = tpu.vector_load %arg11[%get3A_173, %get3A_174] {strides = array<i32>} : memref<80x64xi32, #tpu.memory_space<vmem>>, vector<16xi32>,
        %bitcast3A_176 = vector.bitcast %get3A_175 : vector<16xi32> to vector<32xbf16>
        %get3A_177 = arith.index_cast %add3A_118 : i32 to index
        %get3A_178 = arith.constant 48 : index
        %get3A_179 = tpu.vector_load %arg13[%get3A_177, %get3A_178] {strides = array<i32>} : memref<80x64xi32, #tpu.memory_space<vmem>>, vector<16xi32>,
        %bitcast3A_180 = vector.bitcast %get3A_179 : vector<16xi32> to vector<32xbf16>
        %mul3A_181 = arith.mulf %bitcast3A_176, %bitcast3A_180 : vector<32xbf16>
        %bitcast3A_182 = vector.bitcast %mul3A_181 : vector<32xbf16> to vector<16xi32>
        %and3A_183 = arith.constant -65536 : i32
        %and3A_184 = vector.broadcast %and3A_183 : i32 to vector<16xi32>
        %and3A_185 = arith.andi %bitcast3A_182, %and3A_184 : vector<16xi32>
        %bitcast3A_186 = vector.bitcast %and3A_185 : vector<16xi32> to vector<16xf32>
        %shift_left3A_187 = arith.constant 16 : i32
        %shift_left3A_188 = vector.broadcast %shift_left3A_187 : i32 to vector<16xi32>
        %shift_left3A_189 = arith.shli %bitcast3A_182, %shift_left3A_188 : vector<16xi32>
        %bitcast3A_190 = vector.bitcast %shift_left3A_189 : vector<16xi32> to vector<16xf32>
        %add3A_191 = arith.addf %bitcast3A_186, %bitcast3A_190 : vector<16xf32>
        %add3A_192 = arith.addf %add3A_134, %add3A_153 : vector<16xf32>
        %add3A_193 = arith.addf %add3A_172, %add3A_191 : vector<16xf32>
        %add3A_194 = arith.addf %add3A_192, %add3A_193 : vector<16xf32>
        %broadcast_in_dim3A = arith.constant 0 : i32
        %broadcast_in_dim3A_195 = vector.broadcast %broadcast_in_dim3A : i32 to vector<16xi32>
        tpu.vector_store_idx %arg15[%iota3A, %broadcast_in_dim3A_195], %add3A_194 : memref<16x17xf32, #tpu.memory_space<vmem>>[vector<16xi32>, vector<16xi32>], vector<16xf32>,
        %mul3A_196 = arith.constant 16 : i32
        %mul3A_197 = arith.muli %add3A_105, %mul3A_196 : i32
        %add3A_198 = arith.constant 1 : i32
        %add3A_199 = arith.addi %mul3A_197, %add3A_198 : i32
        %get3A_200 = arith.index_cast %add3A_199 : i32 to index
        %get3A_201 = arith.constant 0 : index
        %get3A_202 = tpu.vector_load %arg11[%get3A_200, %get3A_201] {strides = array<i32>} : memref<80x64xi32, #tpu.memory_space<vmem>>, vector<16xi32>,
        %bitcast3A_203 = vector.bitcast %get3A_202 : vector<16xi32> to vector<32xbf16>
        %get3A_204 = arith.index_cast %add3A_199 : i32 to index
        %get3A_205 = arith.constant 0 : index
        %get3A_206 = tpu.vector_load %arg13[%get3A_204, %get3A_205] {strides = array<i32>} : memref<80x64xi32, #tpu.memory_space<vmem>>, vector<16xi32>,
        %bitcast3A_207 = vector.bitcast %get3A_206 : vector<16xi32> to vector<32xbf16>
        %mul3A_208 = arith.mulf %bitcast3A_203, %bitcast3A_207 : vector<32xbf16>
        %bitcast3A_209 = vector.bitcast %mul3A_208 : vector<32xbf16> to vector<16xi32>
        %and3A_210 = arith.constant -65536 : i32
        %and3A_211 = vector.broadcast %and3A_210 : i32 to vector<16xi32>
        %and3A_212 = arith.andi %bitcast3A_209, %and3A_211 : vector<16xi32>
        %bitcast3A_213 = vector.bitcast %and3A_212 : vector<16xi32> to vector<16xf32>
        %shift_left3A_214 = arith.constant 16 : i32
        %shift_left3A_215 = vector.broadcast %shift_left3A_214 : i32 to vector<16xi32>
        %shift_left3A_216 = arith.shli %bitcast3A_209, %shift_left3A_215 : vector<16xi32>
        %bitcast3A_217 = vector.bitcast %shift_left3A_216 : vector<16xi32> to vector<16xf32>
        %add3A_218 = arith.addf %bitcast3A_213, %bitcast3A_217 : vector<16xf32>
        %get3A_219 = arith.index_cast %add3A_199 : i32 to index
        %get3A_220 = arith.constant 16 : index
        %get3A_221 = tpu.vector_load %arg11[%get3A_219, %get3A_220] {strides = array<i32>} : memref<80x64xi32, #tpu.memory_space<vmem>>, vector<16xi32>,
        %bitcast3A_222 = vector.bitcast %get3A_221 : vector<16xi32> to vector<32xbf16>
        %get3A_223 = arith.index_cast %add3A_199 : i32 to index
        %get3A_224 = arith.constant 16 : index
        %get3A_225 = tpu.vector_load %arg13[%get3A_223, %get3A_224] {strides = array<i32>} : memref<80x64xi32, #tpu.memory_space<vmem>>, vector<16xi32>,
        %bitcast3A_226 = vector.bitcast %get3A_225 : vector<16xi32> to vector<32xbf16>
        %mul3A_227 = arith.mulf %bitcast3A_222, %bitcast3A_226 : vector<32xbf16>
        %bitcast3A_228 = vector.bitcast %mul3A_227 : vector<32xbf16> to vector<16xi32>
        %and3A_229 = arith.constant -65536 : i32
        %and3A_230 = vector.broadcast %and3A_229 : i32 to vector<16xi32>
        %and3A_231 = arith.andi %bitcast3A_228, %and3A_230 : vector<16xi32>
        %bitcast3A_232 = vector.bitcast %and3A_231 : vector<16xi32> to vector<16xf32>
        %shift_left3A_233 = arith.constant 16 : i32
        %shift_left3A_234 = vector.broadcast %shift_left3A_233 : i32 to vector<16xi32>
        %shift_left3A_235 = arith.shli %bitcast3A_228, %shift_left3A_234 : vector<16xi32>
        %bitcast3A_236 = vector.bitcast %shift_left3A_235 : vector<16xi32> to vector<16xf32>
        %add3A_237 = arith.addf %bitcast3A_232, %bitcast3A_236 : vector<16xf32>
        %get3A_238 = arith.index_cast %add3A_199 : i32 to index
        %get3A_239 = arith.constant 32 : index
        %get3A_240 = tpu.vector_load %arg11[%get3A_238, %get3A_239] {strides = array<i32>} : memref<80x64xi32, #tpu.memory_space<vmem>>, vector<16xi32>,
        %bitcast3A_241 = vector.bitcast %get3A_240 : vector<16xi32> to vector<32xbf16>
        %get3A_242 = arith.index_cast %add3A_199 : i32 to index
        %get3A_243 = arith.constant 32 : index
        %get3A_244 = tpu.vector_load %arg13[%get3A_242, %get3A_243] {strides = array<i32>} : memref<80x64xi32, #tpu.memory_space<vmem>>, vector<16xi32>,
        %bitcast3A_245 = vector.bitcast %get3A_244 : vector<16xi32> to vector<32xbf16>
        %mul3A_246 = arith.mulf %bitcast3A_241, %bitcast3A_245 : vector<32xbf16>
        %bitcast3A_247 = vector.bitcast %mul3A_246 : vector<32xbf16> to vector<16xi32>
        %and3A_248 = arith.constant -65536 : i32
        %and3A_249 = vector.broadcast %and3A_248 : i32 to vector<16xi32>
        %and3A_250 = arith.andi %bitcast3A_247, %and3A_249 : vector<16xi32>
        %bitcast3A_251 = vector.bitcast %and3A_250 : vector<16xi32> to vector<16xf32>
        %shift_left3A_252 = arith.constant 16 : i32
        %shift_left3A_253 = vector.broadcast %shift_left3A_252 : i32 to vector<16xi32>
        %shift_left3A_254 = arith.shli %bitcast3A_247, %shift_left3A_253 : vector<16xi32>
        %bitcast3A_255 = vector.bitcast %shift_left3A_254 : vector<16xi32> to vector<16xf32>
        %add3A_256 = arith.addf %bitcast3A_251, %bitcast3A_255 : vector<16xf32>
        %get3A_257 = arith.index_cast %add3A_199 : i32 to index
        %get3A_258 = arith.constant 48 : index
        %get3A_259 = tpu.vector_load %arg11[%get3A_257, %get3A_258] {strides = array<i32>} : memref<80x64xi32, #tpu.memory_space<vmem>>, vector<16xi32>,
        %bitcast3A_260 = vector.bitcast %get3A_259 : vector<16xi32> to vector<32xbf16>
        %get3A_261 = arith.index_cast %add3A_199 : i32 to index
        %get3A_262 = arith.constant 48 : index
        %get3A_263 = tpu.vector_load %arg13[%get3A_261, %get3A_262] {strides = array<i32>} : memref<80x64xi32, #tpu.memory_space<vmem>>, vector<16xi32>,
        %bitcast3A_264 = vector.bitcast %get3A_263 : vector<16xi32> to vector<32xbf16>
        %mul3A_265 = arith.mulf %bitcast3A_260, %bitcast3A_264 : vector<32xbf16>
        %bitcast3A_266 = vector.bitcast %mul3A_265 : vector<32xbf16> to vector<16xi32>
        %and3A_267 = arith.constant -65536 : i32
        %and3A_268 = vector.broadcast %and3A_267 : i32 to vector<16xi32>
        %and3A_269 = arith.andi %bitcast3A_266, %and3A_268 : vector<16xi32>
        %bitcast3A_270 = vector.bitcast %and3A_269 : vector<16xi32> to vector<16xf32>
        %shift_left3A_271 = arith.constant 16 : i32
        %shift_left3A_272 = vector.broadcast %shift_left3A_271 : i32 to vector<16xi32>
        %shift_left3A_273 = arith.shli %bitcast3A_266, %shift_left3A_272 : vector<16xi32>
        %bitcast3A_274 = vector.bitcast %shift_left3A_273 : vector<16xi32> to vector<16xf32>
        %add3A_275 = arith.addf %bitcast3A_270, %bitcast3A_274 : vector<16xf32>
        %add3A_276 = arith.addf %add3A_218, %add3A_237 : vector<16xf32>
        %add3A_277 = arith.addf %add3A_256, %add3A_275 : vector<16xf32>
        %add3A_278 = arith.addf %add3A_276, %add3A_277 : vector<16xf32>
        %broadcast_in_dim3A_279 = arith.constant 1 : i32
        %broadcast_in_dim3A_280 = vector.broadcast %broadcast_in_dim3A_279 : i32 to vector<16xi32>
        tpu.vector_store_idx %arg15[%iota3A, %broadcast_in_dim3A_280], %add3A_278 : memref<16x17xf32, #tpu.memory_space<vmem>>[vector<16xi32>, vector<16xi32>], vector<16xf32>,
        %mul3A_281 = arith.constant 16 : i32
        %mul3A_282 = arith.muli %add3A_105, %mul3A_281 : i32
        %add3A_283 = arith.constant 2 : i32
        %add3A_284 = arith.addi %mul3A_282, %add3A_283 : i32
        %get3A_285 = arith.index_cast %add3A_284 : i32 to index
        %get3A_286 = arith.constant 0 : index
        %get3A_287 = tpu.vector_load %arg11[%get3A_285, %get3A_286] {strides = array<i32>} : memref<80x64xi32, #tpu.memory_space<vmem>>, vector<16xi32>,
        %bitcast3A_288 = vector.bitcast %get3A_287 : vector<16xi32> to vector<32xbf16>
        %get3A_289 = arith.index_cast %add3A_284 : i32 to index
        %get3A_290 = arith.constant 0 : index
        %get3A_291 = tpu.vector_load %arg13[%get3A_289, %get3A_290] {strides = array<i32>} : memref<80x64xi32, #tpu.memory_space<vmem>>, vector<16xi32>,
        %bitcast3A_292 = vector.bitcast %get3A_291 : vector<16xi32> to vector<32xbf16>
        %mul3A_293 = arith.mulf %bitcast3A_288, %bitcast3A_292 : vector<32xbf16>
        %bitcast3A_294 = vector.bitcast %mul3A_293 : vector<32xbf16> to vector<16xi32>
        %and3A_295 = arith.constant -65536 : i32
        %and3A_296 = vector.broadcast %and3A_295 : i32 to vector<16xi32>
        %and3A_297 = arith.andi %bitcast3A_294, %and3A_296 : vector<16xi32>
        %bitcast3A_298 = vector.bitcast %and3A_297 : vector<16xi32> to vector<16xf32>
        %shift_left3A_299 = arith.constant 16 : i32
        %shift_left3A_300 = vector.broadcast %shift_left3A_299 : i32 to vector<16xi32>
        %shift_left3A_301 = arith.shli %bitcast3A_294, %shift_left3A_300 : vector<16xi32>
        %bitcast3A_302 = vector.bitcast %shift_left3A_301 : vector<16xi32> to vector<16xf32>
        %add3A_303 = arith.addf %bitcast3A_298, %bitcast3A_302 : vector<16xf32>
        %get3A_304 = arith.index_cast %add3A_284 : i32 to index
        %get3A_305 = arith.constant 16 : index
        %get3A_306 = tpu.vector_load %arg11[%get3A_304, %get3A_305] {strides = array<i32>} : memref<80x64xi32, #tpu.memory_space<vmem>>, vector<16xi32>,
        %bitcast3A_307 = vector.bitcast %get3A_306 : vector<16xi32> to vector<32xbf16>
        %get3A_308 = arith.index_cast %add3A_284 : i32 to index
        %get3A_309 = arith.constant 16 : index
        %get3A_310 = tpu.vector_load %arg13[%get3A_308, %get3A_309] {strides = array<i32>} : memref<80x64xi32, #tpu.memory_space<vmem>>, vector<16xi32>,
        %bitcast3A_311 = vector.bitcast %get3A_310 : vector<16xi32> to vector<32xbf16>
        %mul3A_312 = arith.mulf %bitcast3A_307, %bitcast3A_311 : vector<32xbf16>
        %bitcast3A_313 = vector.bitcast %mul3A_312 : vector<32xbf16> to vector<16xi32>
        %and3A_314 = arith.constant -65536 : i32
        %and3A_315 = vector.broadcast %and3A_314 : i32 to vector<16xi32>
        %and3A_316 = arith.andi %bitcast3A_313, %and3A_315 : vector<16xi32>
        %bitcast3A_317 = vector.bitcast %and3A_316 : vector<16xi32> to vector<16xf32>
        %shift_left3A_318 = arith.constant 16 : i32
        %shift_left3A_319 = vector.broadcast %shift_left3A_318 : i32 to vector<16xi32>
        %shift_left3A_320 = arith.shli %bitcast3A_313, %shift_left3A_319 : vector<16xi32>
        %bitcast3A_321 = vector.bitcast %shift_left3A_320 : vector<16xi32> to vector<16xf32>
        %add3A_322 = arith.addf %bitcast3A_317, %bitcast3A_321 : vector<16xf32>
        %get3A_323 = arith.index_cast %add3A_284 : i32 to index
        %get3A_324 = arith.constant 32 : index
        %get3A_325 = tpu.vector_load %arg11[%get3A_323, %get3A_324] {strides = array<i32>} : memref<80x64xi32, #tpu.memory_space<vmem>>, vector<16xi32>,
        %bitcast3A_326 = vector.bitcast %get3A_325 : vector<16xi32> to vector<32xbf16>
        %get3A_327 = arith.index_cast %add3A_284 : i32 to index
        %get3A_328 = arith.constant 32 : index
        %get3A_329 = tpu.vector_load %arg13[%get3A_327, %get3A_328] {strides = array<i32>} : memref<80x64xi32, #tpu.memory_space<vmem>>, vector<16xi32>,
        %bitcast3A_330 = vector.bitcast %get3A_329 : vector<16xi32> to vector<32xbf16>
        %mul3A_331 = arith.mulf %bitcast3A_326, %bitcast3A_330 : vector<32xbf16>
        %bitcast3A_332 = vector.bitcast %mul3A_331 : vector<32xbf16> to vector<16xi32>
        %and3A_333 = arith.constant -65536 : i32
        %and3A_334 = vector.broadcast %and3A_333 : i32 to vector<16xi32>
        %and3A_335 = arith.andi %bitcast3A_332, %and3A_334 : vector<16xi32>
        %bitcast3A_336 = vector.bitcast %and3A_335 : vector<16xi32> to vector<16xf32>
        %shift_left3A_337 = arith.constant 16 : i32
        %shift_left3A_338 = vector.broadcast %shift_left3A_337 : i32 to vector<16xi32>
        %shift_left3A_339 = arith.shli %bitcast3A_332, %shift_left3A_338 : vector<16xi32>
        %bitcast3A_340 = vector.bitcast %shift_left3A_339 : vector<16xi32> to vector<16xf32>
        %add3A_341 = arith.addf %bitcast3A_336, %bitcast3A_340 : vector<16xf32>
        %get3A_342 = arith.index_cast %add3A_284 : i32 to index
        %get3A_343 = arith.constant 48 : index
        %get3A_344 = tpu.vector_load %arg11[%get3A_342, %get3A_343] {strides = array<i32>} : memref<80x64xi32, #tpu.memory_space<vmem>>, vector<16xi32>,
        %bitcast3A_345 = vector.bitcast %get3A_344 : vector<16xi32> to vector<32xbf16>
        %get3A_346 = arith.index_cast %add3A_284 : i32 to index
        %get3A_347 = arith.constant 48 : index
        %get3A_348 = tpu.vector_load %arg13[%get3A_346, %get3A_347] {strides = array<i32>} : memref<80x64xi32, #tpu.memory_space<vmem>>, vector<16xi32>,
        %bitcast3A_349 = vector.bitcast %get3A_348 : vector<16xi32> to vector<32xbf16>
        %mul3A_350 = arith.mulf %bitcast3A_345, %bitcast3A_349 : vector<32xbf16>
        %bitcast3A_351 = vector.bitcast %mul3A_350 : vector<32xbf16> to vector<16xi32>
        %and3A_352 = arith.constant -65536 : i32
        %and3A_353 = vector.broadcast %and3A_352 : i32 to vector<16xi32>
        %and3A_354 = arith.andi %bitcast3A_351, %and3A_353 : vector<16xi32>
        %bitcast3A_355 = vector.bitcast %and3A_354 : vector<16xi32> to vector<16xf32>
        %shift_left3A_356 = arith.constant 16 : i32
        %shift_left3A_357 = vector.broadcast %shift_left3A_356 : i32 to vector<16xi32>
        %shift_left3A_358 = arith.shli %bitcast3A_351, %shift_left3A_357 : vector<16xi32>
        %bitcast3A_359 = vector.bitcast %shift_left3A_358 : vector<16xi32> to vector<16xf32>
        %add3A_360 = arith.addf %bitcast3A_355, %bitcast3A_359 : vector<16xf32>
        %add3A_361 = arith.addf %add3A_303, %add3A_322 : vector<16xf32>
        %add3A_362 = arith.addf %add3A_341, %add3A_360 : vector<16xf32>
        %add3A_363 = arith.addf %add3A_361, %add3A_362 : vector<16xf32>
        %broadcast_in_dim3A_364 = arith.constant 2 : i32
        %broadcast_in_dim3A_365 = vector.broadcast %broadcast_in_dim3A_364 : i32 to vector<16xi32>
        tpu.vector_store_idx %arg15[%iota3A, %broadcast_in_dim3A_365], %add3A_363 : memref<16x17xf32, #tpu.memory_space<vmem>>[vector<16xi32>, vector<16xi32>], vector<16xf32>,
        %mul3A_366 = arith.constant 16 : i32
        %mul3A_367 = arith.muli %add3A_105, %mul3A_366 : i32
        %add3A_368 = arith.constant 3 : i32
        %add3A_369 = arith.addi %mul3A_367, %add3A_368 : i32
        %get3A_370 = arith.index_cast %add3A_369 : i32 to index
        %get3A_371 = arith.constant 0 : index
        %get3A_372 = tpu.vector_load %arg11[%get3A_370, %get3A_371] {strides = array<i32>} : memref<80x64xi32, #tpu.memory_space<vmem>>, vector<16xi32>,
        %bitcast3A_373 = vector.bitcast %get3A_372 : vector<16xi32> to vector<32xbf16>
        %get3A_374 = arith.index_cast %add3A_369 : i32 to index
        %get3A_375 = arith.constant 0 : index
        %get3A_376 = tpu.vector_load %arg13[%get3A_374, %get3A_375] {strides = array<i32>} : memref<80x64xi32, #tpu.memory_space<vmem>>, vector<16xi32>,
        %bitcast3A_377 = vector.bitcast %get3A_376 : vector<16xi32> to vector<32xbf16>
        %mul3A_378 = arith.mulf %bitcast3A_373, %bitcast3A_377 : vector<32xbf16>
        %bitcast3A_379 = vector.bitcast %mul3A_378 : vector<32xbf16> to vector<16xi32>
        %and3A_380 = arith.constant -65536 : i32
        %and3A_381 = vector.broadcast %and3A_380 : i32 to vector<16xi32>
        %and3A_382 = arith.andi %bitcast3A_379, %and3A_381 : vector<16xi32>
        %bitcast3A_383 = vector.bitcast %and3A_382 : vector<16xi32> to vector<16xf32>
        %shift_left3A_384 = arith.constant 16 : i32
        %shift_left3A_385 = vector.broadcast %shift_left3A_384 : i32 to vector<16xi32>
        %shift_left3A_386 = arith.shli %bitcast3A_379, %shift_left3A_385 : vector<16xi32>
        %bitcast3A_387 = vector.bitcast %shift_left3A_386 : vector<16xi32> to vector<16xf32>
        %add3A_388 = arith.addf %bitcast3A_383, %bitcast3A_387 : vector<16xf32>
        %get3A_389 = arith.index_cast %add3A_369 : i32 to index
        %get3A_390 = arith.constant 16 : index
        %get3A_391 = tpu.vector_load %arg11[%get3A_389, %get3A_390] {strides = array<i32>} : memref<80x64xi32, #tpu.memory_space<vmem>>, vector<16xi32>,
        %bitcast3A_392 = vector.bitcast %get3A_391 : vector<16xi32> to vector<32xbf16>
        %get3A_393 = arith.index_cast %add3A_369 : i32 to index
        %get3A_394 = arith.constant 16 : index
        %get3A_395 = tpu.vector_load %arg13[%get3A_393, %get3A_394] {strides = array<i32>} : memref<80x64xi32, #tpu.memory_space<vmem>>, vector<16xi32>,
        %bitcast3A_396 = vector.bitcast %get3A_395 : vector<16xi32> to vector<32xbf16>
        %mul3A_397 = arith.mulf %bitcast3A_392, %bitcast3A_396 : vector<32xbf16>
        %bitcast3A_398 = vector.bitcast %mul3A_397 : vector<32xbf16> to vector<16xi32>
        %and3A_399 = arith.constant -65536 : i32
        %and3A_400 = vector.broadcast %and3A_399 : i32 to vector<16xi32>
        %and3A_401 = arith.andi %bitcast3A_398, %and3A_400 : vector<16xi32>
        %bitcast3A_402 = vector.bitcast %and3A_401 : vector<16xi32> to vector<16xf32>
        %shift_left3A_403 = arith.constant 16 : i32
        %shift_left3A_404 = vector.broadcast %shift_left3A_403 : i32 to vector<16xi32>
        %shift_left3A_405 = arith.shli %bitcast3A_398, %shift_left3A_404 : vector<16xi32>
        %bitcast3A_406 = vector.bitcast %shift_left3A_405 : vector<16xi32> to vector<16xf32>
        %add3A_407 = arith.addf %bitcast3A_402, %bitcast3A_406 : vector<16xf32>
        %get3A_408 = arith.index_cast %add3A_369 : i32 to index
        %get3A_409 = arith.constant 32 : index
        %get3A_410 = tpu.vector_load %arg11[%get3A_408, %get3A_409] {strides = array<i32>} : memref<80x64xi32, #tpu.memory_space<vmem>>, vector<16xi32>,
        %bitcast3A_411 = vector.bitcast %get3A_410 : vector<16xi32> to vector<32xbf16>
        %get3A_412 = arith.index_cast %add3A_369 : i32 to index
        %get3A_413 = arith.constant 32 : index
        %get3A_414 = tpu.vector_load %arg13[%get3A_412, %get3A_413] {strides = array<i32>} : memref<80x64xi32, #tpu.memory_space<vmem>>, vector<16xi32>,
        %bitcast3A_415 = vector.bitcast %get3A_414 : vector<16xi32> to vector<32xbf16>
        %mul3A_416 = arith.mulf %bitcast3A_411, %bitcast3A_415 : vector<32xbf16>
        %bitcast3A_417 = vector.bitcast %mul3A_416 : vector<32xbf16> to vector<16xi32>
        %and3A_418 = arith.constant -65536 : i32
        %and3A_419 = vector.broadcast %and3A_418 : i32 to vector<16xi32>
        %and3A_420 = arith.andi %bitcast3A_417, %and3A_419 : vector<16xi32>
        %bitcast3A_421 = vector.bitcast %and3A_420 : vector<16xi32> to vector<16xf32>
        %shift_left3A_422 = arith.constant 16 : i32
        %shift_left3A_423 = vector.broadcast %shift_left3A_422 : i32 to vector<16xi32>
        %shift_left3A_424 = arith.shli %bitcast3A_417, %shift_left3A_423 : vector<16xi32>
        %bitcast3A_425 = vector.bitcast %shift_left3A_424 : vector<16xi32> to vector<16xf32>
        %add3A_426 = arith.addf %bitcast3A_421, %bitcast3A_425 : vector<16xf32>
        %get3A_427 = arith.index_cast %add3A_369 : i32 to index
        %get3A_428 = arith.constant 48 : index
        %get3A_429 = tpu.vector_load %arg11[%get3A_427, %get3A_428] {strides = array<i32>} : memref<80x64xi32, #tpu.memory_space<vmem>>, vector<16xi32>,
        %bitcast3A_430 = vector.bitcast %get3A_429 : vector<16xi32> to vector<32xbf16>
        %get3A_431 = arith.index_cast %add3A_369 : i32 to index
        %get3A_432 = arith.constant 48 : index
        %get3A_433 = tpu.vector_load %arg13[%get3A_431, %get3A_432] {strides = array<i32>} : memref<80x64xi32, #tpu.memory_space<vmem>>, vector<16xi32>,
        %bitcast3A_434 = vector.bitcast %get3A_433 : vector<16xi32> to vector<32xbf16>
        %mul3A_435 = arith.mulf %bitcast3A_430, %bitcast3A_434 : vector<32xbf16>
        %bitcast3A_436 = vector.bitcast %mul3A_435 : vector<32xbf16> to vector<16xi32>
        %and3A_437 = arith.constant -65536 : i32
        %and3A_438 = vector.broadcast %and3A_437 : i32 to vector<16xi32>
        %and3A_439 = arith.andi %bitcast3A_436, %and3A_438 : vector<16xi32>
        %bitcast3A_440 = vector.bitcast %and3A_439 : vector<16xi32> to vector<16xf32>
        %shift_left3A_441 = arith.constant 16 : i32
        %shift_left3A_442 = vector.broadcast %shift_left3A_441 : i32 to vector<16xi32>
        %shift_left3A_443 = arith.shli %bitcast3A_436, %shift_left3A_442 : vector<16xi32>
        %bitcast3A_444 = vector.bitcast %shift_left3A_443 : vector<16xi32> to vector<16xf32>
        %add3A_445 = arith.addf %bitcast3A_440, %bitcast3A_444 : vector<16xf32>
        %add3A_446 = arith.addf %add3A_388, %add3A_407 : vector<16xf32>
        %add3A_447 = arith.addf %add3A_426, %add3A_445 : vector<16xf32>
        %add3A_448 = arith.addf %add3A_446, %add3A_447 : vector<16xf32>
        %broadcast_in_dim3A_449 = arith.constant 3 : i32
        %broadcast_in_dim3A_450 = vector.broadcast %broadcast_in_dim3A_449 : i32 to vector<16xi32>
        tpu.vector_store_idx %arg15[%iota3A, %broadcast_in_dim3A_450], %add3A_448 : memref<16x17xf32, #tpu.memory_space<vmem>>[vector<16xi32>, vector<16xi32>], vector<16xf32>,
        %mul3A_451 = arith.constant 16 : i32
        %mul3A_452 = arith.muli %add3A_105, %mul3A_451 : i32
        %add3A_453 = arith.constant 4 : i32
        %add3A_454 = arith.addi %mul3A_452, %add3A_453 : i32
        %get3A_455 = arith.index_cast %add3A_454 : i32 to index
        %get3A_456 = arith.constant 0 : index
        %get3A_457 = tpu.vector_load %arg11[%get3A_455, %get3A_456] {strides = array<i32>} : memref<80x64xi32, #tpu.memory_space<vmem>>, vector<16xi32>,
        %bitcast3A_458 = vector.bitcast %get3A_457 : vector<16xi32> to vector<32xbf16>
        %get3A_459 = arith.index_cast %add3A_454 : i32 to index
        %get3A_460 = arith.constant 0 : index
        %get3A_461 = tpu.vector_load %arg13[%get3A_459, %get3A_460] {strides = array<i32>} : memref<80x64xi32, #tpu.memory_space<vmem>>, vector<16xi32>,
        %bitcast3A_462 = vector.bitcast %get3A_461 : vector<16xi32> to vector<32xbf16>
        %mul3A_463 = arith.mulf %bitcast3A_458, %bitcast3A_462 : vector<32xbf16>
        %bitcast3A_464 = vector.bitcast %mul3A_463 : vector<32xbf16> to vector<16xi32>
        %and3A_465 = arith.constant -65536 : i32
        %and3A_466 = vector.broadcast %and3A_465 : i32 to vector<16xi32>
        %and3A_467 = arith.andi %bitcast3A_464, %and3A_466 : vector<16xi32>
        %bitcast3A_468 = vector.bitcast %and3A_467 : vector<16xi32> to vector<16xf32>
        %shift_left3A_469 = arith.constant 16 : i32
        %shift_left3A_470 = vector.broadcast %shift_left3A_469 : i32 to vector<16xi32>
        %shift_left3A_471 = arith.shli %bitcast3A_464, %shift_left3A_470 : vector<16xi32>
        %bitcast3A_472 = vector.bitcast %shift_left3A_471 : vector<16xi32> to vector<16xf32>
        %add3A_473 = arith.addf %bitcast3A_468, %bitcast3A_472 : vector<16xf32>
        %get3A_474 = arith.index_cast %add3A_454 : i32 to index
        %get3A_475 = arith.constant 16 : index
        %get3A_476 = tpu.vector_load %arg11[%get3A_474, %get3A_475] {strides = array<i32>} : memref<80x64xi32, #tpu.memory_space<vmem>>, vector<16xi32>,
        %bitcast3A_477 = vector.bitcast %get3A_476 : vector<16xi32> to vector<32xbf16>
        %get3A_478 = arith.index_cast %add3A_454 : i32 to index
        %get3A_479 = arith.constant 16 : index
        %get3A_480 = tpu.vector_load %arg13[%get3A_478, %get3A_479] {strides = array<i32>} : memref<80x64xi32, #tpu.memory_space<vmem>>, vector<16xi32>,
        %bitcast3A_481 = vector.bitcast %get3A_480 : vector<16xi32> to vector<32xbf16>
        %mul3A_482 = arith.mulf %bitcast3A_477, %bitcast3A_481 : vector<32xbf16>
        %bitcast3A_483 = vector.bitcast %mul3A_482 : vector<32xbf16> to vector<16xi32>
        %and3A_484 = arith.constant -65536 : i32
        %and3A_485 = vector.broadcast %and3A_484 : i32 to vector<16xi32>
        %and3A_486 = arith.andi %bitcast3A_483, %and3A_485 : vector<16xi32>
        %bitcast3A_487 = vector.bitcast %and3A_486 : vector<16xi32> to vector<16xf32>
        %shift_left3A_488 = arith.constant 16 : i32
        %shift_left3A_489 = vector.broadcast %shift_left3A_488 : i32 to vector<16xi32>
        %shift_left3A_490 = arith.shli %bitcast3A_483, %shift_left3A_489 : vector<16xi32>
        %bitcast3A_491 = vector.bitcast %shift_left3A_490 : vector<16xi32> to vector<16xf32>
        %add3A_492 = arith.addf %bitcast3A_487, %bitcast3A_491 : vector<16xf32>
        %get3A_493 = arith.index_cast %add3A_454 : i32 to index
        %get3A_494 = arith.constant 32 : index
        %get3A_495 = tpu.vector_load %arg11[%get3A_493, %get3A_494] {strides = array<i32>} : memref<80x64xi32, #tpu.memory_space<vmem>>, vector<16xi32>,
        %bitcast3A_496 = vector.bitcast %get3A_495 : vector<16xi32> to vector<32xbf16>
        %get3A_497 = arith.index_cast %add3A_454 : i32 to index
        %get3A_498 = arith.constant 32 : index
        %get3A_499 = tpu.vector_load %arg13[%get3A_497, %get3A_498] {strides = array<i32>} : memref<80x64xi32, #tpu.memory_space<vmem>>, vector<16xi32>,
        %bitcast3A_500 = vector.bitcast %get3A_499 : vector<16xi32> to vector<32xbf16>
        %mul3A_501 = arith.mulf %bitcast3A_496, %bitcast3A_500 : vector<32xbf16>
        %bitcast3A_502 = vector.bitcast %mul3A_501 : vector<32xbf16> to vector<16xi32>
        %and3A_503 = arith.constant -65536 : i32
        %and3A_504 = vector.broadcast %and3A_503 : i32 to vector<16xi32>
        %and3A_505 = arith.andi %bitcast3A_502, %and3A_504 : vector<16xi32>
        %bitcast3A_506 = vector.bitcast %and3A_505 : vector<16xi32> to vector<16xf32>
        %shift_left3A_507 = arith.constant 16 : i32
        %shift_left3A_508 = vector.broadcast %shift_left3A_507 : i32 to vector<16xi32>
        %shift_left3A_509 = arith.shli %bitcast3A_502, %shift_left3A_508 : vector<16xi32>
        %bitcast3A_510 = vector.bitcast %shift_left3A_509 : vector<16xi32> to vector<16xf32>
        %add3A_511 = arith.addf %bitcast3A_506, %bitcast3A_510 : vector<16xf32>
        %get3A_512 = arith.index_cast %add3A_454 : i32 to index
        %get3A_513 = arith.constant 48 : index
        %get3A_514 = tpu.vector_load %arg11[%get3A_512, %get3A_513] {strides = array<i32>} : memref<80x64xi32, #tpu.memory_space<vmem>>, vector<16xi32>,
        %bitcast3A_515 = vector.bitcast %get3A_514 : vector<16xi32> to vector<32xbf16>
        %get3A_516 = arith.index_cast %add3A_454 : i32 to index
        %get3A_517 = arith.constant 48 : index
        %get3A_518 = tpu.vector_load %arg13[%get3A_516, %get3A_517] {strides = array<i32>} : memref<80x64xi32, #tpu.memory_space<vmem>>, vector<16xi32>,
        %bitcast3A_519 = vector.bitcast %get3A_518 : vector<16xi32> to vector<32xbf16>
        %mul3A_520 = arith.mulf %bitcast3A_515, %bitcast3A_519 : vector<32xbf16>
        %bitcast3A_521 = vector.bitcast %mul3A_520 : vector<32xbf16> to vector<16xi32>
        %and3A_522 = arith.constant -65536 : i32
        %and3A_523 = vector.broadcast %and3A_522 : i32 to vector<16xi32>
        %and3A_524 = arith.andi %bitcast3A_521, %and3A_523 : vector<16xi32>
        %bitcast3A_525 = vector.bitcast %and3A_524 : vector<16xi32> to vector<16xf32>
        %shift_left3A_526 = arith.constant 16 : i32
        %shift_left3A_527 = vector.broadcast %shift_left3A_526 : i32 to vector<16xi32>
        %shift_left3A_528 = arith.shli %bitcast3A_521, %shift_left3A_527 : vector<16xi32>
        %bitcast3A_529 = vector.bitcast %shift_left3A_528 : vector<16xi32> to vector<16xf32>
        %add3A_530 = arith.addf %bitcast3A_525, %bitcast3A_529 : vector<16xf32>
        %add3A_531 = arith.addf %add3A_473, %add3A_492 : vector<16xf32>
        %add3A_532 = arith.addf %add3A_511, %add3A_530 : vector<16xf32>
        %add3A_533 = arith.addf %add3A_531, %add3A_532 : vector<16xf32>
        %broadcast_in_dim3A_534 = arith.constant 4 : i32
        %broadcast_in_dim3A_535 = vector.broadcast %broadcast_in_dim3A_534 : i32 to vector<16xi32>
        tpu.vector_store_idx %arg15[%iota3A, %broadcast_in_dim3A_535], %add3A_533 : memref<16x17xf32, #tpu.memory_space<vmem>>[vector<16xi32>, vector<16xi32>], vector<16xf32>,
        %mul3A_536 = arith.constant 16 : i32
        %mul3A_537 = arith.muli %add3A_105, %mul3A_536 : i32
        %add3A_538 = arith.constant 5 : i32
        %add3A_539 = arith.addi %mul3A_537, %add3A_538 : i32
        %get3A_540 = arith.index_cast %add3A_539 : i32 to index
        %get3A_541 = arith.constant 0 : index
        %get3A_542 = tpu.vector_load %arg11[%get3A_540, %get3A_541] {strides = array<i32>} : memref<80x64xi32, #tpu.memory_space<vmem>>, vector<16xi32>,
        %bitcast3A_543 = vector.bitcast %get3A_542 : vector<16xi32> to vector<32xbf16>
        %get3A_544 = arith.index_cast %add3A_539 : i32 to index
        %get3A_545 = arith.constant 0 : index
        %get3A_546 = tpu.vector_load %arg13[%get3A_544, %get3A_545] {strides = array<i32>} : memref<80x64xi32, #tpu.memory_space<vmem>>, vector<16xi32>,
        %bitcast3A_547 = vector.bitcast %get3A_546 : vector<16xi32> to vector<32xbf16>
        %mul3A_548 = arith.mulf %bitcast3A_543, %bitcast3A_547 : vector<32xbf16>
        %bitcast3A_549 = vector.bitcast %mul3A_548 : vector<32xbf16> to vector<16xi32>
        %and3A_550 = arith.constant -65536 : i32
        %and3A_551 = vector.broadcast %and3A_550 : i32 to vector<16xi32>
        %and3A_552 = arith.andi %bitcast3A_549, %and3A_551 : vector<16xi32>
        %bitcast3A_553 = vector.bitcast %and3A_552 : vector<16xi32> to vector<16xf32>
        %shift_left3A_554 = arith.constant 16 : i32
        %shift_left3A_555 = vector.broadcast %shift_left3A_554 : i32 to vector<16xi32>
        %shift_left3A_556 = arith.shli %bitcast3A_549, %shift_left3A_555 : vector<16xi32>
        %bitcast3A_557 = vector.bitcast %shift_left3A_556 : vector<16xi32> to vector<16xf32>
        %add3A_558 = arith.addf %bitcast3A_553, %bitcast3A_557 : vector<16xf32>
        %get3A_559 = arith.index_cast %add3A_539 : i32 to index
        %get3A_560 = arith.constant 16 : index
        %get3A_561 = tpu.vector_load %arg11[%get3A_559, %get3A_560] {strides = array<i32>} : memref<80x64xi32, #tpu.memory_space<vmem>>, vector<16xi32>,
        %bitcast3A_562 = vector.bitcast %get3A_561 : vector<16xi32> to vector<32xbf16>
        %get3A_563 = arith.index_cast %add3A_539 : i32 to index
        %get3A_564 = arith.constant 16 : index
        %get3A_565 = tpu.vector_load %arg13[%get3A_563, %get3A_564] {strides = array<i32>} : memref<80x64xi32, #tpu.memory_space<vmem>>, vector<16xi32>,
        %bitcast3A_566 = vector.bitcast %get3A_565 : vector<16xi32> to vector<32xbf16>
        %mul3A_567 = arith.mulf %bitcast3A_562, %bitcast3A_566 : vector<32xbf16>
        %bitcast3A_568 = vector.bitcast %mul3A_567 : vector<32xbf16> to vector<16xi32>
        %and3A_569 = arith.constant -65536 : i32
        %and3A_570 = vector.broadcast %and3A_569 : i32 to vector<16xi32>
        %and3A_571 = arith.andi %bitcast3A_568, %and3A_570 : vector<16xi32>
        %bitcast3A_572 = vector.bitcast %and3A_571 : vector<16xi32> to vector<16xf32>
        %shift_left3A_573 = arith.constant 16 : i32
        %shift_left3A_574 = vector.broadcast %shift_left3A_573 : i32 to vector<16xi32>
        %shift_left3A_575 = arith.shli %bitcast3A_568, %shift_left3A_574 : vector<16xi32>
        %bitcast3A_576 = vector.bitcast %shift_left3A_575 : vector<16xi32> to vector<16xf32>
        %add3A_577 = arith.addf %bitcast3A_572, %bitcast3A_576 : vector<16xf32>
        %get3A_578 = arith.index_cast %add3A_539 : i32 to index
        %get3A_579 = arith.constant 32 : index
        %get3A_580 = tpu.vector_load %arg11[%get3A_578, %get3A_579] {strides = array<i32>} : memref<80x64xi32, #tpu.memory_space<vmem>>, vector<16xi32>,
        %bitcast3A_581 = vector.bitcast %get3A_580 : vector<16xi32> to vector<32xbf16>
        %get3A_582 = arith.index_cast %add3A_539 : i32 to index
        %get3A_583 = arith.constant 32 : index
        %get3A_584 = tpu.vector_load %arg13[%get3A_582, %get3A_583] {strides = array<i32>} : memref<80x64xi32, #tpu.memory_space<vmem>>, vector<16xi32>,
        %bitcast3A_585 = vector.bitcast %get3A_584 : vector<16xi32> to vector<32xbf16>
        %mul3A_586 = arith.mulf %bitcast3A_581, %bitcast3A_585 : vector<32xbf16>
        %bitcast3A_587 = vector.bitcast %mul3A_586 : vector<32xbf16> to vector<16xi32>
        %and3A_588 = arith.constant -65536 : i32
        %and3A_589 = vector.broadcast %and3A_588 : i32 to vector<16xi32>
        %and3A_590 = arith.andi %bitcast3A_587, %and3A_589 : vector<16xi32>
        %bitcast3A_591 = vector.bitcast %and3A_590 : vector<16xi32> to vector<16xf32>
        %shift_left3A_592 = arith.constant 16 : i32
        %shift_left3A_593 = vector.broadcast %shift_left3A_592 : i32 to vector<16xi32>
        %shift_left3A_594 = arith.shli %bitcast3A_587, %shift_left3A_593 : vector<16xi32>
        %bitcast3A_595 = vector.bitcast %shift_left3A_594 : vector<16xi32> to vector<16xf32>
        %add3A_596 = arith.addf %bitcast3A_591, %bitcast3A_595 : vector<16xf32>
        %get3A_597 = arith.index_cast %add3A_539 : i32 to index
        %get3A_598 = arith.constant 48 : index
        %get3A_599 = tpu.vector_load %arg11[%get3A_597, %get3A_598] {strides = array<i32>} : memref<80x64xi32, #tpu.memory_space<vmem>>, vector<16xi32>,
        %bitcast3A_600 = vector.bitcast %get3A_599 : vector<16xi32> to vector<32xbf16>
        %get3A_601 = arith.index_cast %add3A_539 : i32 to index
        %get3A_602 = arith.constant 48 : index
        %get3A_603 = tpu.vector_load %arg13[%get3A_601, %get3A_602] {strides = array<i32>} : memref<80x64xi32, #tpu.memory_space<vmem>>, vector<16xi32>,
        %bitcast3A_604 = vector.bitcast %get3A_603 : vector<16xi32> to vector<32xbf16>
        %mul3A_605 = arith.mulf %bitcast3A_600, %bitcast3A_604 : vector<32xbf16>
        %bitcast3A_606 = vector.bitcast %mul3A_605 : vector<32xbf16> to vector<16xi32>
        %and3A_607 = arith.constant -65536 : i32
        %and3A_608 = vector.broadcast %and3A_607 : i32 to vector<16xi32>
        %and3A_609 = arith.andi %bitcast3A_606, %and3A_608 : vector<16xi32>
        %bitcast3A_610 = vector.bitcast %and3A_609 : vector<16xi32> to vector<16xf32>
        %shift_left3A_611 = arith.constant 16 : i32
        %shift_left3A_612 = vector.broadcast %shift_left3A_611 : i32 to vector<16xi32>
        %shift_left3A_613 = arith.shli %bitcast3A_606, %shift_left3A_612 : vector<16xi32>
        %bitcast3A_614 = vector.bitcast %shift_left3A_613 : vector<16xi32> to vector<16xf32>
        %add3A_615 = arith.addf %bitcast3A_610, %bitcast3A_614 : vector<16xf32>
        %add3A_616 = arith.addf %add3A_558, %add3A_577 : vector<16xf32>
        %add3A_617 = arith.addf %add3A_596, %add3A_615 : vector<16xf32>
        %add3A_618 = arith.addf %add3A_616, %add3A_617 : vector<16xf32>
        %broadcast_in_dim3A_619 = arith.constant 5 : i32
        %broadcast_in_dim3A_620 = vector.broadcast %broadcast_in_dim3A_619 : i32 to vector<16xi32>
        tpu.vector_store_idx %arg15[%iota3A, %broadcast_in_dim3A_620], %add3A_618 : memref<16x17xf32, #tpu.memory_space<vmem>>[vector<16xi32>, vector<16xi32>], vector<16xf32>,
        %mul3A_621 = arith.constant 16 : i32
        %mul3A_622 = arith.muli %add3A_105, %mul3A_621 : i32
        %add3A_623 = arith.constant 6 : i32
        %add3A_624 = arith.addi %mul3A_622, %add3A_623 : i32
        %get3A_625 = arith.index_cast %add3A_624 : i32 to index
        %get3A_626 = arith.constant 0 : index
        %get3A_627 = tpu.vector_load %arg11[%get3A_625, %get3A_626] {strides = array<i32>} : memref<80x64xi32, #tpu.memory_space<vmem>>, vector<16xi32>,
        %bitcast3A_628 = vector.bitcast %get3A_627 : vector<16xi32> to vector<32xbf16>
        %get3A_629 = arith.index_cast %add3A_624 : i32 to index
        %get3A_630 = arith.constant 0 : index
        %get3A_631 = tpu.vector_load %arg13[%get3A_629, %get3A_630] {strides = array<i32>} : memref<80x64xi32, #tpu.memory_space<vmem>>, vector<16xi32>,
        %bitcast3A_632 = vector.bitcast %get3A_631 : vector<16xi32> to vector<32xbf16>
        %mul3A_633 = arith.mulf %bitcast3A_628, %bitcast3A_632 : vector<32xbf16>
        %bitcast3A_634 = vector.bitcast %mul3A_633 : vector<32xbf16> to vector<16xi32>
        %and3A_635 = arith.constant -65536 : i32
        %and3A_636 = vector.broadcast %and3A_635 : i32 to vector<16xi32>
        %and3A_637 = arith.andi %bitcast3A_634, %and3A_636 : vector<16xi32>
        %bitcast3A_638 = vector.bitcast %and3A_637 : vector<16xi32> to vector<16xf32>
        %shift_left3A_639 = arith.constant 16 : i32
        %shift_left3A_640 = vector.broadcast %shift_left3A_639 : i32 to vector<16xi32>
        %shift_left3A_641 = arith.shli %bitcast3A_634, %shift_left3A_640 : vector<16xi32>
        %bitcast3A_642 = vector.bitcast %shift_left3A_641 : vector<16xi32> to vector<16xf32>
        %add3A_643 = arith.addf %bitcast3A_638, %bitcast3A_642 : vector<16xf32>
        %get3A_644 = arith.index_cast %add3A_624 : i32 to index
        %get3A_645 = arith.constant 16 : index
        %get3A_646 = tpu.vector_load %arg11[%get3A_644, %get3A_645] {strides = array<i32>} : memref<80x64xi32, #tpu.memory_space<vmem>>, vector<16xi32>,
        %bitcast3A_647 = vector.bitcast %get3A_646 : vector<16xi32> to vector<32xbf16>
        %get3A_648 = arith.index_cast %add3A_624 : i32 to index
        %get3A_649 = arith.constant 16 : index
        %get3A_650 = tpu.vector_load %arg13[%get3A_648, %get3A_649] {strides = array<i32>} : memref<80x64xi32, #tpu.memory_space<vmem>>, vector<16xi32>,
        %bitcast3A_651 = vector.bitcast %get3A_650 : vector<16xi32> to vector<32xbf16>
        %mul3A_652 = arith.mulf %bitcast3A_647, %bitcast3A_651 : vector<32xbf16>
        %bitcast3A_653 = vector.bitcast %mul3A_652 : vector<32xbf16> to vector<16xi32>
        %and3A_654 = arith.constant -65536 : i32
        %and3A_655 = vector.broadcast %and3A_654 : i32 to vector<16xi32>
        %and3A_656 = arith.andi %bitcast3A_653, %and3A_655 : vector<16xi32>
        %bitcast3A_657 = vector.bitcast %and3A_656 : vector<16xi32> to vector<16xf32>
        %shift_left3A_658 = arith.constant 16 : i32
        %shift_left3A_659 = vector.broadcast %shift_left3A_658 : i32 to vector<16xi32>
        %shift_left3A_660 = arith.shli %bitcast3A_653, %shift_left3A_659 : vector<16xi32>
        %bitcast3A_661 = vector.bitcast %shift_left3A_660 : vector<16xi32> to vector<16xf32>
        %add3A_662 = arith.addf %bitcast3A_657, %bitcast3A_661 : vector<16xf32>
        %get3A_663 = arith.index_cast %add3A_624 : i32 to index
        %get3A_664 = arith.constant 32 : index
        %get3A_665 = tpu.vector_load %arg11[%get3A_663, %get3A_664] {strides = array<i32>} : memref<80x64xi32, #tpu.memory_space<vmem>>, vector<16xi32>,
        %bitcast3A_666 = vector.bitcast %get3A_665 : vector<16xi32> to vector<32xbf16>
        %get3A_667 = arith.index_cast %add3A_624 : i32 to index
        %get3A_668 = arith.constant 32 : index
        %get3A_669 = tpu.vector_load %arg13[%get3A_667, %get3A_668] {strides = array<i32>} : memref<80x64xi32, #tpu.memory_space<vmem>>, vector<16xi32>,
        %bitcast3A_670 = vector.bitcast %get3A_669 : vector<16xi32> to vector<32xbf16>
        %mul3A_671 = arith.mulf %bitcast3A_666, %bitcast3A_670 : vector<32xbf16>
        %bitcast3A_672 = vector.bitcast %mul3A_671 : vector<32xbf16> to vector<16xi32>
        %and3A_673 = arith.constant -65536 : i32
        %and3A_674 = vector.broadcast %and3A_673 : i32 to vector<16xi32>
        %and3A_675 = arith.andi %bitcast3A_672, %and3A_674 : vector<16xi32>
        %bitcast3A_676 = vector.bitcast %and3A_675 : vector<16xi32> to vector<16xf32>
        %shift_left3A_677 = arith.constant 16 : i32
        %shift_left3A_678 = vector.broadcast %shift_left3A_677 : i32 to vector<16xi32>
        %shift_left3A_679 = arith.shli %bitcast3A_672, %shift_left3A_678 : vector<16xi32>
        %bitcast3A_680 = vector.bitcast %shift_left3A_679 : vector<16xi32> to vector<16xf32>
        %add3A_681 = arith.addf %bitcast3A_676, %bitcast3A_680 : vector<16xf32>
        %get3A_682 = arith.index_cast %add3A_624 : i32 to index
        %get3A_683 = arith.constant 48 : index
        %get3A_684 = tpu.vector_load %arg11[%get3A_682, %get3A_683] {strides = array<i32>} : memref<80x64xi32, #tpu.memory_space<vmem>>, vector<16xi32>,
        %bitcast3A_685 = vector.bitcast %get3A_684 : vector<16xi32> to vector<32xbf16>
        %get3A_686 = arith.index_cast %add3A_624 : i32 to index
        %get3A_687 = arith.constant 48 : index
        %get3A_688 = tpu.vector_load %arg13[%get3A_686, %get3A_687] {strides = array<i32>} : memref<80x64xi32, #tpu.memory_space<vmem>>, vector<16xi32>,
        %bitcast3A_689 = vector.bitcast %get3A_688 : vector<16xi32> to vector<32xbf16>
        %mul3A_690 = arith.mulf %bitcast3A_685, %bitcast3A_689 : vector<32xbf16>
        %bitcast3A_691 = vector.bitcast %mul3A_690 : vector<32xbf16> to vector<16xi32>
        %and3A_692 = arith.constant -65536 : i32
        %and3A_693 = vector.broadcast %and3A_692 : i32 to vector<16xi32>
        %and3A_694 = arith.andi %bitcast3A_691, %and3A_693 : vector<16xi32>
        %bitcast3A_695 = vector.bitcast %and3A_694 : vector<16xi32> to vector<16xf32>
        %shift_left3A_696 = arith.constant 16 : i32
        %shift_left3A_697 = vector.broadcast %shift_left3A_696 : i32 to vector<16xi32>
        %shift_left3A_698 = arith.shli %bitcast3A_691, %shift_left3A_697 : vector<16xi32>
        %bitcast3A_699 = vector.bitcast %shift_left3A_698 : vector<16xi32> to vector<16xf32>
        %add3A_700 = arith.addf %bitcast3A_695, %bitcast3A_699 : vector<16xf32>
        %add3A_701 = arith.addf %add3A_643, %add3A_662 : vector<16xf32>
        %add3A_702 = arith.addf %add3A_681, %add3A_700 : vector<16xf32>
        %add3A_703 = arith.addf %add3A_701, %add3A_702 : vector<16xf32>
        %broadcast_in_dim3A_704 = arith.constant 6 : i32
        %broadcast_in_dim3A_705 = vector.broadcast %broadcast_in_dim3A_704 : i32 to vector<16xi32>
        tpu.vector_store_idx %arg15[%iota3A, %broadcast_in_dim3A_705], %add3A_703 : memref<16x17xf32, #tpu.memory_space<vmem>>[vector<16xi32>, vector<16xi32>], vector<16xf32>,
        %mul3A_706 = arith.constant 16 : i32
        %mul3A_707 = arith.muli %add3A_105, %mul3A_706 : i32
        %add3A_708 = arith.constant 7 : i32
        %add3A_709 = arith.addi %mul3A_707, %add3A_708 : i32
        %get3A_710 = arith.index_cast %add3A_709 : i32 to index
        %get3A_711 = arith.constant 0 : index
        %get3A_712 = tpu.vector_load %arg11[%get3A_710, %get3A_711] {strides = array<i32>} : memref<80x64xi32, #tpu.memory_space<vmem>>, vector<16xi32>,
        %bitcast3A_713 = vector.bitcast %get3A_712 : vector<16xi32> to vector<32xbf16>
        %get3A_714 = arith.index_cast %add3A_709 : i32 to index
        %get3A_715 = arith.constant 0 : index
        %get3A_716 = tpu.vector_load %arg13[%get3A_714, %get3A_715] {strides = array<i32>} : memref<80x64xi32, #tpu.memory_space<vmem>>, vector<16xi32>,
        %bitcast3A_717 = vector.bitcast %get3A_716 : vector<16xi32> to vector<32xbf16>
        %mul3A_718 = arith.mulf %bitcast3A_713, %bitcast3A_717 : vector<32xbf16>
        %bitcast3A_719 = vector.bitcast %mul3A_718 : vector<32xbf16> to vector<16xi32>
        %and3A_720 = arith.constant -65536 : i32
        %and3A_721 = vector.broadcast %and3A_720 : i32 to vector<16xi32>
        %and3A_722 = arith.andi %bitcast3A_719, %and3A_721 : vector<16xi32>
        %bitcast3A_723 = vector.bitcast %and3A_722 : vector<16xi32> to vector<16xf32>
        %shift_left3A_724 = arith.constant 16 : i32
        %shift_left3A_725 = vector.broadcast %shift_left3A_724 : i32 to vector<16xi32>
        %shift_left3A_726 = arith.shli %bitcast3A_719, %shift_left3A_725 : vector<16xi32>
        %bitcast3A_727 = vector.bitcast %shift_left3A_726 : vector<16xi32> to vector<16xf32>
        %add3A_728 = arith.addf %bitcast3A_723, %bitcast3A_727 : vector<16xf32>
        %get3A_729 = arith.index_cast %add3A_709 : i32 to index
        %get3A_730 = arith.constant 16 : index
        %get3A_731 = tpu.vector_load %arg11[%get3A_729, %get3A_730] {strides = array<i32>} : memref<80x64xi32, #tpu.memory_space<vmem>>, vector<16xi32>,
        %bitcast3A_732 = vector.bitcast %get3A_731 : vector<16xi32> to vector<32xbf16>
        %get3A_733 = arith.index_cast %add3A_709 : i32 to index
        %get3A_734 = arith.constant 16 : index
        %get3A_735 = tpu.vector_load %arg13[%get3A_733, %get3A_734] {strides = array<i32>} : memref<80x64xi32, #tpu.memory_space<vmem>>, vector<16xi32>,
        %bitcast3A_736 = vector.bitcast %get3A_735 : vector<16xi32> to vector<32xbf16>
        %mul3A_737 = arith.mulf %bitcast3A_732, %bitcast3A_736 : vector<32xbf16>
        %bitcast3A_738 = vector.bitcast %mul3A_737 : vector<32xbf16> to vector<16xi32>
        %and3A_739 = arith.constant -65536 : i32
        %and3A_740 = vector.broadcast %and3A_739 : i32 to vector<16xi32>
        %and3A_741 = arith.andi %bitcast3A_738, %and3A_740 : vector<16xi32>
        %bitcast3A_742 = vector.bitcast %and3A_741 : vector<16xi32> to vector<16xf32>
        %shift_left3A_743 = arith.constant 16 : i32
        %shift_left3A_744 = vector.broadcast %shift_left3A_743 : i32 to vector<16xi32>
        %shift_left3A_745 = arith.shli %bitcast3A_738, %shift_left3A_744 : vector<16xi32>
        %bitcast3A_746 = vector.bitcast %shift_left3A_745 : vector<16xi32> to vector<16xf32>
        %add3A_747 = arith.addf %bitcast3A_742, %bitcast3A_746 : vector<16xf32>
        %get3A_748 = arith.index_cast %add3A_709 : i32 to index
        %get3A_749 = arith.constant 32 : index
        %get3A_750 = tpu.vector_load %arg11[%get3A_748, %get3A_749] {strides = array<i32>} : memref<80x64xi32, #tpu.memory_space<vmem>>, vector<16xi32>,
        %bitcast3A_751 = vector.bitcast %get3A_750 : vector<16xi32> to vector<32xbf16>
        %get3A_752 = arith.index_cast %add3A_709 : i32 to index
        %get3A_753 = arith.constant 32 : index
        %get3A_754 = tpu.vector_load %arg13[%get3A_752, %get3A_753] {strides = array<i32>} : memref<80x64xi32, #tpu.memory_space<vmem>>, vector<16xi32>,
        %bitcast3A_755 = vector.bitcast %get3A_754 : vector<16xi32> to vector<32xbf16>
        %mul3A_756 = arith.mulf %bitcast3A_751, %bitcast3A_755 : vector<32xbf16>
        %bitcast3A_757 = vector.bitcast %mul3A_756 : vector<32xbf16> to vector<16xi32>
        %and3A_758 = arith.constant -65536 : i32
        %and3A_759 = vector.broadcast %and3A_758 : i32 to vector<16xi32>
        %and3A_760 = arith.andi %bitcast3A_757, %and3A_759 : vector<16xi32>
        %bitcast3A_761 = vector.bitcast %and3A_760 : vector<16xi32> to vector<16xf32>
        %shift_left3A_762 = arith.constant 16 : i32
        %shift_left3A_763 = vector.broadcast %shift_left3A_762 : i32 to vector<16xi32>
        %shift_left3A_764 = arith.shli %bitcast3A_757, %shift_left3A_763 : vector<16xi32>
        %bitcast3A_765 = vector.bitcast %shift_left3A_764 : vector<16xi32> to vector<16xf32>
        %add3A_766 = arith.addf %bitcast3A_761, %bitcast3A_765 : vector<16xf32>
        %get3A_767 = arith.index_cast %add3A_709 : i32 to index
        %get3A_768 = arith.constant 48 : index
        %get3A_769 = tpu.vector_load %arg11[%get3A_767, %get3A_768] {strides = array<i32>} : memref<80x64xi32, #tpu.memory_space<vmem>>, vector<16xi32>,
        %bitcast3A_770 = vector.bitcast %get3A_769 : vector<16xi32> to vector<32xbf16>
        %get3A_771 = arith.index_cast %add3A_709 : i32 to index
        %get3A_772 = arith.constant 48 : index
        %get3A_773 = tpu.vector_load %arg13[%get3A_771, %get3A_772] {strides = array<i32>} : memref<80x64xi32, #tpu.memory_space<vmem>>, vector<16xi32>,
        %bitcast3A_774 = vector.bitcast %get3A_773 : vector<16xi32> to vector<32xbf16>
        %mul3A_775 = arith.mulf %bitcast3A_770, %bitcast3A_774 : vector<32xbf16>
        %bitcast3A_776 = vector.bitcast %mul3A_775 : vector<32xbf16> to vector<16xi32>
        %and3A_777 = arith.constant -65536 : i32
        %and3A_778 = vector.broadcast %and3A_777 : i32 to vector<16xi32>
        %and3A_779 = arith.andi %bitcast3A_776, %and3A_778 : vector<16xi32>
        %bitcast3A_780 = vector.bitcast %and3A_779 : vector<16xi32> to vector<16xf32>
        %shift_left3A_781 = arith.constant 16 : i32
        %shift_left3A_782 = vector.broadcast %shift_left3A_781 : i32 to vector<16xi32>
        %shift_left3A_783 = arith.shli %bitcast3A_776, %shift_left3A_782 : vector<16xi32>
        %bitcast3A_784 = vector.bitcast %shift_left3A_783 : vector<16xi32> to vector<16xf32>
        %add3A_785 = arith.addf %bitcast3A_780, %bitcast3A_784 : vector<16xf32>
        %add3A_786 = arith.addf %add3A_728, %add3A_747 : vector<16xf32>
        %add3A_787 = arith.addf %add3A_766, %add3A_785 : vector<16xf32>
        %add3A_788 = arith.addf %add3A_786, %add3A_787 : vector<16xf32>
        %broadcast_in_dim3A_789 = arith.constant 7 : i32
        %broadcast_in_dim3A_790 = vector.broadcast %broadcast_in_dim3A_789 : i32 to vector<16xi32>
        tpu.vector_store_idx %arg15[%iota3A, %broadcast_in_dim3A_790], %add3A_788 : memref<16x17xf32, #tpu.memory_space<vmem>>[vector<16xi32>, vector<16xi32>], vector<16xf32>,
        %mul3A_791 = arith.constant 16 : i32
        %mul3A_792 = arith.muli %add3A_105, %mul3A_791 : i32
        %add3A_793 = arith.constant 8 : i32
        %add3A_794 = arith.addi %mul3A_792, %add3A_793 : i32
        %get3A_795 = arith.index_cast %add3A_794 : i32 to index
        %get3A_796 = arith.constant 0 : index
        %get3A_797 = tpu.vector_load %arg11[%get3A_795, %get3A_796] {strides = array<i32>} : memref<80x64xi32, #tpu.memory_space<vmem>>, vector<16xi32>,
        %bitcast3A_798 = vector.bitcast %get3A_797 : vector<16xi32> to vector<32xbf16>
        %get3A_799 = arith.index_cast %add3A_794 : i32 to index
        %get3A_800 = arith.constant 0 : index
        %get3A_801 = tpu.vector_load %arg13[%get3A_799, %get3A_800] {strides = array<i32>} : memref<80x64xi32, #tpu.memory_space<vmem>>, vector<16xi32>,
        %bitcast3A_802 = vector.bitcast %get3A_801 : vector<16xi32> to vector<32xbf16>
        %mul3A_803 = arith.mulf %bitcast3A_798, %bitcast3A_802 : vector<32xbf16>
        %bitcast3A_804 = vector.bitcast %mul3A_803 : vector<32xbf16> to vector<16xi32>
        %and3A_805 = arith.constant -65536 : i32
        %and3A_806 = vector.broadcast %and3A_805 : i32 to vector<16xi32>
        %and3A_807 = arith.andi %bitcast3A_804, %and3A_806 : vector<16xi32>
        %bitcast3A_808 = vector.bitcast %and3A_807 : vector<16xi32> to vector<16xf32>
        %shift_left3A_809 = arith.constant 16 : i32
        %shift_left3A_810 = vector.broadcast %shift_left3A_809 : i32 to vector<16xi32>
        %shift_left3A_811 = arith.shli %bitcast3A_804, %shift_left3A_810 : vector<16xi32>
        %bitcast3A_812 = vector.bitcast %shift_left3A_811 : vector<16xi32> to vector<16xf32>
        %add3A_813 = arith.addf %bitcast3A_808, %bitcast3A_812 : vector<16xf32>
        %get3A_814 = arith.index_cast %add3A_794 : i32 to index
        %get3A_815 = arith.constant 16 : index
        %get3A_816 = tpu.vector_load %arg11[%get3A_814, %get3A_815] {strides = array<i32>} : memref<80x64xi32, #tpu.memory_space<vmem>>, vector<16xi32>,
        %bitcast3A_817 = vector.bitcast %get3A_816 : vector<16xi32> to vector<32xbf16>
        %get3A_818 = arith.index_cast %add3A_794 : i32 to index
        %get3A_819 = arith.constant 16 : index
        %get3A_820 = tpu.vector_load %arg13[%get3A_818, %get3A_819] {strides = array<i32>} : memref<80x64xi32, #tpu.memory_space<vmem>>, vector<16xi32>,
        %bitcast3A_821 = vector.bitcast %get3A_820 : vector<16xi32> to vector<32xbf16>
        %mul3A_822 = arith.mulf %bitcast3A_817, %bitcast3A_821 : vector<32xbf16>
        %bitcast3A_823 = vector.bitcast %mul3A_822 : vector<32xbf16> to vector<16xi32>
        %and3A_824 = arith.constant -65536 : i32
        %and3A_825 = vector.broadcast %and3A_824 : i32 to vector<16xi32>
        %and3A_826 = arith.andi %bitcast3A_823, %and3A_825 : vector<16xi32>
        %bitcast3A_827 = vector.bitcast %and3A_826 : vector<16xi32> to vector<16xf32>
        %shift_left3A_828 = arith.constant 16 : i32
        %shift_left3A_829 = vector.broadcast %shift_left3A_828 : i32 to vector<16xi32>
        %shift_left3A_830 = arith.shli %bitcast3A_823, %shift_left3A_829 : vector<16xi32>
        %bitcast3A_831 = vector.bitcast %shift_left3A_830 : vector<16xi32> to vector<16xf32>
        %add3A_832 = arith.addf %bitcast3A_827, %bitcast3A_831 : vector<16xf32>
        %get3A_833 = arith.index_cast %add3A_794 : i32 to index
        %get3A_834 = arith.constant 32 : index
        %get3A_835 = tpu.vector_load %arg11[%get3A_833, %get3A_834] {strides = array<i32>} : memref<80x64xi32, #tpu.memory_space<vmem>>, vector<16xi32>,
        %bitcast3A_836 = vector.bitcast %get3A_835 : vector<16xi32> to vector<32xbf16>
        %get3A_837 = arith.index_cast %add3A_794 : i32 to index
        %get3A_838 = arith.constant 32 : index
        %get3A_839 = tpu.vector_load %arg13[%get3A_837, %get3A_838] {strides = array<i32>} : memref<80x64xi32, #tpu.memory_space<vmem>>, vector<16xi32>,
        %bitcast3A_840 = vector.bitcast %get3A_839 : vector<16xi32> to vector<32xbf16>
        %mul3A_841 = arith.mulf %bitcast3A_836, %bitcast3A_840 : vector<32xbf16>
        %bitcast3A_842 = vector.bitcast %mul3A_841 : vector<32xbf16> to vector<16xi32>
        %and3A_843 = arith.constant -65536 : i32
        %and3A_844 = vector.broadcast %and3A_843 : i32 to vector<16xi32>
        %and3A_845 = arith.andi %bitcast3A_842, %and3A_844 : vector<16xi32>
        %bitcast3A_846 = vector.bitcast %and3A_845 : vector<16xi32> to vector<16xf32>
        %shift_left3A_847 = arith.constant 16 : i32
        %shift_left3A_848 = vector.broadcast %shift_left3A_847 : i32 to vector<16xi32>
        %shift_left3A_849 = arith.shli %bitcast3A_842, %shift_left3A_848 : vector<16xi32>
        %bitcast3A_850 = vector.bitcast %shift_left3A_849 : vector<16xi32> to vector<16xf32>
        %add3A_851 = arith.addf %bitcast3A_846, %bitcast3A_850 : vector<16xf32>
        %get3A_852 = arith.index_cast %add3A_794 : i32 to index
        %get3A_853 = arith.constant 48 : index
        %get3A_854 = tpu.vector_load %arg11[%get3A_852, %get3A_853] {strides = array<i32>} : memref<80x64xi32, #tpu.memory_space<vmem>>, vector<16xi32>,
        %bitcast3A_855 = vector.bitcast %get3A_854 : vector<16xi32> to vector<32xbf16>
        %get3A_856 = arith.index_cast %add3A_794 : i32 to index
        %get3A_857 = arith.constant 48 : index
        %get3A_858 = tpu.vector_load %arg13[%get3A_856, %get3A_857] {strides = array<i32>} : memref<80x64xi32, #tpu.memory_space<vmem>>, vector<16xi32>,
        %bitcast3A_859 = vector.bitcast %get3A_858 : vector<16xi32> to vector<32xbf16>
        %mul3A_860 = arith.mulf %bitcast3A_855, %bitcast3A_859 : vector<32xbf16>
        %bitcast3A_861 = vector.bitcast %mul3A_860 : vector<32xbf16> to vector<16xi32>
        %and3A_862 = arith.constant -65536 : i32
        %and3A_863 = vector.broadcast %and3A_862 : i32 to vector<16xi32>
        %and3A_864 = arith.andi %bitcast3A_861, %and3A_863 : vector<16xi32>
        %bitcast3A_865 = vector.bitcast %and3A_864 : vector<16xi32> to vector<16xf32>
        %shift_left3A_866 = arith.constant 16 : i32
        %shift_left3A_867 = vector.broadcast %shift_left3A_866 : i32 to vector<16xi32>
        %shift_left3A_868 = arith.shli %bitcast3A_861, %shift_left3A_867 : vector<16xi32>
        %bitcast3A_869 = vector.bitcast %shift_left3A_868 : vector<16xi32> to vector<16xf32>
        %add3A_870 = arith.addf %bitcast3A_865, %bitcast3A_869 : vector<16xf32>
        %add3A_871 = arith.addf %add3A_813, %add3A_832 : vector<16xf32>
        %add3A_872 = arith.addf %add3A_851, %add3A_870 : vector<16xf32>
        %add3A_873 = arith.addf %add3A_871, %add3A_872 : vector<16xf32>
        %broadcast_in_dim3A_874 = arith.constant 8 : i32
        %broadcast_in_dim3A_875 = vector.broadcast %broadcast_in_dim3A_874 : i32 to vector<16xi32>
        tpu.vector_store_idx %arg15[%iota3A, %broadcast_in_dim3A_875], %add3A_873 : memref<16x17xf32, #tpu.memory_space<vmem>>[vector<16xi32>, vector<16xi32>], vector<16xf32>,
        %mul3A_876 = arith.constant 16 : i32
        %mul3A_877 = arith.muli %add3A_105, %mul3A_876 : i32
        %add3A_878 = arith.constant 9 : i32
        %add3A_879 = arith.addi %mul3A_877, %add3A_878 : i32
        %get3A_880 = arith.index_cast %add3A_879 : i32 to index
        %get3A_881 = arith.constant 0 : index
        %get3A_882 = tpu.vector_load %arg11[%get3A_880, %get3A_881] {strides = array<i32>} : memref<80x64xi32, #tpu.memory_space<vmem>>, vector<16xi32>,
        %bitcast3A_883 = vector.bitcast %get3A_882 : vector<16xi32> to vector<32xbf16>
        %get3A_884 = arith.index_cast %add3A_879 : i32 to index
        %get3A_885 = arith.constant 0 : index
        %get3A_886 = tpu.vector_load %arg13[%get3A_884, %get3A_885] {strides = array<i32>} : memref<80x64xi32, #tpu.memory_space<vmem>>, vector<16xi32>,
        %bitcast3A_887 = vector.bitcast %get3A_886 : vector<16xi32> to vector<32xbf16>
        %mul3A_888 = arith.mulf %bitcast3A_883, %bitcast3A_887 : vector<32xbf16>
        %bitcast3A_889 = vector.bitcast %mul3A_888 : vector<32xbf16> to vector<16xi32>
        %and3A_890 = arith.constant -65536 : i32
        %and3A_891 = vector.broadcast %and3A_890 : i32 to vector<16xi32>
        %and3A_892 = arith.andi %bitcast3A_889, %and3A_891 : vector<16xi32>
        %bitcast3A_893 = vector.bitcast %and3A_892 : vector<16xi32> to vector<16xf32>
        %shift_left3A_894 = arith.constant 16 : i32
        %shift_left3A_895 = vector.broadcast %shift_left3A_894 : i32 to vector<16xi32>
        %shift_left3A_896 = arith.shli %bitcast3A_889, %shift_left3A_895 : vector<16xi32>
        %bitcast3A_897 = vector.bitcast %shift_left3A_896 : vector<16xi32> to vector<16xf32>
        %add3A_898 = arith.addf %bitcast3A_893, %bitcast3A_897 : vector<16xf32>
        %get3A_899 = arith.index_cast %add3A_879 : i32 to index
        %get3A_900 = arith.constant 16 : index
        %get3A_901 = tpu.vector_load %arg11[%get3A_899, %get3A_900] {strides = array<i32>} : memref<80x64xi32, #tpu.memory_space<vmem>>, vector<16xi32>,
        %bitcast3A_902 = vector.bitcast %get3A_901 : vector<16xi32> to vector<32xbf16>
        %get3A_903 = arith.index_cast %add3A_879 : i32 to index
        %get3A_904 = arith.constant 16 : index
        %get3A_905 = tpu.vector_load %arg13[%get3A_903, %get3A_904] {strides = array<i32>} : memref<80x64xi32, #tpu.memory_space<vmem>>, vector<16xi32>,
        %bitcast3A_906 = vector.bitcast %get3A_905 : vector<16xi32> to vector<32xbf16>
        %mul3A_907 = arith.mulf %bitcast3A_902, %bitcast3A_906 : vector<32xbf16>
        %bitcast3A_908 = vector.bitcast %mul3A_907 : vector<32xbf16> to vector<16xi32>
        %and3A_909 = arith.constant -65536 : i32
        %and3A_910 = vector.broadcast %and3A_909 : i32 to vector<16xi32>
        %and3A_911 = arith.andi %bitcast3A_908, %and3A_910 : vector<16xi32>
        %bitcast3A_912 = vector.bitcast %and3A_911 : vector<16xi32> to vector<16xf32>
        %shift_left3A_913 = arith.constant 16 : i32
        %shift_left3A_914 = vector.broadcast %shift_left3A_913 : i32 to vector<16xi32>
        %shift_left3A_915 = arith.shli %bitcast3A_908, %shift_left3A_914 : vector<16xi32>
        %bitcast3A_916 = vector.bitcast %shift_left3A_915 : vector<16xi32> to vector<16xf32>
        %add3A_917 = arith.addf %bitcast3A_912, %bitcast3A_916 : vector<16xf32>
        %get3A_918 = arith.index_cast %add3A_879 : i32 to index
        %get3A_919 = arith.constant 32 : index
        %get3A_920 = tpu.vector_load %arg11[%get3A_918, %get3A_919] {strides = array<i32>} : memref<80x64xi32, #tpu.memory_space<vmem>>, vector<16xi32>,
        %bitcast3A_921 = vector.bitcast %get3A_920 : vector<16xi32> to vector<32xbf16>
        %get3A_922 = arith.index_cast %add3A_879 : i32 to index
        %get3A_923 = arith.constant 32 : index
        %get3A_924 = tpu.vector_load %arg13[%get3A_922, %get3A_923] {strides = array<i32>} : memref<80x64xi32, #tpu.memory_space<vmem>>, vector<16xi32>,
        %bitcast3A_925 = vector.bitcast %get3A_924 : vector<16xi32> to vector<32xbf16>
        %mul3A_926 = arith.mulf %bitcast3A_921, %bitcast3A_925 : vector<32xbf16>
        %bitcast3A_927 = vector.bitcast %mul3A_926 : vector<32xbf16> to vector<16xi32>
        %and3A_928 = arith.constant -65536 : i32
        %and3A_929 = vector.broadcast %and3A_928 : i32 to vector<16xi32>
        %and3A_930 = arith.andi %bitcast3A_927, %and3A_929 : vector<16xi32>
        %bitcast3A_931 = vector.bitcast %and3A_930 : vector<16xi32> to vector<16xf32>
        %shift_left3A_932 = arith.constant 16 : i32
        %shift_left3A_933 = vector.broadcast %shift_left3A_932 : i32 to vector<16xi32>
        %shift_left3A_934 = arith.shli %bitcast3A_927, %shift_left3A_933 : vector<16xi32>
        %bitcast3A_935 = vector.bitcast %shift_left3A_934 : vector<16xi32> to vector<16xf32>
        %add3A_936 = arith.addf %bitcast3A_931, %bitcast3A_935 : vector<16xf32>
        %get3A_937 = arith.index_cast %add3A_879 : i32 to index
        %get3A_938 = arith.constant 48 : index
        %get3A_939 = tpu.vector_load %arg11[%get3A_937, %get3A_938] {strides = array<i32>} : memref<80x64xi32, #tpu.memory_space<vmem>>, vector<16xi32>,
        %bitcast3A_940 = vector.bitcast %get3A_939 : vector<16xi32> to vector<32xbf16>
        %get3A_941 = arith.index_cast %add3A_879 : i32 to index
        %get3A_942 = arith.constant 48 : index
        %get3A_943 = tpu.vector_load %arg13[%get3A_941, %get3A_942] {strides = array<i32>} : memref<80x64xi32, #tpu.memory_space<vmem>>, vector<16xi32>,
        %bitcast3A_944 = vector.bitcast %get3A_943 : vector<16xi32> to vector<32xbf16>
        %mul3A_945 = arith.mulf %bitcast3A_940, %bitcast3A_944 : vector<32xbf16>
        %bitcast3A_946 = vector.bitcast %mul3A_945 : vector<32xbf16> to vector<16xi32>
        %and3A_947 = arith.constant -65536 : i32
        %and3A_948 = vector.broadcast %and3A_947 : i32 to vector<16xi32>
        %and3A_949 = arith.andi %bitcast3A_946, %and3A_948 : vector<16xi32>
        %bitcast3A_950 = vector.bitcast %and3A_949 : vector<16xi32> to vector<16xf32>
        %shift_left3A_951 = arith.constant 16 : i32
        %shift_left3A_952 = vector.broadcast %shift_left3A_951 : i32 to vector<16xi32>
        %shift_left3A_953 = arith.shli %bitcast3A_946, %shift_left3A_952 : vector<16xi32>
        %bitcast3A_954 = vector.bitcast %shift_left3A_953 : vector<16xi32> to vector<16xf32>
        %add3A_955 = arith.addf %bitcast3A_950, %bitcast3A_954 : vector<16xf32>
        %add3A_956 = arith.addf %add3A_898, %add3A_917 : vector<16xf32>
        %add3A_957 = arith.addf %add3A_936, %add3A_955 : vector<16xf32>
        %add3A_958 = arith.addf %add3A_956, %add3A_957 : vector<16xf32>
        %broadcast_in_dim3A_959 = arith.constant 9 : i32
        %broadcast_in_dim3A_960 = vector.broadcast %broadcast_in_dim3A_959 : i32 to vector<16xi32>
        tpu.vector_store_idx %arg15[%iota3A, %broadcast_in_dim3A_960], %add3A_958 : memref<16x17xf32, #tpu.memory_space<vmem>>[vector<16xi32>, vector<16xi32>], vector<16xf32>,
        %mul3A_961 = arith.constant 16 : i32
        %mul3A_962 = arith.muli %add3A_105, %mul3A_961 : i32
        %add3A_963 = arith.constant 10 : i32
        %add3A_964 = arith.addi %mul3A_962, %add3A_963 : i32
        %get3A_965 = arith.index_cast %add3A_964 : i32 to index
        %get3A_966 = arith.constant 0 : index
        %get3A_967 = tpu.vector_load %arg11[%get3A_965, %get3A_966] {strides = array<i32>} : memref<80x64xi32, #tpu.memory_space<vmem>>, vector<16xi32>,
        %bitcast3A_968 = vector.bitcast %get3A_967 : vector<16xi32> to vector<32xbf16>
        %get3A_969 = arith.index_cast %add3A_964 : i32 to index
        %get3A_970 = arith.constant 0 : index
        %get3A_971 = tpu.vector_load %arg13[%get3A_969, %get3A_970] {strides = array<i32>} : memref<80x64xi32, #tpu.memory_space<vmem>>, vector<16xi32>,
        %bitcast3A_972 = vector.bitcast %get3A_971 : vector<16xi32> to vector<32xbf16>
        %mul3A_973 = arith.mulf %bitcast3A_968, %bitcast3A_972 : vector<32xbf16>
        %bitcast3A_974 = vector.bitcast %mul3A_973 : vector<32xbf16> to vector<16xi32>
        %and3A_975 = arith.constant -65536 : i32
        %and3A_976 = vector.broadcast %and3A_975 : i32 to vector<16xi32>
        %and3A_977 = arith.andi %bitcast3A_974, %and3A_976 : vector<16xi32>
        %bitcast3A_978 = vector.bitcast %and3A_977 : vector<16xi32> to vector<16xf32>
        %shift_left3A_979 = arith.constant 16 : i32
        %shift_left3A_980 = vector.broadcast %shift_left3A_979 : i32 to vector<16xi32>
        %shift_left3A_981 = arith.shli %bitcast3A_974, %shift_left3A_980 : vector<16xi32>
        %bitcast3A_982 = vector.bitcast %shift_left3A_981 : vector<16xi32> to vector<16xf32>
        %add3A_983 = arith.addf %bitcast3A_978, %bitcast3A_982 : vector<16xf32>
        %get3A_984 = arith.index_cast %add3A_964 : i32 to index
        %get3A_985 = arith.constant 16 : index
        %get3A_986 = tpu.vector_load %arg11[%get3A_984, %get3A_985] {strides = array<i32>} : memref<80x64xi32, #tpu.memory_space<vmem>>, vector<16xi32>,
        %bitcast3A_987 = vector.bitcast %get3A_986 : vector<16xi32> to vector<32xbf16>
        %get3A_988 = arith.index_cast %add3A_964 : i32 to index
        %get3A_989 = arith.constant 16 : index
        %get3A_990 = tpu.vector_load %arg13[%get3A_988, %get3A_989] {strides = array<i32>} : memref<80x64xi32, #tpu.memory_space<vmem>>, vector<16xi32>,
        %bitcast3A_991 = vector.bitcast %get3A_990 : vector<16xi32> to vector<32xbf16>
        %mul3A_992 = arith.mulf %bitcast3A_987, %bitcast3A_991 : vector<32xbf16>
        %bitcast3A_993 = vector.bitcast %mul3A_992 : vector<32xbf16> to vector<16xi32>
        %and3A_994 = arith.constant -65536 : i32
        %and3A_995 = vector.broadcast %and3A_994 : i32 to vector<16xi32>
        %and3A_996 = arith.andi %bitcast3A_993, %and3A_995 : vector<16xi32>
        %bitcast3A_997 = vector.bitcast %and3A_996 : vector<16xi32> to vector<16xf32>
        %shift_left3A_998 = arith.constant 16 : i32
        %shift_left3A_999 = vector.broadcast %shift_left3A_998 : i32 to vector<16xi32>
        %shift_left3A_1000 = arith.shli %bitcast3A_993, %shift_left3A_999 : vector<16xi32>
        %bitcast3A_1001 = vector.bitcast %shift_left3A_1000 : vector<16xi32> to vector<16xf32>
        %add3A_1002 = arith.addf %bitcast3A_997, %bitcast3A_1001 : vector<16xf32>
        %get3A_1003 = arith.index_cast %add3A_964 : i32 to index
        %get3A_1004 = arith.constant 32 : index
        %get3A_1005 = tpu.vector_load %arg11[%get3A_1003, %get3A_1004] {strides = array<i32>} : memref<80x64xi32, #tpu.memory_space<vmem>>, vector<16xi32>,
        %bitcast3A_1006 = vector.bitcast %get3A_1005 : vector<16xi32> to vector<32xbf16>
        %get3A_1007 = arith.index_cast %add3A_964 : i32 to index
        %get3A_1008 = arith.constant 32 : index
        %get3A_1009 = tpu.vector_load %arg13[%get3A_1007, %get3A_1008] {strides = array<i32>} : memref<80x64xi32, #tpu.memory_space<vmem>>, vector<16xi32>,
        %bitcast3A_1010 = vector.bitcast %get3A_1009 : vector<16xi32> to vector<32xbf16>
        %mul3A_1011 = arith.mulf %bitcast3A_1006, %bitcast3A_1010 : vector<32xbf16>
        %bitcast3A_1012 = vector.bitcast %mul3A_1011 : vector<32xbf16> to vector<16xi32>
        %and3A_1013 = arith.constant -65536 : i32
        %and3A_1014 = vector.broadcast %and3A_1013 : i32 to vector<16xi32>
        %and3A_1015 = arith.andi %bitcast3A_1012, %and3A_1014 : vector<16xi32>
        %bitcast3A_1016 = vector.bitcast %and3A_1015 : vector<16xi32> to vector<16xf32>
        %shift_left3A_1017 = arith.constant 16 : i32
        %shift_left3A_1018 = vector.broadcast %shift_left3A_1017 : i32 to vector<16xi32>
        %shift_left3A_1019 = arith.shli %bitcast3A_1012, %shift_left3A_1018 : vector<16xi32>
        %bitcast3A_1020 = vector.bitcast %shift_left3A_1019 : vector<16xi32> to vector<16xf32>
        %add3A_1021 = arith.addf %bitcast3A_1016, %bitcast3A_1020 : vector<16xf32>
        %get3A_1022 = arith.index_cast %add3A_964 : i32 to index
        %get3A_1023 = arith.constant 48 : index
        %get3A_1024 = tpu.vector_load %arg11[%get3A_1022, %get3A_1023] {strides = array<i32>} : memref<80x64xi32, #tpu.memory_space<vmem>>, vector<16xi32>,
        %bitcast3A_1025 = vector.bitcast %get3A_1024 : vector<16xi32> to vector<32xbf16>
        %get3A_1026 = arith.index_cast %add3A_964 : i32 to index
        %get3A_1027 = arith.constant 48 : index
        %get3A_1028 = tpu.vector_load %arg13[%get3A_1026, %get3A_1027] {strides = array<i32>} : memref<80x64xi32, #tpu.memory_space<vmem>>, vector<16xi32>,
        %bitcast3A_1029 = vector.bitcast %get3A_1028 : vector<16xi32> to vector<32xbf16>
        %mul3A_1030 = arith.mulf %bitcast3A_1025, %bitcast3A_1029 : vector<32xbf16>
        %bitcast3A_1031 = vector.bitcast %mul3A_1030 : vector<32xbf16> to vector<16xi32>
        %and3A_1032 = arith.constant -65536 : i32
        %and3A_1033 = vector.broadcast %and3A_1032 : i32 to vector<16xi32>
        %and3A_1034 = arith.andi %bitcast3A_1031, %and3A_1033 : vector<16xi32>
        %bitcast3A_1035 = vector.bitcast %and3A_1034 : vector<16xi32> to vector<16xf32>
        %shift_left3A_1036 = arith.constant 16 : i32
        %shift_left3A_1037 = vector.broadcast %shift_left3A_1036 : i32 to vector<16xi32>
        %shift_left3A_1038 = arith.shli %bitcast3A_1031, %shift_left3A_1037 : vector<16xi32>
        %bitcast3A_1039 = vector.bitcast %shift_left3A_1038 : vector<16xi32> to vector<16xf32>
        %add3A_1040 = arith.addf %bitcast3A_1035, %bitcast3A_1039 : vector<16xf32>
        %add3A_1041 = arith.addf %add3A_983, %add3A_1002 : vector<16xf32>
        %add3A_1042 = arith.addf %add3A_1021, %add3A_1040 : vector<16xf32>
        %add3A_1043 = arith.addf %add3A_1041, %add3A_1042 : vector<16xf32>
        %broadcast_in_dim3A_1044 = arith.constant 10 : i32
        %broadcast_in_dim3A_1045 = vector.broadcast %broadcast_in_dim3A_1044 : i32 to vector<16xi32>
        tpu.vector_store_idx %arg15[%iota3A, %broadcast_in_dim3A_1045], %add3A_1043 : memref<16x17xf32, #tpu.memory_space<vmem>>[vector<16xi32>, vector<16xi32>], vector<16xf32>,
        %mul3A_1046 = arith.constant 16 : i32
        %mul3A_1047 = arith.muli %add3A_105, %mul3A_1046 : i32
        %add3A_1048 = arith.constant 11 : i32
        %add3A_1049 = arith.addi %mul3A_1047, %add3A_1048 : i32
        %get3A_1050 = arith.index_cast %add3A_1049 : i32 to index
        %get3A_1051 = arith.constant 0 : index
        %get3A_1052 = tpu.vector_load %arg11[%get3A_1050, %get3A_1051] {strides = array<i32>} : memref<80x64xi32, #tpu.memory_space<vmem>>, vector<16xi32>,
        %bitcast3A_1053 = vector.bitcast %get3A_1052 : vector<16xi32> to vector<32xbf16>
        %get3A_1054 = arith.index_cast %add3A_1049 : i32 to index
        %get3A_1055 = arith.constant 0 : index
        %get3A_1056 = tpu.vector_load %arg13[%get3A_1054, %get3A_1055] {strides = array<i32>} : memref<80x64xi32, #tpu.memory_space<vmem>>, vector<16xi32>,
        %bitcast3A_1057 = vector.bitcast %get3A_1056 : vector<16xi32> to vector<32xbf16>
        %mul3A_1058 = arith.mulf %bitcast3A_1053, %bitcast3A_1057 : vector<32xbf16>
        %bitcast3A_1059 = vector.bitcast %mul3A_1058 : vector<32xbf16> to vector<16xi32>
        %and3A_1060 = arith.constant -65536 : i32
        %and3A_1061 = vector.broadcast %and3A_1060 : i32 to vector<16xi32>
        %and3A_1062 = arith.andi %bitcast3A_1059, %and3A_1061 : vector<16xi32>
        %bitcast3A_1063 = vector.bitcast %and3A_1062 : vector<16xi32> to vector<16xf32>
        %shift_left3A_1064 = arith.constant 16 : i32
        %shift_left3A_1065 = vector.broadcast %shift_left3A_1064 : i32 to vector<16xi32>
        %shift_left3A_1066 = arith.shli %bitcast3A_1059, %shift_left3A_1065 : vector<16xi32>
        %bitcast3A_1067 = vector.bitcast %shift_left3A_1066 : vector<16xi32> to vector<16xf32>
        %add3A_1068 = arith.addf %bitcast3A_1063, %bitcast3A_1067 : vector<16xf32>
        %get3A_1069 = arith.index_cast %add3A_1049 : i32 to index
        %get3A_1070 = arith.constant 16 : index
        %get3A_1071 = tpu.vector_load %arg11[%get3A_1069, %get3A_1070] {strides = array<i32>} : memref<80x64xi32, #tpu.memory_space<vmem>>, vector<16xi32>,
        %bitcast3A_1072 = vector.bitcast %get3A_1071 : vector<16xi32> to vector<32xbf16>
        %get3A_1073 = arith.index_cast %add3A_1049 : i32 to index
        %get3A_1074 = arith.constant 16 : index
        %get3A_1075 = tpu.vector_load %arg13[%get3A_1073, %get3A_1074] {strides = array<i32>} : memref<80x64xi32, #tpu.memory_space<vmem>>, vector<16xi32>,
        %bitcast3A_1076 = vector.bitcast %get3A_1075 : vector<16xi32> to vector<32xbf16>
        %mul3A_1077 = arith.mulf %bitcast3A_1072, %bitcast3A_1076 : vector<32xbf16>
        %bitcast3A_1078 = vector.bitcast %mul3A_1077 : vector<32xbf16> to vector<16xi32>
        %and3A_1079 = arith.constant -65536 : i32
        %and3A_1080 = vector.broadcast %and3A_1079 : i32 to vector<16xi32>
        %and3A_1081 = arith.andi %bitcast3A_1078, %and3A_1080 : vector<16xi32>
        %bitcast3A_1082 = vector.bitcast %and3A_1081 : vector<16xi32> to vector<16xf32>
        %shift_left3A_1083 = arith.constant 16 : i32
        %shift_left3A_1084 = vector.broadcast %shift_left3A_1083 : i32 to vector<16xi32>
        %shift_left3A_1085 = arith.shli %bitcast3A_1078, %shift_left3A_1084 : vector<16xi32>
        %bitcast3A_1086 = vector.bitcast %shift_left3A_1085 : vector<16xi32> to vector<16xf32>
        %add3A_1087 = arith.addf %bitcast3A_1082, %bitcast3A_1086 : vector<16xf32>
        %get3A_1088 = arith.index_cast %add3A_1049 : i32 to index
        %get3A_1089 = arith.constant 32 : index
        %get3A_1090 = tpu.vector_load %arg11[%get3A_1088, %get3A_1089] {strides = array<i32>} : memref<80x64xi32, #tpu.memory_space<vmem>>, vector<16xi32>,
        %bitcast3A_1091 = vector.bitcast %get3A_1090 : vector<16xi32> to vector<32xbf16>
        %get3A_1092 = arith.index_cast %add3A_1049 : i32 to index
        %get3A_1093 = arith.constant 32 : index
        %get3A_1094 = tpu.vector_load %arg13[%get3A_1092, %get3A_1093] {strides = array<i32>} : memref<80x64xi32, #tpu.memory_space<vmem>>, vector<16xi32>,
        %bitcast3A_1095 = vector.bitcast %get3A_1094 : vector<16xi32> to vector<32xbf16>
        %mul3A_1096 = arith.mulf %bitcast3A_1091, %bitcast3A_1095 : vector<32xbf16>
        %bitcast3A_1097 = vector.bitcast %mul3A_1096 : vector<32xbf16> to vector<16xi32>
        %and3A_1098 = arith.constant -65536 : i32
        %and3A_1099 = vector.broadcast %and3A_1098 : i32 to vector<16xi32>
        %and3A_1100 = arith.andi %bitcast3A_1097, %and3A_1099 : vector<16xi32>
        %bitcast3A_1101 = vector.bitcast %and3A_1100 : vector<16xi32> to vector<16xf32>
        %shift_left3A_1102 = arith.constant 16 : i32
        %shift_left3A_1103 = vector.broadcast %shift_left3A_1102 : i32 to vector<16xi32>
        %shift_left3A_1104 = arith.shli %bitcast3A_1097, %shift_left3A_1103 : vector<16xi32>
        %bitcast3A_1105 = vector.bitcast %shift_left3A_1104 : vector<16xi32> to vector<16xf32>
        %add3A_1106 = arith.addf %bitcast3A_1101, %bitcast3A_1105 : vector<16xf32>
        %get3A_1107 = arith.index_cast %add3A_1049 : i32 to index
        %get3A_1108 = arith.constant 48 : index
        %get3A_1109 = tpu.vector_load %arg11[%get3A_1107, %get3A_1108] {strides = array<i32>} : memref<80x64xi32, #tpu.memory_space<vmem>>, vector<16xi32>,
        %bitcast3A_1110 = vector.bitcast %get3A_1109 : vector<16xi32> to vector<32xbf16>
        %get3A_1111 = arith.index_cast %add3A_1049 : i32 to index
        %get3A_1112 = arith.constant 48 : index
        %get3A_1113 = tpu.vector_load %arg13[%get3A_1111, %get3A_1112] {strides = array<i32>} : memref<80x64xi32, #tpu.memory_space<vmem>>, vector<16xi32>,
        %bitcast3A_1114 = vector.bitcast %get3A_1113 : vector<16xi32> to vector<32xbf16>
        %mul3A_1115 = arith.mulf %bitcast3A_1110, %bitcast3A_1114 : vector<32xbf16>
        %bitcast3A_1116 = vector.bitcast %mul3A_1115 : vector<32xbf16> to vector<16xi32>
        %and3A_1117 = arith.constant -65536 : i32
        %and3A_1118 = vector.broadcast %and3A_1117 : i32 to vector<16xi32>
        %and3A_1119 = arith.andi %bitcast3A_1116, %and3A_1118 : vector<16xi32>
        %bitcast3A_1120 = vector.bitcast %and3A_1119 : vector<16xi32> to vector<16xf32>
        %shift_left3A_1121 = arith.constant 16 : i32
        %shift_left3A_1122 = vector.broadcast %shift_left3A_1121 : i32 to vector<16xi32>
        %shift_left3A_1123 = arith.shli %bitcast3A_1116, %shift_left3A_1122 : vector<16xi32>
        %bitcast3A_1124 = vector.bitcast %shift_left3A_1123 : vector<16xi32> to vector<16xf32>
        %add3A_1125 = arith.addf %bitcast3A_1120, %bitcast3A_1124 : vector<16xf32>
        %add3A_1126 = arith.addf %add3A_1068, %add3A_1087 : vector<16xf32>
        %add3A_1127 = arith.addf %add3A_1106, %add3A_1125 : vector<16xf32>
        %add3A_1128 = arith.addf %add3A_1126, %add3A_1127 : vector<16xf32>
        %broadcast_in_dim3A_1129 = arith.constant 11 : i32
        %broadcast_in_dim3A_1130 = vector.broadcast %broadcast_in_dim3A_1129 : i32 to vector<16xi32>
        tpu.vector_store_idx %arg15[%iota3A, %broadcast_in_dim3A_1130], %add3A_1128 : memref<16x17xf32, #tpu.memory_space<vmem>>[vector<16xi32>, vector<16xi32>], vector<16xf32>,
        %mul3A_1131 = arith.constant 16 : i32
        %mul3A_1132 = arith.muli %add3A_105, %mul3A_1131 : i32
        %add3A_1133 = arith.constant 12 : i32
        %add3A_1134 = arith.addi %mul3A_1132, %add3A_1133 : i32
        %get3A_1135 = arith.index_cast %add3A_1134 : i32 to index
        %get3A_1136 = arith.constant 0 : index
        %get3A_1137 = tpu.vector_load %arg11[%get3A_1135, %get3A_1136] {strides = array<i32>} : memref<80x64xi32, #tpu.memory_space<vmem>>, vector<16xi32>,
        %bitcast3A_1138 = vector.bitcast %get3A_1137 : vector<16xi32> to vector<32xbf16>
        %get3A_1139 = arith.index_cast %add3A_1134 : i32 to index
        %get3A_1140 = arith.constant 0 : index
        %get3A_1141 = tpu.vector_load %arg13[%get3A_1139, %get3A_1140] {strides = array<i32>} : memref<80x64xi32, #tpu.memory_space<vmem>>, vector<16xi32>,
        %bitcast3A_1142 = vector.bitcast %get3A_1141 : vector<16xi32> to vector<32xbf16>
        %mul3A_1143 = arith.mulf %bitcast3A_1138, %bitcast3A_1142 : vector<32xbf16>
        %bitcast3A_1144 = vector.bitcast %mul3A_1143 : vector<32xbf16> to vector<16xi32>
        %and3A_1145 = arith.constant -65536 : i32
        %and3A_1146 = vector.broadcast %and3A_1145 : i32 to vector<16xi32>
        %and3A_1147 = arith.andi %bitcast3A_1144, %and3A_1146 : vector<16xi32>
        %bitcast3A_1148 = vector.bitcast %and3A_1147 : vector<16xi32> to vector<16xf32>
        %shift_left3A_1149 = arith.constant 16 : i32
        %shift_left3A_1150 = vector.broadcast %shift_left3A_1149 : i32 to vector<16xi32>
        %shift_left3A_1151 = arith.shli %bitcast3A_1144, %shift_left3A_1150 : vector<16xi32>
        %bitcast3A_1152 = vector.bitcast %shift_left3A_1151 : vector<16xi32> to vector<16xf32>
        %add3A_1153 = arith.addf %bitcast3A_1148, %bitcast3A_1152 : vector<16xf32>
        %get3A_1154 = arith.index_cast %add3A_1134 : i32 to index
        %get3A_1155 = arith.constant 16 : index
        %get3A_1156 = tpu.vector_load %arg11[%get3A_1154, %get3A_1155] {strides = array<i32>} : memref<80x64xi32, #tpu.memory_space<vmem>>, vector<16xi32>,
        %bitcast3A_1157 = vector.bitcast %get3A_1156 : vector<16xi32> to vector<32xbf16>
        %get3A_1158 = arith.index_cast %add3A_1134 : i32 to index
        %get3A_1159 = arith.constant 16 : index
        %get3A_1160 = tpu.vector_load %arg13[%get3A_1158, %get3A_1159] {strides = array<i32>} : memref<80x64xi32, #tpu.memory_space<vmem>>, vector<16xi32>,
        %bitcast3A_1161 = vector.bitcast %get3A_1160 : vector<16xi32> to vector<32xbf16>
        %mul3A_1162 = arith.mulf %bitcast3A_1157, %bitcast3A_1161 : vector<32xbf16>
        %bitcast3A_1163 = vector.bitcast %mul3A_1162 : vector<32xbf16> to vector<16xi32>
        %and3A_1164 = arith.constant -65536 : i32
        %and3A_1165 = vector.broadcast %and3A_1164 : i32 to vector<16xi32>
        %and3A_1166 = arith.andi %bitcast3A_1163, %and3A_1165 : vector<16xi32>
        %bitcast3A_1167 = vector.bitcast %and3A_1166 : vector<16xi32> to vector<16xf32>
        %shift_left3A_1168 = arith.constant 16 : i32
        %shift_left3A_1169 = vector.broadcast %shift_left3A_1168 : i32 to vector<16xi32>
        %shift_left3A_1170 = arith.shli %bitcast3A_1163, %shift_left3A_1169 : vector<16xi32>
        %bitcast3A_1171 = vector.bitcast %shift_left3A_1170 : vector<16xi32> to vector<16xf32>
        %add3A_1172 = arith.addf %bitcast3A_1167, %bitcast3A_1171 : vector<16xf32>
        %get3A_1173 = arith.index_cast %add3A_1134 : i32 to index
        %get3A_1174 = arith.constant 32 : index
        %get3A_1175 = tpu.vector_load %arg11[%get3A_1173, %get3A_1174] {strides = array<i32>} : memref<80x64xi32, #tpu.memory_space<vmem>>, vector<16xi32>,
        %bitcast3A_1176 = vector.bitcast %get3A_1175 : vector<16xi32> to vector<32xbf16>
        %get3A_1177 = arith.index_cast %add3A_1134 : i32 to index
        %get3A_1178 = arith.constant 32 : index
        %get3A_1179 = tpu.vector_load %arg13[%get3A_1177, %get3A_1178] {strides = array<i32>} : memref<80x64xi32, #tpu.memory_space<vmem>>, vector<16xi32>,
        %bitcast3A_1180 = vector.bitcast %get3A_1179 : vector<16xi32> to vector<32xbf16>
        %mul3A_1181 = arith.mulf %bitcast3A_1176, %bitcast3A_1180 : vector<32xbf16>
        %bitcast3A_1182 = vector.bitcast %mul3A_1181 : vector<32xbf16> to vector<16xi32>
        %and3A_1183 = arith.constant -65536 : i32
        %and3A_1184 = vector.broadcast %and3A_1183 : i32 to vector<16xi32>
        %and3A_1185 = arith.andi %bitcast3A_1182, %and3A_1184 : vector<16xi32>
        %bitcast3A_1186 = vector.bitcast %and3A_1185 : vector<16xi32> to vector<16xf32>
        %shift_left3A_1187 = arith.constant 16 : i32
        %shift_left3A_1188 = vector.broadcast %shift_left3A_1187 : i32 to vector<16xi32>
        %shift_left3A_1189 = arith.shli %bitcast3A_1182, %shift_left3A_1188 : vector<16xi32>
        %bitcast3A_1190 = vector.bitcast %shift_left3A_1189 : vector<16xi32> to vector<16xf32>
        %add3A_1191 = arith.addf %bitcast3A_1186, %bitcast3A_1190 : vector<16xf32>
        %get3A_1192 = arith.index_cast %add3A_1134 : i32 to index
        %get3A_1193 = arith.constant 48 : index
        %get3A_1194 = tpu.vector_load %arg11[%get3A_1192, %get3A_1193] {strides = array<i32>} : memref<80x64xi32, #tpu.memory_space<vmem>>, vector<16xi32>,
        %bitcast3A_1195 = vector.bitcast %get3A_1194 : vector<16xi32> to vector<32xbf16>
        %get3A_1196 = arith.index_cast %add3A_1134 : i32 to index
        %get3A_1197 = arith.constant 48 : index
        %get3A_1198 = tpu.vector_load %arg13[%get3A_1196, %get3A_1197] {strides = array<i32>} : memref<80x64xi32, #tpu.memory_space<vmem>>, vector<16xi32>,
        %bitcast3A_1199 = vector.bitcast %get3A_1198 : vector<16xi32> to vector<32xbf16>
        %mul3A_1200 = arith.mulf %bitcast3A_1195, %bitcast3A_1199 : vector<32xbf16>
        %bitcast3A_1201 = vector.bitcast %mul3A_1200 : vector<32xbf16> to vector<16xi32>
        %and3A_1202 = arith.constant -65536 : i32
        %and3A_1203 = vector.broadcast %and3A_1202 : i32 to vector<16xi32>
        %and3A_1204 = arith.andi %bitcast3A_1201, %and3A_1203 : vector<16xi32>
        %bitcast3A_1205 = vector.bitcast %and3A_1204 : vector<16xi32> to vector<16xf32>
        %shift_left3A_1206 = arith.constant 16 : i32
        %shift_left3A_1207 = vector.broadcast %shift_left3A_1206 : i32 to vector<16xi32>
        %shift_left3A_1208 = arith.shli %bitcast3A_1201, %shift_left3A_1207 : vector<16xi32>
        %bitcast3A_1209 = vector.bitcast %shift_left3A_1208 : vector<16xi32> to vector<16xf32>
        %add3A_1210 = arith.addf %bitcast3A_1205, %bitcast3A_1209 : vector<16xf32>
        %add3A_1211 = arith.addf %add3A_1153, %add3A_1172 : vector<16xf32>
        %add3A_1212 = arith.addf %add3A_1191, %add3A_1210 : vector<16xf32>
        %add3A_1213 = arith.addf %add3A_1211, %add3A_1212 : vector<16xf32>
        %broadcast_in_dim3A_1214 = arith.constant 12 : i32
        %broadcast_in_dim3A_1215 = vector.broadcast %broadcast_in_dim3A_1214 : i32 to vector<16xi32>
        tpu.vector_store_idx %arg15[%iota3A, %broadcast_in_dim3A_1215], %add3A_1213 : memref<16x17xf32, #tpu.memory_space<vmem>>[vector<16xi32>, vector<16xi32>], vector<16xf32>,
        %mul3A_1216 = arith.constant 16 : i32
        %mul3A_1217 = arith.muli %add3A_105, %mul3A_1216 : i32
        %add3A_1218 = arith.constant 13 : i32
        %add3A_1219 = arith.addi %mul3A_1217, %add3A_1218 : i32
        %get3A_1220 = arith.index_cast %add3A_1219 : i32 to index
        %get3A_1221 = arith.constant 0 : index
        %get3A_1222 = tpu.vector_load %arg11[%get3A_1220, %get3A_1221] {strides = array<i32>} : memref<80x64xi32, #tpu.memory_space<vmem>>, vector<16xi32>,
        %bitcast3A_1223 = vector.bitcast %get3A_1222 : vector<16xi32> to vector<32xbf16>
        %get3A_1224 = arith.index_cast %add3A_1219 : i32 to index
        %get3A_1225 = arith.constant 0 : index
        %get3A_1226 = tpu.vector_load %arg13[%get3A_1224, %get3A_1225] {strides = array<i32>} : memref<80x64xi32, #tpu.memory_space<vmem>>, vector<16xi32>,
        %bitcast3A_1227 = vector.bitcast %get3A_1226 : vector<16xi32> to vector<32xbf16>
        %mul3A_1228 = arith.mulf %bitcast3A_1223, %bitcast3A_1227 : vector<32xbf16>
        %bitcast3A_1229 = vector.bitcast %mul3A_1228 : vector<32xbf16> to vector<16xi32>
        %and3A_1230 = arith.constant -65536 : i32
        %and3A_1231 = vector.broadcast %and3A_1230 : i32 to vector<16xi32>
        %and3A_1232 = arith.andi %bitcast3A_1229, %and3A_1231 : vector<16xi32>
        %bitcast3A_1233 = vector.bitcast %and3A_1232 : vector<16xi32> to vector<16xf32>
        %shift_left3A_1234 = arith.constant 16 : i32
        %shift_left3A_1235 = vector.broadcast %shift_left3A_1234 : i32 to vector<16xi32>
        %shift_left3A_1236 = arith.shli %bitcast3A_1229, %shift_left3A_1235 : vector<16xi32>
        %bitcast3A_1237 = vector.bitcast %shift_left3A_1236 : vector<16xi32> to vector<16xf32>
        %add3A_1238 = arith.addf %bitcast3A_1233, %bitcast3A_1237 : vector<16xf32>
        %get3A_1239 = arith.index_cast %add3A_1219 : i32 to index
        %get3A_1240 = arith.constant 16 : index
        %get3A_1241 = tpu.vector_load %arg11[%get3A_1239, %get3A_1240] {strides = array<i32>} : memref<80x64xi32, #tpu.memory_space<vmem>>, vector<16xi32>,
        %bitcast3A_1242 = vector.bitcast %get3A_1241 : vector<16xi32> to vector<32xbf16>
        %get3A_1243 = arith.index_cast %add3A_1219 : i32 to index
        %get3A_1244 = arith.constant 16 : index
        %get3A_1245 = tpu.vector_load %arg13[%get3A_1243, %get3A_1244] {strides = array<i32>} : memref<80x64xi32, #tpu.memory_space<vmem>>, vector<16xi32>,
        %bitcast3A_1246 = vector.bitcast %get3A_1245 : vector<16xi32> to vector<32xbf16>
        %mul3A_1247 = arith.mulf %bitcast3A_1242, %bitcast3A_1246 : vector<32xbf16>
        %bitcast3A_1248 = vector.bitcast %mul3A_1247 : vector<32xbf16> to vector<16xi32>
        %and3A_1249 = arith.constant -65536 : i32
        %and3A_1250 = vector.broadcast %and3A_1249 : i32 to vector<16xi32>
        %and3A_1251 = arith.andi %bitcast3A_1248, %and3A_1250 : vector<16xi32>
        %bitcast3A_1252 = vector.bitcast %and3A_1251 : vector<16xi32> to vector<16xf32>
        %shift_left3A_1253 = arith.constant 16 : i32
        %shift_left3A_1254 = vector.broadcast %shift_left3A_1253 : i32 to vector<16xi32>
        %shift_left3A_1255 = arith.shli %bitcast3A_1248, %shift_left3A_1254 : vector<16xi32>
        %bitcast3A_1256 = vector.bitcast %shift_left3A_1255 : vector<16xi32> to vector<16xf32>
        %add3A_1257 = arith.addf %bitcast3A_1252, %bitcast3A_1256 : vector<16xf32>
        %get3A_1258 = arith.index_cast %add3A_1219 : i32 to index
        %get3A_1259 = arith.constant 32 : index
        %get3A_1260 = tpu.vector_load %arg11[%get3A_1258, %get3A_1259] {strides = array<i32>} : memref<80x64xi32, #tpu.memory_space<vmem>>, vector<16xi32>,
        %bitcast3A_1261 = vector.bitcast %get3A_1260 : vector<16xi32> to vector<32xbf16>
        %get3A_1262 = arith.index_cast %add3A_1219 : i32 to index
        %get3A_1263 = arith.constant 32 : index
        %get3A_1264 = tpu.vector_load %arg13[%get3A_1262, %get3A_1263] {strides = array<i32>} : memref<80x64xi32, #tpu.memory_space<vmem>>, vector<16xi32>,
        %bitcast3A_1265 = vector.bitcast %get3A_1264 : vector<16xi32> to vector<32xbf16>
        %mul3A_1266 = arith.mulf %bitcast3A_1261, %bitcast3A_1265 : vector<32xbf16>
        %bitcast3A_1267 = vector.bitcast %mul3A_1266 : vector<32xbf16> to vector<16xi32>
        %and3A_1268 = arith.constant -65536 : i32
        %and3A_1269 = vector.broadcast %and3A_1268 : i32 to vector<16xi32>
        %and3A_1270 = arith.andi %bitcast3A_1267, %and3A_1269 : vector<16xi32>
        %bitcast3A_1271 = vector.bitcast %and3A_1270 : vector<16xi32> to vector<16xf32>
        %shift_left3A_1272 = arith.constant 16 : i32
        %shift_left3A_1273 = vector.broadcast %shift_left3A_1272 : i32 to vector<16xi32>
        %shift_left3A_1274 = arith.shli %bitcast3A_1267, %shift_left3A_1273 : vector<16xi32>
        %bitcast3A_1275 = vector.bitcast %shift_left3A_1274 : vector<16xi32> to vector<16xf32>
        %add3A_1276 = arith.addf %bitcast3A_1271, %bitcast3A_1275 : vector<16xf32>
        %get3A_1277 = arith.index_cast %add3A_1219 : i32 to index
        %get3A_1278 = arith.constant 48 : index
        %get3A_1279 = tpu.vector_load %arg11[%get3A_1277, %get3A_1278] {strides = array<i32>} : memref<80x64xi32, #tpu.memory_space<vmem>>, vector<16xi32>,
        %bitcast3A_1280 = vector.bitcast %get3A_1279 : vector<16xi32> to vector<32xbf16>
        %get3A_1281 = arith.index_cast %add3A_1219 : i32 to index
        %get3A_1282 = arith.constant 48 : index
        %get3A_1283 = tpu.vector_load %arg13[%get3A_1281, %get3A_1282] {strides = array<i32>} : memref<80x64xi32, #tpu.memory_space<vmem>>, vector<16xi32>,
        %bitcast3A_1284 = vector.bitcast %get3A_1283 : vector<16xi32> to vector<32xbf16>
        %mul3A_1285 = arith.mulf %bitcast3A_1280, %bitcast3A_1284 : vector<32xbf16>
        %bitcast3A_1286 = vector.bitcast %mul3A_1285 : vector<32xbf16> to vector<16xi32>
        %and3A_1287 = arith.constant -65536 : i32
        %and3A_1288 = vector.broadcast %and3A_1287 : i32 to vector<16xi32>
        %and3A_1289 = arith.andi %bitcast3A_1286, %and3A_1288 : vector<16xi32>
        %bitcast3A_1290 = vector.bitcast %and3A_1289 : vector<16xi32> to vector<16xf32>
        %shift_left3A_1291 = arith.constant 16 : i32
        %shift_left3A_1292 = vector.broadcast %shift_left3A_1291 : i32 to vector<16xi32>
        %shift_left3A_1293 = arith.shli %bitcast3A_1286, %shift_left3A_1292 : vector<16xi32>
        %bitcast3A_1294 = vector.bitcast %shift_left3A_1293 : vector<16xi32> to vector<16xf32>
        %add3A_1295 = arith.addf %bitcast3A_1290, %bitcast3A_1294 : vector<16xf32>
        %add3A_1296 = arith.addf %add3A_1238, %add3A_1257 : vector<16xf32>
        %add3A_1297 = arith.addf %add3A_1276, %add3A_1295 : vector<16xf32>
        %add3A_1298 = arith.addf %add3A_1296, %add3A_1297 : vector<16xf32>
        %broadcast_in_dim3A_1299 = arith.constant 13 : i32
        %broadcast_in_dim3A_1300 = vector.broadcast %broadcast_in_dim3A_1299 : i32 to vector<16xi32>
        tpu.vector_store_idx %arg15[%iota3A, %broadcast_in_dim3A_1300], %add3A_1298 : memref<16x17xf32, #tpu.memory_space<vmem>>[vector<16xi32>, vector<16xi32>], vector<16xf32>,
        %mul3A_1301 = arith.constant 16 : i32
        %mul3A_1302 = arith.muli %add3A_105, %mul3A_1301 : i32
        %add3A_1303 = arith.constant 14 : i32
        %add3A_1304 = arith.addi %mul3A_1302, %add3A_1303 : i32
        %get3A_1305 = arith.index_cast %add3A_1304 : i32 to index
        %get3A_1306 = arith.constant 0 : index
        %get3A_1307 = tpu.vector_load %arg11[%get3A_1305, %get3A_1306] {strides = array<i32>} : memref<80x64xi32, #tpu.memory_space<vmem>>, vector<16xi32>,
        %bitcast3A_1308 = vector.bitcast %get3A_1307 : vector<16xi32> to vector<32xbf16>
        %get3A_1309 = arith.index_cast %add3A_1304 : i32 to index
        %get3A_1310 = arith.constant 0 : index
        %get3A_1311 = tpu.vector_load %arg13[%get3A_1309, %get3A_1310] {strides = array<i32>} : memref<80x64xi32, #tpu.memory_space<vmem>>, vector<16xi32>,
        %bitcast3A_1312 = vector.bitcast %get3A_1311 : vector<16xi32> to vector<32xbf16>
        %mul3A_1313 = arith.mulf %bitcast3A_1308, %bitcast3A_1312 : vector<32xbf16>
        %bitcast3A_1314 = vector.bitcast %mul3A_1313 : vector<32xbf16> to vector<16xi32>
        %and3A_1315 = arith.constant -65536 : i32
        %and3A_1316 = vector.broadcast %and3A_1315 : i32 to vector<16xi32>
        %and3A_1317 = arith.andi %bitcast3A_1314, %and3A_1316 : vector<16xi32>
        %bitcast3A_1318 = vector.bitcast %and3A_1317 : vector<16xi32> to vector<16xf32>
        %shift_left3A_1319 = arith.constant 16 : i32
        %shift_left3A_1320 = vector.broadcast %shift_left3A_1319 : i32 to vector<16xi32>
        %shift_left3A_1321 = arith.shli %bitcast3A_1314, %shift_left3A_1320 : vector<16xi32>
        %bitcast3A_1322 = vector.bitcast %shift_left3A_1321 : vector<16xi32> to vector<16xf32>
        %add3A_1323 = arith.addf %bitcast3A_1318, %bitcast3A_1322 : vector<16xf32>
        %get3A_1324 = arith.index_cast %add3A_1304 : i32 to index
        %get3A_1325 = arith.constant 16 : index
        %get3A_1326 = tpu.vector_load %arg11[%get3A_1324, %get3A_1325] {strides = array<i32>} : memref<80x64xi32, #tpu.memory_space<vmem>>, vector<16xi32>,
        %bitcast3A_1327 = vector.bitcast %get3A_1326 : vector<16xi32> to vector<32xbf16>
        %get3A_1328 = arith.index_cast %add3A_1304 : i32 to index
        %get3A_1329 = arith.constant 16 : index
        %get3A_1330 = tpu.vector_load %arg13[%get3A_1328, %get3A_1329] {strides = array<i32>} : memref<80x64xi32, #tpu.memory_space<vmem>>, vector<16xi32>,
        %bitcast3A_1331 = vector.bitcast %get3A_1330 : vector<16xi32> to vector<32xbf16>
        %mul3A_1332 = arith.mulf %bitcast3A_1327, %bitcast3A_1331 : vector<32xbf16>
        %bitcast3A_1333 = vector.bitcast %mul3A_1332 : vector<32xbf16> to vector<16xi32>
        %and3A_1334 = arith.constant -65536 : i32
        %and3A_1335 = vector.broadcast %and3A_1334 : i32 to vector<16xi32>
        %and3A_1336 = arith.andi %bitcast3A_1333, %and3A_1335 : vector<16xi32>
        %bitcast3A_1337 = vector.bitcast %and3A_1336 : vector<16xi32> to vector<16xf32>
        %shift_left3A_1338 = arith.constant 16 : i32
        %shift_left3A_1339 = vector.broadcast %shift_left3A_1338 : i32 to vector<16xi32>
        %shift_left3A_1340 = arith.shli %bitcast3A_1333, %shift_left3A_1339 : vector<16xi32>
        %bitcast3A_1341 = vector.bitcast %shift_left3A_1340 : vector<16xi32> to vector<16xf32>
        %add3A_1342 = arith.addf %bitcast3A_1337, %bitcast3A_1341 : vector<16xf32>
        %get3A_1343 = arith.index_cast %add3A_1304 : i32 to index
        %get3A_1344 = arith.constant 32 : index
        %get3A_1345 = tpu.vector_load %arg11[%get3A_1343, %get3A_1344] {strides = array<i32>} : memref<80x64xi32, #tpu.memory_space<vmem>>, vector<16xi32>,
        %bitcast3A_1346 = vector.bitcast %get3A_1345 : vector<16xi32> to vector<32xbf16>
        %get3A_1347 = arith.index_cast %add3A_1304 : i32 to index
        %get3A_1348 = arith.constant 32 : index
        %get3A_1349 = tpu.vector_load %arg13[%get3A_1347, %get3A_1348] {strides = array<i32>} : memref<80x64xi32, #tpu.memory_space<vmem>>, vector<16xi32>,
        %bitcast3A_1350 = vector.bitcast %get3A_1349 : vector<16xi32> to vector<32xbf16>
        %mul3A_1351 = arith.mulf %bitcast3A_1346, %bitcast3A_1350 : vector<32xbf16>
        %bitcast3A_1352 = vector.bitcast %mul3A_1351 : vector<32xbf16> to vector<16xi32>
        %and3A_1353 = arith.constant -65536 : i32
        %and3A_1354 = vector.broadcast %and3A_1353 : i32 to vector<16xi32>
        %and3A_1355 = arith.andi %bitcast3A_1352, %and3A_1354 : vector<16xi32>
        %bitcast3A_1356 = vector.bitcast %and3A_1355 : vector<16xi32> to vector<16xf32>
        %shift_left3A_1357 = arith.constant 16 : i32
        %shift_left3A_1358 = vector.broadcast %shift_left3A_1357 : i32 to vector<16xi32>
        %shift_left3A_1359 = arith.shli %bitcast3A_1352, %shift_left3A_1358 : vector<16xi32>
        %bitcast3A_1360 = vector.bitcast %shift_left3A_1359 : vector<16xi32> to vector<16xf32>
        %add3A_1361 = arith.addf %bitcast3A_1356, %bitcast3A_1360 : vector<16xf32>
        %get3A_1362 = arith.index_cast %add3A_1304 : i32 to index
        %get3A_1363 = arith.constant 48 : index
        %get3A_1364 = tpu.vector_load %arg11[%get3A_1362, %get3A_1363] {strides = array<i32>} : memref<80x64xi32, #tpu.memory_space<vmem>>, vector<16xi32>,
        %bitcast3A_1365 = vector.bitcast %get3A_1364 : vector<16xi32> to vector<32xbf16>
        %get3A_1366 = arith.index_cast %add3A_1304 : i32 to index
        %get3A_1367 = arith.constant 48 : index
        %get3A_1368 = tpu.vector_load %arg13[%get3A_1366, %get3A_1367] {strides = array<i32>} : memref<80x64xi32, #tpu.memory_space<vmem>>, vector<16xi32>,
        %bitcast3A_1369 = vector.bitcast %get3A_1368 : vector<16xi32> to vector<32xbf16>
        %mul3A_1370 = arith.mulf %bitcast3A_1365, %bitcast3A_1369 : vector<32xbf16>
        %bitcast3A_1371 = vector.bitcast %mul3A_1370 : vector<32xbf16> to vector<16xi32>
        %and3A_1372 = arith.constant -65536 : i32
        %and3A_1373 = vector.broadcast %and3A_1372 : i32 to vector<16xi32>
        %and3A_1374 = arith.andi %bitcast3A_1371, %and3A_1373 : vector<16xi32>
        %bitcast3A_1375 = vector.bitcast %and3A_1374 : vector<16xi32> to vector<16xf32>
        %shift_left3A_1376 = arith.constant 16 : i32
        %shift_left3A_1377 = vector.broadcast %shift_left3A_1376 : i32 to vector<16xi32>
        %shift_left3A_1378 = arith.shli %bitcast3A_1371, %shift_left3A_1377 : vector<16xi32>
        %bitcast3A_1379 = vector.bitcast %shift_left3A_1378 : vector<16xi32> to vector<16xf32>
        %add3A_1380 = arith.addf %bitcast3A_1375, %bitcast3A_1379 : vector<16xf32>
        %add3A_1381 = arith.addf %add3A_1323, %add3A_1342 : vector<16xf32>
        %add3A_1382 = arith.addf %add3A_1361, %add3A_1380 : vector<16xf32>
        %add3A_1383 = arith.addf %add3A_1381, %add3A_1382 : vector<16xf32>
        %broadcast_in_dim3A_1384 = arith.constant 14 : i32
        %broadcast_in_dim3A_1385 = vector.broadcast %broadcast_in_dim3A_1384 : i32 to vector<16xi32>
        tpu.vector_store_idx %arg15[%iota3A, %broadcast_in_dim3A_1385], %add3A_1383 : memref<16x17xf32, #tpu.memory_space<vmem>>[vector<16xi32>, vector<16xi32>], vector<16xf32>,
        %mul3A_1386 = arith.constant 16 : i32
        %mul3A_1387 = arith.muli %add3A_105, %mul3A_1386 : i32
        %add3A_1388 = arith.constant 15 : i32
        %add3A_1389 = arith.addi %mul3A_1387, %add3A_1388 : i32
        %get3A_1390 = arith.index_cast %add3A_1389 : i32 to index
        %get3A_1391 = arith.constant 0 : index
        %get3A_1392 = tpu.vector_load %arg11[%get3A_1390, %get3A_1391] {strides = array<i32>} : memref<80x64xi32, #tpu.memory_space<vmem>>, vector<16xi32>,
        %bitcast3A_1393 = vector.bitcast %get3A_1392 : vector<16xi32> to vector<32xbf16>
        %get3A_1394 = arith.index_cast %add3A_1389 : i32 to index
        %get3A_1395 = arith.constant 0 : index
        %get3A_1396 = tpu.vector_load %arg13[%get3A_1394, %get3A_1395] {strides = array<i32>} : memref<80x64xi32, #tpu.memory_space<vmem>>, vector<16xi32>,
        %bitcast3A_1397 = vector.bitcast %get3A_1396 : vector<16xi32> to vector<32xbf16>
        %mul3A_1398 = arith.mulf %bitcast3A_1393, %bitcast3A_1397 : vector<32xbf16>
        %bitcast3A_1399 = vector.bitcast %mul3A_1398 : vector<32xbf16> to vector<16xi32>
        %and3A_1400 = arith.constant -65536 : i32
        %and3A_1401 = vector.broadcast %and3A_1400 : i32 to vector<16xi32>
        %and3A_1402 = arith.andi %bitcast3A_1399, %and3A_1401 : vector<16xi32>
        %bitcast3A_1403 = vector.bitcast %and3A_1402 : vector<16xi32> to vector<16xf32>
        %shift_left3A_1404 = arith.constant 16 : i32
        %shift_left3A_1405 = vector.broadcast %shift_left3A_1404 : i32 to vector<16xi32>
        %shift_left3A_1406 = arith.shli %bitcast3A_1399, %shift_left3A_1405 : vector<16xi32>
        %bitcast3A_1407 = vector.bitcast %shift_left3A_1406 : vector<16xi32> to vector<16xf32>
        %add3A_1408 = arith.addf %bitcast3A_1403, %bitcast3A_1407 : vector<16xf32>
        %get3A_1409 = arith.index_cast %add3A_1389 : i32 to index
        %get3A_1410 = arith.constant 16 : index
        %get3A_1411 = tpu.vector_load %arg11[%get3A_1409, %get3A_1410] {strides = array<i32>} : memref<80x64xi32, #tpu.memory_space<vmem>>, vector<16xi32>,
        %bitcast3A_1412 = vector.bitcast %get3A_1411 : vector<16xi32> to vector<32xbf16>
        %get3A_1413 = arith.index_cast %add3A_1389 : i32 to index
        %get3A_1414 = arith.constant 16 : index
        %get3A_1415 = tpu.vector_load %arg13[%get3A_1413, %get3A_1414] {strides = array<i32>} : memref<80x64xi32, #tpu.memory_space<vmem>>, vector<16xi32>,
        %bitcast3A_1416 = vector.bitcast %get3A_1415 : vector<16xi32> to vector<32xbf16>
        %mul3A_1417 = arith.mulf %bitcast3A_1412, %bitcast3A_1416 : vector<32xbf16>
        %bitcast3A_1418 = vector.bitcast %mul3A_1417 : vector<32xbf16> to vector<16xi32>
        %and3A_1419 = arith.constant -65536 : i32
        %and3A_1420 = vector.broadcast %and3A_1419 : i32 to vector<16xi32>
        %and3A_1421 = arith.andi %bitcast3A_1418, %and3A_1420 : vector<16xi32>
        %bitcast3A_1422 = vector.bitcast %and3A_1421 : vector<16xi32> to vector<16xf32>
        %shift_left3A_1423 = arith.constant 16 : i32
        %shift_left3A_1424 = vector.broadcast %shift_left3A_1423 : i32 to vector<16xi32>
        %shift_left3A_1425 = arith.shli %bitcast3A_1418, %shift_left3A_1424 : vector<16xi32>
        %bitcast3A_1426 = vector.bitcast %shift_left3A_1425 : vector<16xi32> to vector<16xf32>
        %add3A_1427 = arith.addf %bitcast3A_1422, %bitcast3A_1426 : vector<16xf32>
        %get3A_1428 = arith.index_cast %add3A_1389 : i32 to index
        %get3A_1429 = arith.constant 32 : index
        %get3A_1430 = tpu.vector_load %arg11[%get3A_1428, %get3A_1429] {strides = array<i32>} : memref<80x64xi32, #tpu.memory_space<vmem>>, vector<16xi32>,
        %bitcast3A_1431 = vector.bitcast %get3A_1430 : vector<16xi32> to vector<32xbf16>
        %get3A_1432 = arith.index_cast %add3A_1389 : i32 to index
        %get3A_1433 = arith.constant 32 : index
        %get3A_1434 = tpu.vector_load %arg13[%get3A_1432, %get3A_1433] {strides = array<i32>} : memref<80x64xi32, #tpu.memory_space<vmem>>, vector<16xi32>,
        %bitcast3A_1435 = vector.bitcast %get3A_1434 : vector<16xi32> to vector<32xbf16>
        %mul3A_1436 = arith.mulf %bitcast3A_1431, %bitcast3A_1435 : vector<32xbf16>
        %bitcast3A_1437 = vector.bitcast %mul3A_1436 : vector<32xbf16> to vector<16xi32>
        %and3A_1438 = arith.constant -65536 : i32
        %and3A_1439 = vector.broadcast %and3A_1438 : i32 to vector<16xi32>
        %and3A_1440 = arith.andi %bitcast3A_1437, %and3A_1439 : vector<16xi32>
        %bitcast3A_1441 = vector.bitcast %and3A_1440 : vector<16xi32> to vector<16xf32>
        %shift_left3A_1442 = arith.constant 16 : i32
        %shift_left3A_1443 = vector.broadcast %shift_left3A_1442 : i32 to vector<16xi32>
        %shift_left3A_1444 = arith.shli %bitcast3A_1437, %shift_left3A_1443 : vector<16xi32>
        %bitcast3A_1445 = vector.bitcast %shift_left3A_1444 : vector<16xi32> to vector<16xf32>
        %add3A_1446 = arith.addf %bitcast3A_1441, %bitcast3A_1445 : vector<16xf32>
        %get3A_1447 = arith.index_cast %add3A_1389 : i32 to index
        %get3A_1448 = arith.constant 48 : index
        %get3A_1449 = tpu.vector_load %arg11[%get3A_1447, %get3A_1448] {strides = array<i32>} : memref<80x64xi32, #tpu.memory_space<vmem>>, vector<16xi32>,
        %bitcast3A_1450 = vector.bitcast %get3A_1449 : vector<16xi32> to vector<32xbf16>
        %get3A_1451 = arith.index_cast %add3A_1389 : i32 to index
        %get3A_1452 = arith.constant 48 : index
        %get3A_1453 = tpu.vector_load %arg13[%get3A_1451, %get3A_1452] {strides = array<i32>} : memref<80x64xi32, #tpu.memory_space<vmem>>, vector<16xi32>,
        %bitcast3A_1454 = vector.bitcast %get3A_1453 : vector<16xi32> to vector<32xbf16>
        %mul3A_1455 = arith.mulf %bitcast3A_1450, %bitcast3A_1454 : vector<32xbf16>
        %bitcast3A_1456 = vector.bitcast %mul3A_1455 : vector<32xbf16> to vector<16xi32>
        %and3A_1457 = arith.constant -65536 : i32
        %and3A_1458 = vector.broadcast %and3A_1457 : i32 to vector<16xi32>
        %and3A_1459 = arith.andi %bitcast3A_1456, %and3A_1458 : vector<16xi32>
        %bitcast3A_1460 = vector.bitcast %and3A_1459 : vector<16xi32> to vector<16xf32>
        %shift_left3A_1461 = arith.constant 16 : i32
        %shift_left3A_1462 = vector.broadcast %shift_left3A_1461 : i32 to vector<16xi32>
        %shift_left3A_1463 = arith.shli %bitcast3A_1456, %shift_left3A_1462 : vector<16xi32>
        %bitcast3A_1464 = vector.bitcast %shift_left3A_1463 : vector<16xi32> to vector<16xf32>
        %add3A_1465 = arith.addf %bitcast3A_1460, %bitcast3A_1464 : vector<16xf32>
        %add3A_1466 = arith.addf %add3A_1408, %add3A_1427 : vector<16xf32>
        %add3A_1467 = arith.addf %add3A_1446, %add3A_1465 : vector<16xf32>
        %add3A_1468 = arith.addf %add3A_1466, %add3A_1467 : vector<16xf32>
        %broadcast_in_dim3A_1469 = arith.constant 15 : i32
        %broadcast_in_dim3A_1470 = vector.broadcast %broadcast_in_dim3A_1469 : i32 to vector<16xi32>
        tpu.vector_store_idx %arg15[%iota3A, %broadcast_in_dim3A_1470], %add3A_1468 : memref<16x17xf32, #tpu.memory_space<vmem>>[vector<16xi32>, vector<16xi32>], vector<16xf32>,
        %get3A_1471 = arith.constant 0 : i32
        %get3A_1472 = arith.index_cast %get3A_1471 : i32 to index
        %get3A_1473 = arith.constant 0 : index
        %get3A_1474 = tpu.vector_load %arg15[%get3A_1472, %get3A_1473] {strides = array<i32>} : memref<16x17xf32, #tpu.memory_space<vmem>>, vector<16xf32>,
        %get3A_1475 = arith.constant 1 : i32
        %get3A_1476 = arith.index_cast %get3A_1475 : i32 to index
        %get3A_1477 = arith.constant 0 : index
        %get3A_1478 = tpu.vector_load %arg15[%get3A_1476, %get3A_1477] {strides = array<i32>} : memref<16x17xf32, #tpu.memory_space<vmem>>, vector<16xf32>,
        %get3A_1479 = arith.constant 2 : i32
        %get3A_1480 = arith.index_cast %get3A_1479 : i32 to index
        %get3A_1481 = arith.constant 0 : index
        %get3A_1482 = tpu.vector_load %arg15[%get3A_1480, %get3A_1481] {strides = array<i32>} : memref<16x17xf32, #tpu.memory_space<vmem>>, vector<16xf32>,
        %get3A_1483 = arith.constant 3 : i32
        %get3A_1484 = arith.index_cast %get3A_1483 : i32 to index
        %get3A_1485 = arith.constant 0 : index
        %get3A_1486 = tpu.vector_load %arg15[%get3A_1484, %get3A_1485] {strides = array<i32>} : memref<16x17xf32, #tpu.memory_space<vmem>>, vector<16xf32>,
        %get3A_1487 = arith.constant 4 : i32
        %get3A_1488 = arith.index_cast %get3A_1487 : i32 to index
        %get3A_1489 = arith.constant 0 : index
        %get3A_1490 = tpu.vector_load %arg15[%get3A_1488, %get3A_1489] {strides = array<i32>} : memref<16x17xf32, #tpu.memory_space<vmem>>, vector<16xf32>,
        %get3A_1491 = arith.constant 5 : i32
        %get3A_1492 = arith.index_cast %get3A_1491 : i32 to index
        %get3A_1493 = arith.constant 0 : index
        %get3A_1494 = tpu.vector_load %arg15[%get3A_1492, %get3A_1493] {strides = array<i32>} : memref<16x17xf32, #tpu.memory_space<vmem>>, vector<16xf32>,
        %get3A_1495 = arith.constant 6 : i32
        %get3A_1496 = arith.index_cast %get3A_1495 : i32 to index
        %get3A_1497 = arith.constant 0 : index
        %get3A_1498 = tpu.vector_load %arg15[%get3A_1496, %get3A_1497] {strides = array<i32>} : memref<16x17xf32, #tpu.memory_space<vmem>>, vector<16xf32>,
        %get3A_1499 = arith.constant 7 : i32
        %get3A_1500 = arith.index_cast %get3A_1499 : i32 to index
        %get3A_1501 = arith.constant 0 : index
        %get3A_1502 = tpu.vector_load %arg15[%get3A_1500, %get3A_1501] {strides = array<i32>} : memref<16x17xf32, #tpu.memory_space<vmem>>, vector<16xf32>,
        %get3A_1503 = arith.constant 8 : i32
        %get3A_1504 = arith.index_cast %get3A_1503 : i32 to index
        %get3A_1505 = arith.constant 0 : index
        %get3A_1506 = tpu.vector_load %arg15[%get3A_1504, %get3A_1505] {strides = array<i32>} : memref<16x17xf32, #tpu.memory_space<vmem>>, vector<16xf32>,
        %get3A_1507 = arith.constant 9 : i32
        %get3A_1508 = arith.index_cast %get3A_1507 : i32 to index
        %get3A_1509 = arith.constant 0 : index
        %get3A_1510 = tpu.vector_load %arg15[%get3A_1508, %get3A_1509] {strides = array<i32>} : memref<16x17xf32, #tpu.memory_space<vmem>>, vector<16xf32>,
        %get3A_1511 = arith.constant 10 : i32
        %get3A_1512 = arith.index_cast %get3A_1511 : i32 to index
        %get3A_1513 = arith.constant 0 : index
        %get3A_1514 = tpu.vector_load %arg15[%get3A_1512, %get3A_1513] {strides = array<i32>} : memref<16x17xf32, #tpu.memory_space<vmem>>, vector<16xf32>,
        %get3A_1515 = arith.constant 11 : i32
        %get3A_1516 = arith.index_cast %get3A_1515 : i32 to index
        %get3A_1517 = arith.constant 0 : index
        %get3A_1518 = tpu.vector_load %arg15[%get3A_1516, %get3A_1517] {strides = array<i32>} : memref<16x17xf32, #tpu.memory_space<vmem>>, vector<16xf32>,
        %get3A_1519 = arith.constant 12 : i32
        %get3A_1520 = arith.index_cast %get3A_1519 : i32 to index
        %get3A_1521 = arith.constant 0 : index
        %get3A_1522 = tpu.vector_load %arg15[%get3A_1520, %get3A_1521] {strides = array<i32>} : memref<16x17xf32, #tpu.memory_space<vmem>>, vector<16xf32>,
        %get3A_1523 = arith.constant 13 : i32
        %get3A_1524 = arith.index_cast %get3A_1523 : i32 to index
        %get3A_1525 = arith.constant 0 : index
        %get3A_1526 = tpu.vector_load %arg15[%get3A_1524, %get3A_1525] {strides = array<i32>} : memref<16x17xf32, #tpu.memory_space<vmem>>, vector<16xf32>,
        %get3A_1527 = arith.constant 14 : i32
        %get3A_1528 = arith.index_cast %get3A_1527 : i32 to index
        %get3A_1529 = arith.constant 0 : index
        %get3A_1530 = tpu.vector_load %arg15[%get3A_1528, %get3A_1529] {strides = array<i32>} : memref<16x17xf32, #tpu.memory_space<vmem>>, vector<16xf32>,
        %get3A_1531 = arith.constant 15 : i32
        %get3A_1532 = arith.index_cast %get3A_1531 : i32 to index
        %get3A_1533 = arith.constant 0 : index
        %get3A_1534 = tpu.vector_load %arg15[%get3A_1532, %get3A_1533] {strides = array<i32>} : memref<16x17xf32, #tpu.memory_space<vmem>>, vector<16xf32>,
        %add3A_1535 = arith.addf %get3A_1474, %get3A_1478 : vector<16xf32>
        %add3A_1536 = arith.addf %get3A_1482, %get3A_1486 : vector<16xf32>
        %add3A_1537 = arith.addf %get3A_1490, %get3A_1494 : vector<16xf32>
        %add3A_1538 = arith.addf %get3A_1498, %get3A_1502 : vector<16xf32>
        %add3A_1539 = arith.addf %get3A_1506, %get3A_1510 : vector<16xf32>
        %add3A_1540 = arith.addf %get3A_1514, %get3A_1518 : vector<16xf32>
        %add3A_1541 = arith.addf %get3A_1522, %get3A_1526 : vector<16xf32>
        %add3A_1542 = arith.addf %get3A_1530, %get3A_1534 : vector<16xf32>
        %add3A_1543 = arith.addf %add3A_1535, %add3A_1536 : vector<16xf32>
        %add3A_1544 = arith.addf %add3A_1537, %add3A_1538 : vector<16xf32>
        %add3A_1545 = arith.addf %add3A_1539, %add3A_1540 : vector<16xf32>
        %add3A_1546 = arith.addf %add3A_1541, %add3A_1542 : vector<16xf32>
        %add3A_1547 = arith.addf %add3A_1543, %add3A_1544 : vector<16xf32>
        %add3A_1548 = arith.addf %add3A_1545, %add3A_1546 : vector<16xf32>
        %add3A_1549 = arith.addf %add3A_1547, %add3A_1548 : vector<16xf32>
        %mul3A_1550 = arith.constant 2.000000e+00 : f32
        %mul3A_1551 = vector.broadcast %mul3A_1550 : f32 to vector<16xf32>
        %mul3A_1552 = arith.mulf %mul3A_1551, %add3A_1549 : vector<16xf32>
        %sub3A = arith.constant 1.000000e+00 : f32
        %sub3A_1553 = vector.broadcast %sub3A : f32 to vector<16xf32>
        %sub3A_1554 = arith.subf %sub3A_1553, %mul3A_1552 : vector<16xf32>
        %add3A_1555 = arith.addf %sub3A_1554, %gather3A_114 : vector<16xf32>
        %sub3A_1556 = arith.constant 1.000000e+00 : f32
        %sub3A_1557 = vector.broadcast %sub3A_1556 : f32 to vector<16xf32>
        %sub3A_1558 = arith.subf %sub3A_1557, %gather3A : vector<16xf32>
        %mul3A_1559 = arith.constant 2.000000e+00 : f32
        %mul3A_1560 = vector.broadcast %mul3A_1559 : f32 to vector<16xf32>
        %mul3A_1561 = arith.mulf %mul3A_1560, %add3A_1549 : vector<16xf32>
        %sub3A_1562 = arith.constant 1.000000e+00 : f32
        %sub3A_1563 = vector.broadcast %sub3A_1562 : f32 to vector<16xf32>
        %sub3A_1564 = arith.subf %sub3A_1563, %mul3A_1561 : vector<16xf32>
        %mul3A_1565 = arith.mulf %gather3A, %gather3A_114 : vector<16xf32>
        %add3A_1566 = arith.addf %sub3A_1564, %mul3A_1565 : vector<16xf32>
        %max3A = arith.constant 1.000000e-15 : f32
        %max3A_1567 = vector.broadcast %max3A : f32 to vector<16xf32>
        %max3A_1568 = arith.maximumf %add3A_1566, %max3A_1567 : vector<16xf32>
        %mul3A_1569 = arith.mulf %add3A_1555, %add3A_1555 : vector<16xf32>
        %mul3A_1570 = arith.mulf %mul3A_1569, %gather3A : vector<16xf32>
        %mul3A_1571 = arith.constant 2.000000e+00 : f32
        %mul3A_1572 = vector.broadcast %mul3A_1571 : f32 to vector<16xf32>
        %mul3A_1573 = arith.mulf %mul3A_1572, %add3A_1555 : vector<16xf32>
        %mul3A_1574 = arith.mulf %mul3A_1573, %sub3A_1558 : vector<16xf32>
        %mul3A_1575 = arith.mulf %mul3A_1574, %add3A_1549 : vector<16xf32>
        %sub3A_1576 = arith.subf %mul3A_1570, %mul3A_1575 : vector<16xf32>
        %mul3A_1577 = arith.mulf %sub3A_1558, %sub3A_1558 : vector<16xf32>
        %mul3A_1578 = arith.mulf %mul3A_1577, %gather3A_114 : vector<16xf32>
        %add3A_1579 = arith.addf %sub3A_1576, %mul3A_1578 : vector<16xf32>
        %max3A_1580 = arith.constant 0.000000e+00 : f32
        %max3A_1581 = vector.broadcast %max3A_1580 : f32 to vector<16xf32>
        %max3A_1582 = arith.maximumf %add3A_1579, %max3A_1581 : vector<16xf32>
        %mul3A_1583 = arith.mulf %max3A_1568, %max3A_1568 : vector<16xf32>
        %div3A = arith.divf %max3A_1582, %mul3A_1583 : vector<16xf32>
        %swap3A = arith.index_cast %add3A_110 : i32 to index
        %swap3A_1584 = tpu.vector_load %arg10[%swap3A] {strides = array<i32>} : memref<10000xf32, #tpu.memory_space<vmem>>, vector<16xf32>,
        tpu.vector_store %arg10[%swap3A], %div3A {strides = array<i32>} : memref<10000xf32, #tpu.memory_space<vmem>>, vector<16xf32>,
      }
      %scan3A_65 = arith.constant 5 : i32
      %add3A_66 = arith.constant 2 : i32
      %add3A_67 = arith.addi %add3A_34, %add3A_66 : i32
      %mul3A_68 = arith.constant 80 : i32
      %mul3A_69 = arith.muli %add3A_67, %mul3A_68 : i32
      %dma_start3A_70 = tpu.memref_slice %arg8[%mul3A_69] : memref<10000xi32, #tpu.memory_space<vmem>> -> memref<80xi32, #tpu.memory_space<vmem>>
      %dma_start3A_71 = arith.constant 0 : i32
      %dma_start3A_72 = arith.constant 0 : i32
      %dma_start3A_73 = tpu.memref_slice %arg2[%dma_start3A_71, %dma_start3A_72] : memref<10000x64xi32, #tpu.memory_space<hbm>> -> memref<10000x64xi32, #tpu.memory_space<hbm>>
      tpu.enqueue_indirect_dma source(%dma_start3A_73 : memref<10000x64xi32, #tpu.memory_space<hbm>>) target(%arg11 : memref<80x64xi32, #tpu.memory_space<vmem>>) offsets(%dma_start3A_70 : memref<80xi32, #tpu.memory_space<vmem>>) semaphore(%arg16 : memref<!tpu.dma_semaphore, #tpu.memory_space<semaphore_mem>>)
      %mul3A_74 = arith.constant 80 : i32
      %mul3A_75 = arith.muli %add3A_67, %mul3A_74 : i32
      %dma_start3A_76 = tpu.memref_slice %arg9[%mul3A_75] : memref<10000xi32, #tpu.memory_space<vmem>> -> memref<80xi32, #tpu.memory_space<vmem>>
      %dma_start3A_77 = arith.constant 0 : i32
      %dma_start3A_78 = arith.constant 0 : i32
      %dma_start3A_79 = tpu.memref_slice %arg2[%dma_start3A_77, %dma_start3A_78] : memref<10000x64xi32, #tpu.memory_space<hbm>> -> memref<10000x64xi32, #tpu.memory_space<hbm>>
      tpu.enqueue_indirect_dma source(%dma_start3A_79 : memref<10000x64xi32, #tpu.memory_space<hbm>>) target(%arg13 : memref<80x64xi32, #tpu.memory_space<vmem>>) offsets(%dma_start3A_76 : memref<80xi32, #tpu.memory_space<vmem>>) semaphore(%arg18 : memref<!tpu.dma_semaphore, #tpu.memory_space<semaphore_mem>>)
      %add3A_80 = arith.constant 1 : i32
      %add3A_81 = arith.addi %add3A_34, %add3A_80 : i32
      %mul3A_82 = arith.constant 80 : i32
      %mul3A_83 = arith.muli %add3A_81, %mul3A_82 : i32
      %dma_wait3A_84 = tpu.memref_slice %arg8[%mul3A_83] : memref<10000xi32, #tpu.memory_space<vmem>> -> memref<80xi32, #tpu.memory_space<vmem>>
      %dma_wait3A_85 = arith.constant 0 : i32
      %dma_wait3A_86 = arith.constant 0 : i32
      %dma_wait3A_87 = tpu.memref_slice %arg2[%dma_wait3A_85, %dma_wait3A_86] : memref<10000x64xi32, #tpu.memory_space<hbm>> -> memref<10000x64xi32, #tpu.memory_space<hbm>>
      tpu.wait_indirect_dma semaphore(%arg17 : memref<!tpu.dma_semaphore, #tpu.memory_space<semaphore_mem>>) src(%dma_wait3A_87 : memref<10000x64xi32, #tpu.memory_space<hbm>>) dst(%arg12 : memref<80x64xi32, #tpu.memory_space<vmem>>)
      %mul3A_88 = arith.constant 80 : i32
      %mul3A_89 = arith.muli %add3A_81, %mul3A_88 : i32
      %dma_wait3A_90 = tpu.memref_slice %arg9[%mul3A_89] : memref<10000xi32, #tpu.memory_space<vmem>> -> memref<80xi32, #tpu.memory_space<vmem>>
      %dma_wait3A_91 = arith.constant 0 : i32
      %dma_wait3A_92 = arith.constant 0 : i32
      %dma_wait3A_93 = tpu.memref_slice %arg2[%dma_wait3A_91, %dma_wait3A_92] : memref<10000x64xi32, #tpu.memory_space<hbm>> -> memref<10000x64xi32, #tpu.memory_space<hbm>>
      tpu.wait_indirect_dma semaphore(%arg19 : memref<!tpu.dma_semaphore, #tpu.memory_space<semaphore_mem>>) src(%dma_wait3A_93 : memref<10000x64xi32, #tpu.memory_space<hbm>>) dst(%arg14 : memref<80x64xi32, #tpu.memory_space<vmem>>)
      %add3A_94 = arith.constant 1 : i32
      %add3A_95 = arith.addi %add3A_34, %add3A_94 : i32
      %scan3A_96 = arith.constant 0 : i32
      %scan3A_97 = arith.constant 5 : i32
      %scan3A_98 = arith.addi %scan3A_96, %scan3A_97 : i32
      %scan3A_99 = arith.constant 1 : i32
      scf.for %scan3A_101 = %scan3A_96 to %scan3A_98 step %scan3A_99  : i32 {
        %mul3A_102 = arith.constant 1 : i32
        %mul3A_103 = arith.muli %scan3A_101, %mul3A_102 : i32
        %add3A_104 = arith.constant 0 : i32
        %add3A_105 = arith.addi %add3A_104, %mul3A_103 : i32
        %mul3A_106 = arith.constant 80 : i32
        %mul3A_107 = arith.muli %add3A_95, %mul3A_106 : i32
        %mul3A_108 = arith.constant 16 : i32
        %mul3A_109 = arith.muli %add3A_105, %mul3A_108 : i32
        %add3A_110 = arith.addi %mul3A_107, %mul3A_109 : i32
        %get3A = arith.index_cast %add3A_110 : i32 to index
        %get3A_111 = tpu.vector_load %arg8[%get3A] {strides = array<i32>} : memref<10000xi32, #tpu.memory_space<vmem>>, vector<16xi32>,
        %get3A_112 = arith.index_cast %add3A_110 : i32 to index
        %get3A_113 = tpu.vector_load %arg9[%get3A_112] {strides = array<i32>} : memref<10000xi32, #tpu.memory_space<vmem>>, vector<16xi32>,
        %gather3A = tpu.vector_load_idx %arg7[%get3A_111] : memref<10000xf32, #tpu.memory_space<vmem>>[vector<16xi32>], vector<16xf32>,
        %gather3A_114 = tpu.vector_load_idx %arg7[%get3A_113] : memref<10000xf32, #tpu.memory_space<vmem>>[vector<16xi32>], vector<16xf32>,
        %mul3A_115 = arith.constant 16 : i32
        %mul3A_116 = arith.muli %add3A_105, %mul3A_115 : i32
        %add3A_117 = arith.constant 0 : i32
        %add3A_118 = arith.addi %mul3A_116, %add3A_117 : i32
        %get3A_119 = arith.index_cast %add3A_118 : i32 to index
        %get3A_120 = arith.constant 0 : index
        %get3A_121 = tpu.vector_load %arg12[%get3A_119, %get3A_120] {strides = array<i32>} : memref<80x64xi32, #tpu.memory_space<vmem>>, vector<16xi32>,
        %bitcast3A = vector.bitcast %get3A_121 : vector<16xi32> to vector<32xbf16>
        %get3A_122 = arith.index_cast %add3A_118 : i32 to index
        %get3A_123 = arith.constant 0 : index
        %get3A_124 = tpu.vector_load %arg14[%get3A_122, %get3A_123] {strides = array<i32>} : memref<80x64xi32, #tpu.memory_space<vmem>>, vector<16xi32>,
        %bitcast3A_125 = vector.bitcast %get3A_124 : vector<16xi32> to vector<32xbf16>
        %mul3A_126 = arith.mulf %bitcast3A, %bitcast3A_125 : vector<32xbf16>
        %bitcast3A_127 = vector.bitcast %mul3A_126 : vector<32xbf16> to vector<16xi32>
        %and3A = arith.constant -65536 : i32
        %and3A_128 = vector.broadcast %and3A : i32 to vector<16xi32>
        %and3A_129 = arith.andi %bitcast3A_127, %and3A_128 : vector<16xi32>
        %bitcast3A_130 = vector.bitcast %and3A_129 : vector<16xi32> to vector<16xf32>
        %shift_left3A = arith.constant 16 : i32
        %shift_left3A_131 = vector.broadcast %shift_left3A : i32 to vector<16xi32>
        %shift_left3A_132 = arith.shli %bitcast3A_127, %shift_left3A_131 : vector<16xi32>
        %bitcast3A_133 = vector.bitcast %shift_left3A_132 : vector<16xi32> to vector<16xf32>
        %add3A_134 = arith.addf %bitcast3A_130, %bitcast3A_133 : vector<16xf32>
        %get3A_135 = arith.index_cast %add3A_118 : i32 to index
        %get3A_136 = arith.constant 16 : index
        %get3A_137 = tpu.vector_load %arg12[%get3A_135, %get3A_136] {strides = array<i32>} : memref<80x64xi32, #tpu.memory_space<vmem>>, vector<16xi32>,
        %bitcast3A_138 = vector.bitcast %get3A_137 : vector<16xi32> to vector<32xbf16>
        %get3A_139 = arith.index_cast %add3A_118 : i32 to index
        %get3A_140 = arith.constant 16 : index
        %get3A_141 = tpu.vector_load %arg14[%get3A_139, %get3A_140] {strides = array<i32>} : memref<80x64xi32, #tpu.memory_space<vmem>>, vector<16xi32>,
        %bitcast3A_142 = vector.bitcast %get3A_141 : vector<16xi32> to vector<32xbf16>
        %mul3A_143 = arith.mulf %bitcast3A_138, %bitcast3A_142 : vector<32xbf16>
        %bitcast3A_144 = vector.bitcast %mul3A_143 : vector<32xbf16> to vector<16xi32>
        %and3A_145 = arith.constant -65536 : i32
        %and3A_146 = vector.broadcast %and3A_145 : i32 to vector<16xi32>
        %and3A_147 = arith.andi %bitcast3A_144, %and3A_146 : vector<16xi32>
        %bitcast3A_148 = vector.bitcast %and3A_147 : vector<16xi32> to vector<16xf32>
        %shift_left3A_149 = arith.constant 16 : i32
        %shift_left3A_150 = vector.broadcast %shift_left3A_149 : i32 to vector<16xi32>
        %shift_left3A_151 = arith.shli %bitcast3A_144, %shift_left3A_150 : vector<16xi32>
        %bitcast3A_152 = vector.bitcast %shift_left3A_151 : vector<16xi32> to vector<16xf32>
        %add3A_153 = arith.addf %bitcast3A_148, %bitcast3A_152 : vector<16xf32>
        %get3A_154 = arith.index_cast %add3A_118 : i32 to index
        %get3A_155 = arith.constant 32 : index
        %get3A_156 = tpu.vector_load %arg12[%get3A_154, %get3A_155] {strides = array<i32>} : memref<80x64xi32, #tpu.memory_space<vmem>>, vector<16xi32>,
        %bitcast3A_157 = vector.bitcast %get3A_156 : vector<16xi32> to vector<32xbf16>
        %get3A_158 = arith.index_cast %add3A_118 : i32 to index
        %get3A_159 = arith.constant 32 : index
        %get3A_160 = tpu.vector_load %arg14[%get3A_158, %get3A_159] {strides = array<i32>} : memref<80x64xi32, #tpu.memory_space<vmem>>, vector<16xi32>,
        %bitcast3A_161 = vector.bitcast %get3A_160 : vector<16xi32> to vector<32xbf16>
        %mul3A_162 = arith.mulf %bitcast3A_157, %bitcast3A_161 : vector<32xbf16>
        %bitcast3A_163 = vector.bitcast %mul3A_162 : vector<32xbf16> to vector<16xi32>
        %and3A_164 = arith.constant -65536 : i32
        %and3A_165 = vector.broadcast %and3A_164 : i32 to vector<16xi32>
        %and3A_166 = arith.andi %bitcast3A_163, %and3A_165 : vector<16xi32>
        %bitcast3A_167 = vector.bitcast %and3A_166 : vector<16xi32> to vector<16xf32>
        %shift_left3A_168 = arith.constant 16 : i32
        %shift_left3A_169 = vector.broadcast %shift_left3A_168 : i32 to vector<16xi32>
        %shift_left3A_170 = arith.shli %bitcast3A_163, %shift_left3A_169 : vector<16xi32>
        %bitcast3A_171 = vector.bitcast %shift_left3A_170 : vector<16xi32> to vector<16xf32>
        %add3A_172 = arith.addf %bitcast3A_167, %bitcast3A_171 : vector<16xf32>
        %get3A_173 = arith.index_cast %add3A_118 : i32 to index
        %get3A_174 = arith.constant 48 : index
        %get3A_175 = tpu.vector_load %arg12[%get3A_173, %get3A_174] {strides = array<i32>} : memref<80x64xi32, #tpu.memory_space<vmem>>, vector<16xi32>,
        %bitcast3A_176 = vector.bitcast %get3A_175 : vector<16xi32> to vector<32xbf16>
        %get3A_177 = arith.index_cast %add3A_118 : i32 to index
        %get3A_178 = arith.constant 48 : index
        %get3A_179 = tpu.vector_load %arg14[%get3A_177, %get3A_178] {strides = array<i32>} : memref<80x64xi32, #tpu.memory_space<vmem>>, vector<16xi32>,
        %bitcast3A_180 = vector.bitcast %get3A_179 : vector<16xi32> to vector<32xbf16>
        %mul3A_181 = arith.mulf %bitcast3A_176, %bitcast3A_180 : vector<32xbf16>
        %bitcast3A_182 = vector.bitcast %mul3A_181 : vector<32xbf16> to vector<16xi32>
        %and3A_183 = arith.constant -65536 : i32
        %and3A_184 = vector.broadcast %and3A_183 : i32 to vector<16xi32>
        %and3A_185 = arith.andi %bitcast3A_182, %and3A_184 : vector<16xi32>
        %bitcast3A_186 = vector.bitcast %and3A_185 : vector<16xi32> to vector<16xf32>
        %shift_left3A_187 = arith.constant 16 : i32
        %shift_left3A_188 = vector.broadcast %shift_left3A_187 : i32 to vector<16xi32>
        %shift_left3A_189 = arith.shli %bitcast3A_182, %shift_left3A_188 : vector<16xi32>
        %bitcast3A_190 = vector.bitcast %shift_left3A_189 : vector<16xi32> to vector<16xf32>
        %add3A_191 = arith.addf %bitcast3A_186, %bitcast3A_190 : vector<16xf32>
        %add3A_192 = arith.addf %add3A_134, %add3A_153 : vector<16xf32>
        %add3A_193 = arith.addf %add3A_172, %add3A_191 : vector<16xf32>
        %add3A_194 = arith.addf %add3A_192, %add3A_193 : vector<16xf32>
        %broadcast_in_dim3A = arith.constant 0 : i32
        %broadcast_in_dim3A_195 = vector.broadcast %broadcast_in_dim3A : i32 to vector<16xi32>
        tpu.vector_store_idx %arg15[%iota3A, %broadcast_in_dim3A_195], %add3A_194 : memref<16x17xf32, #tpu.memory_space<vmem>>[vector<16xi32>, vector<16xi32>], vector<16xf32>,
        %mul3A_196 = arith.constant 16 : i32
        %mul3A_197 = arith.muli %add3A_105, %mul3A_196 : i32
        %add3A_198 = arith.constant 1 : i32
        %add3A_199 = arith.addi %mul3A_197, %add3A_198 : i32
        %get3A_200 = arith.index_cast %add3A_199 : i32 to index
        %get3A_201 = arith.constant 0 : index
        %get3A_202 = tpu.vector_load %arg12[%get3A_200, %get3A_201] {strides = array<i32>} : memref<80x64xi32, #tpu.memory_space<vmem>>, vector<16xi32>,
        %bitcast3A_203 = vector.bitcast %get3A_202 : vector<16xi32> to vector<32xbf16>
        %get3A_204 = arith.index_cast %add3A_199 : i32 to index
        %get3A_205 = arith.constant 0 : index
        %get3A_206 = tpu.vector_load %arg14[%get3A_204, %get3A_205] {strides = array<i32>} : memref<80x64xi32, #tpu.memory_space<vmem>>, vector<16xi32>,
        %bitcast3A_207 = vector.bitcast %get3A_206 : vector<16xi32> to vector<32xbf16>
        %mul3A_208 = arith.mulf %bitcast3A_203, %bitcast3A_207 : vector<32xbf16>
        %bitcast3A_209 = vector.bitcast %mul3A_208 : vector<32xbf16> to vector<16xi32>
        %and3A_210 = arith.constant -65536 : i32
        %and3A_211 = vector.broadcast %and3A_210 : i32 to vector<16xi32>
        %and3A_212 = arith.andi %bitcast3A_209, %and3A_211 : vector<16xi32>
        %bitcast3A_213 = vector.bitcast %and3A_212 : vector<16xi32> to vector<16xf32>
        %shift_left3A_214 = arith.constant 16 : i32
        %shift_left3A_215 = vector.broadcast %shift_left3A_214 : i32 to vector<16xi32>
        %shift_left3A_216 = arith.shli %bitcast3A_209, %shift_left3A_215 : vector<16xi32>
        %bitcast3A_217 = vector.bitcast %shift_left3A_216 : vector<16xi32> to vector<16xf32>
        %add3A_218 = arith.addf %bitcast3A_213, %bitcast3A_217 : vector<16xf32>
        %get3A_219 = arith.index_cast %add3A_199 : i32 to index
        %get3A_220 = arith.constant 16 : index
        %get3A_221 = tpu.vector_load %arg12[%get3A_219, %get3A_220] {strides = array<i32>} : memref<80x64xi32, #tpu.memory_space<vmem>>, vector<16xi32>,
        %bitcast3A_222 = vector.bitcast %get3A_221 : vector<16xi32> to vector<32xbf16>
        %get3A_223 = arith.index_cast %add3A_199 : i32 to index
        %get3A_224 = arith.constant 16 : index
        %get3A_225 = tpu.vector_load %arg14[%get3A_223, %get3A_224] {strides = array<i32>} : memref<80x64xi32, #tpu.memory_space<vmem>>, vector<16xi32>,
        %bitcast3A_226 = vector.bitcast %get3A_225 : vector<16xi32> to vector<32xbf16>
        %mul3A_227 = arith.mulf %bitcast3A_222, %bitcast3A_226 : vector<32xbf16>
        %bitcast3A_228 = vector.bitcast %mul3A_227 : vector<32xbf16> to vector<16xi32>
        %and3A_229 = arith.constant -65536 : i32
        %and3A_230 = vector.broadcast %and3A_229 : i32 to vector<16xi32>
        %and3A_231 = arith.andi %bitcast3A_228, %and3A_230 : vector<16xi32>
        %bitcast3A_232 = vector.bitcast %and3A_231 : vector<16xi32> to vector<16xf32>
        %shift_left3A_233 = arith.constant 16 : i32
        %shift_left3A_234 = vector.broadcast %shift_left3A_233 : i32 to vector<16xi32>
        %shift_left3A_235 = arith.shli %bitcast3A_228, %shift_left3A_234 : vector<16xi32>
        %bitcast3A_236 = vector.bitcast %shift_left3A_235 : vector<16xi32> to vector<16xf32>
        %add3A_237 = arith.addf %bitcast3A_232, %bitcast3A_236 : vector<16xf32>
        %get3A_238 = arith.index_cast %add3A_199 : i32 to index
        %get3A_239 = arith.constant 32 : index
        %get3A_240 = tpu.vector_load %arg12[%get3A_238, %get3A_239] {strides = array<i32>} : memref<80x64xi32, #tpu.memory_space<vmem>>, vector<16xi32>,
        %bitcast3A_241 = vector.bitcast %get3A_240 : vector<16xi32> to vector<32xbf16>
        %get3A_242 = arith.index_cast %add3A_199 : i32 to index
        %get3A_243 = arith.constant 32 : index
        %get3A_244 = tpu.vector_load %arg14[%get3A_242, %get3A_243] {strides = array<i32>} : memref<80x64xi32, #tpu.memory_space<vmem>>, vector<16xi32>,
        %bitcast3A_245 = vector.bitcast %get3A_244 : vector<16xi32> to vector<32xbf16>
        %mul3A_246 = arith.mulf %bitcast3A_241, %bitcast3A_245 : vector<32xbf16>
        %bitcast3A_247 = vector.bitcast %mul3A_246 : vector<32xbf16> to vector<16xi32>
        %and3A_248 = arith.constant -65536 : i32
        %and3A_249 = vector.broadcast %and3A_248 : i32 to vector<16xi32>
        %and3A_250 = arith.andi %bitcast3A_247, %and3A_249 : vector<16xi32>
        %bitcast3A_251 = vector.bitcast %and3A_250 : vector<16xi32> to vector<16xf32>
        %shift_left3A_252 = arith.constant 16 : i32
        %shift_left3A_253 = vector.broadcast %shift_left3A_252 : i32 to vector<16xi32>
        %shift_left3A_254 = arith.shli %bitcast3A_247, %shift_left3A_253 : vector<16xi32>
        %bitcast3A_255 = vector.bitcast %shift_left3A_254 : vector<16xi32> to vector<16xf32>
        %add3A_256 = arith.addf %bitcast3A_251, %bitcast3A_255 : vector<16xf32>
        %get3A_257 = arith.index_cast %add3A_199 : i32 to index
        %get3A_258 = arith.constant 48 : index
        %get3A_259 = tpu.vector_load %arg12[%get3A_257, %get3A_258] {strides = array<i32>} : memref<80x64xi32, #tpu.memory_space<vmem>>, vector<16xi32>,
        %bitcast3A_260 = vector.bitcast %get3A_259 : vector<16xi32> to vector<32xbf16>
        %get3A_261 = arith.index_cast %add3A_199 : i32 to index
        %get3A_262 = arith.constant 48 : index
        %get3A_263 = tpu.vector_load %arg14[%get3A_261, %get3A_262] {strides = array<i32>} : memref<80x64xi32, #tpu.memory_space<vmem>>, vector<16xi32>,
        %bitcast3A_264 = vector.bitcast %get3A_263 : vector<16xi32> to vector<32xbf16>
        %mul3A_265 = arith.mulf %bitcast3A_260, %bitcast3A_264 : vector<32xbf16>
        %bitcast3A_266 = vector.bitcast %mul3A_265 : vector<32xbf16> to vector<16xi32>
        %and3A_267 = arith.constant -65536 : i32
        %and3A_268 = vector.broadcast %and3A_267 : i32 to vector<16xi32>
        %and3A_269 = arith.andi %bitcast3A_266, %and3A_268 : vector<16xi32>
        %bitcast3A_270 = vector.bitcast %and3A_269 : vector<16xi32> to vector<16xf32>
        %shift_left3A_271 = arith.constant 16 : i32
        %shift_left3A_272 = vector.broadcast %shift_left3A_271 : i32 to vector<16xi32>
        %shift_left3A_273 = arith.shli %bitcast3A_266, %shift_left3A_272 : vector<16xi32>
        %bitcast3A_274 = vector.bitcast %shift_left3A_273 : vector<16xi32> to vector<16xf32>
        %add3A_275 = arith.addf %bitcast3A_270, %bitcast3A_274 : vector<16xf32>
        %add3A_276 = arith.addf %add3A_218, %add3A_237 : vector<16xf32>
        %add3A_277 = arith.addf %add3A_256, %add3A_275 : vector<16xf32>
        %add3A_278 = arith.addf %add3A_276, %add3A_277 : vector<16xf32>
        %broadcast_in_dim3A_279 = arith.constant 1 : i32
        %broadcast_in_dim3A_280 = vector.broadcast %broadcast_in_dim3A_279 : i32 to vector<16xi32>
        tpu.vector_store_idx %arg15[%iota3A, %broadcast_in_dim3A_280], %add3A_278 : memref<16x17xf32, #tpu.memory_space<vmem>>[vector<16xi32>, vector<16xi32>], vector<16xf32>,
        %mul3A_281 = arith.constant 16 : i32
        %mul3A_282 = arith.muli %add3A_105, %mul3A_281 : i32
        %add3A_283 = arith.constant 2 : i32
        %add3A_284 = arith.addi %mul3A_282, %add3A_283 : i32
        %get3A_285 = arith.index_cast %add3A_284 : i32 to index
        %get3A_286 = arith.constant 0 : index
        %get3A_287 = tpu.vector_load %arg12[%get3A_285, %get3A_286] {strides = array<i32>} : memref<80x64xi32, #tpu.memory_space<vmem>>, vector<16xi32>,
        %bitcast3A_288 = vector.bitcast %get3A_287 : vector<16xi32> to vector<32xbf16>
        %get3A_289 = arith.index_cast %add3A_284 : i32 to index
        %get3A_290 = arith.constant 0 : index
        %get3A_291 = tpu.vector_load %arg14[%get3A_289, %get3A_290] {strides = array<i32>} : memref<80x64xi32, #tpu.memory_space<vmem>>, vector<16xi32>,
        %bitcast3A_292 = vector.bitcast %get3A_291 : vector<16xi32> to vector<32xbf16>
        %mul3A_293 = arith.mulf %bitcast3A_288, %bitcast3A_292 : vector<32xbf16>
        %bitcast3A_294 = vector.bitcast %mul3A_293 : vector<32xbf16> to vector<16xi32>
        %and3A_295 = arith.constant -65536 : i32
        %and3A_296 = vector.broadcast %and3A_295 : i32 to vector<16xi32>
        %and3A_297 = arith.andi %bitcast3A_294, %and3A_296 : vector<16xi32>
        %bitcast3A_298 = vector.bitcast %and3A_297 : vector<16xi32> to vector<16xf32>
        %shift_left3A_299 = arith.constant 16 : i32
        %shift_left3A_300 = vector.broadcast %shift_left3A_299 : i32 to vector<16xi32>
        %shift_left3A_301 = arith.shli %bitcast3A_294, %shift_left3A_300 : vector<16xi32>
        %bitcast3A_302 = vector.bitcast %shift_left3A_301 : vector<16xi32> to vector<16xf32>
        %add3A_303 = arith.addf %bitcast3A_298, %bitcast3A_302 : vector<16xf32>
        %get3A_304 = arith.index_cast %add3A_284 : i32 to index
        %get3A_305 = arith.constant 16 : index
        %get3A_306 = tpu.vector_load %arg12[%get3A_304, %get3A_305] {strides = array<i32>} : memref<80x64xi32, #tpu.memory_space<vmem>>, vector<16xi32>,
        %bitcast3A_307 = vector.bitcast %get3A_306 : vector<16xi32> to vector<32xbf16>
        %get3A_308 = arith.index_cast %add3A_284 : i32 to index
        %get3A_309 = arith.constant 16 : index
        %get3A_310 = tpu.vector_load %arg14[%get3A_308, %get3A_309] {strides = array<i32>} : memref<80x64xi32, #tpu.memory_space<vmem>>, vector<16xi32>,
        %bitcast3A_311 = vector.bitcast %get3A_310 : vector<16xi32> to vector<32xbf16>
        %mul3A_312 = arith.mulf %bitcast3A_307, %bitcast3A_311 : vector<32xbf16>
        %bitcast3A_313 = vector.bitcast %mul3A_312 : vector<32xbf16> to vector<16xi32>
        %and3A_314 = arith.constant -65536 : i32
        %and3A_315 = vector.broadcast %and3A_314 : i32 to vector<16xi32>
        %and3A_316 = arith.andi %bitcast3A_313, %and3A_315 : vector<16xi32>
        %bitcast3A_317 = vector.bitcast %and3A_316 : vector<16xi32> to vector<16xf32>
        %shift_left3A_318 = arith.constant 16 : i32
        %shift_left3A_319 = vector.broadcast %shift_left3A_318 : i32 to vector<16xi32>
        %shift_left3A_320 = arith.shli %bitcast3A_313, %shift_left3A_319 : vector<16xi32>
        %bitcast3A_321 = vector.bitcast %shift_left3A_320 : vector<16xi32> to vector<16xf32>
        %add3A_322 = arith.addf %bitcast3A_317, %bitcast3A_321 : vector<16xf32>
        %get3A_323 = arith.index_cast %add3A_284 : i32 to index
        %get3A_324 = arith.constant 32 : index
        %get3A_325 = tpu.vector_load %arg12[%get3A_323, %get3A_324] {strides = array<i32>} : memref<80x64xi32, #tpu.memory_space<vmem>>, vector<16xi32>,
        %bitcast3A_326 = vector.bitcast %get3A_325 : vector<16xi32> to vector<32xbf16>
        %get3A_327 = arith.index_cast %add3A_284 : i32 to index
        %get3A_328 = arith.constant 32 : index
        %get3A_329 = tpu.vector_load %arg14[%get3A_327, %get3A_328] {strides = array<i32>} : memref<80x64xi32, #tpu.memory_space<vmem>>, vector<16xi32>,
        %bitcast3A_330 = vector.bitcast %get3A_329 : vector<16xi32> to vector<32xbf16>
        %mul3A_331 = arith.mulf %bitcast3A_326, %bitcast3A_330 : vector<32xbf16>
        %bitcast3A_332 = vector.bitcast %mul3A_331 : vector<32xbf16> to vector<16xi32>
        %and3A_333 = arith.constant -65536 : i32
        %and3A_334 = vector.broadcast %and3A_333 : i32 to vector<16xi32>
        %and3A_335 = arith.andi %bitcast3A_332, %and3A_334 : vector<16xi32>
        %bitcast3A_336 = vector.bitcast %and3A_335 : vector<16xi32> to vector<16xf32>
        %shift_left3A_337 = arith.constant 16 : i32
        %shift_left3A_338 = vector.broadcast %shift_left3A_337 : i32 to vector<16xi32>
        %shift_left3A_339 = arith.shli %bitcast3A_332, %shift_left3A_338 : vector<16xi32>
        %bitcast3A_340 = vector.bitcast %shift_left3A_339 : vector<16xi32> to vector<16xf32>
        %add3A_341 = arith.addf %bitcast3A_336, %bitcast3A_340 : vector<16xf32>
        %get3A_342 = arith.index_cast %add3A_284 : i32 to index
        %get3A_343 = arith.constant 48 : index
        %get3A_344 = tpu.vector_load %arg12[%get3A_342, %get3A_343] {strides = array<i32>} : memref<80x64xi32, #tpu.memory_space<vmem>>, vector<16xi32>,
        %bitcast3A_345 = vector.bitcast %get3A_344 : vector<16xi32> to vector<32xbf16>
        %get3A_346 = arith.index_cast %add3A_284 : i32 to index
        %get3A_347 = arith.constant 48 : index
        %get3A_348 = tpu.vector_load %arg14[%get3A_346, %get3A_347] {strides = array<i32>} : memref<80x64xi32, #tpu.memory_space<vmem>>, vector<16xi32>,
        %bitcast3A_349 = vector.bitcast %get3A_348 : vector<16xi32> to vector<32xbf16>
        %mul3A_350 = arith.mulf %bitcast3A_345, %bitcast3A_349 : vector<32xbf16>
        %bitcast3A_351 = vector.bitcast %mul3A_350 : vector<32xbf16> to vector<16xi32>
        %and3A_352 = arith.constant -65536 : i32
        %and3A_353 = vector.broadcast %and3A_352 : i32 to vector<16xi32>
        %and3A_354 = arith.andi %bitcast3A_351, %and3A_353 : vector<16xi32>
        %bitcast3A_355 = vector.bitcast %and3A_354 : vector<16xi32> to vector<16xf32>
        %shift_left3A_356 = arith.constant 16 : i32
        %shift_left3A_357 = vector.broadcast %shift_left3A_356 : i32 to vector<16xi32>
        %shift_left3A_358 = arith.shli %bitcast3A_351, %shift_left3A_357 : vector<16xi32>
        %bitcast3A_359 = vector.bitcast %shift_left3A_358 : vector<16xi32> to vector<16xf32>
        %add3A_360 = arith.addf %bitcast3A_355, %bitcast3A_359 : vector<16xf32>
        %add3A_361 = arith.addf %add3A_303, %add3A_322 : vector<16xf32>
        %add3A_362 = arith.addf %add3A_341, %add3A_360 : vector<16xf32>
        %add3A_363 = arith.addf %add3A_361, %add3A_362 : vector<16xf32>
        %broadcast_in_dim3A_364 = arith.constant 2 : i32
        %broadcast_in_dim3A_365 = vector.broadcast %broadcast_in_dim3A_364 : i32 to vector<16xi32>
        tpu.vector_store_idx %arg15[%iota3A, %broadcast_in_dim3A_365], %add3A_363 : memref<16x17xf32, #tpu.memory_space<vmem>>[vector<16xi32>, vector<16xi32>], vector<16xf32>,
        %mul3A_366 = arith.constant 16 : i32
        %mul3A_367 = arith.muli %add3A_105, %mul3A_366 : i32
        %add3A_368 = arith.constant 3 : i32
        %add3A_369 = arith.addi %mul3A_367, %add3A_368 : i32
        %get3A_370 = arith.index_cast %add3A_369 : i32 to index
        %get3A_371 = arith.constant 0 : index
        %get3A_372 = tpu.vector_load %arg12[%get3A_370, %get3A_371] {strides = array<i32>} : memref<80x64xi32, #tpu.memory_space<vmem>>, vector<16xi32>,
        %bitcast3A_373 = vector.bitcast %get3A_372 : vector<16xi32> to vector<32xbf16>
        %get3A_374 = arith.index_cast %add3A_369 : i32 to index
        %get3A_375 = arith.constant 0 : index
        %get3A_376 = tpu.vector_load %arg14[%get3A_374, %get3A_375] {strides = array<i32>} : memref<80x64xi32, #tpu.memory_space<vmem>>, vector<16xi32>,
        %bitcast3A_377 = vector.bitcast %get3A_376 : vector<16xi32> to vector<32xbf16>
        %mul3A_378 = arith.mulf %bitcast3A_373, %bitcast3A_377 : vector<32xbf16>
        %bitcast3A_379 = vector.bitcast %mul3A_378 : vector<32xbf16> to vector<16xi32>
        %and3A_380 = arith.constant -65536 : i32
        %and3A_381 = vector.broadcast %and3A_380 : i32 to vector<16xi32>
        %and3A_382 = arith.andi %bitcast3A_379, %and3A_381 : vector<16xi32>
        %bitcast3A_383 = vector.bitcast %and3A_382 : vector<16xi32> to vector<16xf32>
        %shift_left3A_384 = arith.constant 16 : i32
        %shift_left3A_385 = vector.broadcast %shift_left3A_384 : i32 to vector<16xi32>
        %shift_left3A_386 = arith.shli %bitcast3A_379, %shift_left3A_385 : vector<16xi32>
        %bitcast3A_387 = vector.bitcast %shift_left3A_386 : vector<16xi32> to vector<16xf32>
        %add3A_388 = arith.addf %bitcast3A_383, %bitcast3A_387 : vector<16xf32>
        %get3A_389 = arith.index_cast %add3A_369 : i32 to index
        %get3A_390 = arith.constant 16 : index
        %get3A_391 = tpu.vector_load %arg12[%get3A_389, %get3A_390] {strides = array<i32>} : memref<80x64xi32, #tpu.memory_space<vmem>>, vector<16xi32>,
        %bitcast3A_392 = vector.bitcast %get3A_391 : vector<16xi32> to vector<32xbf16>
        %get3A_393 = arith.index_cast %add3A_369 : i32 to index
        %get3A_394 = arith.constant 16 : index
        %get3A_395 = tpu.vector_load %arg14[%get3A_393, %get3A_394] {strides = array<i32>} : memref<80x64xi32, #tpu.memory_space<vmem>>, vector<16xi32>,
        %bitcast3A_396 = vector.bitcast %get3A_395 : vector<16xi32> to vector<32xbf16>
        %mul3A_397 = arith.mulf %bitcast3A_392, %bitcast3A_396 : vector<32xbf16>
        %bitcast3A_398 = vector.bitcast %mul3A_397 : vector<32xbf16> to vector<16xi32>
        %and3A_399 = arith.constant -65536 : i32
        %and3A_400 = vector.broadcast %and3A_399 : i32 to vector<16xi32>
        %and3A_401 = arith.andi %bitcast3A_398, %and3A_400 : vector<16xi32>
        %bitcast3A_402 = vector.bitcast %and3A_401 : vector<16xi32> to vector<16xf32>
        %shift_left3A_403 = arith.constant 16 : i32
        %shift_left3A_404 = vector.broadcast %shift_left3A_403 : i32 to vector<16xi32>
        %shift_left3A_405 = arith.shli %bitcast3A_398, %shift_left3A_404 : vector<16xi32>
        %bitcast3A_406 = vector.bitcast %shift_left3A_405 : vector<16xi32> to vector<16xf32>
        %add3A_407 = arith.addf %bitcast3A_402, %bitcast3A_406 : vector<16xf32>
        %get3A_408 = arith.index_cast %add3A_369 : i32 to index
        %get3A_409 = arith.constant 32 : index
        %get3A_410 = tpu.vector_load %arg12[%get3A_408, %get3A_409] {strides = array<i32>} : memref<80x64xi32, #tpu.memory_space<vmem>>, vector<16xi32>,
        %bitcast3A_411 = vector.bitcast %get3A_410 : vector<16xi32> to vector<32xbf16>
        %get3A_412 = arith.index_cast %add3A_369 : i32 to index
        %get3A_413 = arith.constant 32 : index
        %get3A_414 = tpu.vector_load %arg14[%get3A_412, %get3A_413] {strides = array<i32>} : memref<80x64xi32, #tpu.memory_space<vmem>>, vector<16xi32>,
        %bitcast3A_415 = vector.bitcast %get3A_414 : vector<16xi32> to vector<32xbf16>
        %mul3A_416 = arith.mulf %bitcast3A_411, %bitcast3A_415 : vector<32xbf16>
        %bitcast3A_417 = vector.bitcast %mul3A_416 : vector<32xbf16> to vector<16xi32>
        %and3A_418 = arith.constant -65536 : i32
        %and3A_419 = vector.broadcast %and3A_418 : i32 to vector<16xi32>
        %and3A_420 = arith.andi %bitcast3A_417, %and3A_419 : vector<16xi32>
        %bitcast3A_421 = vector.bitcast %and3A_420 : vector<16xi32> to vector<16xf32>
        %shift_left3A_422 = arith.constant 16 : i32
        %shift_left3A_423 = vector.broadcast %shift_left3A_422 : i32 to vector<16xi32>
        %shift_left3A_424 = arith.shli %bitcast3A_417, %shift_left3A_423 : vector<16xi32>
        %bitcast3A_425 = vector.bitcast %shift_left3A_424 : vector<16xi32> to vector<16xf32>
        %add3A_426 = arith.addf %bitcast3A_421, %bitcast3A_425 : vector<16xf32>
        %get3A_427 = arith.index_cast %add3A_369 : i32 to index
        %get3A_428 = arith.constant 48 : index
        %get3A_429 = tpu.vector_load %arg12[%get3A_427, %get3A_428] {strides = array<i32>} : memref<80x64xi32, #tpu.memory_space<vmem>>, vector<16xi32>,
        %bitcast3A_430 = vector.bitcast %get3A_429 : vector<16xi32> to vector<32xbf16>
        %get3A_431 = arith.index_cast %add3A_369 : i32 to index
        %get3A_432 = arith.constant 48 : index
        %get3A_433 = tpu.vector_load %arg14[%get3A_431, %get3A_432] {strides = array<i32>} : memref<80x64xi32, #tpu.memory_space<vmem>>, vector<16xi32>,
        %bitcast3A_434 = vector.bitcast %get3A_433 : vector<16xi32> to vector<32xbf16>
        %mul3A_435 = arith.mulf %bitcast3A_430, %bitcast3A_434 : vector<32xbf16>
        %bitcast3A_436 = vector.bitcast %mul3A_435 : vector<32xbf16> to vector<16xi32>
        %and3A_437 = arith.constant -65536 : i32
        %and3A_438 = vector.broadcast %and3A_437 : i32 to vector<16xi32>
        %and3A_439 = arith.andi %bitcast3A_436, %and3A_438 : vector<16xi32>
        %bitcast3A_440 = vector.bitcast %and3A_439 : vector<16xi32> to vector<16xf32>
        %shift_left3A_441 = arith.constant 16 : i32
        %shift_left3A_442 = vector.broadcast %shift_left3A_441 : i32 to vector<16xi32>
        %shift_left3A_443 = arith.shli %bitcast3A_436, %shift_left3A_442 : vector<16xi32>
        %bitcast3A_444 = vector.bitcast %shift_left3A_443 : vector<16xi32> to vector<16xf32>
        %add3A_445 = arith.addf %bitcast3A_440, %bitcast3A_444 : vector<16xf32>
        %add3A_446 = arith.addf %add3A_388, %add3A_407 : vector<16xf32>
        %add3A_447 = arith.addf %add3A_426, %add3A_445 : vector<16xf32>
        %add3A_448 = arith.addf %add3A_446, %add3A_447 : vector<16xf32>
        %broadcast_in_dim3A_449 = arith.constant 3 : i32
        %broadcast_in_dim3A_450 = vector.broadcast %broadcast_in_dim3A_449 : i32 to vector<16xi32>
        tpu.vector_store_idx %arg15[%iota3A, %broadcast_in_dim3A_450], %add3A_448 : memref<16x17xf32, #tpu.memory_space<vmem>>[vector<16xi32>, vector<16xi32>], vector<16xf32>,
        %mul3A_451 = arith.constant 16 : i32
        %mul3A_452 = arith.muli %add3A_105, %mul3A_451 : i32
        %add3A_453 = arith.constant 4 : i32
        %add3A_454 = arith.addi %mul3A_452, %add3A_453 : i32
        %get3A_455 = arith.index_cast %add3A_454 : i32 to index
        %get3A_456 = arith.constant 0 : index
        %get3A_457 = tpu.vector_load %arg12[%get3A_455, %get3A_456] {strides = array<i32>} : memref<80x64xi32, #tpu.memory_space<vmem>>, vector<16xi32>,
        %bitcast3A_458 = vector.bitcast %get3A_457 : vector<16xi32> to vector<32xbf16>
        %get3A_459 = arith.index_cast %add3A_454 : i32 to index
        %get3A_460 = arith.constant 0 : index
        %get3A_461 = tpu.vector_load %arg14[%get3A_459, %get3A_460] {strides = array<i32>} : memref<80x64xi32, #tpu.memory_space<vmem>>, vector<16xi32>,
        %bitcast3A_462 = vector.bitcast %get3A_461 : vector<16xi32> to vector<32xbf16>
        %mul3A_463 = arith.mulf %bitcast3A_458, %bitcast3A_462 : vector<32xbf16>
        %bitcast3A_464 = vector.bitcast %mul3A_463 : vector<32xbf16> to vector<16xi32>
        %and3A_465 = arith.constant -65536 : i32
        %and3A_466 = vector.broadcast %and3A_465 : i32 to vector<16xi32>
        %and3A_467 = arith.andi %bitcast3A_464, %and3A_466 : vector<16xi32>
        %bitcast3A_468 = vector.bitcast %and3A_467 : vector<16xi32> to vector<16xf32>
        %shift_left3A_469 = arith.constant 16 : i32
        %shift_left3A_470 = vector.broadcast %shift_left3A_469 : i32 to vector<16xi32>
        %shift_left3A_471 = arith.shli %bitcast3A_464, %shift_left3A_470 : vector<16xi32>
        %bitcast3A_472 = vector.bitcast %shift_left3A_471 : vector<16xi32> to vector<16xf32>
        %add3A_473 = arith.addf %bitcast3A_468, %bitcast3A_472 : vector<16xf32>
        %get3A_474 = arith.index_cast %add3A_454 : i32 to index
        %get3A_475 = arith.constant 16 : index
        %get3A_476 = tpu.vector_load %arg12[%get3A_474, %get3A_475] {strides = array<i32>} : memref<80x64xi32, #tpu.memory_space<vmem>>, vector<16xi32>,
        %bitcast3A_477 = vector.bitcast %get3A_476 : vector<16xi32> to vector<32xbf16>
        %get3A_478 = arith.index_cast %add3A_454 : i32 to index
        %get3A_479 = arith.constant 16 : index
        %get3A_480 = tpu.vector_load %arg14[%get3A_478, %get3A_479] {strides = array<i32>} : memref<80x64xi32, #tpu.memory_space<vmem>>, vector<16xi32>,
        %bitcast3A_481 = vector.bitcast %get3A_480 : vector<16xi32> to vector<32xbf16>
        %mul3A_482 = arith.mulf %bitcast3A_477, %bitcast3A_481 : vector<32xbf16>
        %bitcast3A_483 = vector.bitcast %mul3A_482 : vector<32xbf16> to vector<16xi32>
        %and3A_484 = arith.constant -65536 : i32
        %and3A_485 = vector.broadcast %and3A_484 : i32 to vector<16xi32>
        %and3A_486 = arith.andi %bitcast3A_483, %and3A_485 : vector<16xi32>
        %bitcast3A_487 = vector.bitcast %and3A_486 : vector<16xi32> to vector<16xf32>
        %shift_left3A_488 = arith.constant 16 : i32
        %shift_left3A_489 = vector.broadcast %shift_left3A_488 : i32 to vector<16xi32>
        %shift_left3A_490 = arith.shli %bitcast3A_483, %shift_left3A_489 : vector<16xi32>
        %bitcast3A_491 = vector.bitcast %shift_left3A_490 : vector<16xi32> to vector<16xf32>
        %add3A_492 = arith.addf %bitcast3A_487, %bitcast3A_491 : vector<16xf32>
        %get3A_493 = arith.index_cast %add3A_454 : i32 to index
        %get3A_494 = arith.constant 32 : index
        %get3A_495 = tpu.vector_load %arg12[%get3A_493, %get3A_494] {strides = array<i32>} : memref<80x64xi32, #tpu.memory_space<vmem>>, vector<16xi32>,
        %bitcast3A_496 = vector.bitcast %get3A_495 : vector<16xi32> to vector<32xbf16>
        %get3A_497 = arith.index_cast %add3A_454 : i32 to index
        %get3A_498 = arith.constant 32 : index
        %get3A_499 = tpu.vector_load %arg14[%get3A_497, %get3A_498] {strides = array<i32>} : memref<80x64xi32, #tpu.memory_space<vmem>>, vector<16xi32>,
        %bitcast3A_500 = vector.bitcast %get3A_499 : vector<16xi32> to vector<32xbf16>
        %mul3A_501 = arith.mulf %bitcast3A_496, %bitcast3A_500 : vector<32xbf16>
        %bitcast3A_502 = vector.bitcast %mul3A_501 : vector<32xbf16> to vector<16xi32>
        %and3A_503 = arith.constant -65536 : i32
        %and3A_504 = vector.broadcast %and3A_503 : i32 to vector<16xi32>
        %and3A_505 = arith.andi %bitcast3A_502, %and3A_504 : vector<16xi32>
        %bitcast3A_506 = vector.bitcast %and3A_505 : vector<16xi32> to vector<16xf32>
        %shift_left3A_507 = arith.constant 16 : i32
        %shift_left3A_508 = vector.broadcast %shift_left3A_507 : i32 to vector<16xi32>
        %shift_left3A_509 = arith.shli %bitcast3A_502, %shift_left3A_508 : vector<16xi32>
        %bitcast3A_510 = vector.bitcast %shift_left3A_509 : vector<16xi32> to vector<16xf32>
        %add3A_511 = arith.addf %bitcast3A_506, %bitcast3A_510 : vector<16xf32>
        %get3A_512 = arith.index_cast %add3A_454 : i32 to index
        %get3A_513 = arith.constant 48 : index
        %get3A_514 = tpu.vector_load %arg12[%get3A_512, %get3A_513] {strides = array<i32>} : memref<80x64xi32, #tpu.memory_space<vmem>>, vector<16xi32>,
        %bitcast3A_515 = vector.bitcast %get3A_514 : vector<16xi32> to vector<32xbf16>
        %get3A_516 = arith.index_cast %add3A_454 : i32 to index
        %get3A_517 = arith.constant 48 : index
        %get3A_518 = tpu.vector_load %arg14[%get3A_516, %get3A_517] {strides = array<i32>} : memref<80x64xi32, #tpu.memory_space<vmem>>, vector<16xi32>,
        %bitcast3A_519 = vector.bitcast %get3A_518 : vector<16xi32> to vector<32xbf16>
        %mul3A_520 = arith.mulf %bitcast3A_515, %bitcast3A_519 : vector<32xbf16>
        %bitcast3A_521 = vector.bitcast %mul3A_520 : vector<32xbf16> to vector<16xi32>
        %and3A_522 = arith.constant -65536 : i32
        %and3A_523 = vector.broadcast %and3A_522 : i32 to vector<16xi32>
        %and3A_524 = arith.andi %bitcast3A_521, %and3A_523 : vector<16xi32>
        %bitcast3A_525 = vector.bitcast %and3A_524 : vector<16xi32> to vector<16xf32>
        %shift_left3A_526 = arith.constant 16 : i32
        %shift_left3A_527 = vector.broadcast %shift_left3A_526 : i32 to vector<16xi32>
        %shift_left3A_528 = arith.shli %bitcast3A_521, %shift_left3A_527 : vector<16xi32>
        %bitcast3A_529 = vector.bitcast %shift_left3A_528 : vector<16xi32> to vector<16xf32>
        %add3A_530 = arith.addf %bitcast3A_525, %bitcast3A_529 : vector<16xf32>
        %add3A_531 = arith.addf %add3A_473, %add3A_492 : vector<16xf32>
        %add3A_532 = arith.addf %add3A_511, %add3A_530 : vector<16xf32>
        %add3A_533 = arith.addf %add3A_531, %add3A_532 : vector<16xf32>
        %broadcast_in_dim3A_534 = arith.constant 4 : i32
        %broadcast_in_dim3A_535 = vector.broadcast %broadcast_in_dim3A_534 : i32 to vector<16xi32>
        tpu.vector_store_idx %arg15[%iota3A, %broadcast_in_dim3A_535], %add3A_533 : memref<16x17xf32, #tpu.memory_space<vmem>>[vector<16xi32>, vector<16xi32>], vector<16xf32>,
        %mul3A_536 = arith.constant 16 : i32
        %mul3A_537 = arith.muli %add3A_105, %mul3A_536 : i32
        %add3A_538 = arith.constant 5 : i32
        %add3A_539 = arith.addi %mul3A_537, %add3A_538 : i32
        %get3A_540 = arith.index_cast %add3A_539 : i32 to index
        %get3A_541 = arith.constant 0 : index
        %get3A_542 = tpu.vector_load %arg12[%get3A_540, %get3A_541] {strides = array<i32>} : memref<80x64xi32, #tpu.memory_space<vmem>>, vector<16xi32>,
        %bitcast3A_543 = vector.bitcast %get3A_542 : vector<16xi32> to vector<32xbf16>
        %get3A_544 = arith.index_cast %add3A_539 : i32 to index
        %get3A_545 = arith.constant 0 : index
        %get3A_546 = tpu.vector_load %arg14[%get3A_544, %get3A_545] {strides = array<i32>} : memref<80x64xi32, #tpu.memory_space<vmem>>, vector<16xi32>,
        %bitcast3A_547 = vector.bitcast %get3A_546 : vector<16xi32> to vector<32xbf16>
        %mul3A_548 = arith.mulf %bitcast3A_543, %bitcast3A_547 : vector<32xbf16>
        %bitcast3A_549 = vector.bitcast %mul3A_548 : vector<32xbf16> to vector<16xi32>
        %and3A_550 = arith.constant -65536 : i32
        %and3A_551 = vector.broadcast %and3A_550 : i32 to vector<16xi32>
        %and3A_552 = arith.andi %bitcast3A_549, %and3A_551 : vector<16xi32>
        %bitcast3A_553 = vector.bitcast %and3A_552 : vector<16xi32> to vector<16xf32>
        %shift_left3A_554 = arith.constant 16 : i32
        %shift_left3A_555 = vector.broadcast %shift_left3A_554 : i32 to vector<16xi32>
        %shift_left3A_556 = arith.shli %bitcast3A_549, %shift_left3A_555 : vector<16xi32>
        %bitcast3A_557 = vector.bitcast %shift_left3A_556 : vector<16xi32> to vector<16xf32>
        %add3A_558 = arith.addf %bitcast3A_553, %bitcast3A_557 : vector<16xf32>
        %get3A_559 = arith.index_cast %add3A_539 : i32 to index
        %get3A_560 = arith.constant 16 : index
        %get3A_561 = tpu.vector_load %arg12[%get3A_559, %get3A_560] {strides = array<i32>} : memref<80x64xi32, #tpu.memory_space<vmem>>, vector<16xi32>,
        %bitcast3A_562 = vector.bitcast %get3A_561 : vector<16xi32> to vector<32xbf16>
        %get3A_563 = arith.index_cast %add3A_539 : i32 to index
        %get3A_564 = arith.constant 16 : index
        %get3A_565 = tpu.vector_load %arg14[%get3A_563, %get3A_564] {strides = array<i32>} : memref<80x64xi32, #tpu.memory_space<vmem>>, vector<16xi32>,
        %bitcast3A_566 = vector.bitcast %get3A_565 : vector<16xi32> to vector<32xbf16>
        %mul3A_567 = arith.mulf %bitcast3A_562, %bitcast3A_566 : vector<32xbf16>
        %bitcast3A_568 = vector.bitcast %mul3A_567 : vector<32xbf16> to vector<16xi32>
        %and3A_569 = arith.constant -65536 : i32
        %and3A_570 = vector.broadcast %and3A_569 : i32 to vector<16xi32>
        %and3A_571 = arith.andi %bitcast3A_568, %and3A_570 : vector<16xi32>
        %bitcast3A_572 = vector.bitcast %and3A_571 : vector<16xi32> to vector<16xf32>
        %shift_left3A_573 = arith.constant 16 : i32
        %shift_left3A_574 = vector.broadcast %shift_left3A_573 : i32 to vector<16xi32>
        %shift_left3A_575 = arith.shli %bitcast3A_568, %shift_left3A_574 : vector<16xi32>
        %bitcast3A_576 = vector.bitcast %shift_left3A_575 : vector<16xi32> to vector<16xf32>
        %add3A_577 = arith.addf %bitcast3A_572, %bitcast3A_576 : vector<16xf32>
        %get3A_578 = arith.index_cast %add3A_539 : i32 to index
        %get3A_579 = arith.constant 32 : index
        %get3A_580 = tpu.vector_load %arg12[%get3A_578, %get3A_579] {strides = array<i32>} : memref<80x64xi32, #tpu.memory_space<vmem>>, vector<16xi32>,
        %bitcast3A_581 = vector.bitcast %get3A_580 : vector<16xi32> to vector<32xbf16>
        %get3A_582 = arith.index_cast %add3A_539 : i32 to index
        %get3A_583 = arith.constant 32 : index
        %get3A_584 = tpu.vector_load %arg14[%get3A_582, %get3A_583] {strides = array<i32>} : memref<80x64xi32, #tpu.memory_space<vmem>>, vector<16xi32>,
        %bitcast3A_585 = vector.bitcast %get3A_584 : vector<16xi32> to vector<32xbf16>
        %mul3A_586 = arith.mulf %bitcast3A_581, %bitcast3A_585 : vector<32xbf16>
        %bitcast3A_587 = vector.bitcast %mul3A_586 : vector<32xbf16> to vector<16xi32>
        %and3A_588 = arith.constant -65536 : i32
        %and3A_589 = vector.broadcast %and3A_588 : i32 to vector<16xi32>
        %and3A_590 = arith.andi %bitcast3A_587, %and3A_589 : vector<16xi32>
        %bitcast3A_591 = vector.bitcast %and3A_590 : vector<16xi32> to vector<16xf32>
        %shift_left3A_592 = arith.constant 16 : i32
        %shift_left3A_593 = vector.broadcast %shift_left3A_592 : i32 to vector<16xi32>
        %shift_left3A_594 = arith.shli %bitcast3A_587, %shift_left3A_593 : vector<16xi32>
        %bitcast3A_595 = vector.bitcast %shift_left3A_594 : vector<16xi32> to vector<16xf32>
        %add3A_596 = arith.addf %bitcast3A_591, %bitcast3A_595 : vector<16xf32>
        %get3A_597 = arith.index_cast %add3A_539 : i32 to index
        %get3A_598 = arith.constant 48 : index
        %get3A_599 = tpu.vector_load %arg12[%get3A_597, %get3A_598] {strides = array<i32>} : memref<80x64xi32, #tpu.memory_space<vmem>>, vector<16xi32>,
        %bitcast3A_600 = vector.bitcast %get3A_599 : vector<16xi32> to vector<32xbf16>
        %get3A_601 = arith.index_cast %add3A_539 : i32 to index
        %get3A_602 = arith.constant 48 : index
        %get3A_603 = tpu.vector_load %arg14[%get3A_601, %get3A_602] {strides = array<i32>} : memref<80x64xi32, #tpu.memory_space<vmem>>, vector<16xi32>,
        %bitcast3A_604 = vector.bitcast %get3A_603 : vector<16xi32> to vector<32xbf16>
        %mul3A_605 = arith.mulf %bitcast3A_600, %bitcast3A_604 : vector<32xbf16>
        %bitcast3A_606 = vector.bitcast %mul3A_605 : vector<32xbf16> to vector<16xi32>
        %and3A_607 = arith.constant -65536 : i32
        %and3A_608 = vector.broadcast %and3A_607 : i32 to vector<16xi32>
        %and3A_609 = arith.andi %bitcast3A_606, %and3A_608 : vector<16xi32>
        %bitcast3A_610 = vector.bitcast %and3A_609 : vector<16xi32> to vector<16xf32>
        %shift_left3A_611 = arith.constant 16 : i32
        %shift_left3A_612 = vector.broadcast %shift_left3A_611 : i32 to vector<16xi32>
        %shift_left3A_613 = arith.shli %bitcast3A_606, %shift_left3A_612 : vector<16xi32>
        %bitcast3A_614 = vector.bitcast %shift_left3A_613 : vector<16xi32> to vector<16xf32>
        %add3A_615 = arith.addf %bitcast3A_610, %bitcast3A_614 : vector<16xf32>
        %add3A_616 = arith.addf %add3A_558, %add3A_577 : vector<16xf32>
        %add3A_617 = arith.addf %add3A_596, %add3A_615 : vector<16xf32>
        %add3A_618 = arith.addf %add3A_616, %add3A_617 : vector<16xf32>
        %broadcast_in_dim3A_619 = arith.constant 5 : i32
        %broadcast_in_dim3A_620 = vector.broadcast %broadcast_in_dim3A_619 : i32 to vector<16xi32>
        tpu.vector_store_idx %arg15[%iota3A, %broadcast_in_dim3A_620], %add3A_618 : memref<16x17xf32, #tpu.memory_space<vmem>>[vector<16xi32>, vector<16xi32>], vector<16xf32>,
        %mul3A_621 = arith.constant 16 : i32
        %mul3A_622 = arith.muli %add3A_105, %mul3A_621 : i32
        %add3A_623 = arith.constant 6 : i32
        %add3A_624 = arith.addi %mul3A_622, %add3A_623 : i32
        %get3A_625 = arith.index_cast %add3A_624 : i32 to index
        %get3A_626 = arith.constant 0 : index
        %get3A_627 = tpu.vector_load %arg12[%get3A_625, %get3A_626] {strides = array<i32>} : memref<80x64xi32, #tpu.memory_space<vmem>>, vector<16xi32>,
        %bitcast3A_628 = vector.bitcast %get3A_627 : vector<16xi32> to vector<32xbf16>
        %get3A_629 = arith.index_cast %add3A_624 : i32 to index
        %get3A_630 = arith.constant 0 : index
        %get3A_631 = tpu.vector_load %arg14[%get3A_629, %get3A_630] {strides = array<i32>} : memref<80x64xi32, #tpu.memory_space<vmem>>, vector<16xi32>,
        %bitcast3A_632 = vector.bitcast %get3A_631 : vector<16xi32> to vector<32xbf16>
        %mul3A_633 = arith.mulf %bitcast3A_628, %bitcast3A_632 : vector<32xbf16>
        %bitcast3A_634 = vector.bitcast %mul3A_633 : vector<32xbf16> to vector<16xi32>
        %and3A_635 = arith.constant -65536 : i32
        %and3A_636 = vector.broadcast %and3A_635 : i32 to vector<16xi32>
        %and3A_637 = arith.andi %bitcast3A_634, %and3A_636 : vector<16xi32>
        %bitcast3A_638 = vector.bitcast %and3A_637 : vector<16xi32> to vector<16xf32>
        %shift_left3A_639 = arith.constant 16 : i32
        %shift_left3A_640 = vector.broadcast %shift_left3A_639 : i32 to vector<16xi32>
        %shift_left3A_641 = arith.shli %bitcast3A_634, %shift_left3A_640 : vector<16xi32>
        %bitcast3A_642 = vector.bitcast %shift_left3A_641 : vector<16xi32> to vector<16xf32>
        %add3A_643 = arith.addf %bitcast3A_638, %bitcast3A_642 : vector<16xf32>
        %get3A_644 = arith.index_cast %add3A_624 : i32 to index
        %get3A_645 = arith.constant 16 : index
        %get3A_646 = tpu.vector_load %arg12[%get3A_644, %get3A_645] {strides = array<i32>} : memref<80x64xi32, #tpu.memory_space<vmem>>, vector<16xi32>,
        %bitcast3A_647 = vector.bitcast %get3A_646 : vector<16xi32> to vector<32xbf16>
        %get3A_648 = arith.index_cast %add3A_624 : i32 to index
        %get3A_649 = arith.constant 16 : index
        %get3A_650 = tpu.vector_load %arg14[%get3A_648, %get3A_649] {strides = array<i32>} : memref<80x64xi32, #tpu.memory_space<vmem>>, vector<16xi32>,
        %bitcast3A_651 = vector.bitcast %get3A_650 : vector<16xi32> to vector<32xbf16>
        %mul3A_652 = arith.mulf %bitcast3A_647, %bitcast3A_651 : vector<32xbf16>
        %bitcast3A_653 = vector.bitcast %mul3A_652 : vector<32xbf16> to vector<16xi32>
        %and3A_654 = arith.constant -65536 : i32
        %and3A_655 = vector.broadcast %and3A_654 : i32 to vector<16xi32>
        %and3A_656 = arith.andi %bitcast3A_653, %and3A_655 : vector<16xi32>
        %bitcast3A_657 = vector.bitcast %and3A_656 : vector<16xi32> to vector<16xf32>
        %shift_left3A_658 = arith.constant 16 : i32
        %shift_left3A_659 = vector.broadcast %shift_left3A_658 : i32 to vector<16xi32>
        %shift_left3A_660 = arith.shli %bitcast3A_653, %shift_left3A_659 : vector<16xi32>
        %bitcast3A_661 = vector.bitcast %shift_left3A_660 : vector<16xi32> to vector<16xf32>
        %add3A_662 = arith.addf %bitcast3A_657, %bitcast3A_661 : vector<16xf32>
        %get3A_663 = arith.index_cast %add3A_624 : i32 to index
        %get3A_664 = arith.constant 32 : index
        %get3A_665 = tpu.vector_load %arg12[%get3A_663, %get3A_664] {strides = array<i32>} : memref<80x64xi32, #tpu.memory_space<vmem>>, vector<16xi32>,
        %bitcast3A_666 = vector.bitcast %get3A_665 : vector<16xi32> to vector<32xbf16>
        %get3A_667 = arith.index_cast %add3A_624 : i32 to index
        %get3A_668 = arith.constant 32 : index
        %get3A_669 = tpu.vector_load %arg14[%get3A_667, %get3A_668] {strides = array<i32>} : memref<80x64xi32, #tpu.memory_space<vmem>>, vector<16xi32>,
        %bitcast3A_670 = vector.bitcast %get3A_669 : vector<16xi32> to vector<32xbf16>
        %mul3A_671 = arith.mulf %bitcast3A_666, %bitcast3A_670 : vector<32xbf16>
        %bitcast3A_672 = vector.bitcast %mul3A_671 : vector<32xbf16> to vector<16xi32>
        %and3A_673 = arith.constant -65536 : i32
        %and3A_674 = vector.broadcast %and3A_673 : i32 to vector<16xi32>
        %and3A_675 = arith.andi %bitcast3A_672, %and3A_674 : vector<16xi32>
        %bitcast3A_676 = vector.bitcast %and3A_675 : vector<16xi32> to vector<16xf32>
        %shift_left3A_677 = arith.constant 16 : i32
        %shift_left3A_678 = vector.broadcast %shift_left3A_677 : i32 to vector<16xi32>
        %shift_left3A_679 = arith.shli %bitcast3A_672, %shift_left3A_678 : vector<16xi32>
        %bitcast3A_680 = vector.bitcast %shift_left3A_679 : vector<16xi32> to vector<16xf32>
        %add3A_681 = arith.addf %bitcast3A_676, %bitcast3A_680 : vector<16xf32>
        %get3A_682 = arith.index_cast %add3A_624 : i32 to index
        %get3A_683 = arith.constant 48 : index
        %get3A_684 = tpu.vector_load %arg12[%get3A_682, %get3A_683] {strides = array<i32>} : memref<80x64xi32, #tpu.memory_space<vmem>>, vector<16xi32>,
        %bitcast3A_685 = vector.bitcast %get3A_684 : vector<16xi32> to vector<32xbf16>
        %get3A_686 = arith.index_cast %add3A_624 : i32 to index
        %get3A_687 = arith.constant 48 : index
        %get3A_688 = tpu.vector_load %arg14[%get3A_686, %get3A_687] {strides = array<i32>} : memref<80x64xi32, #tpu.memory_space<vmem>>, vector<16xi32>,
        %bitcast3A_689 = vector.bitcast %get3A_688 : vector<16xi32> to vector<32xbf16>
        %mul3A_690 = arith.mulf %bitcast3A_685, %bitcast3A_689 : vector<32xbf16>
        %bitcast3A_691 = vector.bitcast %mul3A_690 : vector<32xbf16> to vector<16xi32>
        %and3A_692 = arith.constant -65536 : i32
        %and3A_693 = vector.broadcast %and3A_692 : i32 to vector<16xi32>
        %and3A_694 = arith.andi %bitcast3A_691, %and3A_693 : vector<16xi32>
        %bitcast3A_695 = vector.bitcast %and3A_694 : vector<16xi32> to vector<16xf32>
        %shift_left3A_696 = arith.constant 16 : i32
        %shift_left3A_697 = vector.broadcast %shift_left3A_696 : i32 to vector<16xi32>
        %shift_left3A_698 = arith.shli %bitcast3A_691, %shift_left3A_697 : vector<16xi32>
        %bitcast3A_699 = vector.bitcast %shift_left3A_698 : vector<16xi32> to vector<16xf32>
        %add3A_700 = arith.addf %bitcast3A_695, %bitcast3A_699 : vector<16xf32>
        %add3A_701 = arith.addf %add3A_643, %add3A_662 : vector<16xf32>
        %add3A_702 = arith.addf %add3A_681, %add3A_700 : vector<16xf32>
        %add3A_703 = arith.addf %add3A_701, %add3A_702 : vector<16xf32>
        %broadcast_in_dim3A_704 = arith.constant 6 : i32
        %broadcast_in_dim3A_705 = vector.broadcast %broadcast_in_dim3A_704 : i32 to vector<16xi32>
        tpu.vector_store_idx %arg15[%iota3A, %broadcast_in_dim3A_705], %add3A_703 : memref<16x17xf32, #tpu.memory_space<vmem>>[vector<16xi32>, vector<16xi32>], vector<16xf32>,
        %mul3A_706 = arith.constant 16 : i32
        %mul3A_707 = arith.muli %add3A_105, %mul3A_706 : i32
        %add3A_708 = arith.constant 7 : i32
        %add3A_709 = arith.addi %mul3A_707, %add3A_708 : i32
        %get3A_710 = arith.index_cast %add3A_709 : i32 to index
        %get3A_711 = arith.constant 0 : index
        %get3A_712 = tpu.vector_load %arg12[%get3A_710, %get3A_711] {strides = array<i32>} : memref<80x64xi32, #tpu.memory_space<vmem>>, vector<16xi32>,
        %bitcast3A_713 = vector.bitcast %get3A_712 : vector<16xi32> to vector<32xbf16>
        %get3A_714 = arith.index_cast %add3A_709 : i32 to index
        %get3A_715 = arith.constant 0 : index
        %get3A_716 = tpu.vector_load %arg14[%get3A_714, %get3A_715] {strides = array<i32>} : memref<80x64xi32, #tpu.memory_space<vmem>>, vector<16xi32>,
        %bitcast3A_717 = vector.bitcast %get3A_716 : vector<16xi32> to vector<32xbf16>
        %mul3A_718 = arith.mulf %bitcast3A_713, %bitcast3A_717 : vector<32xbf16>
        %bitcast3A_719 = vector.bitcast %mul3A_718 : vector<32xbf16> to vector<16xi32>
        %and3A_720 = arith.constant -65536 : i32
        %and3A_721 = vector.broadcast %and3A_720 : i32 to vector<16xi32>
        %and3A_722 = arith.andi %bitcast3A_719, %and3A_721 : vector<16xi32>
        %bitcast3A_723 = vector.bitcast %and3A_722 : vector<16xi32> to vector<16xf32>
        %shift_left3A_724 = arith.constant 16 : i32
        %shift_left3A_725 = vector.broadcast %shift_left3A_724 : i32 to vector<16xi32>
        %shift_left3A_726 = arith.shli %bitcast3A_719, %shift_left3A_725 : vector<16xi32>
        %bitcast3A_727 = vector.bitcast %shift_left3A_726 : vector<16xi32> to vector<16xf32>
        %add3A_728 = arith.addf %bitcast3A_723, %bitcast3A_727 : vector<16xf32>
        %get3A_729 = arith.index_cast %add3A_709 : i32 to index
        %get3A_730 = arith.constant 16 : index
        %get3A_731 = tpu.vector_load %arg12[%get3A_729, %get3A_730] {strides = array<i32>} : memref<80x64xi32, #tpu.memory_space<vmem>>, vector<16xi32>,
        %bitcast3A_732 = vector.bitcast %get3A_731 : vector<16xi32> to vector<32xbf16>
        %get3A_733 = arith.index_cast %add3A_709 : i32 to index
        %get3A_734 = arith.constant 16 : index
        %get3A_735 = tpu.vector_load %arg14[%get3A_733, %get3A_734] {strides = array<i32>} : memref<80x64xi32, #tpu.memory_space<vmem>>, vector<16xi32>,
        %bitcast3A_736 = vector.bitcast %get3A_735 : vector<16xi32> to vector<32xbf16>
        %mul3A_737 = arith.mulf %bitcast3A_732, %bitcast3A_736 : vector<32xbf16>
        %bitcast3A_738 = vector.bitcast %mul3A_737 : vector<32xbf16> to vector<16xi32>
        %and3A_739 = arith.constant -65536 : i32
        %and3A_740 = vector.broadcast %and3A_739 : i32 to vector<16xi32>
        %and3A_741 = arith.andi %bitcast3A_738, %and3A_740 : vector<16xi32>
        %bitcast3A_742 = vector.bitcast %and3A_741 : vector<16xi32> to vector<16xf32>
        %shift_left3A_743 = arith.constant 16 : i32
        %shift_left3A_744 = vector.broadcast %shift_left3A_743 : i32 to vector<16xi32>
        %shift_left3A_745 = arith.shli %bitcast3A_738, %shift_left3A_744 : vector<16xi32>
        %bitcast3A_746 = vector.bitcast %shift_left3A_745 : vector<16xi32> to vector<16xf32>
        %add3A_747 = arith.addf %bitcast3A_742, %bitcast3A_746 : vector<16xf32>
        %get3A_748 = arith.index_cast %add3A_709 : i32 to index
        %get3A_749 = arith.constant 32 : index
        %get3A_750 = tpu.vector_load %arg12[%get3A_748, %get3A_749] {strides = array<i32>} : memref<80x64xi32, #tpu.memory_space<vmem>>, vector<16xi32>,
        %bitcast3A_751 = vector.bitcast %get3A_750 : vector<16xi32> to vector<32xbf16>
        %get3A_752 = arith.index_cast %add3A_709 : i32 to index
        %get3A_753 = arith.constant 32 : index
        %get3A_754 = tpu.vector_load %arg14[%get3A_752, %get3A_753] {strides = array<i32>} : memref<80x64xi32, #tpu.memory_space<vmem>>, vector<16xi32>,
        %bitcast3A_755 = vector.bitcast %get3A_754 : vector<16xi32> to vector<32xbf16>
        %mul3A_756 = arith.mulf %bitcast3A_751, %bitcast3A_755 : vector<32xbf16>
        %bitcast3A_757 = vector.bitcast %mul3A_756 : vector<32xbf16> to vector<16xi32>
        %and3A_758 = arith.constant -65536 : i32
        %and3A_759 = vector.broadcast %and3A_758 : i32 to vector<16xi32>
        %and3A_760 = arith.andi %bitcast3A_757, %and3A_759 : vector<16xi32>
        %bitcast3A_761 = vector.bitcast %and3A_760 : vector<16xi32> to vector<16xf32>
        %shift_left3A_762 = arith.constant 16 : i32
        %shift_left3A_763 = vector.broadcast %shift_left3A_762 : i32 to vector<16xi32>
        %shift_left3A_764 = arith.shli %bitcast3A_757, %shift_left3A_763 : vector<16xi32>
        %bitcast3A_765 = vector.bitcast %shift_left3A_764 : vector<16xi32> to vector<16xf32>
        %add3A_766 = arith.addf %bitcast3A_761, %bitcast3A_765 : vector<16xf32>
        %get3A_767 = arith.index_cast %add3A_709 : i32 to index
        %get3A_768 = arith.constant 48 : index
        %get3A_769 = tpu.vector_load %arg12[%get3A_767, %get3A_768] {strides = array<i32>} : memref<80x64xi32, #tpu.memory_space<vmem>>, vector<16xi32>,
        %bitcast3A_770 = vector.bitcast %get3A_769 : vector<16xi32> to vector<32xbf16>
        %get3A_771 = arith.index_cast %add3A_709 : i32 to index
        %get3A_772 = arith.constant 48 : index
        %get3A_773 = tpu.vector_load %arg14[%get3A_771, %get3A_772] {strides = array<i32>} : memref<80x64xi32, #tpu.memory_space<vmem>>, vector<16xi32>,
        %bitcast3A_774 = vector.bitcast %get3A_773 : vector<16xi32> to vector<32xbf16>
        %mul3A_775 = arith.mulf %bitcast3A_770, %bitcast3A_774 : vector<32xbf16>
        %bitcast3A_776 = vector.bitcast %mul3A_775 : vector<32xbf16> to vector<16xi32>
        %and3A_777 = arith.constant -65536 : i32
        %and3A_778 = vector.broadcast %and3A_777 : i32 to vector<16xi32>
        %and3A_779 = arith.andi %bitcast3A_776, %and3A_778 : vector<16xi32>
        %bitcast3A_780 = vector.bitcast %and3A_779 : vector<16xi32> to vector<16xf32>
        %shift_left3A_781 = arith.constant 16 : i32
        %shift_left3A_782 = vector.broadcast %shift_left3A_781 : i32 to vector<16xi32>
        %shift_left3A_783 = arith.shli %bitcast3A_776, %shift_left3A_782 : vector<16xi32>
        %bitcast3A_784 = vector.bitcast %shift_left3A_783 : vector<16xi32> to vector<16xf32>
        %add3A_785 = arith.addf %bitcast3A_780, %bitcast3A_784 : vector<16xf32>
        %add3A_786 = arith.addf %add3A_728, %add3A_747 : vector<16xf32>
        %add3A_787 = arith.addf %add3A_766, %add3A_785 : vector<16xf32>
        %add3A_788 = arith.addf %add3A_786, %add3A_787 : vector<16xf32>
        %broadcast_in_dim3A_789 = arith.constant 7 : i32
        %broadcast_in_dim3A_790 = vector.broadcast %broadcast_in_dim3A_789 : i32 to vector<16xi32>
        tpu.vector_store_idx %arg15[%iota3A, %broadcast_in_dim3A_790], %add3A_788 : memref<16x17xf32, #tpu.memory_space<vmem>>[vector<16xi32>, vector<16xi32>], vector<16xf32>,
        %mul3A_791 = arith.constant 16 : i32
        %mul3A_792 = arith.muli %add3A_105, %mul3A_791 : i32
        %add3A_793 = arith.constant 8 : i32
        %add3A_794 = arith.addi %mul3A_792, %add3A_793 : i32
        %get3A_795 = arith.index_cast %add3A_794 : i32 to index
        %get3A_796 = arith.constant 0 : index
        %get3A_797 = tpu.vector_load %arg12[%get3A_795, %get3A_796] {strides = array<i32>} : memref<80x64xi32, #tpu.memory_space<vmem>>, vector<16xi32>,
        %bitcast3A_798 = vector.bitcast %get3A_797 : vector<16xi32> to vector<32xbf16>
        %get3A_799 = arith.index_cast %add3A_794 : i32 to index
        %get3A_800 = arith.constant 0 : index
        %get3A_801 = tpu.vector_load %arg14[%get3A_799, %get3A_800] {strides = array<i32>} : memref<80x64xi32, #tpu.memory_space<vmem>>, vector<16xi32>,
        %bitcast3A_802 = vector.bitcast %get3A_801 : vector<16xi32> to vector<32xbf16>
        %mul3A_803 = arith.mulf %bitcast3A_798, %bitcast3A_802 : vector<32xbf16>
        %bitcast3A_804 = vector.bitcast %mul3A_803 : vector<32xbf16> to vector<16xi32>
        %and3A_805 = arith.constant -65536 : i32
        %and3A_806 = vector.broadcast %and3A_805 : i32 to vector<16xi32>
        %and3A_807 = arith.andi %bitcast3A_804, %and3A_806 : vector<16xi32>
        %bitcast3A_808 = vector.bitcast %and3A_807 : vector<16xi32> to vector<16xf32>
        %shift_left3A_809 = arith.constant 16 : i32
        %shift_left3A_810 = vector.broadcast %shift_left3A_809 : i32 to vector<16xi32>
        %shift_left3A_811 = arith.shli %bitcast3A_804, %shift_left3A_810 : vector<16xi32>
        %bitcast3A_812 = vector.bitcast %shift_left3A_811 : vector<16xi32> to vector<16xf32>
        %add3A_813 = arith.addf %bitcast3A_808, %bitcast3A_812 : vector<16xf32>
        %get3A_814 = arith.index_cast %add3A_794 : i32 to index
        %get3A_815 = arith.constant 16 : index
        %get3A_816 = tpu.vector_load %arg12[%get3A_814, %get3A_815] {strides = array<i32>} : memref<80x64xi32, #tpu.memory_space<vmem>>, vector<16xi32>,
        %bitcast3A_817 = vector.bitcast %get3A_816 : vector<16xi32> to vector<32xbf16>
        %get3A_818 = arith.index_cast %add3A_794 : i32 to index
        %get3A_819 = arith.constant 16 : index
        %get3A_820 = tpu.vector_load %arg14[%get3A_818, %get3A_819] {strides = array<i32>} : memref<80x64xi32, #tpu.memory_space<vmem>>, vector<16xi32>,
        %bitcast3A_821 = vector.bitcast %get3A_820 : vector<16xi32> to vector<32xbf16>
        %mul3A_822 = arith.mulf %bitcast3A_817, %bitcast3A_821 : vector<32xbf16>
        %bitcast3A_823 = vector.bitcast %mul3A_822 : vector<32xbf16> to vector<16xi32>
        %and3A_824 = arith.constant -65536 : i32
        %and3A_825 = vector.broadcast %and3A_824 : i32 to vector<16xi32>
        %and3A_826 = arith.andi %bitcast3A_823, %and3A_825 : vector<16xi32>
        %bitcast3A_827 = vector.bitcast %and3A_826 : vector<16xi32> to vector<16xf32>
        %shift_left3A_828 = arith.constant 16 : i32
        %shift_left3A_829 = vector.broadcast %shift_left3A_828 : i32 to vector<16xi32>
        %shift_left3A_830 = arith.shli %bitcast3A_823, %shift_left3A_829 : vector<16xi32>
        %bitcast3A_831 = vector.bitcast %shift_left3A_830 : vector<16xi32> to vector<16xf32>
        %add3A_832 = arith.addf %bitcast3A_827, %bitcast3A_831 : vector<16xf32>
        %get3A_833 = arith.index_cast %add3A_794 : i32 to index
        %get3A_834 = arith.constant 32 : index
        %get3A_835 = tpu.vector_load %arg12[%get3A_833, %get3A_834] {strides = array<i32>} : memref<80x64xi32, #tpu.memory_space<vmem>>, vector<16xi32>,
        %bitcast3A_836 = vector.bitcast %get3A_835 : vector<16xi32> to vector<32xbf16>
        %get3A_837 = arith.index_cast %add3A_794 : i32 to index
        %get3A_838 = arith.constant 32 : index
        %get3A_839 = tpu.vector_load %arg14[%get3A_837, %get3A_838] {strides = array<i32>} : memref<80x64xi32, #tpu.memory_space<vmem>>, vector<16xi32>,
        %bitcast3A_840 = vector.bitcast %get3A_839 : vector<16xi32> to vector<32xbf16>
        %mul3A_841 = arith.mulf %bitcast3A_836, %bitcast3A_840 : vector<32xbf16>
        %bitcast3A_842 = vector.bitcast %mul3A_841 : vector<32xbf16> to vector<16xi32>
        %and3A_843 = arith.constant -65536 : i32
        %and3A_844 = vector.broadcast %and3A_843 : i32 to vector<16xi32>
        %and3A_845 = arith.andi %bitcast3A_842, %and3A_844 : vector<16xi32>
        %bitcast3A_846 = vector.bitcast %and3A_845 : vector<16xi32> to vector<16xf32>
        %shift_left3A_847 = arith.constant 16 : i32
        %shift_left3A_848 = vector.broadcast %shift_left3A_847 : i32 to vector<16xi32>
        %shift_left3A_849 = arith.shli %bitcast3A_842, %shift_left3A_848 : vector<16xi32>
        %bitcast3A_850 = vector.bitcast %shift_left3A_849 : vector<16xi32> to vector<16xf32>
        %add3A_851 = arith.addf %bitcast3A_846, %bitcast3A_850 : vector<16xf32>
        %get3A_852 = arith.index_cast %add3A_794 : i32 to index
        %get3A_853 = arith.constant 48 : index
        %get3A_854 = tpu.vector_load %arg12[%get3A_852, %get3A_853] {strides = array<i32>} : memref<80x64xi32, #tpu.memory_space<vmem>>, vector<16xi32>,
        %bitcast3A_855 = vector.bitcast %get3A_854 : vector<16xi32> to vector<32xbf16>
        %get3A_856 = arith.index_cast %add3A_794 : i32 to index
        %get3A_857 = arith.constant 48 : index
        %get3A_858 = tpu.vector_load %arg14[%get3A_856, %get3A_857] {strides = array<i32>} : memref<80x64xi32, #tpu.memory_space<vmem>>, vector<16xi32>,
        %bitcast3A_859 = vector.bitcast %get3A_858 : vector<16xi32> to vector<32xbf16>
        %mul3A_860 = arith.mulf %bitcast3A_855, %bitcast3A_859 : vector<32xbf16>
        %bitcast3A_861 = vector.bitcast %mul3A_860 : vector<32xbf16> to vector<16xi32>
        %and3A_862 = arith.constant -65536 : i32
        %and3A_863 = vector.broadcast %and3A_862 : i32 to vector<16xi32>
        %and3A_864 = arith.andi %bitcast3A_861, %and3A_863 : vector<16xi32>
        %bitcast3A_865 = vector.bitcast %and3A_864 : vector<16xi32> to vector<16xf32>
        %shift_left3A_866 = arith.constant 16 : i32
        %shift_left3A_867 = vector.broadcast %shift_left3A_866 : i32 to vector<16xi32>
        %shift_left3A_868 = arith.shli %bitcast3A_861, %shift_left3A_867 : vector<16xi32>
        %bitcast3A_869 = vector.bitcast %shift_left3A_868 : vector<16xi32> to vector<16xf32>
        %add3A_870 = arith.addf %bitcast3A_865, %bitcast3A_869 : vector<16xf32>
        %add3A_871 = arith.addf %add3A_813, %add3A_832 : vector<16xf32>
        %add3A_872 = arith.addf %add3A_851, %add3A_870 : vector<16xf32>
        %add3A_873 = arith.addf %add3A_871, %add3A_872 : vector<16xf32>
        %broadcast_in_dim3A_874 = arith.constant 8 : i32
        %broadcast_in_dim3A_875 = vector.broadcast %broadcast_in_dim3A_874 : i32 to vector<16xi32>
        tpu.vector_store_idx %arg15[%iota3A, %broadcast_in_dim3A_875], %add3A_873 : memref<16x17xf32, #tpu.memory_space<vmem>>[vector<16xi32>, vector<16xi32>], vector<16xf32>,
        %mul3A_876 = arith.constant 16 : i32
        %mul3A_877 = arith.muli %add3A_105, %mul3A_876 : i32
        %add3A_878 = arith.constant 9 : i32
        %add3A_879 = arith.addi %mul3A_877, %add3A_878 : i32
        %get3A_880 = arith.index_cast %add3A_879 : i32 to index
        %get3A_881 = arith.constant 0 : index
        %get3A_882 = tpu.vector_load %arg12[%get3A_880, %get3A_881] {strides = array<i32>} : memref<80x64xi32, #tpu.memory_space<vmem>>, vector<16xi32>,
        %bitcast3A_883 = vector.bitcast %get3A_882 : vector<16xi32> to vector<32xbf16>
        %get3A_884 = arith.index_cast %add3A_879 : i32 to index
        %get3A_885 = arith.constant 0 : index
        %get3A_886 = tpu.vector_load %arg14[%get3A_884, %get3A_885] {strides = array<i32>} : memref<80x64xi32, #tpu.memory_space<vmem>>, vector<16xi32>,
        %bitcast3A_887 = vector.bitcast %get3A_886 : vector<16xi32> to vector<32xbf16>
        %mul3A_888 = arith.mulf %bitcast3A_883, %bitcast3A_887 : vector<32xbf16>
        %bitcast3A_889 = vector.bitcast %mul3A_888 : vector<32xbf16> to vector<16xi32>
        %and3A_890 = arith.constant -65536 : i32
        %and3A_891 = vector.broadcast %and3A_890 : i32 to vector<16xi32>
        %and3A_892 = arith.andi %bitcast3A_889, %and3A_891 : vector<16xi32>
        %bitcast3A_893 = vector.bitcast %and3A_892 : vector<16xi32> to vector<16xf32>
        %shift_left3A_894 = arith.constant 16 : i32
        %shift_left3A_895 = vector.broadcast %shift_left3A_894 : i32 to vector<16xi32>
        %shift_left3A_896 = arith.shli %bitcast3A_889, %shift_left3A_895 : vector<16xi32>
        %bitcast3A_897 = vector.bitcast %shift_left3A_896 : vector<16xi32> to vector<16xf32>
        %add3A_898 = arith.addf %bitcast3A_893, %bitcast3A_897 : vector<16xf32>
        %get3A_899 = arith.index_cast %add3A_879 : i32 to index
        %get3A_900 = arith.constant 16 : index
        %get3A_901 = tpu.vector_load %arg12[%get3A_899, %get3A_900] {strides = array<i32>} : memref<80x64xi32, #tpu.memory_space<vmem>>, vector<16xi32>,
        %bitcast3A_902 = vector.bitcast %get3A_901 : vector<16xi32> to vector<32xbf16>
        %get3A_903 = arith.index_cast %add3A_879 : i32 to index
        %get3A_904 = arith.constant 16 : index
        %get3A_905 = tpu.vector_load %arg14[%get3A_903, %get3A_904] {strides = array<i32>} : memref<80x64xi32, #tpu.memory_space<vmem>>, vector<16xi32>,
        %bitcast3A_906 = vector.bitcast %get3A_905 : vector<16xi32> to vector<32xbf16>
        %mul3A_907 = arith.mulf %bitcast3A_902, %bitcast3A_906 : vector<32xbf16>
        %bitcast3A_908 = vector.bitcast %mul3A_907 : vector<32xbf16> to vector<16xi32>
        %and3A_909 = arith.constant -65536 : i32
        %and3A_910 = vector.broadcast %and3A_909 : i32 to vector<16xi32>
        %and3A_911 = arith.andi %bitcast3A_908, %and3A_910 : vector<16xi32>
        %bitcast3A_912 = vector.bitcast %and3A_911 : vector<16xi32> to vector<16xf32>
        %shift_left3A_913 = arith.constant 16 : i32
        %shift_left3A_914 = vector.broadcast %shift_left3A_913 : i32 to vector<16xi32>
        %shift_left3A_915 = arith.shli %bitcast3A_908, %shift_left3A_914 : vector<16xi32>
        %bitcast3A_916 = vector.bitcast %shift_left3A_915 : vector<16xi32> to vector<16xf32>
        %add3A_917 = arith.addf %bitcast3A_912, %bitcast3A_916 : vector<16xf32>
        %get3A_918 = arith.index_cast %add3A_879 : i32 to index
        %get3A_919 = arith.constant 32 : index
        %get3A_920 = tpu.vector_load %arg12[%get3A_918, %get3A_919] {strides = array<i32>} : memref<80x64xi32, #tpu.memory_space<vmem>>, vector<16xi32>,
        %bitcast3A_921 = vector.bitcast %get3A_920 : vector<16xi32> to vector<32xbf16>
        %get3A_922 = arith.index_cast %add3A_879 : i32 to index
        %get3A_923 = arith.constant 32 : index
        %get3A_924 = tpu.vector_load %arg14[%get3A_922, %get3A_923] {strides = array<i32>} : memref<80x64xi32, #tpu.memory_space<vmem>>, vector<16xi32>,
        %bitcast3A_925 = vector.bitcast %get3A_924 : vector<16xi32> to vector<32xbf16>
        %mul3A_926 = arith.mulf %bitcast3A_921, %bitcast3A_925 : vector<32xbf16>
        %bitcast3A_927 = vector.bitcast %mul3A_926 : vector<32xbf16> to vector<16xi32>
        %and3A_928 = arith.constant -65536 : i32
        %and3A_929 = vector.broadcast %and3A_928 : i32 to vector<16xi32>
        %and3A_930 = arith.andi %bitcast3A_927, %and3A_929 : vector<16xi32>
        %bitcast3A_931 = vector.bitcast %and3A_930 : vector<16xi32> to vector<16xf32>
        %shift_left3A_932 = arith.constant 16 : i32
        %shift_left3A_933 = vector.broadcast %shift_left3A_932 : i32 to vector<16xi32>
        %shift_left3A_934 = arith.shli %bitcast3A_927, %shift_left3A_933 : vector<16xi32>
        %bitcast3A_935 = vector.bitcast %shift_left3A_934 : vector<16xi32> to vector<16xf32>
        %add3A_936 = arith.addf %bitcast3A_931, %bitcast3A_935 : vector<16xf32>
        %get3A_937 = arith.index_cast %add3A_879 : i32 to index
        %get3A_938 = arith.constant 48 : index
        %get3A_939 = tpu.vector_load %arg12[%get3A_937, %get3A_938] {strides = array<i32>} : memref<80x64xi32, #tpu.memory_space<vmem>>, vector<16xi32>,
        %bitcast3A_940 = vector.bitcast %get3A_939 : vector<16xi32> to vector<32xbf16>
        %get3A_941 = arith.index_cast %add3A_879 : i32 to index
        %get3A_942 = arith.constant 48 : index
        %get3A_943 = tpu.vector_load %arg14[%get3A_941, %get3A_942] {strides = array<i32>} : memref<80x64xi32, #tpu.memory_space<vmem>>, vector<16xi32>,
        %bitcast3A_944 = vector.bitcast %get3A_943 : vector<16xi32> to vector<32xbf16>
        %mul3A_945 = arith.mulf %bitcast3A_940, %bitcast3A_944 : vector<32xbf16>
        %bitcast3A_946 = vector.bitcast %mul3A_945 : vector<32xbf16> to vector<16xi32>
        %and3A_947 = arith.constant -65536 : i32
        %and3A_948 = vector.broadcast %and3A_947 : i32 to vector<16xi32>
        %and3A_949 = arith.andi %bitcast3A_946, %and3A_948 : vector<16xi32>
        %bitcast3A_950 = vector.bitcast %and3A_949 : vector<16xi32> to vector<16xf32>
        %shift_left3A_951 = arith.constant 16 : i32
        %shift_left3A_952 = vector.broadcast %shift_left3A_951 : i32 to vector<16xi32>
        %shift_left3A_953 = arith.shli %bitcast3A_946, %shift_left3A_952 : vector<16xi32>
        %bitcast3A_954 = vector.bitcast %shift_left3A_953 : vector<16xi32> to vector<16xf32>
        %add3A_955 = arith.addf %bitcast3A_950, %bitcast3A_954 : vector<16xf32>
        %add3A_956 = arith.addf %add3A_898, %add3A_917 : vector<16xf32>
        %add3A_957 = arith.addf %add3A_936, %add3A_955 : vector<16xf32>
        %add3A_958 = arith.addf %add3A_956, %add3A_957 : vector<16xf32>
        %broadcast_in_dim3A_959 = arith.constant 9 : i32
        %broadcast_in_dim3A_960 = vector.broadcast %broadcast_in_dim3A_959 : i32 to vector<16xi32>
        tpu.vector_store_idx %arg15[%iota3A, %broadcast_in_dim3A_960], %add3A_958 : memref<16x17xf32, #tpu.memory_space<vmem>>[vector<16xi32>, vector<16xi32>], vector<16xf32>,
        %mul3A_961 = arith.constant 16 : i32
        %mul3A_962 = arith.muli %add3A_105, %mul3A_961 : i32
        %add3A_963 = arith.constant 10 : i32
        %add3A_964 = arith.addi %mul3A_962, %add3A_963 : i32
        %get3A_965 = arith.index_cast %add3A_964 : i32 to index
        %get3A_966 = arith.constant 0 : index
        %get3A_967 = tpu.vector_load %arg12[%get3A_965, %get3A_966] {strides = array<i32>} : memref<80x64xi32, #tpu.memory_space<vmem>>, vector<16xi32>,
        %bitcast3A_968 = vector.bitcast %get3A_967 : vector<16xi32> to vector<32xbf16>
        %get3A_969 = arith.index_cast %add3A_964 : i32 to index
        %get3A_970 = arith.constant 0 : index
        %get3A_971 = tpu.vector_load %arg14[%get3A_969, %get3A_970] {strides = array<i32>} : memref<80x64xi32, #tpu.memory_space<vmem>>, vector<16xi32>,
        %bitcast3A_972 = vector.bitcast %get3A_971 : vector<16xi32> to vector<32xbf16>
        %mul3A_973 = arith.mulf %bitcast3A_968, %bitcast3A_972 : vector<32xbf16>
        %bitcast3A_974 = vector.bitcast %mul3A_973 : vector<32xbf16> to vector<16xi32>
        %and3A_975 = arith.constant -65536 : i32
        %and3A_976 = vector.broadcast %and3A_975 : i32 to vector<16xi32>
        %and3A_977 = arith.andi %bitcast3A_974, %and3A_976 : vector<16xi32>
        %bitcast3A_978 = vector.bitcast %and3A_977 : vector<16xi32> to vector<16xf32>
        %shift_left3A_979 = arith.constant 16 : i32
        %shift_left3A_980 = vector.broadcast %shift_left3A_979 : i32 to vector<16xi32>
        %shift_left3A_981 = arith.shli %bitcast3A_974, %shift_left3A_980 : vector<16xi32>
        %bitcast3A_982 = vector.bitcast %shift_left3A_981 : vector<16xi32> to vector<16xf32>
        %add3A_983 = arith.addf %bitcast3A_978, %bitcast3A_982 : vector<16xf32>
        %get3A_984 = arith.index_cast %add3A_964 : i32 to index
        %get3A_985 = arith.constant 16 : index
        %get3A_986 = tpu.vector_load %arg12[%get3A_984, %get3A_985] {strides = array<i32>} : memref<80x64xi32, #tpu.memory_space<vmem>>, vector<16xi32>,
        %bitcast3A_987 = vector.bitcast %get3A_986 : vector<16xi32> to vector<32xbf16>
        %get3A_988 = arith.index_cast %add3A_964 : i32 to index
        %get3A_989 = arith.constant 16 : index
        %get3A_990 = tpu.vector_load %arg14[%get3A_988, %get3A_989] {strides = array<i32>} : memref<80x64xi32, #tpu.memory_space<vmem>>, vector<16xi32>,
        %bitcast3A_991 = vector.bitcast %get3A_990 : vector<16xi32> to vector<32xbf16>
        %mul3A_992 = arith.mulf %bitcast3A_987, %bitcast3A_991 : vector<32xbf16>
        %bitcast3A_993 = vector.bitcast %mul3A_992 : vector<32xbf16> to vector<16xi32>
        %and3A_994 = arith.constant -65536 : i32
        %and3A_995 = vector.broadcast %and3A_994 : i32 to vector<16xi32>
        %and3A_996 = arith.andi %bitcast3A_993, %and3A_995 : vector<16xi32>
        %bitcast3A_997 = vector.bitcast %and3A_996 : vector<16xi32> to vector<16xf32>
        %shift_left3A_998 = arith.constant 16 : i32
        %shift_left3A_999 = vector.broadcast %shift_left3A_998 : i32 to vector<16xi32>
        %shift_left3A_1000 = arith.shli %bitcast3A_993, %shift_left3A_999 : vector<16xi32>
        %bitcast3A_1001 = vector.bitcast %shift_left3A_1000 : vector<16xi32> to vector<16xf32>
        %add3A_1002 = arith.addf %bitcast3A_997, %bitcast3A_1001 : vector<16xf32>
        %get3A_1003 = arith.index_cast %add3A_964 : i32 to index
        %get3A_1004 = arith.constant 32 : index
        %get3A_1005 = tpu.vector_load %arg12[%get3A_1003, %get3A_1004] {strides = array<i32>} : memref<80x64xi32, #tpu.memory_space<vmem>>, vector<16xi32>,
        %bitcast3A_1006 = vector.bitcast %get3A_1005 : vector<16xi32> to vector<32xbf16>
        %get3A_1007 = arith.index_cast %add3A_964 : i32 to index
        %get3A_1008 = arith.constant 32 : index
        %get3A_1009 = tpu.vector_load %arg14[%get3A_1007, %get3A_1008] {strides = array<i32>} : memref<80x64xi32, #tpu.memory_space<vmem>>, vector<16xi32>,
        %bitcast3A_1010 = vector.bitcast %get3A_1009 : vector<16xi32> to vector<32xbf16>
        %mul3A_1011 = arith.mulf %bitcast3A_1006, %bitcast3A_1010 : vector<32xbf16>
        %bitcast3A_1012 = vector.bitcast %mul3A_1011 : vector<32xbf16> to vector<16xi32>
        %and3A_1013 = arith.constant -65536 : i32
        %and3A_1014 = vector.broadcast %and3A_1013 : i32 to vector<16xi32>
        %and3A_1015 = arith.andi %bitcast3A_1012, %and3A_1014 : vector<16xi32>
        %bitcast3A_1016 = vector.bitcast %and3A_1015 : vector<16xi32> to vector<16xf32>
        %shift_left3A_1017 = arith.constant 16 : i32
        %shift_left3A_1018 = vector.broadcast %shift_left3A_1017 : i32 to vector<16xi32>
        %shift_left3A_1019 = arith.shli %bitcast3A_1012, %shift_left3A_1018 : vector<16xi32>
        %bitcast3A_1020 = vector.bitcast %shift_left3A_1019 : vector<16xi32> to vector<16xf32>
        %add3A_1021 = arith.addf %bitcast3A_1016, %bitcast3A_1020 : vector<16xf32>
        %get3A_1022 = arith.index_cast %add3A_964 : i32 to index
        %get3A_1023 = arith.constant 48 : index
        %get3A_1024 = tpu.vector_load %arg12[%get3A_1022, %get3A_1023] {strides = array<i32>} : memref<80x64xi32, #tpu.memory_space<vmem>>, vector<16xi32>,
        %bitcast3A_1025 = vector.bitcast %get3A_1024 : vector<16xi32> to vector<32xbf16>
        %get3A_1026 = arith.index_cast %add3A_964 : i32 to index
        %get3A_1027 = arith.constant 48 : index
        %get3A_1028 = tpu.vector_load %arg14[%get3A_1026, %get3A_1027] {strides = array<i32>} : memref<80x64xi32, #tpu.memory_space<vmem>>, vector<16xi32>,
        %bitcast3A_1029 = vector.bitcast %get3A_1028 : vector<16xi32> to vector<32xbf16>
        %mul3A_1030 = arith.mulf %bitcast3A_1025, %bitcast3A_1029 : vector<32xbf16>
        %bitcast3A_1031 = vector.bitcast %mul3A_1030 : vector<32xbf16> to vector<16xi32>
        %and3A_1032 = arith.constant -65536 : i32
        %and3A_1033 = vector.broadcast %and3A_1032 : i32 to vector<16xi32>
        %and3A_1034 = arith.andi %bitcast3A_1031, %and3A_1033 : vector<16xi32>
        %bitcast3A_1035 = vector.bitcast %and3A_1034 : vector<16xi32> to vector<16xf32>
        %shift_left3A_1036 = arith.constant 16 : i32
        %shift_left3A_1037 = vector.broadcast %shift_left3A_1036 : i32 to vector<16xi32>
        %shift_left3A_1038 = arith.shli %bitcast3A_1031, %shift_left3A_1037 : vector<16xi32>
        %bitcast3A_1039 = vector.bitcast %shift_left3A_1038 : vector<16xi32> to vector<16xf32>
        %add3A_1040 = arith.addf %bitcast3A_1035, %bitcast3A_1039 : vector<16xf32>
        %add3A_1041 = arith.addf %add3A_983, %add3A_1002 : vector<16xf32>
        %add3A_1042 = arith.addf %add3A_1021, %add3A_1040 : vector<16xf32>
        %add3A_1043 = arith.addf %add3A_1041, %add3A_1042 : vector<16xf32>
        %broadcast_in_dim3A_1044 = arith.constant 10 : i32
        %broadcast_in_dim3A_1045 = vector.broadcast %broadcast_in_dim3A_1044 : i32 to vector<16xi32>
        tpu.vector_store_idx %arg15[%iota3A, %broadcast_in_dim3A_1045], %add3A_1043 : memref<16x17xf32, #tpu.memory_space<vmem>>[vector<16xi32>, vector<16xi32>], vector<16xf32>,
        %mul3A_1046 = arith.constant 16 : i32
        %mul3A_1047 = arith.muli %add3A_105, %mul3A_1046 : i32
        %add3A_1048 = arith.constant 11 : i32
        %add3A_1049 = arith.addi %mul3A_1047, %add3A_1048 : i32
        %get3A_1050 = arith.index_cast %add3A_1049 : i32 to index
        %get3A_1051 = arith.constant 0 : index
        %get3A_1052 = tpu.vector_load %arg12[%get3A_1050, %get3A_1051] {strides = array<i32>} : memref<80x64xi32, #tpu.memory_space<vmem>>, vector<16xi32>,
        %bitcast3A_1053 = vector.bitcast %get3A_1052 : vector<16xi32> to vector<32xbf16>
        %get3A_1054 = arith.index_cast %add3A_1049 : i32 to index
        %get3A_1055 = arith.constant 0 : index
        %get3A_1056 = tpu.vector_load %arg14[%get3A_1054, %get3A_1055] {strides = array<i32>} : memref<80x64xi32, #tpu.memory_space<vmem>>, vector<16xi32>,
        %bitcast3A_1057 = vector.bitcast %get3A_1056 : vector<16xi32> to vector<32xbf16>
        %mul3A_1058 = arith.mulf %bitcast3A_1053, %bitcast3A_1057 : vector<32xbf16>
        %bitcast3A_1059 = vector.bitcast %mul3A_1058 : vector<32xbf16> to vector<16xi32>
        %and3A_1060 = arith.constant -65536 : i32
        %and3A_1061 = vector.broadcast %and3A_1060 : i32 to vector<16xi32>
        %and3A_1062 = arith.andi %bitcast3A_1059, %and3A_1061 : vector<16xi32>
        %bitcast3A_1063 = vector.bitcast %and3A_1062 : vector<16xi32> to vector<16xf32>
        %shift_left3A_1064 = arith.constant 16 : i32
        %shift_left3A_1065 = vector.broadcast %shift_left3A_1064 : i32 to vector<16xi32>
        %shift_left3A_1066 = arith.shli %bitcast3A_1059, %shift_left3A_1065 : vector<16xi32>
        %bitcast3A_1067 = vector.bitcast %shift_left3A_1066 : vector<16xi32> to vector<16xf32>
        %add3A_1068 = arith.addf %bitcast3A_1063, %bitcast3A_1067 : vector<16xf32>
        %get3A_1069 = arith.index_cast %add3A_1049 : i32 to index
        %get3A_1070 = arith.constant 16 : index
        %get3A_1071 = tpu.vector_load %arg12[%get3A_1069, %get3A_1070] {strides = array<i32>} : memref<80x64xi32, #tpu.memory_space<vmem>>, vector<16xi32>,
        %bitcast3A_1072 = vector.bitcast %get3A_1071 : vector<16xi32> to vector<32xbf16>
        %get3A_1073 = arith.index_cast %add3A_1049 : i32 to index
        %get3A_1074 = arith.constant 16 : index
        %get3A_1075 = tpu.vector_load %arg14[%get3A_1073, %get3A_1074] {strides = array<i32>} : memref<80x64xi32, #tpu.memory_space<vmem>>, vector<16xi32>,
        %bitcast3A_1076 = vector.bitcast %get3A_1075 : vector<16xi32> to vector<32xbf16>
        %mul3A_1077 = arith.mulf %bitcast3A_1072, %bitcast3A_1076 : vector<32xbf16>
        %bitcast3A_1078 = vector.bitcast %mul3A_1077 : vector<32xbf16> to vector<16xi32>
        %and3A_1079 = arith.constant -65536 : i32
        %and3A_1080 = vector.broadcast %and3A_1079 : i32 to vector<16xi32>
        %and3A_1081 = arith.andi %bitcast3A_1078, %and3A_1080 : vector<16xi32>
        %bitcast3A_1082 = vector.bitcast %and3A_1081 : vector<16xi32> to vector<16xf32>
        %shift_left3A_1083 = arith.constant 16 : i32
        %shift_left3A_1084 = vector.broadcast %shift_left3A_1083 : i32 to vector<16xi32>
        %shift_left3A_1085 = arith.shli %bitcast3A_1078, %shift_left3A_1084 : vector<16xi32>
        %bitcast3A_1086 = vector.bitcast %shift_left3A_1085 : vector<16xi32> to vector<16xf32>
        %add3A_1087 = arith.addf %bitcast3A_1082, %bitcast3A_1086 : vector<16xf32>
        %get3A_1088 = arith.index_cast %add3A_1049 : i32 to index
        %get3A_1089 = arith.constant 32 : index
        %get3A_1090 = tpu.vector_load %arg12[%get3A_1088, %get3A_1089] {strides = array<i32>} : memref<80x64xi32, #tpu.memory_space<vmem>>, vector<16xi32>,
        %bitcast3A_1091 = vector.bitcast %get3A_1090 : vector<16xi32> to vector<32xbf16>
        %get3A_1092 = arith.index_cast %add3A_1049 : i32 to index
        %get3A_1093 = arith.constant 32 : index
        %get3A_1094 = tpu.vector_load %arg14[%get3A_1092, %get3A_1093] {strides = array<i32>} : memref<80x64xi32, #tpu.memory_space<vmem>>, vector<16xi32>,
        %bitcast3A_1095 = vector.bitcast %get3A_1094 : vector<16xi32> to vector<32xbf16>
        %mul3A_1096 = arith.mulf %bitcast3A_1091, %bitcast3A_1095 : vector<32xbf16>
        %bitcast3A_1097 = vector.bitcast %mul3A_1096 : vector<32xbf16> to vector<16xi32>
        %and3A_1098 = arith.constant -65536 : i32
        %and3A_1099 = vector.broadcast %and3A_1098 : i32 to vector<16xi32>
        %and3A_1100 = arith.andi %bitcast3A_1097, %and3A_1099 : vector<16xi32>
        %bitcast3A_1101 = vector.bitcast %and3A_1100 : vector<16xi32> to vector<16xf32>
        %shift_left3A_1102 = arith.constant 16 : i32
        %shift_left3A_1103 = vector.broadcast %shift_left3A_1102 : i32 to vector<16xi32>
        %shift_left3A_1104 = arith.shli %bitcast3A_1097, %shift_left3A_1103 : vector<16xi32>
        %bitcast3A_1105 = vector.bitcast %shift_left3A_1104 : vector<16xi32> to vector<16xf32>
        %add3A_1106 = arith.addf %bitcast3A_1101, %bitcast3A_1105 : vector<16xf32>
        %get3A_1107 = arith.index_cast %add3A_1049 : i32 to index
        %get3A_1108 = arith.constant 48 : index
        %get3A_1109 = tpu.vector_load %arg12[%get3A_1107, %get3A_1108] {strides = array<i32>} : memref<80x64xi32, #tpu.memory_space<vmem>>, vector<16xi32>,
        %bitcast3A_1110 = vector.bitcast %get3A_1109 : vector<16xi32> to vector<32xbf16>
        %get3A_1111 = arith.index_cast %add3A_1049 : i32 to index
        %get3A_1112 = arith.constant 48 : index
        %get3A_1113 = tpu.vector_load %arg14[%get3A_1111, %get3A_1112] {strides = array<i32>} : memref<80x64xi32, #tpu.memory_space<vmem>>, vector<16xi32>,
        %bitcast3A_1114 = vector.bitcast %get3A_1113 : vector<16xi32> to vector<32xbf16>
        %mul3A_1115 = arith.mulf %bitcast3A_1110, %bitcast3A_1114 : vector<32xbf16>
        %bitcast3A_1116 = vector.bitcast %mul3A_1115 : vector<32xbf16> to vector<16xi32>
        %and3A_1117 = arith.constant -65536 : i32
        %and3A_1118 = vector.broadcast %and3A_1117 : i32 to vector<16xi32>
        %and3A_1119 = arith.andi %bitcast3A_1116, %and3A_1118 : vector<16xi32>
        %bitcast3A_1120 = vector.bitcast %and3A_1119 : vector<16xi32> to vector<16xf32>
        %shift_left3A_1121 = arith.constant 16 : i32
        %shift_left3A_1122 = vector.broadcast %shift_left3A_1121 : i32 to vector<16xi32>
        %shift_left3A_1123 = arith.shli %bitcast3A_1116, %shift_left3A_1122 : vector<16xi32>
        %bitcast3A_1124 = vector.bitcast %shift_left3A_1123 : vector<16xi32> to vector<16xf32>
        %add3A_1125 = arith.addf %bitcast3A_1120, %bitcast3A_1124 : vector<16xf32>
        %add3A_1126 = arith.addf %add3A_1068, %add3A_1087 : vector<16xf32>
        %add3A_1127 = arith.addf %add3A_1106, %add3A_1125 : vector<16xf32>
        %add3A_1128 = arith.addf %add3A_1126, %add3A_1127 : vector<16xf32>
        %broadcast_in_dim3A_1129 = arith.constant 11 : i32
        %broadcast_in_dim3A_1130 = vector.broadcast %broadcast_in_dim3A_1129 : i32 to vector<16xi32>
        tpu.vector_store_idx %arg15[%iota3A, %broadcast_in_dim3A_1130], %add3A_1128 : memref<16x17xf32, #tpu.memory_space<vmem>>[vector<16xi32>, vector<16xi32>], vector<16xf32>,
        %mul3A_1131 = arith.constant 16 : i32
        %mul3A_1132 = arith.muli %add3A_105, %mul3A_1131 : i32
        %add3A_1133 = arith.constant 12 : i32
        %add3A_1134 = arith.addi %mul3A_1132, %add3A_1133 : i32
        %get3A_1135 = arith.index_cast %add3A_1134 : i32 to index
        %get3A_1136 = arith.constant 0 : index
        %get3A_1137 = tpu.vector_load %arg12[%get3A_1135, %get3A_1136] {strides = array<i32>} : memref<80x64xi32, #tpu.memory_space<vmem>>, vector<16xi32>,
        %bitcast3A_1138 = vector.bitcast %get3A_1137 : vector<16xi32> to vector<32xbf16>
        %get3A_1139 = arith.index_cast %add3A_1134 : i32 to index
        %get3A_1140 = arith.constant 0 : index
        %get3A_1141 = tpu.vector_load %arg14[%get3A_1139, %get3A_1140] {strides = array<i32>} : memref<80x64xi32, #tpu.memory_space<vmem>>, vector<16xi32>,
        %bitcast3A_1142 = vector.bitcast %get3A_1141 : vector<16xi32> to vector<32xbf16>
        %mul3A_1143 = arith.mulf %bitcast3A_1138, %bitcast3A_1142 : vector<32xbf16>
        %bitcast3A_1144 = vector.bitcast %mul3A_1143 : vector<32xbf16> to vector<16xi32>
        %and3A_1145 = arith.constant -65536 : i32
        %and3A_1146 = vector.broadcast %and3A_1145 : i32 to vector<16xi32>
        %and3A_1147 = arith.andi %bitcast3A_1144, %and3A_1146 : vector<16xi32>
        %bitcast3A_1148 = vector.bitcast %and3A_1147 : vector<16xi32> to vector<16xf32>
        %shift_left3A_1149 = arith.constant 16 : i32
        %shift_left3A_1150 = vector.broadcast %shift_left3A_1149 : i32 to vector<16xi32>
        %shift_left3A_1151 = arith.shli %bitcast3A_1144, %shift_left3A_1150 : vector<16xi32>
        %bitcast3A_1152 = vector.bitcast %shift_left3A_1151 : vector<16xi32> to vector<16xf32>
        %add3A_1153 = arith.addf %bitcast3A_1148, %bitcast3A_1152 : vector<16xf32>
        %get3A_1154 = arith.index_cast %add3A_1134 : i32 to index
        %get3A_1155 = arith.constant 16 : index
        %get3A_1156 = tpu.vector_load %arg12[%get3A_1154, %get3A_1155] {strides = array<i32>} : memref<80x64xi32, #tpu.memory_space<vmem>>, vector<16xi32>,
        %bitcast3A_1157 = vector.bitcast %get3A_1156 : vector<16xi32> to vector<32xbf16>
        %get3A_1158 = arith.index_cast %add3A_1134 : i32 to index
        %get3A_1159 = arith.constant 16 : index
        %get3A_1160 = tpu.vector_load %arg14[%get3A_1158, %get3A_1159] {strides = array<i32>} : memref<80x64xi32, #tpu.memory_space<vmem>>, vector<16xi32>,
        %bitcast3A_1161 = vector.bitcast %get3A_1160 : vector<16xi32> to vector<32xbf16>
        %mul3A_1162 = arith.mulf %bitcast3A_1157, %bitcast3A_1161 : vector<32xbf16>
        %bitcast3A_1163 = vector.bitcast %mul3A_1162 : vector<32xbf16> to vector<16xi32>
        %and3A_1164 = arith.constant -65536 : i32
        %and3A_1165 = vector.broadcast %and3A_1164 : i32 to vector<16xi32>
        %and3A_1166 = arith.andi %bitcast3A_1163, %and3A_1165 : vector<16xi32>
        %bitcast3A_1167 = vector.bitcast %and3A_1166 : vector<16xi32> to vector<16xf32>
        %shift_left3A_1168 = arith.constant 16 : i32
        %shift_left3A_1169 = vector.broadcast %shift_left3A_1168 : i32 to vector<16xi32>
        %shift_left3A_1170 = arith.shli %bitcast3A_1163, %shift_left3A_1169 : vector<16xi32>
        %bitcast3A_1171 = vector.bitcast %shift_left3A_1170 : vector<16xi32> to vector<16xf32>
        %add3A_1172 = arith.addf %bitcast3A_1167, %bitcast3A_1171 : vector<16xf32>
        %get3A_1173 = arith.index_cast %add3A_1134 : i32 to index
        %get3A_1174 = arith.constant 32 : index
        %get3A_1175 = tpu.vector_load %arg12[%get3A_1173, %get3A_1174] {strides = array<i32>} : memref<80x64xi32, #tpu.memory_space<vmem>>, vector<16xi32>,
        %bitcast3A_1176 = vector.bitcast %get3A_1175 : vector<16xi32> to vector<32xbf16>
        %get3A_1177 = arith.index_cast %add3A_1134 : i32 to index
        %get3A_1178 = arith.constant 32 : index
        %get3A_1179 = tpu.vector_load %arg14[%get3A_1177, %get3A_1178] {strides = array<i32>} : memref<80x64xi32, #tpu.memory_space<vmem>>, vector<16xi32>,
        %bitcast3A_1180 = vector.bitcast %get3A_1179 : vector<16xi32> to vector<32xbf16>
        %mul3A_1181 = arith.mulf %bitcast3A_1176, %bitcast3A_1180 : vector<32xbf16>
        %bitcast3A_1182 = vector.bitcast %mul3A_1181 : vector<32xbf16> to vector<16xi32>
        %and3A_1183 = arith.constant -65536 : i32
        %and3A_1184 = vector.broadcast %and3A_1183 : i32 to vector<16xi32>
        %and3A_1185 = arith.andi %bitcast3A_1182, %and3A_1184 : vector<16xi32>
        %bitcast3A_1186 = vector.bitcast %and3A_1185 : vector<16xi32> to vector<16xf32>
        %shift_left3A_1187 = arith.constant 16 : i32
        %shift_left3A_1188 = vector.broadcast %shift_left3A_1187 : i32 to vector<16xi32>
        %shift_left3A_1189 = arith.shli %bitcast3A_1182, %shift_left3A_1188 : vector<16xi32>
        %bitcast3A_1190 = vector.bitcast %shift_left3A_1189 : vector<16xi32> to vector<16xf32>
        %add3A_1191 = arith.addf %bitcast3A_1186, %bitcast3A_1190 : vector<16xf32>
        %get3A_1192 = arith.index_cast %add3A_1134 : i32 to index
        %get3A_1193 = arith.constant 48 : index
        %get3A_1194 = tpu.vector_load %arg12[%get3A_1192, %get3A_1193] {strides = array<i32>} : memref<80x64xi32, #tpu.memory_space<vmem>>, vector<16xi32>,
        %bitcast3A_1195 = vector.bitcast %get3A_1194 : vector<16xi32> to vector<32xbf16>
        %get3A_1196 = arith.index_cast %add3A_1134 : i32 to index
        %get3A_1197 = arith.constant 48 : index
        %get3A_1198 = tpu.vector_load %arg14[%get3A_1196, %get3A_1197] {strides = array<i32>} : memref<80x64xi32, #tpu.memory_space<vmem>>, vector<16xi32>,
        %bitcast3A_1199 = vector.bitcast %get3A_1198 : vector<16xi32> to vector<32xbf16>
        %mul3A_1200 = arith.mulf %bitcast3A_1195, %bitcast3A_1199 : vector<32xbf16>
        %bitcast3A_1201 = vector.bitcast %mul3A_1200 : vector<32xbf16> to vector<16xi32>
        %and3A_1202 = arith.constant -65536 : i32
        %and3A_1203 = vector.broadcast %and3A_1202 : i32 to vector<16xi32>
        %and3A_1204 = arith.andi %bitcast3A_1201, %and3A_1203 : vector<16xi32>
        %bitcast3A_1205 = vector.bitcast %and3A_1204 : vector<16xi32> to vector<16xf32>
        %shift_left3A_1206 = arith.constant 16 : i32
        %shift_left3A_1207 = vector.broadcast %shift_left3A_1206 : i32 to vector<16xi32>
        %shift_left3A_1208 = arith.shli %bitcast3A_1201, %shift_left3A_1207 : vector<16xi32>
        %bitcast3A_1209 = vector.bitcast %shift_left3A_1208 : vector<16xi32> to vector<16xf32>
        %add3A_1210 = arith.addf %bitcast3A_1205, %bitcast3A_1209 : vector<16xf32>
        %add3A_1211 = arith.addf %add3A_1153, %add3A_1172 : vector<16xf32>
        %add3A_1212 = arith.addf %add3A_1191, %add3A_1210 : vector<16xf32>
        %add3A_1213 = arith.addf %add3A_1211, %add3A_1212 : vector<16xf32>
        %broadcast_in_dim3A_1214 = arith.constant 12 : i32
        %broadcast_in_dim3A_1215 = vector.broadcast %broadcast_in_dim3A_1214 : i32 to vector<16xi32>
        tpu.vector_store_idx %arg15[%iota3A, %broadcast_in_dim3A_1215], %add3A_1213 : memref<16x17xf32, #tpu.memory_space<vmem>>[vector<16xi32>, vector<16xi32>], vector<16xf32>,
        %mul3A_1216 = arith.constant 16 : i32
        %mul3A_1217 = arith.muli %add3A_105, %mul3A_1216 : i32
        %add3A_1218 = arith.constant 13 : i32
        %add3A_1219 = arith.addi %mul3A_1217, %add3A_1218 : i32
        %get3A_1220 = arith.index_cast %add3A_1219 : i32 to index
        %get3A_1221 = arith.constant 0 : index
        %get3A_1222 = tpu.vector_load %arg12[%get3A_1220, %get3A_1221] {strides = array<i32>} : memref<80x64xi32, #tpu.memory_space<vmem>>, vector<16xi32>,
        %bitcast3A_1223 = vector.bitcast %get3A_1222 : vector<16xi32> to vector<32xbf16>
        %get3A_1224 = arith.index_cast %add3A_1219 : i32 to index
        %get3A_1225 = arith.constant 0 : index
        %get3A_1226 = tpu.vector_load %arg14[%get3A_1224, %get3A_1225] {strides = array<i32>} : memref<80x64xi32, #tpu.memory_space<vmem>>, vector<16xi32>,
        %bitcast3A_1227 = vector.bitcast %get3A_1226 : vector<16xi32> to vector<32xbf16>
        %mul3A_1228 = arith.mulf %bitcast3A_1223, %bitcast3A_1227 : vector<32xbf16>
        %bitcast3A_1229 = vector.bitcast %mul3A_1228 : vector<32xbf16> to vector<16xi32>
        %and3A_1230 = arith.constant -65536 : i32
        %and3A_1231 = vector.broadcast %and3A_1230 : i32 to vector<16xi32>
        %and3A_1232 = arith.andi %bitcast3A_1229, %and3A_1231 : vector<16xi32>
        %bitcast3A_1233 = vector.bitcast %and3A_1232 : vector<16xi32> to vector<16xf32>
        %shift_left3A_1234 = arith.constant 16 : i32
        %shift_left3A_1235 = vector.broadcast %shift_left3A_1234 : i32 to vector<16xi32>
        %shift_left3A_1236 = arith.shli %bitcast3A_1229, %shift_left3A_1235 : vector<16xi32>
        %bitcast3A_1237 = vector.bitcast %shift_left3A_1236 : vector<16xi32> to vector<16xf32>
        %add3A_1238 = arith.addf %bitcast3A_1233, %bitcast3A_1237 : vector<16xf32>
        %get3A_1239 = arith.index_cast %add3A_1219 : i32 to index
        %get3A_1240 = arith.constant 16 : index
        %get3A_1241 = tpu.vector_load %arg12[%get3A_1239, %get3A_1240] {strides = array<i32>} : memref<80x64xi32, #tpu.memory_space<vmem>>, vector<16xi32>,
        %bitcast3A_1242 = vector.bitcast %get3A_1241 : vector<16xi32> to vector<32xbf16>
        %get3A_1243 = arith.index_cast %add3A_1219 : i32 to index
        %get3A_1244 = arith.constant 16 : index
        %get3A_1245 = tpu.vector_load %arg14[%get3A_1243, %get3A_1244] {strides = array<i32>} : memref<80x64xi32, #tpu.memory_space<vmem>>, vector<16xi32>,
        %bitcast3A_1246 = vector.bitcast %get3A_1245 : vector<16xi32> to vector<32xbf16>
        %mul3A_1247 = arith.mulf %bitcast3A_1242, %bitcast3A_1246 : vector<32xbf16>
        %bitcast3A_1248 = vector.bitcast %mul3A_1247 : vector<32xbf16> to vector<16xi32>
        %and3A_1249 = arith.constant -65536 : i32
        %and3A_1250 = vector.broadcast %and3A_1249 : i32 to vector<16xi32>
        %and3A_1251 = arith.andi %bitcast3A_1248, %and3A_1250 : vector<16xi32>
        %bitcast3A_1252 = vector.bitcast %and3A_1251 : vector<16xi32> to vector<16xf32>
        %shift_left3A_1253 = arith.constant 16 : i32
        %shift_left3A_1254 = vector.broadcast %shift_left3A_1253 : i32 to vector<16xi32>
        %shift_left3A_1255 = arith.shli %bitcast3A_1248, %shift_left3A_1254 : vector<16xi32>
        %bitcast3A_1256 = vector.bitcast %shift_left3A_1255 : vector<16xi32> to vector<16xf32>
        %add3A_1257 = arith.addf %bitcast3A_1252, %bitcast3A_1256 : vector<16xf32>
        %get3A_1258 = arith.index_cast %add3A_1219 : i32 to index
        %get3A_1259 = arith.constant 32 : index
        %get3A_1260 = tpu.vector_load %arg12[%get3A_1258, %get3A_1259] {strides = array<i32>} : memref<80x64xi32, #tpu.memory_space<vmem>>, vector<16xi32>,
        %bitcast3A_1261 = vector.bitcast %get3A_1260 : vector<16xi32> to vector<32xbf16>
        %get3A_1262 = arith.index_cast %add3A_1219 : i32 to index
        %get3A_1263 = arith.constant 32 : index
        %get3A_1264 = tpu.vector_load %arg14[%get3A_1262, %get3A_1263] {strides = array<i32>} : memref<80x64xi32, #tpu.memory_space<vmem>>, vector<16xi32>,
        %bitcast3A_1265 = vector.bitcast %get3A_1264 : vector<16xi32> to vector<32xbf16>
        %mul3A_1266 = arith.mulf %bitcast3A_1261, %bitcast3A_1265 : vector<32xbf16>
        %bitcast3A_1267 = vector.bitcast %mul3A_1266 : vector<32xbf16> to vector<16xi32>
        %and3A_1268 = arith.constant -65536 : i32
        %and3A_1269 = vector.broadcast %and3A_1268 : i32 to vector<16xi32>
        %and3A_1270 = arith.andi %bitcast3A_1267, %and3A_1269 : vector<16xi32>
        %bitcast3A_1271 = vector.bitcast %and3A_1270 : vector<16xi32> to vector<16xf32>
        %shift_left3A_1272 = arith.constant 16 : i32
        %shift_left3A_1273 = vector.broadcast %shift_left3A_1272 : i32 to vector<16xi32>
        %shift_left3A_1274 = arith.shli %bitcast3A_1267, %shift_left3A_1273 : vector<16xi32>
        %bitcast3A_1275 = vector.bitcast %shift_left3A_1274 : vector<16xi32> to vector<16xf32>
        %add3A_1276 = arith.addf %bitcast3A_1271, %bitcast3A_1275 : vector<16xf32>
        %get3A_1277 = arith.index_cast %add3A_1219 : i32 to index
        %get3A_1278 = arith.constant 48 : index
        %get3A_1279 = tpu.vector_load %arg12[%get3A_1277, %get3A_1278] {strides = array<i32>} : memref<80x64xi32, #tpu.memory_space<vmem>>, vector<16xi32>,
        %bitcast3A_1280 = vector.bitcast %get3A_1279 : vector<16xi32> to vector<32xbf16>
        %get3A_1281 = arith.index_cast %add3A_1219 : i32 to index
        %get3A_1282 = arith.constant 48 : index
        %get3A_1283 = tpu.vector_load %arg14[%get3A_1281, %get3A_1282] {strides = array<i32>} : memref<80x64xi32, #tpu.memory_space<vmem>>, vector<16xi32>,
        %bitcast3A_1284 = vector.bitcast %get3A_1283 : vector<16xi32> to vector<32xbf16>
        %mul3A_1285 = arith.mulf %bitcast3A_1280, %bitcast3A_1284 : vector<32xbf16>
        %bitcast3A_1286 = vector.bitcast %mul3A_1285 : vector<32xbf16> to vector<16xi32>
        %and3A_1287 = arith.constant -65536 : i32
        %and3A_1288 = vector.broadcast %and3A_1287 : i32 to vector<16xi32>
        %and3A_1289 = arith.andi %bitcast3A_1286, %and3A_1288 : vector<16xi32>
        %bitcast3A_1290 = vector.bitcast %and3A_1289 : vector<16xi32> to vector<16xf32>
        %shift_left3A_1291 = arith.constant 16 : i32
        %shift_left3A_1292 = vector.broadcast %shift_left3A_1291 : i32 to vector<16xi32>
        %shift_left3A_1293 = arith.shli %bitcast3A_1286, %shift_left3A_1292 : vector<16xi32>
        %bitcast3A_1294 = vector.bitcast %shift_left3A_1293 : vector<16xi32> to vector<16xf32>
        %add3A_1295 = arith.addf %bitcast3A_1290, %bitcast3A_1294 : vector<16xf32>
        %add3A_1296 = arith.addf %add3A_1238, %add3A_1257 : vector<16xf32>
        %add3A_1297 = arith.addf %add3A_1276, %add3A_1295 : vector<16xf32>
        %add3A_1298 = arith.addf %add3A_1296, %add3A_1297 : vector<16xf32>
        %broadcast_in_dim3A_1299 = arith.constant 13 : i32
        %broadcast_in_dim3A_1300 = vector.broadcast %broadcast_in_dim3A_1299 : i32 to vector<16xi32>
        tpu.vector_store_idx %arg15[%iota3A, %broadcast_in_dim3A_1300], %add3A_1298 : memref<16x17xf32, #tpu.memory_space<vmem>>[vector<16xi32>, vector<16xi32>], vector<16xf32>,
        %mul3A_1301 = arith.constant 16 : i32
        %mul3A_1302 = arith.muli %add3A_105, %mul3A_1301 : i32
        %add3A_1303 = arith.constant 14 : i32
        %add3A_1304 = arith.addi %mul3A_1302, %add3A_1303 : i32
        %get3A_1305 = arith.index_cast %add3A_1304 : i32 to index
        %get3A_1306 = arith.constant 0 : index
        %get3A_1307 = tpu.vector_load %arg12[%get3A_1305, %get3A_1306] {strides = array<i32>} : memref<80x64xi32, #tpu.memory_space<vmem>>, vector<16xi32>,
        %bitcast3A_1308 = vector.bitcast %get3A_1307 : vector<16xi32> to vector<32xbf16>
        %get3A_1309 = arith.index_cast %add3A_1304 : i32 to index
        %get3A_1310 = arith.constant 0 : index
        %get3A_1311 = tpu.vector_load %arg14[%get3A_1309, %get3A_1310] {strides = array<i32>} : memref<80x64xi32, #tpu.memory_space<vmem>>, vector<16xi32>,
        %bitcast3A_1312 = vector.bitcast %get3A_1311 : vector<16xi32> to vector<32xbf16>
        %mul3A_1313 = arith.mulf %bitcast3A_1308, %bitcast3A_1312 : vector<32xbf16>
        %bitcast3A_1314 = vector.bitcast %mul3A_1313 : vector<32xbf16> to vector<16xi32>
        %and3A_1315 = arith.constant -65536 : i32
        %and3A_1316 = vector.broadcast %and3A_1315 : i32 to vector<16xi32>
        %and3A_1317 = arith.andi %bitcast3A_1314, %and3A_1316 : vector<16xi32>
        %bitcast3A_1318 = vector.bitcast %and3A_1317 : vector<16xi32> to vector<16xf32>
        %shift_left3A_1319 = arith.constant 16 : i32
        %shift_left3A_1320 = vector.broadcast %shift_left3A_1319 : i32 to vector<16xi32>
        %shift_left3A_1321 = arith.shli %bitcast3A_1314, %shift_left3A_1320 : vector<16xi32>
        %bitcast3A_1322 = vector.bitcast %shift_left3A_1321 : vector<16xi32> to vector<16xf32>
        %add3A_1323 = arith.addf %bitcast3A_1318, %bitcast3A_1322 : vector<16xf32>
        %get3A_1324 = arith.index_cast %add3A_1304 : i32 to index
        %get3A_1325 = arith.constant 16 : index
        %get3A_1326 = tpu.vector_load %arg12[%get3A_1324, %get3A_1325] {strides = array<i32>} : memref<80x64xi32, #tpu.memory_space<vmem>>, vector<16xi32>,
        %bitcast3A_1327 = vector.bitcast %get3A_1326 : vector<16xi32> to vector<32xbf16>
        %get3A_1328 = arith.index_cast %add3A_1304 : i32 to index
        %get3A_1329 = arith.constant 16 : index
        %get3A_1330 = tpu.vector_load %arg14[%get3A_1328, %get3A_1329] {strides = array<i32>} : memref<80x64xi32, #tpu.memory_space<vmem>>, vector<16xi32>,
        %bitcast3A_1331 = vector.bitcast %get3A_1330 : vector<16xi32> to vector<32xbf16>
        %mul3A_1332 = arith.mulf %bitcast3A_1327, %bitcast3A_1331 : vector<32xbf16>
        %bitcast3A_1333 = vector.bitcast %mul3A_1332 : vector<32xbf16> to vector<16xi32>
        %and3A_1334 = arith.constant -65536 : i32
        %and3A_1335 = vector.broadcast %and3A_1334 : i32 to vector<16xi32>
        %and3A_1336 = arith.andi %bitcast3A_1333, %and3A_1335 : vector<16xi32>
        %bitcast3A_1337 = vector.bitcast %and3A_1336 : vector<16xi32> to vector<16xf32>
        %shift_left3A_1338 = arith.constant 16 : i32
        %shift_left3A_1339 = vector.broadcast %shift_left3A_1338 : i32 to vector<16xi32>
        %shift_left3A_1340 = arith.shli %bitcast3A_1333, %shift_left3A_1339 : vector<16xi32>
        %bitcast3A_1341 = vector.bitcast %shift_left3A_1340 : vector<16xi32> to vector<16xf32>
        %add3A_1342 = arith.addf %bitcast3A_1337, %bitcast3A_1341 : vector<16xf32>
        %get3A_1343 = arith.index_cast %add3A_1304 : i32 to index
        %get3A_1344 = arith.constant 32 : index
        %get3A_1345 = tpu.vector_load %arg12[%get3A_1343, %get3A_1344] {strides = array<i32>} : memref<80x64xi32, #tpu.memory_space<vmem>>, vector<16xi32>,
        %bitcast3A_1346 = vector.bitcast %get3A_1345 : vector<16xi32> to vector<32xbf16>
        %get3A_1347 = arith.index_cast %add3A_1304 : i32 to index
        %get3A_1348 = arith.constant 32 : index
        %get3A_1349 = tpu.vector_load %arg14[%get3A_1347, %get3A_1348] {strides = array<i32>} : memref<80x64xi32, #tpu.memory_space<vmem>>, vector<16xi32>,
        %bitcast3A_1350 = vector.bitcast %get3A_1349 : vector<16xi32> to vector<32xbf16>
        %mul3A_1351 = arith.mulf %bitcast3A_1346, %bitcast3A_1350 : vector<32xbf16>
        %bitcast3A_1352 = vector.bitcast %mul3A_1351 : vector<32xbf16> to vector<16xi32>
        %and3A_1353 = arith.constant -65536 : i32
        %and3A_1354 = vector.broadcast %and3A_1353 : i32 to vector<16xi32>
        %and3A_1355 = arith.andi %bitcast3A_1352, %and3A_1354 : vector<16xi32>
        %bitcast3A_1356 = vector.bitcast %and3A_1355 : vector<16xi32> to vector<16xf32>
        %shift_left3A_1357 = arith.constant 16 : i32
        %shift_left3A_1358 = vector.broadcast %shift_left3A_1357 : i32 to vector<16xi32>
        %shift_left3A_1359 = arith.shli %bitcast3A_1352, %shift_left3A_1358 : vector<16xi32>
        %bitcast3A_1360 = vector.bitcast %shift_left3A_1359 : vector<16xi32> to vector<16xf32>
        %add3A_1361 = arith.addf %bitcast3A_1356, %bitcast3A_1360 : vector<16xf32>
        %get3A_1362 = arith.index_cast %add3A_1304 : i32 to index
        %get3A_1363 = arith.constant 48 : index
        %get3A_1364 = tpu.vector_load %arg12[%get3A_1362, %get3A_1363] {strides = array<i32>} : memref<80x64xi32, #tpu.memory_space<vmem>>, vector<16xi32>,
        %bitcast3A_1365 = vector.bitcast %get3A_1364 : vector<16xi32> to vector<32xbf16>
        %get3A_1366 = arith.index_cast %add3A_1304 : i32 to index
        %get3A_1367 = arith.constant 48 : index
        %get3A_1368 = tpu.vector_load %arg14[%get3A_1366, %get3A_1367] {strides = array<i32>} : memref<80x64xi32, #tpu.memory_space<vmem>>, vector<16xi32>,
        %bitcast3A_1369 = vector.bitcast %get3A_1368 : vector<16xi32> to vector<32xbf16>
        %mul3A_1370 = arith.mulf %bitcast3A_1365, %bitcast3A_1369 : vector<32xbf16>
        %bitcast3A_1371 = vector.bitcast %mul3A_1370 : vector<32xbf16> to vector<16xi32>
        %and3A_1372 = arith.constant -65536 : i32
        %and3A_1373 = vector.broadcast %and3A_1372 : i32 to vector<16xi32>
        %and3A_1374 = arith.andi %bitcast3A_1371, %and3A_1373 : vector<16xi32>
        %bitcast3A_1375 = vector.bitcast %and3A_1374 : vector<16xi32> to vector<16xf32>
        %shift_left3A_1376 = arith.constant 16 : i32
        %shift_left3A_1377 = vector.broadcast %shift_left3A_1376 : i32 to vector<16xi32>
        %shift_left3A_1378 = arith.shli %bitcast3A_1371, %shift_left3A_1377 : vector<16xi32>
        %bitcast3A_1379 = vector.bitcast %shift_left3A_1378 : vector<16xi32> to vector<16xf32>
        %add3A_1380 = arith.addf %bitcast3A_1375, %bitcast3A_1379 : vector<16xf32>
        %add3A_1381 = arith.addf %add3A_1323, %add3A_1342 : vector<16xf32>
        %add3A_1382 = arith.addf %add3A_1361, %add3A_1380 : vector<16xf32>
        %add3A_1383 = arith.addf %add3A_1381, %add3A_1382 : vector<16xf32>
        %broadcast_in_dim3A_1384 = arith.constant 14 : i32
        %broadcast_in_dim3A_1385 = vector.broadcast %broadcast_in_dim3A_1384 : i32 to vector<16xi32>
        tpu.vector_store_idx %arg15[%iota3A, %broadcast_in_dim3A_1385], %add3A_1383 : memref<16x17xf32, #tpu.memory_space<vmem>>[vector<16xi32>, vector<16xi32>], vector<16xf32>,
        %mul3A_1386 = arith.constant 16 : i32
        %mul3A_1387 = arith.muli %add3A_105, %mul3A_1386 : i32
        %add3A_1388 = arith.constant 15 : i32
        %add3A_1389 = arith.addi %mul3A_1387, %add3A_1388 : i32
        %get3A_1390 = arith.index_cast %add3A_1389 : i32 to index
        %get3A_1391 = arith.constant 0 : index
        %get3A_1392 = tpu.vector_load %arg12[%get3A_1390, %get3A_1391] {strides = array<i32>} : memref<80x64xi32, #tpu.memory_space<vmem>>, vector<16xi32>,
        %bitcast3A_1393 = vector.bitcast %get3A_1392 : vector<16xi32> to vector<32xbf16>
        %get3A_1394 = arith.index_cast %add3A_1389 : i32 to index
        %get3A_1395 = arith.constant 0 : index
        %get3A_1396 = tpu.vector_load %arg14[%get3A_1394, %get3A_1395] {strides = array<i32>} : memref<80x64xi32, #tpu.memory_space<vmem>>, vector<16xi32>,
        %bitcast3A_1397 = vector.bitcast %get3A_1396 : vector<16xi32> to vector<32xbf16>
        %mul3A_1398 = arith.mulf %bitcast3A_1393, %bitcast3A_1397 : vector<32xbf16>
        %bitcast3A_1399 = vector.bitcast %mul3A_1398 : vector<32xbf16> to vector<16xi32>
        %and3A_1400 = arith.constant -65536 : i32
        %and3A_1401 = vector.broadcast %and3A_1400 : i32 to vector<16xi32>
        %and3A_1402 = arith.andi %bitcast3A_1399, %and3A_1401 : vector<16xi32>
        %bitcast3A_1403 = vector.bitcast %and3A_1402 : vector<16xi32> to vector<16xf32>
        %shift_left3A_1404 = arith.constant 16 : i32
        %shift_left3A_1405 = vector.broadcast %shift_left3A_1404 : i32 to vector<16xi32>
        %shift_left3A_1406 = arith.shli %bitcast3A_1399, %shift_left3A_1405 : vector<16xi32>
        %bitcast3A_1407 = vector.bitcast %shift_left3A_1406 : vector<16xi32> to vector<16xf32>
        %add3A_1408 = arith.addf %bitcast3A_1403, %bitcast3A_1407 : vector<16xf32>
        %get3A_1409 = arith.index_cast %add3A_1389 : i32 to index
        %get3A_1410 = arith.constant 16 : index
        %get3A_1411 = tpu.vector_load %arg12[%get3A_1409, %get3A_1410] {strides = array<i32>} : memref<80x64xi32, #tpu.memory_space<vmem>>, vector<16xi32>,
        %bitcast3A_1412 = vector.bitcast %get3A_1411 : vector<16xi32> to vector<32xbf16>
        %get3A_1413 = arith.index_cast %add3A_1389 : i32 to index
        %get3A_1414 = arith.constant 16 : index
        %get3A_1415 = tpu.vector_load %arg14[%get3A_1413, %get3A_1414] {strides = array<i32>} : memref<80x64xi32, #tpu.memory_space<vmem>>, vector<16xi32>,
        %bitcast3A_1416 = vector.bitcast %get3A_1415 : vector<16xi32> to vector<32xbf16>
        %mul3A_1417 = arith.mulf %bitcast3A_1412, %bitcast3A_1416 : vector<32xbf16>
        %bitcast3A_1418 = vector.bitcast %mul3A_1417 : vector<32xbf16> to vector<16xi32>
        %and3A_1419 = arith.constant -65536 : i32
        %and3A_1420 = vector.broadcast %and3A_1419 : i32 to vector<16xi32>
        %and3A_1421 = arith.andi %bitcast3A_1418, %and3A_1420 : vector<16xi32>
        %bitcast3A_1422 = vector.bitcast %and3A_1421 : vector<16xi32> to vector<16xf32>
        %shift_left3A_1423 = arith.constant 16 : i32
        %shift_left3A_1424 = vector.broadcast %shift_left3A_1423 : i32 to vector<16xi32>
        %shift_left3A_1425 = arith.shli %bitcast3A_1418, %shift_left3A_1424 : vector<16xi32>
        %bitcast3A_1426 = vector.bitcast %shift_left3A_1425 : vector<16xi32> to vector<16xf32>
        %add3A_1427 = arith.addf %bitcast3A_1422, %bitcast3A_1426 : vector<16xf32>
        %get3A_1428 = arith.index_cast %add3A_1389 : i32 to index
        %get3A_1429 = arith.constant 32 : index
        %get3A_1430 = tpu.vector_load %arg12[%get3A_1428, %get3A_1429] {strides = array<i32>} : memref<80x64xi32, #tpu.memory_space<vmem>>, vector<16xi32>,
        %bitcast3A_1431 = vector.bitcast %get3A_1430 : vector<16xi32> to vector<32xbf16>
        %get3A_1432 = arith.index_cast %add3A_1389 : i32 to index
        %get3A_1433 = arith.constant 32 : index
        %get3A_1434 = tpu.vector_load %arg14[%get3A_1432, %get3A_1433] {strides = array<i32>} : memref<80x64xi32, #tpu.memory_space<vmem>>, vector<16xi32>,
        %bitcast3A_1435 = vector.bitcast %get3A_1434 : vector<16xi32> to vector<32xbf16>
        %mul3A_1436 = arith.mulf %bitcast3A_1431, %bitcast3A_1435 : vector<32xbf16>
        %bitcast3A_1437 = vector.bitcast %mul3A_1436 : vector<32xbf16> to vector<16xi32>
        %and3A_1438 = arith.constant -65536 : i32
        %and3A_1439 = vector.broadcast %and3A_1438 : i32 to vector<16xi32>
        %and3A_1440 = arith.andi %bitcast3A_1437, %and3A_1439 : vector<16xi32>
        %bitcast3A_1441 = vector.bitcast %and3A_1440 : vector<16xi32> to vector<16xf32>
        %shift_left3A_1442 = arith.constant 16 : i32
        %shift_left3A_1443 = vector.broadcast %shift_left3A_1442 : i32 to vector<16xi32>
        %shift_left3A_1444 = arith.shli %bitcast3A_1437, %shift_left3A_1443 : vector<16xi32>
        %bitcast3A_1445 = vector.bitcast %shift_left3A_1444 : vector<16xi32> to vector<16xf32>
        %add3A_1446 = arith.addf %bitcast3A_1441, %bitcast3A_1445 : vector<16xf32>
        %get3A_1447 = arith.index_cast %add3A_1389 : i32 to index
        %get3A_1448 = arith.constant 48 : index
        %get3A_1449 = tpu.vector_load %arg12[%get3A_1447, %get3A_1448] {strides = array<i32>} : memref<80x64xi32, #tpu.memory_space<vmem>>, vector<16xi32>,
        %bitcast3A_1450 = vector.bitcast %get3A_1449 : vector<16xi32> to vector<32xbf16>
        %get3A_1451 = arith.index_cast %add3A_1389 : i32 to index
        %get3A_1452 = arith.constant 48 : index
        %get3A_1453 = tpu.vector_load %arg14[%get3A_1451, %get3A_1452] {strides = array<i32>} : memref<80x64xi32, #tpu.memory_space<vmem>>, vector<16xi32>,
        %bitcast3A_1454 = vector.bitcast %get3A_1453 : vector<16xi32> to vector<32xbf16>
        %mul3A_1455 = arith.mulf %bitcast3A_1450, %bitcast3A_1454 : vector<32xbf16>
        %bitcast3A_1456 = vector.bitcast %mul3A_1455 : vector<32xbf16> to vector<16xi32>
        %and3A_1457 = arith.constant -65536 : i32
        %and3A_1458 = vector.broadcast %and3A_1457 : i32 to vector<16xi32>
        %and3A_1459 = arith.andi %bitcast3A_1456, %and3A_1458 : vector<16xi32>
        %bitcast3A_1460 = vector.bitcast %and3A_1459 : vector<16xi32> to vector<16xf32>
        %shift_left3A_1461 = arith.constant 16 : i32
        %shift_left3A_1462 = vector.broadcast %shift_left3A_1461 : i32 to vector<16xi32>
        %shift_left3A_1463 = arith.shli %bitcast3A_1456, %shift_left3A_1462 : vector<16xi32>
        %bitcast3A_1464 = vector.bitcast %shift_left3A_1463 : vector<16xi32> to vector<16xf32>
        %add3A_1465 = arith.addf %bitcast3A_1460, %bitcast3A_1464 : vector<16xf32>
        %add3A_1466 = arith.addf %add3A_1408, %add3A_1427 : vector<16xf32>
        %add3A_1467 = arith.addf %add3A_1446, %add3A_1465 : vector<16xf32>
        %add3A_1468 = arith.addf %add3A_1466, %add3A_1467 : vector<16xf32>
        %broadcast_in_dim3A_1469 = arith.constant 15 : i32
        %broadcast_in_dim3A_1470 = vector.broadcast %broadcast_in_dim3A_1469 : i32 to vector<16xi32>
        tpu.vector_store_idx %arg15[%iota3A, %broadcast_in_dim3A_1470], %add3A_1468 : memref<16x17xf32, #tpu.memory_space<vmem>>[vector<16xi32>, vector<16xi32>], vector<16xf32>,
        %get3A_1471 = arith.constant 0 : i32
        %get3A_1472 = arith.index_cast %get3A_1471 : i32 to index
        %get3A_1473 = arith.constant 0 : index
        %get3A_1474 = tpu.vector_load %arg15[%get3A_1472, %get3A_1473] {strides = array<i32>} : memref<16x17xf32, #tpu.memory_space<vmem>>, vector<16xf32>,
        %get3A_1475 = arith.constant 1 : i32
        %get3A_1476 = arith.index_cast %get3A_1475 : i32 to index
        %get3A_1477 = arith.constant 0 : index
        %get3A_1478 = tpu.vector_load %arg15[%get3A_1476, %get3A_1477] {strides = array<i32>} : memref<16x17xf32, #tpu.memory_space<vmem>>, vector<16xf32>,
        %get3A_1479 = arith.constant 2 : i32
        %get3A_1480 = arith.index_cast %get3A_1479 : i32 to index
        %get3A_1481 = arith.constant 0 : index
        %get3A_1482 = tpu.vector_load %arg15[%get3A_1480, %get3A_1481] {strides = array<i32>} : memref<16x17xf32, #tpu.memory_space<vmem>>, vector<16xf32>,
        %get3A_1483 = arith.constant 3 : i32
        %get3A_1484 = arith.index_cast %get3A_1483 : i32 to index
        %get3A_1485 = arith.constant 0 : index
        %get3A_1486 = tpu.vector_load %arg15[%get3A_1484, %get3A_1485] {strides = array<i32>} : memref<16x17xf32, #tpu.memory_space<vmem>>, vector<16xf32>,
        %get3A_1487 = arith.constant 4 : i32
        %get3A_1488 = arith.index_cast %get3A_1487 : i32 to index
        %get3A_1489 = arith.constant 0 : index
        %get3A_1490 = tpu.vector_load %arg15[%get3A_1488, %get3A_1489] {strides = array<i32>} : memref<16x17xf32, #tpu.memory_space<vmem>>, vector<16xf32>,
        %get3A_1491 = arith.constant 5 : i32
        %get3A_1492 = arith.index_cast %get3A_1491 : i32 to index
        %get3A_1493 = arith.constant 0 : index
        %get3A_1494 = tpu.vector_load %arg15[%get3A_1492, %get3A_1493] {strides = array<i32>} : memref<16x17xf32, #tpu.memory_space<vmem>>, vector<16xf32>,
        %get3A_1495 = arith.constant 6 : i32
        %get3A_1496 = arith.index_cast %get3A_1495 : i32 to index
        %get3A_1497 = arith.constant 0 : index
        %get3A_1498 = tpu.vector_load %arg15[%get3A_1496, %get3A_1497] {strides = array<i32>} : memref<16x17xf32, #tpu.memory_space<vmem>>, vector<16xf32>,
        %get3A_1499 = arith.constant 7 : i32
        %get3A_1500 = arith.index_cast %get3A_1499 : i32 to index
        %get3A_1501 = arith.constant 0 : index
        %get3A_1502 = tpu.vector_load %arg15[%get3A_1500, %get3A_1501] {strides = array<i32>} : memref<16x17xf32, #tpu.memory_space<vmem>>, vector<16xf32>,
        %get3A_1503 = arith.constant 8 : i32
        %get3A_1504 = arith.index_cast %get3A_1503 : i32 to index
        %get3A_1505 = arith.constant 0 : index
        %get3A_1506 = tpu.vector_load %arg15[%get3A_1504, %get3A_1505] {strides = array<i32>} : memref<16x17xf32, #tpu.memory_space<vmem>>, vector<16xf32>,
        %get3A_1507 = arith.constant 9 : i32
        %get3A_1508 = arith.index_cast %get3A_1507 : i32 to index
        %get3A_1509 = arith.constant 0 : index
        %get3A_1510 = tpu.vector_load %arg15[%get3A_1508, %get3A_1509] {strides = array<i32>} : memref<16x17xf32, #tpu.memory_space<vmem>>, vector<16xf32>,
        %get3A_1511 = arith.constant 10 : i32
        %get3A_1512 = arith.index_cast %get3A_1511 : i32 to index
        %get3A_1513 = arith.constant 0 : index
        %get3A_1514 = tpu.vector_load %arg15[%get3A_1512, %get3A_1513] {strides = array<i32>} : memref<16x17xf32, #tpu.memory_space<vmem>>, vector<16xf32>,
        %get3A_1515 = arith.constant 11 : i32
        %get3A_1516 = arith.index_cast %get3A_1515 : i32 to index
        %get3A_1517 = arith.constant 0 : index
        %get3A_1518 = tpu.vector_load %arg15[%get3A_1516, %get3A_1517] {strides = array<i32>} : memref<16x17xf32, #tpu.memory_space<vmem>>, vector<16xf32>,
        %get3A_1519 = arith.constant 12 : i32
        %get3A_1520 = arith.index_cast %get3A_1519 : i32 to index
        %get3A_1521 = arith.constant 0 : index
        %get3A_1522 = tpu.vector_load %arg15[%get3A_1520, %get3A_1521] {strides = array<i32>} : memref<16x17xf32, #tpu.memory_space<vmem>>, vector<16xf32>,
        %get3A_1523 = arith.constant 13 : i32
        %get3A_1524 = arith.index_cast %get3A_1523 : i32 to index
        %get3A_1525 = arith.constant 0 : index
        %get3A_1526 = tpu.vector_load %arg15[%get3A_1524, %get3A_1525] {strides = array<i32>} : memref<16x17xf32, #tpu.memory_space<vmem>>, vector<16xf32>,
        %get3A_1527 = arith.constant 14 : i32
        %get3A_1528 = arith.index_cast %get3A_1527 : i32 to index
        %get3A_1529 = arith.constant 0 : index
        %get3A_1530 = tpu.vector_load %arg15[%get3A_1528, %get3A_1529] {strides = array<i32>} : memref<16x17xf32, #tpu.memory_space<vmem>>, vector<16xf32>,
        %get3A_1531 = arith.constant 15 : i32
        %get3A_1532 = arith.index_cast %get3A_1531 : i32 to index
        %get3A_1533 = arith.constant 0 : index
        %get3A_1534 = tpu.vector_load %arg15[%get3A_1532, %get3A_1533] {strides = array<i32>} : memref<16x17xf32, #tpu.memory_space<vmem>>, vector<16xf32>,
        %add3A_1535 = arith.addf %get3A_1474, %get3A_1478 : vector<16xf32>
        %add3A_1536 = arith.addf %get3A_1482, %get3A_1486 : vector<16xf32>
        %add3A_1537 = arith.addf %get3A_1490, %get3A_1494 : vector<16xf32>
        %add3A_1538 = arith.addf %get3A_1498, %get3A_1502 : vector<16xf32>
        %add3A_1539 = arith.addf %get3A_1506, %get3A_1510 : vector<16xf32>
        %add3A_1540 = arith.addf %get3A_1514, %get3A_1518 : vector<16xf32>
        %add3A_1541 = arith.addf %get3A_1522, %get3A_1526 : vector<16xf32>
        %add3A_1542 = arith.addf %get3A_1530, %get3A_1534 : vector<16xf32>
        %add3A_1543 = arith.addf %add3A_1535, %add3A_1536 : vector<16xf32>
        %add3A_1544 = arith.addf %add3A_1537, %add3A_1538 : vector<16xf32>
        %add3A_1545 = arith.addf %add3A_1539, %add3A_1540 : vector<16xf32>
        %add3A_1546 = arith.addf %add3A_1541, %add3A_1542 : vector<16xf32>
        %add3A_1547 = arith.addf %add3A_1543, %add3A_1544 : vector<16xf32>
        %add3A_1548 = arith.addf %add3A_1545, %add3A_1546 : vector<16xf32>
        %add3A_1549 = arith.addf %add3A_1547, %add3A_1548 : vector<16xf32>
        %mul3A_1550 = arith.constant 2.000000e+00 : f32
        %mul3A_1551 = vector.broadcast %mul3A_1550 : f32 to vector<16xf32>
        %mul3A_1552 = arith.mulf %mul3A_1551, %add3A_1549 : vector<16xf32>
        %sub3A = arith.constant 1.000000e+00 : f32
        %sub3A_1553 = vector.broadcast %sub3A : f32 to vector<16xf32>
        %sub3A_1554 = arith.subf %sub3A_1553, %mul3A_1552 : vector<16xf32>
        %add3A_1555 = arith.addf %sub3A_1554, %gather3A_114 : vector<16xf32>
        %sub3A_1556 = arith.constant 1.000000e+00 : f32
        %sub3A_1557 = vector.broadcast %sub3A_1556 : f32 to vector<16xf32>
        %sub3A_1558 = arith.subf %sub3A_1557, %gather3A : vector<16xf32>
        %mul3A_1559 = arith.constant 2.000000e+00 : f32
        %mul3A_1560 = vector.broadcast %mul3A_1559 : f32 to vector<16xf32>
        %mul3A_1561 = arith.mulf %mul3A_1560, %add3A_1549 : vector<16xf32>
        %sub3A_1562 = arith.constant 1.000000e+00 : f32
        %sub3A_1563 = vector.broadcast %sub3A_1562 : f32 to vector<16xf32>
        %sub3A_1564 = arith.subf %sub3A_1563, %mul3A_1561 : vector<16xf32>
        %mul3A_1565 = arith.mulf %gather3A, %gather3A_114 : vector<16xf32>
        %add3A_1566 = arith.addf %sub3A_1564, %mul3A_1565 : vector<16xf32>
        %max3A = arith.constant 1.000000e-15 : f32
        %max3A_1567 = vector.broadcast %max3A : f32 to vector<16xf32>
        %max3A_1568 = arith.maximumf %add3A_1566, %max3A_1567 : vector<16xf32>
        %mul3A_1569 = arith.mulf %add3A_1555, %add3A_1555 : vector<16xf32>
        %mul3A_1570 = arith.mulf %mul3A_1569, %gather3A : vector<16xf32>
        %mul3A_1571 = arith.constant 2.000000e+00 : f32
        %mul3A_1572 = vector.broadcast %mul3A_1571 : f32 to vector<16xf32>
        %mul3A_1573 = arith.mulf %mul3A_1572, %add3A_1555 : vector<16xf32>
        %mul3A_1574 = arith.mulf %mul3A_1573, %sub3A_1558 : vector<16xf32>
        %mul3A_1575 = arith.mulf %mul3A_1574, %add3A_1549 : vector<16xf32>
        %sub3A_1576 = arith.subf %mul3A_1570, %mul3A_1575 : vector<16xf32>
        %mul3A_1577 = arith.mulf %sub3A_1558, %sub3A_1558 : vector<16xf32>
        %mul3A_1578 = arith.mulf %mul3A_1577, %gather3A_114 : vector<16xf32>
        %add3A_1579 = arith.addf %sub3A_1576, %mul3A_1578 : vector<16xf32>
        %max3A_1580 = arith.constant 0.000000e+00 : f32
        %max3A_1581 = vector.broadcast %max3A_1580 : f32 to vector<16xf32>
        %max3A_1582 = arith.maximumf %add3A_1579, %max3A_1581 : vector<16xf32>
        %mul3A_1583 = arith.mulf %max3A_1568, %max3A_1568 : vector<16xf32>
        %div3A = arith.divf %max3A_1582, %mul3A_1583 : vector<16xf32>
        %swap3A = arith.index_cast %add3A_110 : i32 to index
        %swap3A_1584 = tpu.vector_load %arg10[%swap3A] {strides = array<i32>} : memref<10000xf32, #tpu.memory_space<vmem>>, vector<16xf32>,
        tpu.vector_store %arg10[%swap3A], %div3A {strides = array<i32>} : memref<10000xf32, #tpu.memory_space<vmem>>, vector<16xf32>,
      }
      %scan3A_100 = arith.constant 5 : i32
    }
    %scan3A_15 = arith.constant 62 : i32
    %dma_wait3A = arith.constant 9920 : i32
    %dma_wait3A_16 = tpu.memref_slice %arg8[%dma_wait3A] : memref<10000xi32, #tpu.memory_space<vmem>> -> memref<80xi32, #tpu.memory_space<vmem>>
    %dma_wait3A_17 = arith.constant 0 : i32
    %dma_wait3A_18 = arith.constant 0 : i32
    %dma_wait3A_19 = tpu.memref_slice %arg2[%dma_wait3A_17, %dma_wait3A_18] : memref<10000x64xi32, #tpu.memory_space<hbm>> -> memref<10000x64xi32, #tpu.memory_space<hbm>>
    tpu.wait_indirect_dma semaphore(%arg16 : memref<!tpu.dma_semaphore, #tpu.memory_space<semaphore_mem>>) src(%dma_wait3A_19 : memref<10000x64xi32, #tpu.memory_space<hbm>>) dst(%arg11 : memref<80x64xi32, #tpu.memory_space<vmem>>)
    %dma_wait3A_20 = arith.constant 9920 : i32
    %dma_wait3A_21 = tpu.memref_slice %arg9[%dma_wait3A_20] : memref<10000xi32, #tpu.memory_space<vmem>> -> memref<80xi32, #tpu.memory_space<vmem>>
    %dma_wait3A_22 = arith.constant 0 : i32
    %dma_wait3A_23 = arith.constant 0 : i32
    %dma_wait3A_24 = tpu.memref_slice %arg2[%dma_wait3A_22, %dma_wait3A_23] : memref<10000x64xi32, #tpu.memory_space<hbm>> -> memref<10000x64xi32, #tpu.memory_space<hbm>>
    tpu.wait_indirect_dma semaphore(%arg18 : memref<!tpu.dma_semaphore, #tpu.memory_space<semaphore_mem>>) src(%dma_wait3A_24 : memref<10000x64xi32, #tpu.memory_space<hbm>>) dst(%arg13 : memref<80x64xi32, #tpu.memory_space<vmem>>)
    %scan3A_25 = arith.constant 0 : i32
    %scan3A_26 = arith.constant 5 : i32
    %scan3A_27 = arith.addi %scan3A_25, %scan3A_26 : i32
    %scan3A_28 = arith.constant 1 : i32
    scf.for %scan3A_30 = %scan3A_25 to %scan3A_27 step %scan3A_28  : i32 {
      %mul3A_31 = arith.constant 1 : i32
      %mul3A_32 = arith.muli %scan3A_30, %mul3A_31 : i32
      %add3A_33 = arith.constant 0 : i32
      %add3A_34 = arith.addi %add3A_33, %mul3A_32 : i32
      %mul3A_35 = arith.constant 16 : i32
      %mul3A_36 = arith.muli %add3A_34, %mul3A_35 : i32
      %add3A_37 = arith.constant 9920 : i32
      %add3A_38 = arith.addi %add3A_37, %mul3A_36 : i32
      %get3A = arith.index_cast %add3A_38 : i32 to index
      %get3A_39 = tpu.vector_load %arg8[%get3A] {strides = array<i32>} : memref<10000xi32, #tpu.memory_space<vmem>>, vector<16xi32>,
      %get3A_40 = arith.index_cast %add3A_38 : i32 to index
      %get3A_41 = tpu.vector_load %arg9[%get3A_40] {strides = array<i32>} : memref<10000xi32, #tpu.memory_space<vmem>>, vector<16xi32>,
      %gather3A = tpu.vector_load_idx %arg7[%get3A_39] : memref<10000xf32, #tpu.memory_space<vmem>>[vector<16xi32>], vector<16xf32>,
      %gather3A_42 = tpu.vector_load_idx %arg7[%get3A_41] : memref<10000xf32, #tpu.memory_space<vmem>>[vector<16xi32>], vector<16xf32>,
      %mul3A_43 = arith.constant 16 : i32
      %mul3A_44 = arith.muli %add3A_34, %mul3A_43 : i32
      %add3A_45 = arith.constant 0 : i32
      %add3A_46 = arith.addi %mul3A_44, %add3A_45 : i32
      %get3A_47 = arith.index_cast %add3A_46 : i32 to index
      %get3A_48 = arith.constant 0 : index
      %get3A_49 = tpu.vector_load %arg11[%get3A_47, %get3A_48] {strides = array<i32>} : memref<80x64xi32, #tpu.memory_space<vmem>>, vector<16xi32>,
      %bitcast3A = vector.bitcast %get3A_49 : vector<16xi32> to vector<32xbf16>
      %get3A_50 = arith.index_cast %add3A_46 : i32 to index
      %get3A_51 = arith.constant 0 : index
      %get3A_52 = tpu.vector_load %arg13[%get3A_50, %get3A_51] {strides = array<i32>} : memref<80x64xi32, #tpu.memory_space<vmem>>, vector<16xi32>,
      %bitcast3A_53 = vector.bitcast %get3A_52 : vector<16xi32> to vector<32xbf16>
      %mul3A_54 = arith.mulf %bitcast3A, %bitcast3A_53 : vector<32xbf16>
      %bitcast3A_55 = vector.bitcast %mul3A_54 : vector<32xbf16> to vector<16xi32>
      %and3A = arith.constant -65536 : i32
      %and3A_56 = vector.broadcast %and3A : i32 to vector<16xi32>
      %and3A_57 = arith.andi %bitcast3A_55, %and3A_56 : vector<16xi32>
      %bitcast3A_58 = vector.bitcast %and3A_57 : vector<16xi32> to vector<16xf32>
      %shift_left3A = arith.constant 16 : i32
      %shift_left3A_59 = vector.broadcast %shift_left3A : i32 to vector<16xi32>
      %shift_left3A_60 = arith.shli %bitcast3A_55, %shift_left3A_59 : vector<16xi32>
      %bitcast3A_61 = vector.bitcast %shift_left3A_60 : vector<16xi32> to vector<16xf32>
      %add3A_62 = arith.addf %bitcast3A_58, %bitcast3A_61 : vector<16xf32>
      %get3A_63 = arith.index_cast %add3A_46 : i32 to index
      %get3A_64 = arith.constant 16 : index
      %get3A_65 = tpu.vector_load %arg11[%get3A_63, %get3A_64] {strides = array<i32>} : memref<80x64xi32, #tpu.memory_space<vmem>>, vector<16xi32>,
      %bitcast3A_66 = vector.bitcast %get3A_65 : vector<16xi32> to vector<32xbf16>
      %get3A_67 = arith.index_cast %add3A_46 : i32 to index
      %get3A_68 = arith.constant 16 : index
      %get3A_69 = tpu.vector_load %arg13[%get3A_67, %get3A_68] {strides = array<i32>} : memref<80x64xi32, #tpu.memory_space<vmem>>, vector<16xi32>,
      %bitcast3A_70 = vector.bitcast %get3A_69 : vector<16xi32> to vector<32xbf16>
      %mul3A_71 = arith.mulf %bitcast3A_66, %bitcast3A_70 : vector<32xbf16>
      %bitcast3A_72 = vector.bitcast %mul3A_71 : vector<32xbf16> to vector<16xi32>
      %and3A_73 = arith.constant -65536 : i32
      %and3A_74 = vector.broadcast %and3A_73 : i32 to vector<16xi32>
      %and3A_75 = arith.andi %bitcast3A_72, %and3A_74 : vector<16xi32>
      %bitcast3A_76 = vector.bitcast %and3A_75 : vector<16xi32> to vector<16xf32>
      %shift_left3A_77 = arith.constant 16 : i32
      %shift_left3A_78 = vector.broadcast %shift_left3A_77 : i32 to vector<16xi32>
      %shift_left3A_79 = arith.shli %bitcast3A_72, %shift_left3A_78 : vector<16xi32>
      %bitcast3A_80 = vector.bitcast %shift_left3A_79 : vector<16xi32> to vector<16xf32>
      %add3A_81 = arith.addf %bitcast3A_76, %bitcast3A_80 : vector<16xf32>
      %get3A_82 = arith.index_cast %add3A_46 : i32 to index
      %get3A_83 = arith.constant 32 : index
      %get3A_84 = tpu.vector_load %arg11[%get3A_82, %get3A_83] {strides = array<i32>} : memref<80x64xi32, #tpu.memory_space<vmem>>, vector<16xi32>,
      %bitcast3A_85 = vector.bitcast %get3A_84 : vector<16xi32> to vector<32xbf16>
      %get3A_86 = arith.index_cast %add3A_46 : i32 to index
      %get3A_87 = arith.constant 32 : index
      %get3A_88 = tpu.vector_load %arg13[%get3A_86, %get3A_87] {strides = array<i32>} : memref<80x64xi32, #tpu.memory_space<vmem>>, vector<16xi32>,
      %bitcast3A_89 = vector.bitcast %get3A_88 : vector<16xi32> to vector<32xbf16>
      %mul3A_90 = arith.mulf %bitcast3A_85, %bitcast3A_89 : vector<32xbf16>
      %bitcast3A_91 = vector.bitcast %mul3A_90 : vector<32xbf16> to vector<16xi32>
      %and3A_92 = arith.constant -65536 : i32
      %and3A_93 = vector.broadcast %and3A_92 : i32 to vector<16xi32>
      %and3A_94 = arith.andi %bitcast3A_91, %and3A_93 : vector<16xi32>
      %bitcast3A_95 = vector.bitcast %and3A_94 : vector<16xi32> to vector<16xf32>
      %shift_left3A_96 = arith.constant 16 : i32
      %shift_left3A_97 = vector.broadcast %shift_left3A_96 : i32 to vector<16xi32>
      %shift_left3A_98 = arith.shli %bitcast3A_91, %shift_left3A_97 : vector<16xi32>
      %bitcast3A_99 = vector.bitcast %shift_left3A_98 : vector<16xi32> to vector<16xf32>
      %add3A_100 = arith.addf %bitcast3A_95, %bitcast3A_99 : vector<16xf32>
      %get3A_101 = arith.index_cast %add3A_46 : i32 to index
      %get3A_102 = arith.constant 48 : index
      %get3A_103 = tpu.vector_load %arg11[%get3A_101, %get3A_102] {strides = array<i32>} : memref<80x64xi32, #tpu.memory_space<vmem>>, vector<16xi32>,
      %bitcast3A_104 = vector.bitcast %get3A_103 : vector<16xi32> to vector<32xbf16>
      %get3A_105 = arith.index_cast %add3A_46 : i32 to index
      %get3A_106 = arith.constant 48 : index
      %get3A_107 = tpu.vector_load %arg13[%get3A_105, %get3A_106] {strides = array<i32>} : memref<80x64xi32, #tpu.memory_space<vmem>>, vector<16xi32>,
      %bitcast3A_108 = vector.bitcast %get3A_107 : vector<16xi32> to vector<32xbf16>
      %mul3A_109 = arith.mulf %bitcast3A_104, %bitcast3A_108 : vector<32xbf16>
      %bitcast3A_110 = vector.bitcast %mul3A_109 : vector<32xbf16> to vector<16xi32>
      %and3A_111 = arith.constant -65536 : i32
      %and3A_112 = vector.broadcast %and3A_111 : i32 to vector<16xi32>
      %and3A_113 = arith.andi %bitcast3A_110, %and3A_112 : vector<16xi32>
      %bitcast3A_114 = vector.bitcast %and3A_113 : vector<16xi32> to vector<16xf32>
      %shift_left3A_115 = arith.constant 16 : i32
      %shift_left3A_116 = vector.broadcast %shift_left3A_115 : i32 to vector<16xi32>
      %shift_left3A_117 = arith.shli %bitcast3A_110, %shift_left3A_116 : vector<16xi32>
      %bitcast3A_118 = vector.bitcast %shift_left3A_117 : vector<16xi32> to vector<16xf32>
      %add3A_119 = arith.addf %bitcast3A_114, %bitcast3A_118 : vector<16xf32>
      %add3A_120 = arith.addf %add3A_62, %add3A_81 : vector<16xf32>
      %add3A_121 = arith.addf %add3A_100, %add3A_119 : vector<16xf32>
      %add3A_122 = arith.addf %add3A_120, %add3A_121 : vector<16xf32>
      %broadcast_in_dim3A = arith.constant 0 : i32
      %broadcast_in_dim3A_123 = vector.broadcast %broadcast_in_dim3A : i32 to vector<16xi32>
      tpu.vector_store_idx %arg15[%iota3A, %broadcast_in_dim3A_123], %add3A_122 : memref<16x17xf32, #tpu.memory_space<vmem>>[vector<16xi32>, vector<16xi32>], vector<16xf32>,
      %mul3A_124 = arith.constant 16 : i32
      %mul3A_125 = arith.muli %add3A_34, %mul3A_124 : i32
      %add3A_126 = arith.constant 1 : i32
      %add3A_127 = arith.addi %mul3A_125, %add3A_126 : i32
      %get3A_128 = arith.index_cast %add3A_127 : i32 to index
      %get3A_129 = arith.constant 0 : index
      %get3A_130 = tpu.vector_load %arg11[%get3A_128, %get3A_129] {strides = array<i32>} : memref<80x64xi32, #tpu.memory_space<vmem>>, vector<16xi32>,
      %bitcast3A_131 = vector.bitcast %get3A_130 : vector<16xi32> to vector<32xbf16>
      %get3A_132 = arith.index_cast %add3A_127 : i32 to index
      %get3A_133 = arith.constant 0 : index
      %get3A_134 = tpu.vector_load %arg13[%get3A_132, %get3A_133] {strides = array<i32>} : memref<80x64xi32, #tpu.memory_space<vmem>>, vector<16xi32>,
      %bitcast3A_135 = vector.bitcast %get3A_134 : vector<16xi32> to vector<32xbf16>
      %mul3A_136 = arith.mulf %bitcast3A_131, %bitcast3A_135 : vector<32xbf16>
      %bitcast3A_137 = vector.bitcast %mul3A_136 : vector<32xbf16> to vector<16xi32>
      %and3A_138 = arith.constant -65536 : i32
      %and3A_139 = vector.broadcast %and3A_138 : i32 to vector<16xi32>
      %and3A_140 = arith.andi %bitcast3A_137, %and3A_139 : vector<16xi32>
      %bitcast3A_141 = vector.bitcast %and3A_140 : vector<16xi32> to vector<16xf32>
      %shift_left3A_142 = arith.constant 16 : i32
      %shift_left3A_143 = vector.broadcast %shift_left3A_142 : i32 to vector<16xi32>
      %shift_left3A_144 = arith.shli %bitcast3A_137, %shift_left3A_143 : vector<16xi32>
      %bitcast3A_145 = vector.bitcast %shift_left3A_144 : vector<16xi32> to vector<16xf32>
      %add3A_146 = arith.addf %bitcast3A_141, %bitcast3A_145 : vector<16xf32>
      %get3A_147 = arith.index_cast %add3A_127 : i32 to index
      %get3A_148 = arith.constant 16 : index
      %get3A_149 = tpu.vector_load %arg11[%get3A_147, %get3A_148] {strides = array<i32>} : memref<80x64xi32, #tpu.memory_space<vmem>>, vector<16xi32>,
      %bitcast3A_150 = vector.bitcast %get3A_149 : vector<16xi32> to vector<32xbf16>
      %get3A_151 = arith.index_cast %add3A_127 : i32 to index
      %get3A_152 = arith.constant 16 : index
      %get3A_153 = tpu.vector_load %arg13[%get3A_151, %get3A_152] {strides = array<i32>} : memref<80x64xi32, #tpu.memory_space<vmem>>, vector<16xi32>,
      %bitcast3A_154 = vector.bitcast %get3A_153 : vector<16xi32> to vector<32xbf16>
      %mul3A_155 = arith.mulf %bitcast3A_150, %bitcast3A_154 : vector<32xbf16>
      %bitcast3A_156 = vector.bitcast %mul3A_155 : vector<32xbf16> to vector<16xi32>
      %and3A_157 = arith.constant -65536 : i32
      %and3A_158 = vector.broadcast %and3A_157 : i32 to vector<16xi32>
      %and3A_159 = arith.andi %bitcast3A_156, %and3A_158 : vector<16xi32>
      %bitcast3A_160 = vector.bitcast %and3A_159 : vector<16xi32> to vector<16xf32>
      %shift_left3A_161 = arith.constant 16 : i32
      %shift_left3A_162 = vector.broadcast %shift_left3A_161 : i32 to vector<16xi32>
      %shift_left3A_163 = arith.shli %bitcast3A_156, %shift_left3A_162 : vector<16xi32>
      %bitcast3A_164 = vector.bitcast %shift_left3A_163 : vector<16xi32> to vector<16xf32>
      %add3A_165 = arith.addf %bitcast3A_160, %bitcast3A_164 : vector<16xf32>
      %get3A_166 = arith.index_cast %add3A_127 : i32 to index
      %get3A_167 = arith.constant 32 : index
      %get3A_168 = tpu.vector_load %arg11[%get3A_166, %get3A_167] {strides = array<i32>} : memref<80x64xi32, #tpu.memory_space<vmem>>, vector<16xi32>,
      %bitcast3A_169 = vector.bitcast %get3A_168 : vector<16xi32> to vector<32xbf16>
      %get3A_170 = arith.index_cast %add3A_127 : i32 to index
      %get3A_171 = arith.constant 32 : index
      %get3A_172 = tpu.vector_load %arg13[%get3A_170, %get3A_171] {strides = array<i32>} : memref<80x64xi32, #tpu.memory_space<vmem>>, vector<16xi32>,
      %bitcast3A_173 = vector.bitcast %get3A_172 : vector<16xi32> to vector<32xbf16>
      %mul3A_174 = arith.mulf %bitcast3A_169, %bitcast3A_173 : vector<32xbf16>
      %bitcast3A_175 = vector.bitcast %mul3A_174 : vector<32xbf16> to vector<16xi32>
      %and3A_176 = arith.constant -65536 : i32
      %and3A_177 = vector.broadcast %and3A_176 : i32 to vector<16xi32>
      %and3A_178 = arith.andi %bitcast3A_175, %and3A_177 : vector<16xi32>
      %bitcast3A_179 = vector.bitcast %and3A_178 : vector<16xi32> to vector<16xf32>
      %shift_left3A_180 = arith.constant 16 : i32
      %shift_left3A_181 = vector.broadcast %shift_left3A_180 : i32 to vector<16xi32>
      %shift_left3A_182 = arith.shli %bitcast3A_175, %shift_left3A_181 : vector<16xi32>
      %bitcast3A_183 = vector.bitcast %shift_left3A_182 : vector<16xi32> to vector<16xf32>
      %add3A_184 = arith.addf %bitcast3A_179, %bitcast3A_183 : vector<16xf32>
      %get3A_185 = arith.index_cast %add3A_127 : i32 to index
      %get3A_186 = arith.constant 48 : index
      %get3A_187 = tpu.vector_load %arg11[%get3A_185, %get3A_186] {strides = array<i32>} : memref<80x64xi32, #tpu.memory_space<vmem>>, vector<16xi32>,
      %bitcast3A_188 = vector.bitcast %get3A_187 : vector<16xi32> to vector<32xbf16>
      %get3A_189 = arith.index_cast %add3A_127 : i32 to index
      %get3A_190 = arith.constant 48 : index
      %get3A_191 = tpu.vector_load %arg13[%get3A_189, %get3A_190] {strides = array<i32>} : memref<80x64xi32, #tpu.memory_space<vmem>>, vector<16xi32>,
      %bitcast3A_192 = vector.bitcast %get3A_191 : vector<16xi32> to vector<32xbf16>
      %mul3A_193 = arith.mulf %bitcast3A_188, %bitcast3A_192 : vector<32xbf16>
      %bitcast3A_194 = vector.bitcast %mul3A_193 : vector<32xbf16> to vector<16xi32>
      %and3A_195 = arith.constant -65536 : i32
      %and3A_196 = vector.broadcast %and3A_195 : i32 to vector<16xi32>
      %and3A_197 = arith.andi %bitcast3A_194, %and3A_196 : vector<16xi32>
      %bitcast3A_198 = vector.bitcast %and3A_197 : vector<16xi32> to vector<16xf32>
      %shift_left3A_199 = arith.constant 16 : i32
      %shift_left3A_200 = vector.broadcast %shift_left3A_199 : i32 to vector<16xi32>
      %shift_left3A_201 = arith.shli %bitcast3A_194, %shift_left3A_200 : vector<16xi32>
      %bitcast3A_202 = vector.bitcast %shift_left3A_201 : vector<16xi32> to vector<16xf32>
      %add3A_203 = arith.addf %bitcast3A_198, %bitcast3A_202 : vector<16xf32>
      %add3A_204 = arith.addf %add3A_146, %add3A_165 : vector<16xf32>
      %add3A_205 = arith.addf %add3A_184, %add3A_203 : vector<16xf32>
      %add3A_206 = arith.addf %add3A_204, %add3A_205 : vector<16xf32>
      %broadcast_in_dim3A_207 = arith.constant 1 : i32
      %broadcast_in_dim3A_208 = vector.broadcast %broadcast_in_dim3A_207 : i32 to vector<16xi32>
      tpu.vector_store_idx %arg15[%iota3A, %broadcast_in_dim3A_208], %add3A_206 : memref<16x17xf32, #tpu.memory_space<vmem>>[vector<16xi32>, vector<16xi32>], vector<16xf32>,
      %mul3A_209 = arith.constant 16 : i32
      %mul3A_210 = arith.muli %add3A_34, %mul3A_209 : i32
      %add3A_211 = arith.constant 2 : i32
      %add3A_212 = arith.addi %mul3A_210, %add3A_211 : i32
      %get3A_213 = arith.index_cast %add3A_212 : i32 to index
      %get3A_214 = arith.constant 0 : index
      %get3A_215 = tpu.vector_load %arg11[%get3A_213, %get3A_214] {strides = array<i32>} : memref<80x64xi32, #tpu.memory_space<vmem>>, vector<16xi32>,
      %bitcast3A_216 = vector.bitcast %get3A_215 : vector<16xi32> to vector<32xbf16>
      %get3A_217 = arith.index_cast %add3A_212 : i32 to index
      %get3A_218 = arith.constant 0 : index
      %get3A_219 = tpu.vector_load %arg13[%get3A_217, %get3A_218] {strides = array<i32>} : memref<80x64xi32, #tpu.memory_space<vmem>>, vector<16xi32>,
      %bitcast3A_220 = vector.bitcast %get3A_219 : vector<16xi32> to vector<32xbf16>
      %mul3A_221 = arith.mulf %bitcast3A_216, %bitcast3A_220 : vector<32xbf16>
      %bitcast3A_222 = vector.bitcast %mul3A_221 : vector<32xbf16> to vector<16xi32>
      %and3A_223 = arith.constant -65536 : i32
      %and3A_224 = vector.broadcast %and3A_223 : i32 to vector<16xi32>
      %and3A_225 = arith.andi %bitcast3A_222, %and3A_224 : vector<16xi32>
      %bitcast3A_226 = vector.bitcast %and3A_225 : vector<16xi32> to vector<16xf32>
      %shift_left3A_227 = arith.constant 16 : i32
      %shift_left3A_228 = vector.broadcast %shift_left3A_227 : i32 to vector<16xi32>
      %shift_left3A_229 = arith.shli %bitcast3A_222, %shift_left3A_228 : vector<16xi32>
      %bitcast3A_230 = vector.bitcast %shift_left3A_229 : vector<16xi32> to vector<16xf32>
      %add3A_231 = arith.addf %bitcast3A_226, %bitcast3A_230 : vector<16xf32>
      %get3A_232 = arith.index_cast %add3A_212 : i32 to index
      %get3A_233 = arith.constant 16 : index
      %get3A_234 = tpu.vector_load %arg11[%get3A_232, %get3A_233] {strides = array<i32>} : memref<80x64xi32, #tpu.memory_space<vmem>>, vector<16xi32>,
      %bitcast3A_235 = vector.bitcast %get3A_234 : vector<16xi32> to vector<32xbf16>
      %get3A_236 = arith.index_cast %add3A_212 : i32 to index
      %get3A_237 = arith.constant 16 : index
      %get3A_238 = tpu.vector_load %arg13[%get3A_236, %get3A_237] {strides = array<i32>} : memref<80x64xi32, #tpu.memory_space<vmem>>, vector<16xi32>,
      %bitcast3A_239 = vector.bitcast %get3A_238 : vector<16xi32> to vector<32xbf16>
      %mul3A_240 = arith.mulf %bitcast3A_235, %bitcast3A_239 : vector<32xbf16>
      %bitcast3A_241 = vector.bitcast %mul3A_240 : vector<32xbf16> to vector<16xi32>
      %and3A_242 = arith.constant -65536 : i32
      %and3A_243 = vector.broadcast %and3A_242 : i32 to vector<16xi32>
      %and3A_244 = arith.andi %bitcast3A_241, %and3A_243 : vector<16xi32>
      %bitcast3A_245 = vector.bitcast %and3A_244 : vector<16xi32> to vector<16xf32>
      %shift_left3A_246 = arith.constant 16 : i32
      %shift_left3A_247 = vector.broadcast %shift_left3A_246 : i32 to vector<16xi32>
      %shift_left3A_248 = arith.shli %bitcast3A_241, %shift_left3A_247 : vector<16xi32>
      %bitcast3A_249 = vector.bitcast %shift_left3A_248 : vector<16xi32> to vector<16xf32>
      %add3A_250 = arith.addf %bitcast3A_245, %bitcast3A_249 : vector<16xf32>
      %get3A_251 = arith.index_cast %add3A_212 : i32 to index
      %get3A_252 = arith.constant 32 : index
      %get3A_253 = tpu.vector_load %arg11[%get3A_251, %get3A_252] {strides = array<i32>} : memref<80x64xi32, #tpu.memory_space<vmem>>, vector<16xi32>,
      %bitcast3A_254 = vector.bitcast %get3A_253 : vector<16xi32> to vector<32xbf16>
      %get3A_255 = arith.index_cast %add3A_212 : i32 to index
      %get3A_256 = arith.constant 32 : index
      %get3A_257 = tpu.vector_load %arg13[%get3A_255, %get3A_256] {strides = array<i32>} : memref<80x64xi32, #tpu.memory_space<vmem>>, vector<16xi32>,
      %bitcast3A_258 = vector.bitcast %get3A_257 : vector<16xi32> to vector<32xbf16>
      %mul3A_259 = arith.mulf %bitcast3A_254, %bitcast3A_258 : vector<32xbf16>
      %bitcast3A_260 = vector.bitcast %mul3A_259 : vector<32xbf16> to vector<16xi32>
      %and3A_261 = arith.constant -65536 : i32
      %and3A_262 = vector.broadcast %and3A_261 : i32 to vector<16xi32>
      %and3A_263 = arith.andi %bitcast3A_260, %and3A_262 : vector<16xi32>
      %bitcast3A_264 = vector.bitcast %and3A_263 : vector<16xi32> to vector<16xf32>
      %shift_left3A_265 = arith.constant 16 : i32
      %shift_left3A_266 = vector.broadcast %shift_left3A_265 : i32 to vector<16xi32>
      %shift_left3A_267 = arith.shli %bitcast3A_260, %shift_left3A_266 : vector<16xi32>
      %bitcast3A_268 = vector.bitcast %shift_left3A_267 : vector<16xi32> to vector<16xf32>
      %add3A_269 = arith.addf %bitcast3A_264, %bitcast3A_268 : vector<16xf32>
      %get3A_270 = arith.index_cast %add3A_212 : i32 to index
      %get3A_271 = arith.constant 48 : index
      %get3A_272 = tpu.vector_load %arg11[%get3A_270, %get3A_271] {strides = array<i32>} : memref<80x64xi32, #tpu.memory_space<vmem>>, vector<16xi32>,
      %bitcast3A_273 = vector.bitcast %get3A_272 : vector<16xi32> to vector<32xbf16>
      %get3A_274 = arith.index_cast %add3A_212 : i32 to index
      %get3A_275 = arith.constant 48 : index
      %get3A_276 = tpu.vector_load %arg13[%get3A_274, %get3A_275] {strides = array<i32>} : memref<80x64xi32, #tpu.memory_space<vmem>>, vector<16xi32>,
      %bitcast3A_277 = vector.bitcast %get3A_276 : vector<16xi32> to vector<32xbf16>
      %mul3A_278 = arith.mulf %bitcast3A_273, %bitcast3A_277 : vector<32xbf16>
      %bitcast3A_279 = vector.bitcast %mul3A_278 : vector<32xbf16> to vector<16xi32>
      %and3A_280 = arith.constant -65536 : i32
      %and3A_281 = vector.broadcast %and3A_280 : i32 to vector<16xi32>
      %and3A_282 = arith.andi %bitcast3A_279, %and3A_281 : vector<16xi32>
      %bitcast3A_283 = vector.bitcast %and3A_282 : vector<16xi32> to vector<16xf32>
      %shift_left3A_284 = arith.constant 16 : i32
      %shift_left3A_285 = vector.broadcast %shift_left3A_284 : i32 to vector<16xi32>
      %shift_left3A_286 = arith.shli %bitcast3A_279, %shift_left3A_285 : vector<16xi32>
      %bitcast3A_287 = vector.bitcast %shift_left3A_286 : vector<16xi32> to vector<16xf32>
      %add3A_288 = arith.addf %bitcast3A_283, %bitcast3A_287 : vector<16xf32>
      %add3A_289 = arith.addf %add3A_231, %add3A_250 : vector<16xf32>
      %add3A_290 = arith.addf %add3A_269, %add3A_288 : vector<16xf32>
      %add3A_291 = arith.addf %add3A_289, %add3A_290 : vector<16xf32>
      %broadcast_in_dim3A_292 = arith.constant 2 : i32
      %broadcast_in_dim3A_293 = vector.broadcast %broadcast_in_dim3A_292 : i32 to vector<16xi32>
      tpu.vector_store_idx %arg15[%iota3A, %broadcast_in_dim3A_293], %add3A_291 : memref<16x17xf32, #tpu.memory_space<vmem>>[vector<16xi32>, vector<16xi32>], vector<16xf32>,
      %mul3A_294 = arith.constant 16 : i32
      %mul3A_295 = arith.muli %add3A_34, %mul3A_294 : i32
      %add3A_296 = arith.constant 3 : i32
      %add3A_297 = arith.addi %mul3A_295, %add3A_296 : i32
      %get3A_298 = arith.index_cast %add3A_297 : i32 to index
      %get3A_299 = arith.constant 0 : index
      %get3A_300 = tpu.vector_load %arg11[%get3A_298, %get3A_299] {strides = array<i32>} : memref<80x64xi32, #tpu.memory_space<vmem>>, vector<16xi32>,
      %bitcast3A_301 = vector.bitcast %get3A_300 : vector<16xi32> to vector<32xbf16>
      %get3A_302 = arith.index_cast %add3A_297 : i32 to index
      %get3A_303 = arith.constant 0 : index
      %get3A_304 = tpu.vector_load %arg13[%get3A_302, %get3A_303] {strides = array<i32>} : memref<80x64xi32, #tpu.memory_space<vmem>>, vector<16xi32>,
      %bitcast3A_305 = vector.bitcast %get3A_304 : vector<16xi32> to vector<32xbf16>
      %mul3A_306 = arith.mulf %bitcast3A_301, %bitcast3A_305 : vector<32xbf16>
      %bitcast3A_307 = vector.bitcast %mul3A_306 : vector<32xbf16> to vector<16xi32>
      %and3A_308 = arith.constant -65536 : i32
      %and3A_309 = vector.broadcast %and3A_308 : i32 to vector<16xi32>
      %and3A_310 = arith.andi %bitcast3A_307, %and3A_309 : vector<16xi32>
      %bitcast3A_311 = vector.bitcast %and3A_310 : vector<16xi32> to vector<16xf32>
      %shift_left3A_312 = arith.constant 16 : i32
      %shift_left3A_313 = vector.broadcast %shift_left3A_312 : i32 to vector<16xi32>
      %shift_left3A_314 = arith.shli %bitcast3A_307, %shift_left3A_313 : vector<16xi32>
      %bitcast3A_315 = vector.bitcast %shift_left3A_314 : vector<16xi32> to vector<16xf32>
      %add3A_316 = arith.addf %bitcast3A_311, %bitcast3A_315 : vector<16xf32>
      %get3A_317 = arith.index_cast %add3A_297 : i32 to index
      %get3A_318 = arith.constant 16 : index
      %get3A_319 = tpu.vector_load %arg11[%get3A_317, %get3A_318] {strides = array<i32>} : memref<80x64xi32, #tpu.memory_space<vmem>>, vector<16xi32>,
      %bitcast3A_320 = vector.bitcast %get3A_319 : vector<16xi32> to vector<32xbf16>
      %get3A_321 = arith.index_cast %add3A_297 : i32 to index
      %get3A_322 = arith.constant 16 : index
      %get3A_323 = tpu.vector_load %arg13[%get3A_321, %get3A_322] {strides = array<i32>} : memref<80x64xi32, #tpu.memory_space<vmem>>, vector<16xi32>,
      %bitcast3A_324 = vector.bitcast %get3A_323 : vector<16xi32> to vector<32xbf16>
      %mul3A_325 = arith.mulf %bitcast3A_320, %bitcast3A_324 : vector<32xbf16>
      %bitcast3A_326 = vector.bitcast %mul3A_325 : vector<32xbf16> to vector<16xi32>
      %and3A_327 = arith.constant -65536 : i32
      %and3A_328 = vector.broadcast %and3A_327 : i32 to vector<16xi32>
      %and3A_329 = arith.andi %bitcast3A_326, %and3A_328 : vector<16xi32>
      %bitcast3A_330 = vector.bitcast %and3A_329 : vector<16xi32> to vector<16xf32>
      %shift_left3A_331 = arith.constant 16 : i32
      %shift_left3A_332 = vector.broadcast %shift_left3A_331 : i32 to vector<16xi32>
      %shift_left3A_333 = arith.shli %bitcast3A_326, %shift_left3A_332 : vector<16xi32>
      %bitcast3A_334 = vector.bitcast %shift_left3A_333 : vector<16xi32> to vector<16xf32>
      %add3A_335 = arith.addf %bitcast3A_330, %bitcast3A_334 : vector<16xf32>
      %get3A_336 = arith.index_cast %add3A_297 : i32 to index
      %get3A_337 = arith.constant 32 : index
      %get3A_338 = tpu.vector_load %arg11[%get3A_336, %get3A_337] {strides = array<i32>} : memref<80x64xi32, #tpu.memory_space<vmem>>, vector<16xi32>,
      %bitcast3A_339 = vector.bitcast %get3A_338 : vector<16xi32> to vector<32xbf16>
      %get3A_340 = arith.index_cast %add3A_297 : i32 to index
      %get3A_341 = arith.constant 32 : index
      %get3A_342 = tpu.vector_load %arg13[%get3A_340, %get3A_341] {strides = array<i32>} : memref<80x64xi32, #tpu.memory_space<vmem>>, vector<16xi32>,
      %bitcast3A_343 = vector.bitcast %get3A_342 : vector<16xi32> to vector<32xbf16>
      %mul3A_344 = arith.mulf %bitcast3A_339, %bitcast3A_343 : vector<32xbf16>
      %bitcast3A_345 = vector.bitcast %mul3A_344 : vector<32xbf16> to vector<16xi32>
      %and3A_346 = arith.constant -65536 : i32
      %and3A_347 = vector.broadcast %and3A_346 : i32 to vector<16xi32>
      %and3A_348 = arith.andi %bitcast3A_345, %and3A_347 : vector<16xi32>
      %bitcast3A_349 = vector.bitcast %and3A_348 : vector<16xi32> to vector<16xf32>
      %shift_left3A_350 = arith.constant 16 : i32
      %shift_left3A_351 = vector.broadcast %shift_left3A_350 : i32 to vector<16xi32>
      %shift_left3A_352 = arith.shli %bitcast3A_345, %shift_left3A_351 : vector<16xi32>
      %bitcast3A_353 = vector.bitcast %shift_left3A_352 : vector<16xi32> to vector<16xf32>
      %add3A_354 = arith.addf %bitcast3A_349, %bitcast3A_353 : vector<16xf32>
      %get3A_355 = arith.index_cast %add3A_297 : i32 to index
      %get3A_356 = arith.constant 48 : index
      %get3A_357 = tpu.vector_load %arg11[%get3A_355, %get3A_356] {strides = array<i32>} : memref<80x64xi32, #tpu.memory_space<vmem>>, vector<16xi32>,
      %bitcast3A_358 = vector.bitcast %get3A_357 : vector<16xi32> to vector<32xbf16>
      %get3A_359 = arith.index_cast %add3A_297 : i32 to index
      %get3A_360 = arith.constant 48 : index
      %get3A_361 = tpu.vector_load %arg13[%get3A_359, %get3A_360] {strides = array<i32>} : memref<80x64xi32, #tpu.memory_space<vmem>>, vector<16xi32>,
      %bitcast3A_362 = vector.bitcast %get3A_361 : vector<16xi32> to vector<32xbf16>
      %mul3A_363 = arith.mulf %bitcast3A_358, %bitcast3A_362 : vector<32xbf16>
      %bitcast3A_364 = vector.bitcast %mul3A_363 : vector<32xbf16> to vector<16xi32>
      %and3A_365 = arith.constant -65536 : i32
      %and3A_366 = vector.broadcast %and3A_365 : i32 to vector<16xi32>
      %and3A_367 = arith.andi %bitcast3A_364, %and3A_366 : vector<16xi32>
      %bitcast3A_368 = vector.bitcast %and3A_367 : vector<16xi32> to vector<16xf32>
      %shift_left3A_369 = arith.constant 16 : i32
      %shift_left3A_370 = vector.broadcast %shift_left3A_369 : i32 to vector<16xi32>
      %shift_left3A_371 = arith.shli %bitcast3A_364, %shift_left3A_370 : vector<16xi32>
      %bitcast3A_372 = vector.bitcast %shift_left3A_371 : vector<16xi32> to vector<16xf32>
      %add3A_373 = arith.addf %bitcast3A_368, %bitcast3A_372 : vector<16xf32>
      %add3A_374 = arith.addf %add3A_316, %add3A_335 : vector<16xf32>
      %add3A_375 = arith.addf %add3A_354, %add3A_373 : vector<16xf32>
      %add3A_376 = arith.addf %add3A_374, %add3A_375 : vector<16xf32>
      %broadcast_in_dim3A_377 = arith.constant 3 : i32
      %broadcast_in_dim3A_378 = vector.broadcast %broadcast_in_dim3A_377 : i32 to vector<16xi32>
      tpu.vector_store_idx %arg15[%iota3A, %broadcast_in_dim3A_378], %add3A_376 : memref<16x17xf32, #tpu.memory_space<vmem>>[vector<16xi32>, vector<16xi32>], vector<16xf32>,
      %mul3A_379 = arith.constant 16 : i32
      %mul3A_380 = arith.muli %add3A_34, %mul3A_379 : i32
      %add3A_381 = arith.constant 4 : i32
      %add3A_382 = arith.addi %mul3A_380, %add3A_381 : i32
      %get3A_383 = arith.index_cast %add3A_382 : i32 to index
      %get3A_384 = arith.constant 0 : index
      %get3A_385 = tpu.vector_load %arg11[%get3A_383, %get3A_384] {strides = array<i32>} : memref<80x64xi32, #tpu.memory_space<vmem>>, vector<16xi32>,
      %bitcast3A_386 = vector.bitcast %get3A_385 : vector<16xi32> to vector<32xbf16>
      %get3A_387 = arith.index_cast %add3A_382 : i32 to index
      %get3A_388 = arith.constant 0 : index
      %get3A_389 = tpu.vector_load %arg13[%get3A_387, %get3A_388] {strides = array<i32>} : memref<80x64xi32, #tpu.memory_space<vmem>>, vector<16xi32>,
      %bitcast3A_390 = vector.bitcast %get3A_389 : vector<16xi32> to vector<32xbf16>
      %mul3A_391 = arith.mulf %bitcast3A_386, %bitcast3A_390 : vector<32xbf16>
      %bitcast3A_392 = vector.bitcast %mul3A_391 : vector<32xbf16> to vector<16xi32>
      %and3A_393 = arith.constant -65536 : i32
      %and3A_394 = vector.broadcast %and3A_393 : i32 to vector<16xi32>
      %and3A_395 = arith.andi %bitcast3A_392, %and3A_394 : vector<16xi32>
      %bitcast3A_396 = vector.bitcast %and3A_395 : vector<16xi32> to vector<16xf32>
      %shift_left3A_397 = arith.constant 16 : i32
      %shift_left3A_398 = vector.broadcast %shift_left3A_397 : i32 to vector<16xi32>
      %shift_left3A_399 = arith.shli %bitcast3A_392, %shift_left3A_398 : vector<16xi32>
      %bitcast3A_400 = vector.bitcast %shift_left3A_399 : vector<16xi32> to vector<16xf32>
      %add3A_401 = arith.addf %bitcast3A_396, %bitcast3A_400 : vector<16xf32>
      %get3A_402 = arith.index_cast %add3A_382 : i32 to index
      %get3A_403 = arith.constant 16 : index
      %get3A_404 = tpu.vector_load %arg11[%get3A_402, %get3A_403] {strides = array<i32>} : memref<80x64xi32, #tpu.memory_space<vmem>>, vector<16xi32>,
      %bitcast3A_405 = vector.bitcast %get3A_404 : vector<16xi32> to vector<32xbf16>
      %get3A_406 = arith.index_cast %add3A_382 : i32 to index
      %get3A_407 = arith.constant 16 : index
      %get3A_408 = tpu.vector_load %arg13[%get3A_406, %get3A_407] {strides = array<i32>} : memref<80x64xi32, #tpu.memory_space<vmem>>, vector<16xi32>,
      %bitcast3A_409 = vector.bitcast %get3A_408 : vector<16xi32> to vector<32xbf16>
      %mul3A_410 = arith.mulf %bitcast3A_405, %bitcast3A_409 : vector<32xbf16>
      %bitcast3A_411 = vector.bitcast %mul3A_410 : vector<32xbf16> to vector<16xi32>
      %and3A_412 = arith.constant -65536 : i32
      %and3A_413 = vector.broadcast %and3A_412 : i32 to vector<16xi32>
      %and3A_414 = arith.andi %bitcast3A_411, %and3A_413 : vector<16xi32>
      %bitcast3A_415 = vector.bitcast %and3A_414 : vector<16xi32> to vector<16xf32>
      %shift_left3A_416 = arith.constant 16 : i32
      %shift_left3A_417 = vector.broadcast %shift_left3A_416 : i32 to vector<16xi32>
      %shift_left3A_418 = arith.shli %bitcast3A_411, %shift_left3A_417 : vector<16xi32>
      %bitcast3A_419 = vector.bitcast %shift_left3A_418 : vector<16xi32> to vector<16xf32>
      %add3A_420 = arith.addf %bitcast3A_415, %bitcast3A_419 : vector<16xf32>
      %get3A_421 = arith.index_cast %add3A_382 : i32 to index
      %get3A_422 = arith.constant 32 : index
      %get3A_423 = tpu.vector_load %arg11[%get3A_421, %get3A_422] {strides = array<i32>} : memref<80x64xi32, #tpu.memory_space<vmem>>, vector<16xi32>,
      %bitcast3A_424 = vector.bitcast %get3A_423 : vector<16xi32> to vector<32xbf16>
      %get3A_425 = arith.index_cast %add3A_382 : i32 to index
      %get3A_426 = arith.constant 32 : index
      %get3A_427 = tpu.vector_load %arg13[%get3A_425, %get3A_426] {strides = array<i32>} : memref<80x64xi32, #tpu.memory_space<vmem>>, vector<16xi32>,
      %bitcast3A_428 = vector.bitcast %get3A_427 : vector<16xi32> to vector<32xbf16>
      %mul3A_429 = arith.mulf %bitcast3A_424, %bitcast3A_428 : vector<32xbf16>
      %bitcast3A_430 = vector.bitcast %mul3A_429 : vector<32xbf16> to vector<16xi32>
      %and3A_431 = arith.constant -65536 : i32
      %and3A_432 = vector.broadcast %and3A_431 : i32 to vector<16xi32>
      %and3A_433 = arith.andi %bitcast3A_430, %and3A_432 : vector<16xi32>
      %bitcast3A_434 = vector.bitcast %and3A_433 : vector<16xi32> to vector<16xf32>
      %shift_left3A_435 = arith.constant 16 : i32
      %shift_left3A_436 = vector.broadcast %shift_left3A_435 : i32 to vector<16xi32>
      %shift_left3A_437 = arith.shli %bitcast3A_430, %shift_left3A_436 : vector<16xi32>
      %bitcast3A_438 = vector.bitcast %shift_left3A_437 : vector<16xi32> to vector<16xf32>
      %add3A_439 = arith.addf %bitcast3A_434, %bitcast3A_438 : vector<16xf32>
      %get3A_440 = arith.index_cast %add3A_382 : i32 to index
      %get3A_441 = arith.constant 48 : index
      %get3A_442 = tpu.vector_load %arg11[%get3A_440, %get3A_441] {strides = array<i32>} : memref<80x64xi32, #tpu.memory_space<vmem>>, vector<16xi32>,
      %bitcast3A_443 = vector.bitcast %get3A_442 : vector<16xi32> to vector<32xbf16>
      %get3A_444 = arith.index_cast %add3A_382 : i32 to index
      %get3A_445 = arith.constant 48 : index
      %get3A_446 = tpu.vector_load %arg13[%get3A_444, %get3A_445] {strides = array<i32>} : memref<80x64xi32, #tpu.memory_space<vmem>>, vector<16xi32>,
      %bitcast3A_447 = vector.bitcast %get3A_446 : vector<16xi32> to vector<32xbf16>
      %mul3A_448 = arith.mulf %bitcast3A_443, %bitcast3A_447 : vector<32xbf16>
      %bitcast3A_449 = vector.bitcast %mul3A_448 : vector<32xbf16> to vector<16xi32>
      %and3A_450 = arith.constant -65536 : i32
      %and3A_451 = vector.broadcast %and3A_450 : i32 to vector<16xi32>
      %and3A_452 = arith.andi %bitcast3A_449, %and3A_451 : vector<16xi32>
      %bitcast3A_453 = vector.bitcast %and3A_452 : vector<16xi32> to vector<16xf32>
      %shift_left3A_454 = arith.constant 16 : i32
      %shift_left3A_455 = vector.broadcast %shift_left3A_454 : i32 to vector<16xi32>
      %shift_left3A_456 = arith.shli %bitcast3A_449, %shift_left3A_455 : vector<16xi32>
      %bitcast3A_457 = vector.bitcast %shift_left3A_456 : vector<16xi32> to vector<16xf32>
      %add3A_458 = arith.addf %bitcast3A_453, %bitcast3A_457 : vector<16xf32>
      %add3A_459 = arith.addf %add3A_401, %add3A_420 : vector<16xf32>
      %add3A_460 = arith.addf %add3A_439, %add3A_458 : vector<16xf32>
      %add3A_461 = arith.addf %add3A_459, %add3A_460 : vector<16xf32>
      %broadcast_in_dim3A_462 = arith.constant 4 : i32
      %broadcast_in_dim3A_463 = vector.broadcast %broadcast_in_dim3A_462 : i32 to vector<16xi32>
      tpu.vector_store_idx %arg15[%iota3A, %broadcast_in_dim3A_463], %add3A_461 : memref<16x17xf32, #tpu.memory_space<vmem>>[vector<16xi32>, vector<16xi32>], vector<16xf32>,
      %mul3A_464 = arith.constant 16 : i32
      %mul3A_465 = arith.muli %add3A_34, %mul3A_464 : i32
      %add3A_466 = arith.constant 5 : i32
      %add3A_467 = arith.addi %mul3A_465, %add3A_466 : i32
      %get3A_468 = arith.index_cast %add3A_467 : i32 to index
      %get3A_469 = arith.constant 0 : index
      %get3A_470 = tpu.vector_load %arg11[%get3A_468, %get3A_469] {strides = array<i32>} : memref<80x64xi32, #tpu.memory_space<vmem>>, vector<16xi32>,
      %bitcast3A_471 = vector.bitcast %get3A_470 : vector<16xi32> to vector<32xbf16>
      %get3A_472 = arith.index_cast %add3A_467 : i32 to index
      %get3A_473 = arith.constant 0 : index
      %get3A_474 = tpu.vector_load %arg13[%get3A_472, %get3A_473] {strides = array<i32>} : memref<80x64xi32, #tpu.memory_space<vmem>>, vector<16xi32>,
      %bitcast3A_475 = vector.bitcast %get3A_474 : vector<16xi32> to vector<32xbf16>
      %mul3A_476 = arith.mulf %bitcast3A_471, %bitcast3A_475 : vector<32xbf16>
      %bitcast3A_477 = vector.bitcast %mul3A_476 : vector<32xbf16> to vector<16xi32>
      %and3A_478 = arith.constant -65536 : i32
      %and3A_479 = vector.broadcast %and3A_478 : i32 to vector<16xi32>
      %and3A_480 = arith.andi %bitcast3A_477, %and3A_479 : vector<16xi32>
      %bitcast3A_481 = vector.bitcast %and3A_480 : vector<16xi32> to vector<16xf32>
      %shift_left3A_482 = arith.constant 16 : i32
      %shift_left3A_483 = vector.broadcast %shift_left3A_482 : i32 to vector<16xi32>
      %shift_left3A_484 = arith.shli %bitcast3A_477, %shift_left3A_483 : vector<16xi32>
      %bitcast3A_485 = vector.bitcast %shift_left3A_484 : vector<16xi32> to vector<16xf32>
      %add3A_486 = arith.addf %bitcast3A_481, %bitcast3A_485 : vector<16xf32>
      %get3A_487 = arith.index_cast %add3A_467 : i32 to index
      %get3A_488 = arith.constant 16 : index
      %get3A_489 = tpu.vector_load %arg11[%get3A_487, %get3A_488] {strides = array<i32>} : memref<80x64xi32, #tpu.memory_space<vmem>>, vector<16xi32>,
      %bitcast3A_490 = vector.bitcast %get3A_489 : vector<16xi32> to vector<32xbf16>
      %get3A_491 = arith.index_cast %add3A_467 : i32 to index
      %get3A_492 = arith.constant 16 : index
      %get3A_493 = tpu.vector_load %arg13[%get3A_491, %get3A_492] {strides = array<i32>} : memref<80x64xi32, #tpu.memory_space<vmem>>, vector<16xi32>,
      %bitcast3A_494 = vector.bitcast %get3A_493 : vector<16xi32> to vector<32xbf16>
      %mul3A_495 = arith.mulf %bitcast3A_490, %bitcast3A_494 : vector<32xbf16>
      %bitcast3A_496 = vector.bitcast %mul3A_495 : vector<32xbf16> to vector<16xi32>
      %and3A_497 = arith.constant -65536 : i32
      %and3A_498 = vector.broadcast %and3A_497 : i32 to vector<16xi32>
      %and3A_499 = arith.andi %bitcast3A_496, %and3A_498 : vector<16xi32>
      %bitcast3A_500 = vector.bitcast %and3A_499 : vector<16xi32> to vector<16xf32>
      %shift_left3A_501 = arith.constant 16 : i32
      %shift_left3A_502 = vector.broadcast %shift_left3A_501 : i32 to vector<16xi32>
      %shift_left3A_503 = arith.shli %bitcast3A_496, %shift_left3A_502 : vector<16xi32>
      %bitcast3A_504 = vector.bitcast %shift_left3A_503 : vector<16xi32> to vector<16xf32>
      %add3A_505 = arith.addf %bitcast3A_500, %bitcast3A_504 : vector<16xf32>
      %get3A_506 = arith.index_cast %add3A_467 : i32 to index
      %get3A_507 = arith.constant 32 : index
      %get3A_508 = tpu.vector_load %arg11[%get3A_506, %get3A_507] {strides = array<i32>} : memref<80x64xi32, #tpu.memory_space<vmem>>, vector<16xi32>,
      %bitcast3A_509 = vector.bitcast %get3A_508 : vector<16xi32> to vector<32xbf16>
      %get3A_510 = arith.index_cast %add3A_467 : i32 to index
      %get3A_511 = arith.constant 32 : index
      %get3A_512 = tpu.vector_load %arg13[%get3A_510, %get3A_511] {strides = array<i32>} : memref<80x64xi32, #tpu.memory_space<vmem>>, vector<16xi32>,
      %bitcast3A_513 = vector.bitcast %get3A_512 : vector<16xi32> to vector<32xbf16>
      %mul3A_514 = arith.mulf %bitcast3A_509, %bitcast3A_513 : vector<32xbf16>
      %bitcast3A_515 = vector.bitcast %mul3A_514 : vector<32xbf16> to vector<16xi32>
      %and3A_516 = arith.constant -65536 : i32
      %and3A_517 = vector.broadcast %and3A_516 : i32 to vector<16xi32>
      %and3A_518 = arith.andi %bitcast3A_515, %and3A_517 : vector<16xi32>
      %bitcast3A_519 = vector.bitcast %and3A_518 : vector<16xi32> to vector<16xf32>
      %shift_left3A_520 = arith.constant 16 : i32
      %shift_left3A_521 = vector.broadcast %shift_left3A_520 : i32 to vector<16xi32>
      %shift_left3A_522 = arith.shli %bitcast3A_515, %shift_left3A_521 : vector<16xi32>
      %bitcast3A_523 = vector.bitcast %shift_left3A_522 : vector<16xi32> to vector<16xf32>
      %add3A_524 = arith.addf %bitcast3A_519, %bitcast3A_523 : vector<16xf32>
      %get3A_525 = arith.index_cast %add3A_467 : i32 to index
      %get3A_526 = arith.constant 48 : index
      %get3A_527 = tpu.vector_load %arg11[%get3A_525, %get3A_526] {strides = array<i32>} : memref<80x64xi32, #tpu.memory_space<vmem>>, vector<16xi32>,
      %bitcast3A_528 = vector.bitcast %get3A_527 : vector<16xi32> to vector<32xbf16>
      %get3A_529 = arith.index_cast %add3A_467 : i32 to index
      %get3A_530 = arith.constant 48 : index
      %get3A_531 = tpu.vector_load %arg13[%get3A_529, %get3A_530] {strides = array<i32>} : memref<80x64xi32, #tpu.memory_space<vmem>>, vector<16xi32>,
      %bitcast3A_532 = vector.bitcast %get3A_531 : vector<16xi32> to vector<32xbf16>
      %mul3A_533 = arith.mulf %bitcast3A_528, %bitcast3A_532 : vector<32xbf16>
      %bitcast3A_534 = vector.bitcast %mul3A_533 : vector<32xbf16> to vector<16xi32>
      %and3A_535 = arith.constant -65536 : i32
      %and3A_536 = vector.broadcast %and3A_535 : i32 to vector<16xi32>
      %and3A_537 = arith.andi %bitcast3A_534, %and3A_536 : vector<16xi32>
      %bitcast3A_538 = vector.bitcast %and3A_537 : vector<16xi32> to vector<16xf32>
      %shift_left3A_539 = arith.constant 16 : i32
      %shift_left3A_540 = vector.broadcast %shift_left3A_539 : i32 to vector<16xi32>
      %shift_left3A_541 = arith.shli %bitcast3A_534, %shift_left3A_540 : vector<16xi32>
      %bitcast3A_542 = vector.bitcast %shift_left3A_541 : vector<16xi32> to vector<16xf32>
      %add3A_543 = arith.addf %bitcast3A_538, %bitcast3A_542 : vector<16xf32>
      %add3A_544 = arith.addf %add3A_486, %add3A_505 : vector<16xf32>
      %add3A_545 = arith.addf %add3A_524, %add3A_543 : vector<16xf32>
      %add3A_546 = arith.addf %add3A_544, %add3A_545 : vector<16xf32>
      %broadcast_in_dim3A_547 = arith.constant 5 : i32
      %broadcast_in_dim3A_548 = vector.broadcast %broadcast_in_dim3A_547 : i32 to vector<16xi32>
      tpu.vector_store_idx %arg15[%iota3A, %broadcast_in_dim3A_548], %add3A_546 : memref<16x17xf32, #tpu.memory_space<vmem>>[vector<16xi32>, vector<16xi32>], vector<16xf32>,
      %mul3A_549 = arith.constant 16 : i32
      %mul3A_550 = arith.muli %add3A_34, %mul3A_549 : i32
      %add3A_551 = arith.constant 6 : i32
      %add3A_552 = arith.addi %mul3A_550, %add3A_551 : i32
      %get3A_553 = arith.index_cast %add3A_552 : i32 to index
      %get3A_554 = arith.constant 0 : index
      %get3A_555 = tpu.vector_load %arg11[%get3A_553, %get3A_554] {strides = array<i32>} : memref<80x64xi32, #tpu.memory_space<vmem>>, vector<16xi32>,
      %bitcast3A_556 = vector.bitcast %get3A_555 : vector<16xi32> to vector<32xbf16>
      %get3A_557 = arith.index_cast %add3A_552 : i32 to index
      %get3A_558 = arith.constant 0 : index
      %get3A_559 = tpu.vector_load %arg13[%get3A_557, %get3A_558] {strides = array<i32>} : memref<80x64xi32, #tpu.memory_space<vmem>>, vector<16xi32>,
      %bitcast3A_560 = vector.bitcast %get3A_559 : vector<16xi32> to vector<32xbf16>
      %mul3A_561 = arith.mulf %bitcast3A_556, %bitcast3A_560 : vector<32xbf16>
      %bitcast3A_562 = vector.bitcast %mul3A_561 : vector<32xbf16> to vector<16xi32>
      %and3A_563 = arith.constant -65536 : i32
      %and3A_564 = vector.broadcast %and3A_563 : i32 to vector<16xi32>
      %and3A_565 = arith.andi %bitcast3A_562, %and3A_564 : vector<16xi32>
      %bitcast3A_566 = vector.bitcast %and3A_565 : vector<16xi32> to vector<16xf32>
      %shift_left3A_567 = arith.constant 16 : i32
      %shift_left3A_568 = vector.broadcast %shift_left3A_567 : i32 to vector<16xi32>
      %shift_left3A_569 = arith.shli %bitcast3A_562, %shift_left3A_568 : vector<16xi32>
      %bitcast3A_570 = vector.bitcast %shift_left3A_569 : vector<16xi32> to vector<16xf32>
      %add3A_571 = arith.addf %bitcast3A_566, %bitcast3A_570 : vector<16xf32>
      %get3A_572 = arith.index_cast %add3A_552 : i32 to index
      %get3A_573 = arith.constant 16 : index
      %get3A_574 = tpu.vector_load %arg11[%get3A_572, %get3A_573] {strides = array<i32>} : memref<80x64xi32, #tpu.memory_space<vmem>>, vector<16xi32>,
      %bitcast3A_575 = vector.bitcast %get3A_574 : vector<16xi32> to vector<32xbf16>
      %get3A_576 = arith.index_cast %add3A_552 : i32 to index
      %get3A_577 = arith.constant 16 : index
      %get3A_578 = tpu.vector_load %arg13[%get3A_576, %get3A_577] {strides = array<i32>} : memref<80x64xi32, #tpu.memory_space<vmem>>, vector<16xi32>,
      %bitcast3A_579 = vector.bitcast %get3A_578 : vector<16xi32> to vector<32xbf16>
      %mul3A_580 = arith.mulf %bitcast3A_575, %bitcast3A_579 : vector<32xbf16>
      %bitcast3A_581 = vector.bitcast %mul3A_580 : vector<32xbf16> to vector<16xi32>
      %and3A_582 = arith.constant -65536 : i32
      %and3A_583 = vector.broadcast %and3A_582 : i32 to vector<16xi32>
      %and3A_584 = arith.andi %bitcast3A_581, %and3A_583 : vector<16xi32>
      %bitcast3A_585 = vector.bitcast %and3A_584 : vector<16xi32> to vector<16xf32>
      %shift_left3A_586 = arith.constant 16 : i32
      %shift_left3A_587 = vector.broadcast %shift_left3A_586 : i32 to vector<16xi32>
      %shift_left3A_588 = arith.shli %bitcast3A_581, %shift_left3A_587 : vector<16xi32>
      %bitcast3A_589 = vector.bitcast %shift_left3A_588 : vector<16xi32> to vector<16xf32>
      %add3A_590 = arith.addf %bitcast3A_585, %bitcast3A_589 : vector<16xf32>
      %get3A_591 = arith.index_cast %add3A_552 : i32 to index
      %get3A_592 = arith.constant 32 : index
      %get3A_593 = tpu.vector_load %arg11[%get3A_591, %get3A_592] {strides = array<i32>} : memref<80x64xi32, #tpu.memory_space<vmem>>, vector<16xi32>,
      %bitcast3A_594 = vector.bitcast %get3A_593 : vector<16xi32> to vector<32xbf16>
      %get3A_595 = arith.index_cast %add3A_552 : i32 to index
      %get3A_596 = arith.constant 32 : index
      %get3A_597 = tpu.vector_load %arg13[%get3A_595, %get3A_596] {strides = array<i32>} : memref<80x64xi32, #tpu.memory_space<vmem>>, vector<16xi32>,
      %bitcast3A_598 = vector.bitcast %get3A_597 : vector<16xi32> to vector<32xbf16>
      %mul3A_599 = arith.mulf %bitcast3A_594, %bitcast3A_598 : vector<32xbf16>
      %bitcast3A_600 = vector.bitcast %mul3A_599 : vector<32xbf16> to vector<16xi32>
      %and3A_601 = arith.constant -65536 : i32
      %and3A_602 = vector.broadcast %and3A_601 : i32 to vector<16xi32>
      %and3A_603 = arith.andi %bitcast3A_600, %and3A_602 : vector<16xi32>
      %bitcast3A_604 = vector.bitcast %and3A_603 : vector<16xi32> to vector<16xf32>
      %shift_left3A_605 = arith.constant 16 : i32
      %shift_left3A_606 = vector.broadcast %shift_left3A_605 : i32 to vector<16xi32>
      %shift_left3A_607 = arith.shli %bitcast3A_600, %shift_left3A_606 : vector<16xi32>
      %bitcast3A_608 = vector.bitcast %shift_left3A_607 : vector<16xi32> to vector<16xf32>
      %add3A_609 = arith.addf %bitcast3A_604, %bitcast3A_608 : vector<16xf32>
      %get3A_610 = arith.index_cast %add3A_552 : i32 to index
      %get3A_611 = arith.constant 48 : index
      %get3A_612 = tpu.vector_load %arg11[%get3A_610, %get3A_611] {strides = array<i32>} : memref<80x64xi32, #tpu.memory_space<vmem>>, vector<16xi32>,
      %bitcast3A_613 = vector.bitcast %get3A_612 : vector<16xi32> to vector<32xbf16>
      %get3A_614 = arith.index_cast %add3A_552 : i32 to index
      %get3A_615 = arith.constant 48 : index
      %get3A_616 = tpu.vector_load %arg13[%get3A_614, %get3A_615] {strides = array<i32>} : memref<80x64xi32, #tpu.memory_space<vmem>>, vector<16xi32>,
      %bitcast3A_617 = vector.bitcast %get3A_616 : vector<16xi32> to vector<32xbf16>
      %mul3A_618 = arith.mulf %bitcast3A_613, %bitcast3A_617 : vector<32xbf16>
      %bitcast3A_619 = vector.bitcast %mul3A_618 : vector<32xbf16> to vector<16xi32>
      %and3A_620 = arith.constant -65536 : i32
      %and3A_621 = vector.broadcast %and3A_620 : i32 to vector<16xi32>
      %and3A_622 = arith.andi %bitcast3A_619, %and3A_621 : vector<16xi32>
      %bitcast3A_623 = vector.bitcast %and3A_622 : vector<16xi32> to vector<16xf32>
      %shift_left3A_624 = arith.constant 16 : i32
      %shift_left3A_625 = vector.broadcast %shift_left3A_624 : i32 to vector<16xi32>
      %shift_left3A_626 = arith.shli %bitcast3A_619, %shift_left3A_625 : vector<16xi32>
      %bitcast3A_627 = vector.bitcast %shift_left3A_626 : vector<16xi32> to vector<16xf32>
      %add3A_628 = arith.addf %bitcast3A_623, %bitcast3A_627 : vector<16xf32>
      %add3A_629 = arith.addf %add3A_571, %add3A_590 : vector<16xf32>
      %add3A_630 = arith.addf %add3A_609, %add3A_628 : vector<16xf32>
      %add3A_631 = arith.addf %add3A_629, %add3A_630 : vector<16xf32>
      %broadcast_in_dim3A_632 = arith.constant 6 : i32
      %broadcast_in_dim3A_633 = vector.broadcast %broadcast_in_dim3A_632 : i32 to vector<16xi32>
      tpu.vector_store_idx %arg15[%iota3A, %broadcast_in_dim3A_633], %add3A_631 : memref<16x17xf32, #tpu.memory_space<vmem>>[vector<16xi32>, vector<16xi32>], vector<16xf32>,
      %mul3A_634 = arith.constant 16 : i32
      %mul3A_635 = arith.muli %add3A_34, %mul3A_634 : i32
      %add3A_636 = arith.constant 7 : i32
      %add3A_637 = arith.addi %mul3A_635, %add3A_636 : i32
      %get3A_638 = arith.index_cast %add3A_637 : i32 to index
      %get3A_639 = arith.constant 0 : index
      %get3A_640 = tpu.vector_load %arg11[%get3A_638, %get3A_639] {strides = array<i32>} : memref<80x64xi32, #tpu.memory_space<vmem>>, vector<16xi32>,
      %bitcast3A_641 = vector.bitcast %get3A_640 : vector<16xi32> to vector<32xbf16>
      %get3A_642 = arith.index_cast %add3A_637 : i32 to index
      %get3A_643 = arith.constant 0 : index
      %get3A_644 = tpu.vector_load %arg13[%get3A_642, %get3A_643] {strides = array<i32>} : memref<80x64xi32, #tpu.memory_space<vmem>>, vector<16xi32>,
      %bitcast3A_645 = vector.bitcast %get3A_644 : vector<16xi32> to vector<32xbf16>
      %mul3A_646 = arith.mulf %bitcast3A_641, %bitcast3A_645 : vector<32xbf16>
      %bitcast3A_647 = vector.bitcast %mul3A_646 : vector<32xbf16> to vector<16xi32>
      %and3A_648 = arith.constant -65536 : i32
      %and3A_649 = vector.broadcast %and3A_648 : i32 to vector<16xi32>
      %and3A_650 = arith.andi %bitcast3A_647, %and3A_649 : vector<16xi32>
      %bitcast3A_651 = vector.bitcast %and3A_650 : vector<16xi32> to vector<16xf32>
      %shift_left3A_652 = arith.constant 16 : i32
      %shift_left3A_653 = vector.broadcast %shift_left3A_652 : i32 to vector<16xi32>
      %shift_left3A_654 = arith.shli %bitcast3A_647, %shift_left3A_653 : vector<16xi32>
      %bitcast3A_655 = vector.bitcast %shift_left3A_654 : vector<16xi32> to vector<16xf32>
      %add3A_656 = arith.addf %bitcast3A_651, %bitcast3A_655 : vector<16xf32>
      %get3A_657 = arith.index_cast %add3A_637 : i32 to index
      %get3A_658 = arith.constant 16 : index
      %get3A_659 = tpu.vector_load %arg11[%get3A_657, %get3A_658] {strides = array<i32>} : memref<80x64xi32, #tpu.memory_space<vmem>>, vector<16xi32>,
      %bitcast3A_660 = vector.bitcast %get3A_659 : vector<16xi32> to vector<32xbf16>
      %get3A_661 = arith.index_cast %add3A_637 : i32 to index
      %get3A_662 = arith.constant 16 : index
      %get3A_663 = tpu.vector_load %arg13[%get3A_661, %get3A_662] {strides = array<i32>} : memref<80x64xi32, #tpu.memory_space<vmem>>, vector<16xi32>,
      %bitcast3A_664 = vector.bitcast %get3A_663 : vector<16xi32> to vector<32xbf16>
      %mul3A_665 = arith.mulf %bitcast3A_660, %bitcast3A_664 : vector<32xbf16>
      %bitcast3A_666 = vector.bitcast %mul3A_665 : vector<32xbf16> to vector<16xi32>
      %and3A_667 = arith.constant -65536 : i32
      %and3A_668 = vector.broadcast %and3A_667 : i32 to vector<16xi32>
      %and3A_669 = arith.andi %bitcast3A_666, %and3A_668 : vector<16xi32>
      %bitcast3A_670 = vector.bitcast %and3A_669 : vector<16xi32> to vector<16xf32>
      %shift_left3A_671 = arith.constant 16 : i32
      %shift_left3A_672 = vector.broadcast %shift_left3A_671 : i32 to vector<16xi32>
      %shift_left3A_673 = arith.shli %bitcast3A_666, %shift_left3A_672 : vector<16xi32>
      %bitcast3A_674 = vector.bitcast %shift_left3A_673 : vector<16xi32> to vector<16xf32>
      %add3A_675 = arith.addf %bitcast3A_670, %bitcast3A_674 : vector<16xf32>
      %get3A_676 = arith.index_cast %add3A_637 : i32 to index
      %get3A_677 = arith.constant 32 : index
      %get3A_678 = tpu.vector_load %arg11[%get3A_676, %get3A_677] {strides = array<i32>} : memref<80x64xi32, #tpu.memory_space<vmem>>, vector<16xi32>,
      %bitcast3A_679 = vector.bitcast %get3A_678 : vector<16xi32> to vector<32xbf16>
      %get3A_680 = arith.index_cast %add3A_637 : i32 to index
      %get3A_681 = arith.constant 32 : index
      %get3A_682 = tpu.vector_load %arg13[%get3A_680, %get3A_681] {strides = array<i32>} : memref<80x64xi32, #tpu.memory_space<vmem>>, vector<16xi32>,
      %bitcast3A_683 = vector.bitcast %get3A_682 : vector<16xi32> to vector<32xbf16>
      %mul3A_684 = arith.mulf %bitcast3A_679, %bitcast3A_683 : vector<32xbf16>
      %bitcast3A_685 = vector.bitcast %mul3A_684 : vector<32xbf16> to vector<16xi32>
      %and3A_686 = arith.constant -65536 : i32
      %and3A_687 = vector.broadcast %and3A_686 : i32 to vector<16xi32>
      %and3A_688 = arith.andi %bitcast3A_685, %and3A_687 : vector<16xi32>
      %bitcast3A_689 = vector.bitcast %and3A_688 : vector<16xi32> to vector<16xf32>
      %shift_left3A_690 = arith.constant 16 : i32
      %shift_left3A_691 = vector.broadcast %shift_left3A_690 : i32 to vector<16xi32>
      %shift_left3A_692 = arith.shli %bitcast3A_685, %shift_left3A_691 : vector<16xi32>
      %bitcast3A_693 = vector.bitcast %shift_left3A_692 : vector<16xi32> to vector<16xf32>
      %add3A_694 = arith.addf %bitcast3A_689, %bitcast3A_693 : vector<16xf32>
      %get3A_695 = arith.index_cast %add3A_637 : i32 to index
      %get3A_696 = arith.constant 48 : index
      %get3A_697 = tpu.vector_load %arg11[%get3A_695, %get3A_696] {strides = array<i32>} : memref<80x64xi32, #tpu.memory_space<vmem>>, vector<16xi32>,
      %bitcast3A_698 = vector.bitcast %get3A_697 : vector<16xi32> to vector<32xbf16>
      %get3A_699 = arith.index_cast %add3A_637 : i32 to index
      %get3A_700 = arith.constant 48 : index
      %get3A_701 = tpu.vector_load %arg13[%get3A_699, %get3A_700] {strides = array<i32>} : memref<80x64xi32, #tpu.memory_space<vmem>>, vector<16xi32>,
      %bitcast3A_702 = vector.bitcast %get3A_701 : vector<16xi32> to vector<32xbf16>
      %mul3A_703 = arith.mulf %bitcast3A_698, %bitcast3A_702 : vector<32xbf16>
      %bitcast3A_704 = vector.bitcast %mul3A_703 : vector<32xbf16> to vector<16xi32>
      %and3A_705 = arith.constant -65536 : i32
      %and3A_706 = vector.broadcast %and3A_705 : i32 to vector<16xi32>
      %and3A_707 = arith.andi %bitcast3A_704, %and3A_706 : vector<16xi32>
      %bitcast3A_708 = vector.bitcast %and3A_707 : vector<16xi32> to vector<16xf32>
      %shift_left3A_709 = arith.constant 16 : i32
      %shift_left3A_710 = vector.broadcast %shift_left3A_709 : i32 to vector<16xi32>
      %shift_left3A_711 = arith.shli %bitcast3A_704, %shift_left3A_710 : vector<16xi32>
      %bitcast3A_712 = vector.bitcast %shift_left3A_711 : vector<16xi32> to vector<16xf32>
      %add3A_713 = arith.addf %bitcast3A_708, %bitcast3A_712 : vector<16xf32>
      %add3A_714 = arith.addf %add3A_656, %add3A_675 : vector<16xf32>
      %add3A_715 = arith.addf %add3A_694, %add3A_713 : vector<16xf32>
      %add3A_716 = arith.addf %add3A_714, %add3A_715 : vector<16xf32>
      %broadcast_in_dim3A_717 = arith.constant 7 : i32
      %broadcast_in_dim3A_718 = vector.broadcast %broadcast_in_dim3A_717 : i32 to vector<16xi32>
      tpu.vector_store_idx %arg15[%iota3A, %broadcast_in_dim3A_718], %add3A_716 : memref<16x17xf32, #tpu.memory_space<vmem>>[vector<16xi32>, vector<16xi32>], vector<16xf32>,
      %mul3A_719 = arith.constant 16 : i32
      %mul3A_720 = arith.muli %add3A_34, %mul3A_719 : i32
      %add3A_721 = arith.constant 8 : i32
      %add3A_722 = arith.addi %mul3A_720, %add3A_721 : i32
      %get3A_723 = arith.index_cast %add3A_722 : i32 to index
      %get3A_724 = arith.constant 0 : index
      %get3A_725 = tpu.vector_load %arg11[%get3A_723, %get3A_724] {strides = array<i32>} : memref<80x64xi32, #tpu.memory_space<vmem>>, vector<16xi32>,
      %bitcast3A_726 = vector.bitcast %get3A_725 : vector<16xi32> to vector<32xbf16>
      %get3A_727 = arith.index_cast %add3A_722 : i32 to index
      %get3A_728 = arith.constant 0 : index
      %get3A_729 = tpu.vector_load %arg13[%get3A_727, %get3A_728] {strides = array<i32>} : memref<80x64xi32, #tpu.memory_space<vmem>>, vector<16xi32>,
      %bitcast3A_730 = vector.bitcast %get3A_729 : vector<16xi32> to vector<32xbf16>
      %mul3A_731 = arith.mulf %bitcast3A_726, %bitcast3A_730 : vector<32xbf16>
      %bitcast3A_732 = vector.bitcast %mul3A_731 : vector<32xbf16> to vector<16xi32>
      %and3A_733 = arith.constant -65536 : i32
      %and3A_734 = vector.broadcast %and3A_733 : i32 to vector<16xi32>
      %and3A_735 = arith.andi %bitcast3A_732, %and3A_734 : vector<16xi32>
      %bitcast3A_736 = vector.bitcast %and3A_735 : vector<16xi32> to vector<16xf32>
      %shift_left3A_737 = arith.constant 16 : i32
      %shift_left3A_738 = vector.broadcast %shift_left3A_737 : i32 to vector<16xi32>
      %shift_left3A_739 = arith.shli %bitcast3A_732, %shift_left3A_738 : vector<16xi32>
      %bitcast3A_740 = vector.bitcast %shift_left3A_739 : vector<16xi32> to vector<16xf32>
      %add3A_741 = arith.addf %bitcast3A_736, %bitcast3A_740 : vector<16xf32>
      %get3A_742 = arith.index_cast %add3A_722 : i32 to index
      %get3A_743 = arith.constant 16 : index
      %get3A_744 = tpu.vector_load %arg11[%get3A_742, %get3A_743] {strides = array<i32>} : memref<80x64xi32, #tpu.memory_space<vmem>>, vector<16xi32>,
      %bitcast3A_745 = vector.bitcast %get3A_744 : vector<16xi32> to vector<32xbf16>
      %get3A_746 = arith.index_cast %add3A_722 : i32 to index
      %get3A_747 = arith.constant 16 : index
      %get3A_748 = tpu.vector_load %arg13[%get3A_746, %get3A_747] {strides = array<i32>} : memref<80x64xi32, #tpu.memory_space<vmem>>, vector<16xi32>,
      %bitcast3A_749 = vector.bitcast %get3A_748 : vector<16xi32> to vector<32xbf16>
      %mul3A_750 = arith.mulf %bitcast3A_745, %bitcast3A_749 : vector<32xbf16>
      %bitcast3A_751 = vector.bitcast %mul3A_750 : vector<32xbf16> to vector<16xi32>
      %and3A_752 = arith.constant -65536 : i32
      %and3A_753 = vector.broadcast %and3A_752 : i32 to vector<16xi32>
      %and3A_754 = arith.andi %bitcast3A_751, %and3A_753 : vector<16xi32>
      %bitcast3A_755 = vector.bitcast %and3A_754 : vector<16xi32> to vector<16xf32>
      %shift_left3A_756 = arith.constant 16 : i32
      %shift_left3A_757 = vector.broadcast %shift_left3A_756 : i32 to vector<16xi32>
      %shift_left3A_758 = arith.shli %bitcast3A_751, %shift_left3A_757 : vector<16xi32>
      %bitcast3A_759 = vector.bitcast %shift_left3A_758 : vector<16xi32> to vector<16xf32>
      %add3A_760 = arith.addf %bitcast3A_755, %bitcast3A_759 : vector<16xf32>
      %get3A_761 = arith.index_cast %add3A_722 : i32 to index
      %get3A_762 = arith.constant 32 : index
      %get3A_763 = tpu.vector_load %arg11[%get3A_761, %get3A_762] {strides = array<i32>} : memref<80x64xi32, #tpu.memory_space<vmem>>, vector<16xi32>,
      %bitcast3A_764 = vector.bitcast %get3A_763 : vector<16xi32> to vector<32xbf16>
      %get3A_765 = arith.index_cast %add3A_722 : i32 to index
      %get3A_766 = arith.constant 32 : index
      %get3A_767 = tpu.vector_load %arg13[%get3A_765, %get3A_766] {strides = array<i32>} : memref<80x64xi32, #tpu.memory_space<vmem>>, vector<16xi32>,
      %bitcast3A_768 = vector.bitcast %get3A_767 : vector<16xi32> to vector<32xbf16>
      %mul3A_769 = arith.mulf %bitcast3A_764, %bitcast3A_768 : vector<32xbf16>
      %bitcast3A_770 = vector.bitcast %mul3A_769 : vector<32xbf16> to vector<16xi32>
      %and3A_771 = arith.constant -65536 : i32
      %and3A_772 = vector.broadcast %and3A_771 : i32 to vector<16xi32>
      %and3A_773 = arith.andi %bitcast3A_770, %and3A_772 : vector<16xi32>
      %bitcast3A_774 = vector.bitcast %and3A_773 : vector<16xi32> to vector<16xf32>
      %shift_left3A_775 = arith.constant 16 : i32
      %shift_left3A_776 = vector.broadcast %shift_left3A_775 : i32 to vector<16xi32>
      %shift_left3A_777 = arith.shli %bitcast3A_770, %shift_left3A_776 : vector<16xi32>
      %bitcast3A_778 = vector.bitcast %shift_left3A_777 : vector<16xi32> to vector<16xf32>
      %add3A_779 = arith.addf %bitcast3A_774, %bitcast3A_778 : vector<16xf32>
      %get3A_780 = arith.index_cast %add3A_722 : i32 to index
      %get3A_781 = arith.constant 48 : index
      %get3A_782 = tpu.vector_load %arg11[%get3A_780, %get3A_781] {strides = array<i32>} : memref<80x64xi32, #tpu.memory_space<vmem>>, vector<16xi32>,
      %bitcast3A_783 = vector.bitcast %get3A_782 : vector<16xi32> to vector<32xbf16>
      %get3A_784 = arith.index_cast %add3A_722 : i32 to index
      %get3A_785 = arith.constant 48 : index
      %get3A_786 = tpu.vector_load %arg13[%get3A_784, %get3A_785] {strides = array<i32>} : memref<80x64xi32, #tpu.memory_space<vmem>>, vector<16xi32>,
      %bitcast3A_787 = vector.bitcast %get3A_786 : vector<16xi32> to vector<32xbf16>
      %mul3A_788 = arith.mulf %bitcast3A_783, %bitcast3A_787 : vector<32xbf16>
      %bitcast3A_789 = vector.bitcast %mul3A_788 : vector<32xbf16> to vector<16xi32>
      %and3A_790 = arith.constant -65536 : i32
      %and3A_791 = vector.broadcast %and3A_790 : i32 to vector<16xi32>
      %and3A_792 = arith.andi %bitcast3A_789, %and3A_791 : vector<16xi32>
      %bitcast3A_793 = vector.bitcast %and3A_792 : vector<16xi32> to vector<16xf32>
      %shift_left3A_794 = arith.constant 16 : i32
      %shift_left3A_795 = vector.broadcast %shift_left3A_794 : i32 to vector<16xi32>
      %shift_left3A_796 = arith.shli %bitcast3A_789, %shift_left3A_795 : vector<16xi32>
      %bitcast3A_797 = vector.bitcast %shift_left3A_796 : vector<16xi32> to vector<16xf32>
      %add3A_798 = arith.addf %bitcast3A_793, %bitcast3A_797 : vector<16xf32>
      %add3A_799 = arith.addf %add3A_741, %add3A_760 : vector<16xf32>
      %add3A_800 = arith.addf %add3A_779, %add3A_798 : vector<16xf32>
      %add3A_801 = arith.addf %add3A_799, %add3A_800 : vector<16xf32>
      %broadcast_in_dim3A_802 = arith.constant 8 : i32
      %broadcast_in_dim3A_803 = vector.broadcast %broadcast_in_dim3A_802 : i32 to vector<16xi32>
      tpu.vector_store_idx %arg15[%iota3A, %broadcast_in_dim3A_803], %add3A_801 : memref<16x17xf32, #tpu.memory_space<vmem>>[vector<16xi32>, vector<16xi32>], vector<16xf32>,
      %mul3A_804 = arith.constant 16 : i32
      %mul3A_805 = arith.muli %add3A_34, %mul3A_804 : i32
      %add3A_806 = arith.constant 9 : i32
      %add3A_807 = arith.addi %mul3A_805, %add3A_806 : i32
      %get3A_808 = arith.index_cast %add3A_807 : i32 to index
      %get3A_809 = arith.constant 0 : index
      %get3A_810 = tpu.vector_load %arg11[%get3A_808, %get3A_809] {strides = array<i32>} : memref<80x64xi32, #tpu.memory_space<vmem>>, vector<16xi32>,
      %bitcast3A_811 = vector.bitcast %get3A_810 : vector<16xi32> to vector<32xbf16>
      %get3A_812 = arith.index_cast %add3A_807 : i32 to index
      %get3A_813 = arith.constant 0 : index
      %get3A_814 = tpu.vector_load %arg13[%get3A_812, %get3A_813] {strides = array<i32>} : memref<80x64xi32, #tpu.memory_space<vmem>>, vector<16xi32>,
      %bitcast3A_815 = vector.bitcast %get3A_814 : vector<16xi32> to vector<32xbf16>
      %mul3A_816 = arith.mulf %bitcast3A_811, %bitcast3A_815 : vector<32xbf16>
      %bitcast3A_817 = vector.bitcast %mul3A_816 : vector<32xbf16> to vector<16xi32>
      %and3A_818 = arith.constant -65536 : i32
      %and3A_819 = vector.broadcast %and3A_818 : i32 to vector<16xi32>
      %and3A_820 = arith.andi %bitcast3A_817, %and3A_819 : vector<16xi32>
      %bitcast3A_821 = vector.bitcast %and3A_820 : vector<16xi32> to vector<16xf32>
      %shift_left3A_822 = arith.constant 16 : i32
      %shift_left3A_823 = vector.broadcast %shift_left3A_822 : i32 to vector<16xi32>
      %shift_left3A_824 = arith.shli %bitcast3A_817, %shift_left3A_823 : vector<16xi32>
      %bitcast3A_825 = vector.bitcast %shift_left3A_824 : vector<16xi32> to vector<16xf32>
      %add3A_826 = arith.addf %bitcast3A_821, %bitcast3A_825 : vector<16xf32>
      %get3A_827 = arith.index_cast %add3A_807 : i32 to index
      %get3A_828 = arith.constant 16 : index
      %get3A_829 = tpu.vector_load %arg11[%get3A_827, %get3A_828] {strides = array<i32>} : memref<80x64xi32, #tpu.memory_space<vmem>>, vector<16xi32>,
      %bitcast3A_830 = vector.bitcast %get3A_829 : vector<16xi32> to vector<32xbf16>
      %get3A_831 = arith.index_cast %add3A_807 : i32 to index
      %get3A_832 = arith.constant 16 : index
      %get3A_833 = tpu.vector_load %arg13[%get3A_831, %get3A_832] {strides = array<i32>} : memref<80x64xi32, #tpu.memory_space<vmem>>, vector<16xi32>,
      %bitcast3A_834 = vector.bitcast %get3A_833 : vector<16xi32> to vector<32xbf16>
      %mul3A_835 = arith.mulf %bitcast3A_830, %bitcast3A_834 : vector<32xbf16>
      %bitcast3A_836 = vector.bitcast %mul3A_835 : vector<32xbf16> to vector<16xi32>
      %and3A_837 = arith.constant -65536 : i32
      %and3A_838 = vector.broadcast %and3A_837 : i32 to vector<16xi32>
      %and3A_839 = arith.andi %bitcast3A_836, %and3A_838 : vector<16xi32>
      %bitcast3A_840 = vector.bitcast %and3A_839 : vector<16xi32> to vector<16xf32>
      %shift_left3A_841 = arith.constant 16 : i32
      %shift_left3A_842 = vector.broadcast %shift_left3A_841 : i32 to vector<16xi32>
      %shift_left3A_843 = arith.shli %bitcast3A_836, %shift_left3A_842 : vector<16xi32>
      %bitcast3A_844 = vector.bitcast %shift_left3A_843 : vector<16xi32> to vector<16xf32>
      %add3A_845 = arith.addf %bitcast3A_840, %bitcast3A_844 : vector<16xf32>
      %get3A_846 = arith.index_cast %add3A_807 : i32 to index
      %get3A_847 = arith.constant 32 : index
      %get3A_848 = tpu.vector_load %arg11[%get3A_846, %get3A_847] {strides = array<i32>} : memref<80x64xi32, #tpu.memory_space<vmem>>, vector<16xi32>,
      %bitcast3A_849 = vector.bitcast %get3A_848 : vector<16xi32> to vector<32xbf16>
      %get3A_850 = arith.index_cast %add3A_807 : i32 to index
      %get3A_851 = arith.constant 32 : index
      %get3A_852 = tpu.vector_load %arg13[%get3A_850, %get3A_851] {strides = array<i32>} : memref<80x64xi32, #tpu.memory_space<vmem>>, vector<16xi32>,
      %bitcast3A_853 = vector.bitcast %get3A_852 : vector<16xi32> to vector<32xbf16>
      %mul3A_854 = arith.mulf %bitcast3A_849, %bitcast3A_853 : vector<32xbf16>
      %bitcast3A_855 = vector.bitcast %mul3A_854 : vector<32xbf16> to vector<16xi32>
      %and3A_856 = arith.constant -65536 : i32
      %and3A_857 = vector.broadcast %and3A_856 : i32 to vector<16xi32>
      %and3A_858 = arith.andi %bitcast3A_855, %and3A_857 : vector<16xi32>
      %bitcast3A_859 = vector.bitcast %and3A_858 : vector<16xi32> to vector<16xf32>
      %shift_left3A_860 = arith.constant 16 : i32
      %shift_left3A_861 = vector.broadcast %shift_left3A_860 : i32 to vector<16xi32>
      %shift_left3A_862 = arith.shli %bitcast3A_855, %shift_left3A_861 : vector<16xi32>
      %bitcast3A_863 = vector.bitcast %shift_left3A_862 : vector<16xi32> to vector<16xf32>
      %add3A_864 = arith.addf %bitcast3A_859, %bitcast3A_863 : vector<16xf32>
      %get3A_865 = arith.index_cast %add3A_807 : i32 to index
      %get3A_866 = arith.constant 48 : index
      %get3A_867 = tpu.vector_load %arg11[%get3A_865, %get3A_866] {strides = array<i32>} : memref<80x64xi32, #tpu.memory_space<vmem>>, vector<16xi32>,
      %bitcast3A_868 = vector.bitcast %get3A_867 : vector<16xi32> to vector<32xbf16>
      %get3A_869 = arith.index_cast %add3A_807 : i32 to index
      %get3A_870 = arith.constant 48 : index
      %get3A_871 = tpu.vector_load %arg13[%get3A_869, %get3A_870] {strides = array<i32>} : memref<80x64xi32, #tpu.memory_space<vmem>>, vector<16xi32>,
      %bitcast3A_872 = vector.bitcast %get3A_871 : vector<16xi32> to vector<32xbf16>
      %mul3A_873 = arith.mulf %bitcast3A_868, %bitcast3A_872 : vector<32xbf16>
      %bitcast3A_874 = vector.bitcast %mul3A_873 : vector<32xbf16> to vector<16xi32>
      %and3A_875 = arith.constant -65536 : i32
      %and3A_876 = vector.broadcast %and3A_875 : i32 to vector<16xi32>
      %and3A_877 = arith.andi %bitcast3A_874, %and3A_876 : vector<16xi32>
      %bitcast3A_878 = vector.bitcast %and3A_877 : vector<16xi32> to vector<16xf32>
      %shift_left3A_879 = arith.constant 16 : i32
      %shift_left3A_880 = vector.broadcast %shift_left3A_879 : i32 to vector<16xi32>
      %shift_left3A_881 = arith.shli %bitcast3A_874, %shift_left3A_880 : vector<16xi32>
      %bitcast3A_882 = vector.bitcast %shift_left3A_881 : vector<16xi32> to vector<16xf32>
      %add3A_883 = arith.addf %bitcast3A_878, %bitcast3A_882 : vector<16xf32>
      %add3A_884 = arith.addf %add3A_826, %add3A_845 : vector<16xf32>
      %add3A_885 = arith.addf %add3A_864, %add3A_883 : vector<16xf32>
      %add3A_886 = arith.addf %add3A_884, %add3A_885 : vector<16xf32>
      %broadcast_in_dim3A_887 = arith.constant 9 : i32
      %broadcast_in_dim3A_888 = vector.broadcast %broadcast_in_dim3A_887 : i32 to vector<16xi32>
      tpu.vector_store_idx %arg15[%iota3A, %broadcast_in_dim3A_888], %add3A_886 : memref<16x17xf32, #tpu.memory_space<vmem>>[vector<16xi32>, vector<16xi32>], vector<16xf32>,
      %mul3A_889 = arith.constant 16 : i32
      %mul3A_890 = arith.muli %add3A_34, %mul3A_889 : i32
      %add3A_891 = arith.constant 10 : i32
      %add3A_892 = arith.addi %mul3A_890, %add3A_891 : i32
      %get3A_893 = arith.index_cast %add3A_892 : i32 to index
      %get3A_894 = arith.constant 0 : index
      %get3A_895 = tpu.vector_load %arg11[%get3A_893, %get3A_894] {strides = array<i32>} : memref<80x64xi32, #tpu.memory_space<vmem>>, vector<16xi32>,
      %bitcast3A_896 = vector.bitcast %get3A_895 : vector<16xi32> to vector<32xbf16>
      %get3A_897 = arith.index_cast %add3A_892 : i32 to index
      %get3A_898 = arith.constant 0 : index
      %get3A_899 = tpu.vector_load %arg13[%get3A_897, %get3A_898] {strides = array<i32>} : memref<80x64xi32, #tpu.memory_space<vmem>>, vector<16xi32>,
      %bitcast3A_900 = vector.bitcast %get3A_899 : vector<16xi32> to vector<32xbf16>
      %mul3A_901 = arith.mulf %bitcast3A_896, %bitcast3A_900 : vector<32xbf16>
      %bitcast3A_902 = vector.bitcast %mul3A_901 : vector<32xbf16> to vector<16xi32>
      %and3A_903 = arith.constant -65536 : i32
      %and3A_904 = vector.broadcast %and3A_903 : i32 to vector<16xi32>
      %and3A_905 = arith.andi %bitcast3A_902, %and3A_904 : vector<16xi32>
      %bitcast3A_906 = vector.bitcast %and3A_905 : vector<16xi32> to vector<16xf32>
      %shift_left3A_907 = arith.constant 16 : i32
      %shift_left3A_908 = vector.broadcast %shift_left3A_907 : i32 to vector<16xi32>
      %shift_left3A_909 = arith.shli %bitcast3A_902, %shift_left3A_908 : vector<16xi32>
      %bitcast3A_910 = vector.bitcast %shift_left3A_909 : vector<16xi32> to vector<16xf32>
      %add3A_911 = arith.addf %bitcast3A_906, %bitcast3A_910 : vector<16xf32>
      %get3A_912 = arith.index_cast %add3A_892 : i32 to index
      %get3A_913 = arith.constant 16 : index
      %get3A_914 = tpu.vector_load %arg11[%get3A_912, %get3A_913] {strides = array<i32>} : memref<80x64xi32, #tpu.memory_space<vmem>>, vector<16xi32>,
      %bitcast3A_915 = vector.bitcast %get3A_914 : vector<16xi32> to vector<32xbf16>
      %get3A_916 = arith.index_cast %add3A_892 : i32 to index
      %get3A_917 = arith.constant 16 : index
      %get3A_918 = tpu.vector_load %arg13[%get3A_916, %get3A_917] {strides = array<i32>} : memref<80x64xi32, #tpu.memory_space<vmem>>, vector<16xi32>,
      %bitcast3A_919 = vector.bitcast %get3A_918 : vector<16xi32> to vector<32xbf16>
      %mul3A_920 = arith.mulf %bitcast3A_915, %bitcast3A_919 : vector<32xbf16>
      %bitcast3A_921 = vector.bitcast %mul3A_920 : vector<32xbf16> to vector<16xi32>
      %and3A_922 = arith.constant -65536 : i32
      %and3A_923 = vector.broadcast %and3A_922 : i32 to vector<16xi32>
      %and3A_924 = arith.andi %bitcast3A_921, %and3A_923 : vector<16xi32>
      %bitcast3A_925 = vector.bitcast %and3A_924 : vector<16xi32> to vector<16xf32>
      %shift_left3A_926 = arith.constant 16 : i32
      %shift_left3A_927 = vector.broadcast %shift_left3A_926 : i32 to vector<16xi32>
      %shift_left3A_928 = arith.shli %bitcast3A_921, %shift_left3A_927 : vector<16xi32>
      %bitcast3A_929 = vector.bitcast %shift_left3A_928 : vector<16xi32> to vector<16xf32>
      %add3A_930 = arith.addf %bitcast3A_925, %bitcast3A_929 : vector<16xf32>
      %get3A_931 = arith.index_cast %add3A_892 : i32 to index
      %get3A_932 = arith.constant 32 : index
      %get3A_933 = tpu.vector_load %arg11[%get3A_931, %get3A_932] {strides = array<i32>} : memref<80x64xi32, #tpu.memory_space<vmem>>, vector<16xi32>,
      %bitcast3A_934 = vector.bitcast %get3A_933 : vector<16xi32> to vector<32xbf16>
      %get3A_935 = arith.index_cast %add3A_892 : i32 to index
      %get3A_936 = arith.constant 32 : index
      %get3A_937 = tpu.vector_load %arg13[%get3A_935, %get3A_936] {strides = array<i32>} : memref<80x64xi32, #tpu.memory_space<vmem>>, vector<16xi32>,
      %bitcast3A_938 = vector.bitcast %get3A_937 : vector<16xi32> to vector<32xbf16>
      %mul3A_939 = arith.mulf %bitcast3A_934, %bitcast3A_938 : vector<32xbf16>
      %bitcast3A_940 = vector.bitcast %mul3A_939 : vector<32xbf16> to vector<16xi32>
      %and3A_941 = arith.constant -65536 : i32
      %and3A_942 = vector.broadcast %and3A_941 : i32 to vector<16xi32>
      %and3A_943 = arith.andi %bitcast3A_940, %and3A_942 : vector<16xi32>
      %bitcast3A_944 = vector.bitcast %and3A_943 : vector<16xi32> to vector<16xf32>
      %shift_left3A_945 = arith.constant 16 : i32
      %shift_left3A_946 = vector.broadcast %shift_left3A_945 : i32 to vector<16xi32>
      %shift_left3A_947 = arith.shli %bitcast3A_940, %shift_left3A_946 : vector<16xi32>
      %bitcast3A_948 = vector.bitcast %shift_left3A_947 : vector<16xi32> to vector<16xf32>
      %add3A_949 = arith.addf %bitcast3A_944, %bitcast3A_948 : vector<16xf32>
      %get3A_950 = arith.index_cast %add3A_892 : i32 to index
      %get3A_951 = arith.constant 48 : index
      %get3A_952 = tpu.vector_load %arg11[%get3A_950, %get3A_951] {strides = array<i32>} : memref<80x64xi32, #tpu.memory_space<vmem>>, vector<16xi32>,
      %bitcast3A_953 = vector.bitcast %get3A_952 : vector<16xi32> to vector<32xbf16>
      %get3A_954 = arith.index_cast %add3A_892 : i32 to index
      %get3A_955 = arith.constant 48 : index
      %get3A_956 = tpu.vector_load %arg13[%get3A_954, %get3A_955] {strides = array<i32>} : memref<80x64xi32, #tpu.memory_space<vmem>>, vector<16xi32>,
      %bitcast3A_957 = vector.bitcast %get3A_956 : vector<16xi32> to vector<32xbf16>
      %mul3A_958 = arith.mulf %bitcast3A_953, %bitcast3A_957 : vector<32xbf16>
      %bitcast3A_959 = vector.bitcast %mul3A_958 : vector<32xbf16> to vector<16xi32>
      %and3A_960 = arith.constant -65536 : i32
      %and3A_961 = vector.broadcast %and3A_960 : i32 to vector<16xi32>
      %and3A_962 = arith.andi %bitcast3A_959, %and3A_961 : vector<16xi32>
      %bitcast3A_963 = vector.bitcast %and3A_962 : vector<16xi32> to vector<16xf32>
      %shift_left3A_964 = arith.constant 16 : i32
      %shift_left3A_965 = vector.broadcast %shift_left3A_964 : i32 to vector<16xi32>
      %shift_left3A_966 = arith.shli %bitcast3A_959, %shift_left3A_965 : vector<16xi32>
      %bitcast3A_967 = vector.bitcast %shift_left3A_966 : vector<16xi32> to vector<16xf32>
      %add3A_968 = arith.addf %bitcast3A_963, %bitcast3A_967 : vector<16xf32>
      %add3A_969 = arith.addf %add3A_911, %add3A_930 : vector<16xf32>
      %add3A_970 = arith.addf %add3A_949, %add3A_968 : vector<16xf32>
      %add3A_971 = arith.addf %add3A_969, %add3A_970 : vector<16xf32>
      %broadcast_in_dim3A_972 = arith.constant 10 : i32
      %broadcast_in_dim3A_973 = vector.broadcast %broadcast_in_dim3A_972 : i32 to vector<16xi32>
      tpu.vector_store_idx %arg15[%iota3A, %broadcast_in_dim3A_973], %add3A_971 : memref<16x17xf32, #tpu.memory_space<vmem>>[vector<16xi32>, vector<16xi32>], vector<16xf32>,
      %mul3A_974 = arith.constant 16 : i32
      %mul3A_975 = arith.muli %add3A_34, %mul3A_974 : i32
      %add3A_976 = arith.constant 11 : i32
      %add3A_977 = arith.addi %mul3A_975, %add3A_976 : i32
      %get3A_978 = arith.index_cast %add3A_977 : i32 to index
      %get3A_979 = arith.constant 0 : index
      %get3A_980 = tpu.vector_load %arg11[%get3A_978, %get3A_979] {strides = array<i32>} : memref<80x64xi32, #tpu.memory_space<vmem>>, vector<16xi32>,
      %bitcast3A_981 = vector.bitcast %get3A_980 : vector<16xi32> to vector<32xbf16>
      %get3A_982 = arith.index_cast %add3A_977 : i32 to index
      %get3A_983 = arith.constant 0 : index
      %get3A_984 = tpu.vector_load %arg13[%get3A_982, %get3A_983] {strides = array<i32>} : memref<80x64xi32, #tpu.memory_space<vmem>>, vector<16xi32>,
      %bitcast3A_985 = vector.bitcast %get3A_984 : vector<16xi32> to vector<32xbf16>
      %mul3A_986 = arith.mulf %bitcast3A_981, %bitcast3A_985 : vector<32xbf16>
      %bitcast3A_987 = vector.bitcast %mul3A_986 : vector<32xbf16> to vector<16xi32>
      %and3A_988 = arith.constant -65536 : i32
      %and3A_989 = vector.broadcast %and3A_988 : i32 to vector<16xi32>
      %and3A_990 = arith.andi %bitcast3A_987, %and3A_989 : vector<16xi32>
      %bitcast3A_991 = vector.bitcast %and3A_990 : vector<16xi32> to vector<16xf32>
      %shift_left3A_992 = arith.constant 16 : i32
      %shift_left3A_993 = vector.broadcast %shift_left3A_992 : i32 to vector<16xi32>
      %shift_left3A_994 = arith.shli %bitcast3A_987, %shift_left3A_993 : vector<16xi32>
      %bitcast3A_995 = vector.bitcast %shift_left3A_994 : vector<16xi32> to vector<16xf32>
      %add3A_996 = arith.addf %bitcast3A_991, %bitcast3A_995 : vector<16xf32>
      %get3A_997 = arith.index_cast %add3A_977 : i32 to index
      %get3A_998 = arith.constant 16 : index
      %get3A_999 = tpu.vector_load %arg11[%get3A_997, %get3A_998] {strides = array<i32>} : memref<80x64xi32, #tpu.memory_space<vmem>>, vector<16xi32>,
      %bitcast3A_1000 = vector.bitcast %get3A_999 : vector<16xi32> to vector<32xbf16>
      %get3A_1001 = arith.index_cast %add3A_977 : i32 to index
      %get3A_1002 = arith.constant 16 : index
      %get3A_1003 = tpu.vector_load %arg13[%get3A_1001, %get3A_1002] {strides = array<i32>} : memref<80x64xi32, #tpu.memory_space<vmem>>, vector<16xi32>,
      %bitcast3A_1004 = vector.bitcast %get3A_1003 : vector<16xi32> to vector<32xbf16>
      %mul3A_1005 = arith.mulf %bitcast3A_1000, %bitcast3A_1004 : vector<32xbf16>
      %bitcast3A_1006 = vector.bitcast %mul3A_1005 : vector<32xbf16> to vector<16xi32>
      %and3A_1007 = arith.constant -65536 : i32
      %and3A_1008 = vector.broadcast %and3A_1007 : i32 to vector<16xi32>
      %and3A_1009 = arith.andi %bitcast3A_1006, %and3A_1008 : vector<16xi32>
      %bitcast3A_1010 = vector.bitcast %and3A_1009 : vector<16xi32> to vector<16xf32>
      %shift_left3A_1011 = arith.constant 16 : i32
      %shift_left3A_1012 = vector.broadcast %shift_left3A_1011 : i32 to vector<16xi32>
      %shift_left3A_1013 = arith.shli %bitcast3A_1006, %shift_left3A_1012 : vector<16xi32>
      %bitcast3A_1014 = vector.bitcast %shift_left3A_1013 : vector<16xi32> to vector<16xf32>
      %add3A_1015 = arith.addf %bitcast3A_1010, %bitcast3A_1014 : vector<16xf32>
      %get3A_1016 = arith.index_cast %add3A_977 : i32 to index
      %get3A_1017 = arith.constant 32 : index
      %get3A_1018 = tpu.vector_load %arg11[%get3A_1016, %get3A_1017] {strides = array<i32>} : memref<80x64xi32, #tpu.memory_space<vmem>>, vector<16xi32>,
      %bitcast3A_1019 = vector.bitcast %get3A_1018 : vector<16xi32> to vector<32xbf16>
      %get3A_1020 = arith.index_cast %add3A_977 : i32 to index
      %get3A_1021 = arith.constant 32 : index
      %get3A_1022 = tpu.vector_load %arg13[%get3A_1020, %get3A_1021] {strides = array<i32>} : memref<80x64xi32, #tpu.memory_space<vmem>>, vector<16xi32>,
      %bitcast3A_1023 = vector.bitcast %get3A_1022 : vector<16xi32> to vector<32xbf16>
      %mul3A_1024 = arith.mulf %bitcast3A_1019, %bitcast3A_1023 : vector<32xbf16>
      %bitcast3A_1025 = vector.bitcast %mul3A_1024 : vector<32xbf16> to vector<16xi32>
      %and3A_1026 = arith.constant -65536 : i32
      %and3A_1027 = vector.broadcast %and3A_1026 : i32 to vector<16xi32>
      %and3A_1028 = arith.andi %bitcast3A_1025, %and3A_1027 : vector<16xi32>
      %bitcast3A_1029 = vector.bitcast %and3A_1028 : vector<16xi32> to vector<16xf32>
      %shift_left3A_1030 = arith.constant 16 : i32
      %shift_left3A_1031 = vector.broadcast %shift_left3A_1030 : i32 to vector<16xi32>
      %shift_left3A_1032 = arith.shli %bitcast3A_1025, %shift_left3A_1031 : vector<16xi32>
      %bitcast3A_1033 = vector.bitcast %shift_left3A_1032 : vector<16xi32> to vector<16xf32>
      %add3A_1034 = arith.addf %bitcast3A_1029, %bitcast3A_1033 : vector<16xf32>
      %get3A_1035 = arith.index_cast %add3A_977 : i32 to index
      %get3A_1036 = arith.constant 48 : index
      %get3A_1037 = tpu.vector_load %arg11[%get3A_1035, %get3A_1036] {strides = array<i32>} : memref<80x64xi32, #tpu.memory_space<vmem>>, vector<16xi32>,
      %bitcast3A_1038 = vector.bitcast %get3A_1037 : vector<16xi32> to vector<32xbf16>
      %get3A_1039 = arith.index_cast %add3A_977 : i32 to index
      %get3A_1040 = arith.constant 48 : index
      %get3A_1041 = tpu.vector_load %arg13[%get3A_1039, %get3A_1040] {strides = array<i32>} : memref<80x64xi32, #tpu.memory_space<vmem>>, vector<16xi32>,
      %bitcast3A_1042 = vector.bitcast %get3A_1041 : vector<16xi32> to vector<32xbf16>
      %mul3A_1043 = arith.mulf %bitcast3A_1038, %bitcast3A_1042 : vector<32xbf16>
      %bitcast3A_1044 = vector.bitcast %mul3A_1043 : vector<32xbf16> to vector<16xi32>
      %and3A_1045 = arith.constant -65536 : i32
      %and3A_1046 = vector.broadcast %and3A_1045 : i32 to vector<16xi32>
      %and3A_1047 = arith.andi %bitcast3A_1044, %and3A_1046 : vector<16xi32>
      %bitcast3A_1048 = vector.bitcast %and3A_1047 : vector<16xi32> to vector<16xf32>
      %shift_left3A_1049 = arith.constant 16 : i32
      %shift_left3A_1050 = vector.broadcast %shift_left3A_1049 : i32 to vector<16xi32>
      %shift_left3A_1051 = arith.shli %bitcast3A_1044, %shift_left3A_1050 : vector<16xi32>
      %bitcast3A_1052 = vector.bitcast %shift_left3A_1051 : vector<16xi32> to vector<16xf32>
      %add3A_1053 = arith.addf %bitcast3A_1048, %bitcast3A_1052 : vector<16xf32>
      %add3A_1054 = arith.addf %add3A_996, %add3A_1015 : vector<16xf32>
      %add3A_1055 = arith.addf %add3A_1034, %add3A_1053 : vector<16xf32>
      %add3A_1056 = arith.addf %add3A_1054, %add3A_1055 : vector<16xf32>
      %broadcast_in_dim3A_1057 = arith.constant 11 : i32
      %broadcast_in_dim3A_1058 = vector.broadcast %broadcast_in_dim3A_1057 : i32 to vector<16xi32>
      tpu.vector_store_idx %arg15[%iota3A, %broadcast_in_dim3A_1058], %add3A_1056 : memref<16x17xf32, #tpu.memory_space<vmem>>[vector<16xi32>, vector<16xi32>], vector<16xf32>,
      %mul3A_1059 = arith.constant 16 : i32
      %mul3A_1060 = arith.muli %add3A_34, %mul3A_1059 : i32
      %add3A_1061 = arith.constant 12 : i32
      %add3A_1062 = arith.addi %mul3A_1060, %add3A_1061 : i32
      %get3A_1063 = arith.index_cast %add3A_1062 : i32 to index
      %get3A_1064 = arith.constant 0 : index
      %get3A_1065 = tpu.vector_load %arg11[%get3A_1063, %get3A_1064] {strides = array<i32>} : memref<80x64xi32, #tpu.memory_space<vmem>>, vector<16xi32>,
      %bitcast3A_1066 = vector.bitcast %get3A_1065 : vector<16xi32> to vector<32xbf16>
      %get3A_1067 = arith.index_cast %add3A_1062 : i32 to index
      %get3A_1068 = arith.constant 0 : index
      %get3A_1069 = tpu.vector_load %arg13[%get3A_1067, %get3A_1068] {strides = array<i32>} : memref<80x64xi32, #tpu.memory_space<vmem>>, vector<16xi32>,
      %bitcast3A_1070 = vector.bitcast %get3A_1069 : vector<16xi32> to vector<32xbf16>
      %mul3A_1071 = arith.mulf %bitcast3A_1066, %bitcast3A_1070 : vector<32xbf16>
      %bitcast3A_1072 = vector.bitcast %mul3A_1071 : vector<32xbf16> to vector<16xi32>
      %and3A_1073 = arith.constant -65536 : i32
      %and3A_1074 = vector.broadcast %and3A_1073 : i32 to vector<16xi32>
      %and3A_1075 = arith.andi %bitcast3A_1072, %and3A_1074 : vector<16xi32>
      %bitcast3A_1076 = vector.bitcast %and3A_1075 : vector<16xi32> to vector<16xf32>
      %shift_left3A_1077 = arith.constant 16 : i32
      %shift_left3A_1078 = vector.broadcast %shift_left3A_1077 : i32 to vector<16xi32>
      %shift_left3A_1079 = arith.shli %bitcast3A_1072, %shift_left3A_1078 : vector<16xi32>
      %bitcast3A_1080 = vector.bitcast %shift_left3A_1079 : vector<16xi32> to vector<16xf32>
      %add3A_1081 = arith.addf %bitcast3A_1076, %bitcast3A_1080 : vector<16xf32>
      %get3A_1082 = arith.index_cast %add3A_1062 : i32 to index
      %get3A_1083 = arith.constant 16 : index
      %get3A_1084 = tpu.vector_load %arg11[%get3A_1082, %get3A_1083] {strides = array<i32>} : memref<80x64xi32, #tpu.memory_space<vmem>>, vector<16xi32>,
      %bitcast3A_1085 = vector.bitcast %get3A_1084 : vector<16xi32> to vector<32xbf16>
      %get3A_1086 = arith.index_cast %add3A_1062 : i32 to index
      %get3A_1087 = arith.constant 16 : index
      %get3A_1088 = tpu.vector_load %arg13[%get3A_1086, %get3A_1087] {strides = array<i32>} : memref<80x64xi32, #tpu.memory_space<vmem>>, vector<16xi32>,
      %bitcast3A_1089 = vector.bitcast %get3A_1088 : vector<16xi32> to vector<32xbf16>
      %mul3A_1090 = arith.mulf %bitcast3A_1085, %bitcast3A_1089 : vector<32xbf16>
      %bitcast3A_1091 = vector.bitcast %mul3A_1090 : vector<32xbf16> to vector<16xi32>
      %and3A_1092 = arith.constant -65536 : i32
      %and3A_1093 = vector.broadcast %and3A_1092 : i32 to vector<16xi32>
      %and3A_1094 = arith.andi %bitcast3A_1091, %and3A_1093 : vector<16xi32>
      %bitcast3A_1095 = vector.bitcast %and3A_1094 : vector<16xi32> to vector<16xf32>
      %shift_left3A_1096 = arith.constant 16 : i32
      %shift_left3A_1097 = vector.broadcast %shift_left3A_1096 : i32 to vector<16xi32>
      %shift_left3A_1098 = arith.shli %bitcast3A_1091, %shift_left3A_1097 : vector<16xi32>
      %bitcast3A_1099 = vector.bitcast %shift_left3A_1098 : vector<16xi32> to vector<16xf32>
      %add3A_1100 = arith.addf %bitcast3A_1095, %bitcast3A_1099 : vector<16xf32>
      %get3A_1101 = arith.index_cast %add3A_1062 : i32 to index
      %get3A_1102 = arith.constant 32 : index
      %get3A_1103 = tpu.vector_load %arg11[%get3A_1101, %get3A_1102] {strides = array<i32>} : memref<80x64xi32, #tpu.memory_space<vmem>>, vector<16xi32>,
      %bitcast3A_1104 = vector.bitcast %get3A_1103 : vector<16xi32> to vector<32xbf16>
      %get3A_1105 = arith.index_cast %add3A_1062 : i32 to index
      %get3A_1106 = arith.constant 32 : index
      %get3A_1107 = tpu.vector_load %arg13[%get3A_1105, %get3A_1106] {strides = array<i32>} : memref<80x64xi32, #tpu.memory_space<vmem>>, vector<16xi32>,
      %bitcast3A_1108 = vector.bitcast %get3A_1107 : vector<16xi32> to vector<32xbf16>
      %mul3A_1109 = arith.mulf %bitcast3A_1104, %bitcast3A_1108 : vector<32xbf16>
      %bitcast3A_1110 = vector.bitcast %mul3A_1109 : vector<32xbf16> to vector<16xi32>
      %and3A_1111 = arith.constant -65536 : i32
      %and3A_1112 = vector.broadcast %and3A_1111 : i32 to vector<16xi32>
      %and3A_1113 = arith.andi %bitcast3A_1110, %and3A_1112 : vector<16xi32>
      %bitcast3A_1114 = vector.bitcast %and3A_1113 : vector<16xi32> to vector<16xf32>
      %shift_left3A_1115 = arith.constant 16 : i32
      %shift_left3A_1116 = vector.broadcast %shift_left3A_1115 : i32 to vector<16xi32>
      %shift_left3A_1117 = arith.shli %bitcast3A_1110, %shift_left3A_1116 : vector<16xi32>
      %bitcast3A_1118 = vector.bitcast %shift_left3A_1117 : vector<16xi32> to vector<16xf32>
      %add3A_1119 = arith.addf %bitcast3A_1114, %bitcast3A_1118 : vector<16xf32>
      %get3A_1120 = arith.index_cast %add3A_1062 : i32 to index
      %get3A_1121 = arith.constant 48 : index
      %get3A_1122 = tpu.vector_load %arg11[%get3A_1120, %get3A_1121] {strides = array<i32>} : memref<80x64xi32, #tpu.memory_space<vmem>>, vector<16xi32>,
      %bitcast3A_1123 = vector.bitcast %get3A_1122 : vector<16xi32> to vector<32xbf16>
      %get3A_1124 = arith.index_cast %add3A_1062 : i32 to index
      %get3A_1125 = arith.constant 48 : index
      %get3A_1126 = tpu.vector_load %arg13[%get3A_1124, %get3A_1125] {strides = array<i32>} : memref<80x64xi32, #tpu.memory_space<vmem>>, vector<16xi32>,
      %bitcast3A_1127 = vector.bitcast %get3A_1126 : vector<16xi32> to vector<32xbf16>
      %mul3A_1128 = arith.mulf %bitcast3A_1123, %bitcast3A_1127 : vector<32xbf16>
      %bitcast3A_1129 = vector.bitcast %mul3A_1128 : vector<32xbf16> to vector<16xi32>
      %and3A_1130 = arith.constant -65536 : i32
      %and3A_1131 = vector.broadcast %and3A_1130 : i32 to vector<16xi32>
      %and3A_1132 = arith.andi %bitcast3A_1129, %and3A_1131 : vector<16xi32>
      %bitcast3A_1133 = vector.bitcast %and3A_1132 : vector<16xi32> to vector<16xf32>
      %shift_left3A_1134 = arith.constant 16 : i32
      %shift_left3A_1135 = vector.broadcast %shift_left3A_1134 : i32 to vector<16xi32>
      %shift_left3A_1136 = arith.shli %bitcast3A_1129, %shift_left3A_1135 : vector<16xi32>
      %bitcast3A_1137 = vector.bitcast %shift_left3A_1136 : vector<16xi32> to vector<16xf32>
      %add3A_1138 = arith.addf %bitcast3A_1133, %bitcast3A_1137 : vector<16xf32>
      %add3A_1139 = arith.addf %add3A_1081, %add3A_1100 : vector<16xf32>
      %add3A_1140 = arith.addf %add3A_1119, %add3A_1138 : vector<16xf32>
      %add3A_1141 = arith.addf %add3A_1139, %add3A_1140 : vector<16xf32>
      %broadcast_in_dim3A_1142 = arith.constant 12 : i32
      %broadcast_in_dim3A_1143 = vector.broadcast %broadcast_in_dim3A_1142 : i32 to vector<16xi32>
      tpu.vector_store_idx %arg15[%iota3A, %broadcast_in_dim3A_1143], %add3A_1141 : memref<16x17xf32, #tpu.memory_space<vmem>>[vector<16xi32>, vector<16xi32>], vector<16xf32>,
      %mul3A_1144 = arith.constant 16 : i32
      %mul3A_1145 = arith.muli %add3A_34, %mul3A_1144 : i32
      %add3A_1146 = arith.constant 13 : i32
      %add3A_1147 = arith.addi %mul3A_1145, %add3A_1146 : i32
      %get3A_1148 = arith.index_cast %add3A_1147 : i32 to index
      %get3A_1149 = arith.constant 0 : index
      %get3A_1150 = tpu.vector_load %arg11[%get3A_1148, %get3A_1149] {strides = array<i32>} : memref<80x64xi32, #tpu.memory_space<vmem>>, vector<16xi32>,
      %bitcast3A_1151 = vector.bitcast %get3A_1150 : vector<16xi32> to vector<32xbf16>
      %get3A_1152 = arith.index_cast %add3A_1147 : i32 to index
      %get3A_1153 = arith.constant 0 : index
      %get3A_1154 = tpu.vector_load %arg13[%get3A_1152, %get3A_1153] {strides = array<i32>} : memref<80x64xi32, #tpu.memory_space<vmem>>, vector<16xi32>,
      %bitcast3A_1155 = vector.bitcast %get3A_1154 : vector<16xi32> to vector<32xbf16>
      %mul3A_1156 = arith.mulf %bitcast3A_1151, %bitcast3A_1155 : vector<32xbf16>
      %bitcast3A_1157 = vector.bitcast %mul3A_1156 : vector<32xbf16> to vector<16xi32>
      %and3A_1158 = arith.constant -65536 : i32
      %and3A_1159 = vector.broadcast %and3A_1158 : i32 to vector<16xi32>
      %and3A_1160 = arith.andi %bitcast3A_1157, %and3A_1159 : vector<16xi32>
      %bitcast3A_1161 = vector.bitcast %and3A_1160 : vector<16xi32> to vector<16xf32>
      %shift_left3A_1162 = arith.constant 16 : i32
      %shift_left3A_1163 = vector.broadcast %shift_left3A_1162 : i32 to vector<16xi32>
      %shift_left3A_1164 = arith.shli %bitcast3A_1157, %shift_left3A_1163 : vector<16xi32>
      %bitcast3A_1165 = vector.bitcast %shift_left3A_1164 : vector<16xi32> to vector<16xf32>
      %add3A_1166 = arith.addf %bitcast3A_1161, %bitcast3A_1165 : vector<16xf32>
      %get3A_1167 = arith.index_cast %add3A_1147 : i32 to index
      %get3A_1168 = arith.constant 16 : index
      %get3A_1169 = tpu.vector_load %arg11[%get3A_1167, %get3A_1168] {strides = array<i32>} : memref<80x64xi32, #tpu.memory_space<vmem>>, vector<16xi32>,
      %bitcast3A_1170 = vector.bitcast %get3A_1169 : vector<16xi32> to vector<32xbf16>
      %get3A_1171 = arith.index_cast %add3A_1147 : i32 to index
      %get3A_1172 = arith.constant 16 : index
      %get3A_1173 = tpu.vector_load %arg13[%get3A_1171, %get3A_1172] {strides = array<i32>} : memref<80x64xi32, #tpu.memory_space<vmem>>, vector<16xi32>,
      %bitcast3A_1174 = vector.bitcast %get3A_1173 : vector<16xi32> to vector<32xbf16>
      %mul3A_1175 = arith.mulf %bitcast3A_1170, %bitcast3A_1174 : vector<32xbf16>
      %bitcast3A_1176 = vector.bitcast %mul3A_1175 : vector<32xbf16> to vector<16xi32>
      %and3A_1177 = arith.constant -65536 : i32
      %and3A_1178 = vector.broadcast %and3A_1177 : i32 to vector<16xi32>
      %and3A_1179 = arith.andi %bitcast3A_1176, %and3A_1178 : vector<16xi32>
      %bitcast3A_1180 = vector.bitcast %and3A_1179 : vector<16xi32> to vector<16xf32>
      %shift_left3A_1181 = arith.constant 16 : i32
      %shift_left3A_1182 = vector.broadcast %shift_left3A_1181 : i32 to vector<16xi32>
      %shift_left3A_1183 = arith.shli %bitcast3A_1176, %shift_left3A_1182 : vector<16xi32>
      %bitcast3A_1184 = vector.bitcast %shift_left3A_1183 : vector<16xi32> to vector<16xf32>
      %add3A_1185 = arith.addf %bitcast3A_1180, %bitcast3A_1184 : vector<16xf32>
      %get3A_1186 = arith.index_cast %add3A_1147 : i32 to index
      %get3A_1187 = arith.constant 32 : index
      %get3A_1188 = tpu.vector_load %arg11[%get3A_1186, %get3A_1187] {strides = array<i32>} : memref<80x64xi32, #tpu.memory_space<vmem>>, vector<16xi32>,
      %bitcast3A_1189 = vector.bitcast %get3A_1188 : vector<16xi32> to vector<32xbf16>
      %get3A_1190 = arith.index_cast %add3A_1147 : i32 to index
      %get3A_1191 = arith.constant 32 : index
      %get3A_1192 = tpu.vector_load %arg13[%get3A_1190, %get3A_1191] {strides = array<i32>} : memref<80x64xi32, #tpu.memory_space<vmem>>, vector<16xi32>,
      %bitcast3A_1193 = vector.bitcast %get3A_1192 : vector<16xi32> to vector<32xbf16>
      %mul3A_1194 = arith.mulf %bitcast3A_1189, %bitcast3A_1193 : vector<32xbf16>
      %bitcast3A_1195 = vector.bitcast %mul3A_1194 : vector<32xbf16> to vector<16xi32>
      %and3A_1196 = arith.constant -65536 : i32
      %and3A_1197 = vector.broadcast %and3A_1196 : i32 to vector<16xi32>
      %and3A_1198 = arith.andi %bitcast3A_1195, %and3A_1197 : vector<16xi32>
      %bitcast3A_1199 = vector.bitcast %and3A_1198 : vector<16xi32> to vector<16xf32>
      %shift_left3A_1200 = arith.constant 16 : i32
      %shift_left3A_1201 = vector.broadcast %shift_left3A_1200 : i32 to vector<16xi32>
      %shift_left3A_1202 = arith.shli %bitcast3A_1195, %shift_left3A_1201 : vector<16xi32>
      %bitcast3A_1203 = vector.bitcast %shift_left3A_1202 : vector<16xi32> to vector<16xf32>
      %add3A_1204 = arith.addf %bitcast3A_1199, %bitcast3A_1203 : vector<16xf32>
      %get3A_1205 = arith.index_cast %add3A_1147 : i32 to index
      %get3A_1206 = arith.constant 48 : index
      %get3A_1207 = tpu.vector_load %arg11[%get3A_1205, %get3A_1206] {strides = array<i32>} : memref<80x64xi32, #tpu.memory_space<vmem>>, vector<16xi32>,
      %bitcast3A_1208 = vector.bitcast %get3A_1207 : vector<16xi32> to vector<32xbf16>
      %get3A_1209 = arith.index_cast %add3A_1147 : i32 to index
      %get3A_1210 = arith.constant 48 : index
      %get3A_1211 = tpu.vector_load %arg13[%get3A_1209, %get3A_1210] {strides = array<i32>} : memref<80x64xi32, #tpu.memory_space<vmem>>, vector<16xi32>,
      %bitcast3A_1212 = vector.bitcast %get3A_1211 : vector<16xi32> to vector<32xbf16>
      %mul3A_1213 = arith.mulf %bitcast3A_1208, %bitcast3A_1212 : vector<32xbf16>
      %bitcast3A_1214 = vector.bitcast %mul3A_1213 : vector<32xbf16> to vector<16xi32>
      %and3A_1215 = arith.constant -65536 : i32
      %and3A_1216 = vector.broadcast %and3A_1215 : i32 to vector<16xi32>
      %and3A_1217 = arith.andi %bitcast3A_1214, %and3A_1216 : vector<16xi32>
      %bitcast3A_1218 = vector.bitcast %and3A_1217 : vector<16xi32> to vector<16xf32>
      %shift_left3A_1219 = arith.constant 16 : i32
      %shift_left3A_1220 = vector.broadcast %shift_left3A_1219 : i32 to vector<16xi32>
      %shift_left3A_1221 = arith.shli %bitcast3A_1214, %shift_left3A_1220 : vector<16xi32>
      %bitcast3A_1222 = vector.bitcast %shift_left3A_1221 : vector<16xi32> to vector<16xf32>
      %add3A_1223 = arith.addf %bitcast3A_1218, %bitcast3A_1222 : vector<16xf32>
      %add3A_1224 = arith.addf %add3A_1166, %add3A_1185 : vector<16xf32>
      %add3A_1225 = arith.addf %add3A_1204, %add3A_1223 : vector<16xf32>
      %add3A_1226 = arith.addf %add3A_1224, %add3A_1225 : vector<16xf32>
      %broadcast_in_dim3A_1227 = arith.constant 13 : i32
      %broadcast_in_dim3A_1228 = vector.broadcast %broadcast_in_dim3A_1227 : i32 to vector<16xi32>
      tpu.vector_store_idx %arg15[%iota3A, %broadcast_in_dim3A_1228], %add3A_1226 : memref<16x17xf32, #tpu.memory_space<vmem>>[vector<16xi32>, vector<16xi32>], vector<16xf32>,
      %mul3A_1229 = arith.constant 16 : i32
      %mul3A_1230 = arith.muli %add3A_34, %mul3A_1229 : i32
      %add3A_1231 = arith.constant 14 : i32
      %add3A_1232 = arith.addi %mul3A_1230, %add3A_1231 : i32
      %get3A_1233 = arith.index_cast %add3A_1232 : i32 to index
      %get3A_1234 = arith.constant 0 : index
      %get3A_1235 = tpu.vector_load %arg11[%get3A_1233, %get3A_1234] {strides = array<i32>} : memref<80x64xi32, #tpu.memory_space<vmem>>, vector<16xi32>,
      %bitcast3A_1236 = vector.bitcast %get3A_1235 : vector<16xi32> to vector<32xbf16>
      %get3A_1237 = arith.index_cast %add3A_1232 : i32 to index
      %get3A_1238 = arith.constant 0 : index
      %get3A_1239 = tpu.vector_load %arg13[%get3A_1237, %get3A_1238] {strides = array<i32>} : memref<80x64xi32, #tpu.memory_space<vmem>>, vector<16xi32>,
      %bitcast3A_1240 = vector.bitcast %get3A_1239 : vector<16xi32> to vector<32xbf16>
      %mul3A_1241 = arith.mulf %bitcast3A_1236, %bitcast3A_1240 : vector<32xbf16>
      %bitcast3A_1242 = vector.bitcast %mul3A_1241 : vector<32xbf16> to vector<16xi32>
      %and3A_1243 = arith.constant -65536 : i32
      %and3A_1244 = vector.broadcast %and3A_1243 : i32 to vector<16xi32>
      %and3A_1245 = arith.andi %bitcast3A_1242, %and3A_1244 : vector<16xi32>
      %bitcast3A_1246 = vector.bitcast %and3A_1245 : vector<16xi32> to vector<16xf32>
      %shift_left3A_1247 = arith.constant 16 : i32
      %shift_left3A_1248 = vector.broadcast %shift_left3A_1247 : i32 to vector<16xi32>
      %shift_left3A_1249 = arith.shli %bitcast3A_1242, %shift_left3A_1248 : vector<16xi32>
      %bitcast3A_1250 = vector.bitcast %shift_left3A_1249 : vector<16xi32> to vector<16xf32>
      %add3A_1251 = arith.addf %bitcast3A_1246, %bitcast3A_1250 : vector<16xf32>
      %get3A_1252 = arith.index_cast %add3A_1232 : i32 to index
      %get3A_1253 = arith.constant 16 : index
      %get3A_1254 = tpu.vector_load %arg11[%get3A_1252, %get3A_1253] {strides = array<i32>} : memref<80x64xi32, #tpu.memory_space<vmem>>, vector<16xi32>,
      %bitcast3A_1255 = vector.bitcast %get3A_1254 : vector<16xi32> to vector<32xbf16>
      %get3A_1256 = arith.index_cast %add3A_1232 : i32 to index
      %get3A_1257 = arith.constant 16 : index
      %get3A_1258 = tpu.vector_load %arg13[%get3A_1256, %get3A_1257] {strides = array<i32>} : memref<80x64xi32, #tpu.memory_space<vmem>>, vector<16xi32>,
      %bitcast3A_1259 = vector.bitcast %get3A_1258 : vector<16xi32> to vector<32xbf16>
      %mul3A_1260 = arith.mulf %bitcast3A_1255, %bitcast3A_1259 : vector<32xbf16>
      %bitcast3A_1261 = vector.bitcast %mul3A_1260 : vector<32xbf16> to vector<16xi32>
      %and3A_1262 = arith.constant -65536 : i32
      %and3A_1263 = vector.broadcast %and3A_1262 : i32 to vector<16xi32>
      %and3A_1264 = arith.andi %bitcast3A_1261, %and3A_1263 : vector<16xi32>
      %bitcast3A_1265 = vector.bitcast %and3A_1264 : vector<16xi32> to vector<16xf32>
      %shift_left3A_1266 = arith.constant 16 : i32
      %shift_left3A_1267 = vector.broadcast %shift_left3A_1266 : i32 to vector<16xi32>
      %shift_left3A_1268 = arith.shli %bitcast3A_1261, %shift_left3A_1267 : vector<16xi32>
      %bitcast3A_1269 = vector.bitcast %shift_left3A_1268 : vector<16xi32> to vector<16xf32>
      %add3A_1270 = arith.addf %bitcast3A_1265, %bitcast3A_1269 : vector<16xf32>
      %get3A_1271 = arith.index_cast %add3A_1232 : i32 to index
      %get3A_1272 = arith.constant 32 : index
      %get3A_1273 = tpu.vector_load %arg11[%get3A_1271, %get3A_1272] {strides = array<i32>} : memref<80x64xi32, #tpu.memory_space<vmem>>, vector<16xi32>,
      %bitcast3A_1274 = vector.bitcast %get3A_1273 : vector<16xi32> to vector<32xbf16>
      %get3A_1275 = arith.index_cast %add3A_1232 : i32 to index
      %get3A_1276 = arith.constant 32 : index
      %get3A_1277 = tpu.vector_load %arg13[%get3A_1275, %get3A_1276] {strides = array<i32>} : memref<80x64xi32, #tpu.memory_space<vmem>>, vector<16xi32>,
      %bitcast3A_1278 = vector.bitcast %get3A_1277 : vector<16xi32> to vector<32xbf16>
      %mul3A_1279 = arith.mulf %bitcast3A_1274, %bitcast3A_1278 : vector<32xbf16>
      %bitcast3A_1280 = vector.bitcast %mul3A_1279 : vector<32xbf16> to vector<16xi32>
      %and3A_1281 = arith.constant -65536 : i32
      %and3A_1282 = vector.broadcast %and3A_1281 : i32 to vector<16xi32>
      %and3A_1283 = arith.andi %bitcast3A_1280, %and3A_1282 : vector<16xi32>
      %bitcast3A_1284 = vector.bitcast %and3A_1283 : vector<16xi32> to vector<16xf32>
      %shift_left3A_1285 = arith.constant 16 : i32
      %shift_left3A_1286 = vector.broadcast %shift_left3A_1285 : i32 to vector<16xi32>
      %shift_left3A_1287 = arith.shli %bitcast3A_1280, %shift_left3A_1286 : vector<16xi32>
      %bitcast3A_1288 = vector.bitcast %shift_left3A_1287 : vector<16xi32> to vector<16xf32>
      %add3A_1289 = arith.addf %bitcast3A_1284, %bitcast3A_1288 : vector<16xf32>
      %get3A_1290 = arith.index_cast %add3A_1232 : i32 to index
      %get3A_1291 = arith.constant 48 : index
      %get3A_1292 = tpu.vector_load %arg11[%get3A_1290, %get3A_1291] {strides = array<i32>} : memref<80x64xi32, #tpu.memory_space<vmem>>, vector<16xi32>,
      %bitcast3A_1293 = vector.bitcast %get3A_1292 : vector<16xi32> to vector<32xbf16>
      %get3A_1294 = arith.index_cast %add3A_1232 : i32 to index
      %get3A_1295 = arith.constant 48 : index
      %get3A_1296 = tpu.vector_load %arg13[%get3A_1294, %get3A_1295] {strides = array<i32>} : memref<80x64xi32, #tpu.memory_space<vmem>>, vector<16xi32>,
      %bitcast3A_1297 = vector.bitcast %get3A_1296 : vector<16xi32> to vector<32xbf16>
      %mul3A_1298 = arith.mulf %bitcast3A_1293, %bitcast3A_1297 : vector<32xbf16>
      %bitcast3A_1299 = vector.bitcast %mul3A_1298 : vector<32xbf16> to vector<16xi32>
      %and3A_1300 = arith.constant -65536 : i32
      %and3A_1301 = vector.broadcast %and3A_1300 : i32 to vector<16xi32>
      %and3A_1302 = arith.andi %bitcast3A_1299, %and3A_1301 : vector<16xi32>
      %bitcast3A_1303 = vector.bitcast %and3A_1302 : vector<16xi32> to vector<16xf32>
      %shift_left3A_1304 = arith.constant 16 : i32
      %shift_left3A_1305 = vector.broadcast %shift_left3A_1304 : i32 to vector<16xi32>
      %shift_left3A_1306 = arith.shli %bitcast3A_1299, %shift_left3A_1305 : vector<16xi32>
      %bitcast3A_1307 = vector.bitcast %shift_left3A_1306 : vector<16xi32> to vector<16xf32>
      %add3A_1308 = arith.addf %bitcast3A_1303, %bitcast3A_1307 : vector<16xf32>
      %add3A_1309 = arith.addf %add3A_1251, %add3A_1270 : vector<16xf32>
      %add3A_1310 = arith.addf %add3A_1289, %add3A_1308 : vector<16xf32>
      %add3A_1311 = arith.addf %add3A_1309, %add3A_1310 : vector<16xf32>
      %broadcast_in_dim3A_1312 = arith.constant 14 : i32
      %broadcast_in_dim3A_1313 = vector.broadcast %broadcast_in_dim3A_1312 : i32 to vector<16xi32>
      tpu.vector_store_idx %arg15[%iota3A, %broadcast_in_dim3A_1313], %add3A_1311 : memref<16x17xf32, #tpu.memory_space<vmem>>[vector<16xi32>, vector<16xi32>], vector<16xf32>,
      %mul3A_1314 = arith.constant 16 : i32
      %mul3A_1315 = arith.muli %add3A_34, %mul3A_1314 : i32
      %add3A_1316 = arith.constant 15 : i32
      %add3A_1317 = arith.addi %mul3A_1315, %add3A_1316 : i32
      %get3A_1318 = arith.index_cast %add3A_1317 : i32 to index
      %get3A_1319 = arith.constant 0 : index
      %get3A_1320 = tpu.vector_load %arg11[%get3A_1318, %get3A_1319] {strides = array<i32>} : memref<80x64xi32, #tpu.memory_space<vmem>>, vector<16xi32>,
      %bitcast3A_1321 = vector.bitcast %get3A_1320 : vector<16xi32> to vector<32xbf16>
      %get3A_1322 = arith.index_cast %add3A_1317 : i32 to index
      %get3A_1323 = arith.constant 0 : index
      %get3A_1324 = tpu.vector_load %arg13[%get3A_1322, %get3A_1323] {strides = array<i32>} : memref<80x64xi32, #tpu.memory_space<vmem>>, vector<16xi32>,
      %bitcast3A_1325 = vector.bitcast %get3A_1324 : vector<16xi32> to vector<32xbf16>
      %mul3A_1326 = arith.mulf %bitcast3A_1321, %bitcast3A_1325 : vector<32xbf16>
      %bitcast3A_1327 = vector.bitcast %mul3A_1326 : vector<32xbf16> to vector<16xi32>
      %and3A_1328 = arith.constant -65536 : i32
      %and3A_1329 = vector.broadcast %and3A_1328 : i32 to vector<16xi32>
      %and3A_1330 = arith.andi %bitcast3A_1327, %and3A_1329 : vector<16xi32>
      %bitcast3A_1331 = vector.bitcast %and3A_1330 : vector<16xi32> to vector<16xf32>
      %shift_left3A_1332 = arith.constant 16 : i32
      %shift_left3A_1333 = vector.broadcast %shift_left3A_1332 : i32 to vector<16xi32>
      %shift_left3A_1334 = arith.shli %bitcast3A_1327, %shift_left3A_1333 : vector<16xi32>
      %bitcast3A_1335 = vector.bitcast %shift_left3A_1334 : vector<16xi32> to vector<16xf32>
      %add3A_1336 = arith.addf %bitcast3A_1331, %bitcast3A_1335 : vector<16xf32>
      %get3A_1337 = arith.index_cast %add3A_1317 : i32 to index
      %get3A_1338 = arith.constant 16 : index
      %get3A_1339 = tpu.vector_load %arg11[%get3A_1337, %get3A_1338] {strides = array<i32>} : memref<80x64xi32, #tpu.memory_space<vmem>>, vector<16xi32>,
      %bitcast3A_1340 = vector.bitcast %get3A_1339 : vector<16xi32> to vector<32xbf16>
      %get3A_1341 = arith.index_cast %add3A_1317 : i32 to index
      %get3A_1342 = arith.constant 16 : index
      %get3A_1343 = tpu.vector_load %arg13[%get3A_1341, %get3A_1342] {strides = array<i32>} : memref<80x64xi32, #tpu.memory_space<vmem>>, vector<16xi32>,
      %bitcast3A_1344 = vector.bitcast %get3A_1343 : vector<16xi32> to vector<32xbf16>
      %mul3A_1345 = arith.mulf %bitcast3A_1340, %bitcast3A_1344 : vector<32xbf16>
      %bitcast3A_1346 = vector.bitcast %mul3A_1345 : vector<32xbf16> to vector<16xi32>
      %and3A_1347 = arith.constant -65536 : i32
      %and3A_1348 = vector.broadcast %and3A_1347 : i32 to vector<16xi32>
      %and3A_1349 = arith.andi %bitcast3A_1346, %and3A_1348 : vector<16xi32>
      %bitcast3A_1350 = vector.bitcast %and3A_1349 : vector<16xi32> to vector<16xf32>
      %shift_left3A_1351 = arith.constant 16 : i32
      %shift_left3A_1352 = vector.broadcast %shift_left3A_1351 : i32 to vector<16xi32>
      %shift_left3A_1353 = arith.shli %bitcast3A_1346, %shift_left3A_1352 : vector<16xi32>
      %bitcast3A_1354 = vector.bitcast %shift_left3A_1353 : vector<16xi32> to vector<16xf32>
      %add3A_1355 = arith.addf %bitcast3A_1350, %bitcast3A_1354 : vector<16xf32>
      %get3A_1356 = arith.index_cast %add3A_1317 : i32 to index
      %get3A_1357 = arith.constant 32 : index
      %get3A_1358 = tpu.vector_load %arg11[%get3A_1356, %get3A_1357] {strides = array<i32>} : memref<80x64xi32, #tpu.memory_space<vmem>>, vector<16xi32>,
      %bitcast3A_1359 = vector.bitcast %get3A_1358 : vector<16xi32> to vector<32xbf16>
      %get3A_1360 = arith.index_cast %add3A_1317 : i32 to index
      %get3A_1361 = arith.constant 32 : index
      %get3A_1362 = tpu.vector_load %arg13[%get3A_1360, %get3A_1361] {strides = array<i32>} : memref<80x64xi32, #tpu.memory_space<vmem>>, vector<16xi32>,
      %bitcast3A_1363 = vector.bitcast %get3A_1362 : vector<16xi32> to vector<32xbf16>
      %mul3A_1364 = arith.mulf %bitcast3A_1359, %bitcast3A_1363 : vector<32xbf16>
      %bitcast3A_1365 = vector.bitcast %mul3A_1364 : vector<32xbf16> to vector<16xi32>
      %and3A_1366 = arith.constant -65536 : i32
      %and3A_1367 = vector.broadcast %and3A_1366 : i32 to vector<16xi32>
      %and3A_1368 = arith.andi %bitcast3A_1365, %and3A_1367 : vector<16xi32>
      %bitcast3A_1369 = vector.bitcast %and3A_1368 : vector<16xi32> to vector<16xf32>
      %shift_left3A_1370 = arith.constant 16 : i32
      %shift_left3A_1371 = vector.broadcast %shift_left3A_1370 : i32 to vector<16xi32>
      %shift_left3A_1372 = arith.shli %bitcast3A_1365, %shift_left3A_1371 : vector<16xi32>
      %bitcast3A_1373 = vector.bitcast %shift_left3A_1372 : vector<16xi32> to vector<16xf32>
      %add3A_1374 = arith.addf %bitcast3A_1369, %bitcast3A_1373 : vector<16xf32>
      %get3A_1375 = arith.index_cast %add3A_1317 : i32 to index
      %get3A_1376 = arith.constant 48 : index
      %get3A_1377 = tpu.vector_load %arg11[%get3A_1375, %get3A_1376] {strides = array<i32>} : memref<80x64xi32, #tpu.memory_space<vmem>>, vector<16xi32>,
      %bitcast3A_1378 = vector.bitcast %get3A_1377 : vector<16xi32> to vector<32xbf16>
      %get3A_1379 = arith.index_cast %add3A_1317 : i32 to index
      %get3A_1380 = arith.constant 48 : index
      %get3A_1381 = tpu.vector_load %arg13[%get3A_1379, %get3A_1380] {strides = array<i32>} : memref<80x64xi32, #tpu.memory_space<vmem>>, vector<16xi32>,
      %bitcast3A_1382 = vector.bitcast %get3A_1381 : vector<16xi32> to vector<32xbf16>
      %mul3A_1383 = arith.mulf %bitcast3A_1378, %bitcast3A_1382 : vector<32xbf16>
      %bitcast3A_1384 = vector.bitcast %mul3A_1383 : vector<32xbf16> to vector<16xi32>
      %and3A_1385 = arith.constant -65536 : i32
      %and3A_1386 = vector.broadcast %and3A_1385 : i32 to vector<16xi32>
      %and3A_1387 = arith.andi %bitcast3A_1384, %and3A_1386 : vector<16xi32>
      %bitcast3A_1388 = vector.bitcast %and3A_1387 : vector<16xi32> to vector<16xf32>
      %shift_left3A_1389 = arith.constant 16 : i32
      %shift_left3A_1390 = vector.broadcast %shift_left3A_1389 : i32 to vector<16xi32>
      %shift_left3A_1391 = arith.shli %bitcast3A_1384, %shift_left3A_1390 : vector<16xi32>
      %bitcast3A_1392 = vector.bitcast %shift_left3A_1391 : vector<16xi32> to vector<16xf32>
      %add3A_1393 = arith.addf %bitcast3A_1388, %bitcast3A_1392 : vector<16xf32>
      %add3A_1394 = arith.addf %add3A_1336, %add3A_1355 : vector<16xf32>
      %add3A_1395 = arith.addf %add3A_1374, %add3A_1393 : vector<16xf32>
      %add3A_1396 = arith.addf %add3A_1394, %add3A_1395 : vector<16xf32>
      %broadcast_in_dim3A_1397 = arith.constant 15 : i32
      %broadcast_in_dim3A_1398 = vector.broadcast %broadcast_in_dim3A_1397 : i32 to vector<16xi32>
      tpu.vector_store_idx %arg15[%iota3A, %broadcast_in_dim3A_1398], %add3A_1396 : memref<16x17xf32, #tpu.memory_space<vmem>>[vector<16xi32>, vector<16xi32>], vector<16xf32>,
      %get3A_1399 = arith.constant 0 : i32
      %get3A_1400 = arith.index_cast %get3A_1399 : i32 to index
      %get3A_1401 = arith.constant 0 : index
      %get3A_1402 = tpu.vector_load %arg15[%get3A_1400, %get3A_1401] {strides = array<i32>} : memref<16x17xf32, #tpu.memory_space<vmem>>, vector<16xf32>,
      %get3A_1403 = arith.constant 1 : i32
      %get3A_1404 = arith.index_cast %get3A_1403 : i32 to index
      %get3A_1405 = arith.constant 0 : index
      %get3A_1406 = tpu.vector_load %arg15[%get3A_1404, %get3A_1405] {strides = array<i32>} : memref<16x17xf32, #tpu.memory_space<vmem>>, vector<16xf32>,
      %get3A_1407 = arith.constant 2 : i32
      %get3A_1408 = arith.index_cast %get3A_1407 : i32 to index
      %get3A_1409 = arith.constant 0 : index
      %get3A_1410 = tpu.vector_load %arg15[%get3A_1408, %get3A_1409] {strides = array<i32>} : memref<16x17xf32, #tpu.memory_space<vmem>>, vector<16xf32>,
      %get3A_1411 = arith.constant 3 : i32
      %get3A_1412 = arith.index_cast %get3A_1411 : i32 to index
      %get3A_1413 = arith.constant 0 : index
      %get3A_1414 = tpu.vector_load %arg15[%get3A_1412, %get3A_1413] {strides = array<i32>} : memref<16x17xf32, #tpu.memory_space<vmem>>, vector<16xf32>,
      %get3A_1415 = arith.constant 4 : i32
      %get3A_1416 = arith.index_cast %get3A_1415 : i32 to index
      %get3A_1417 = arith.constant 0 : index
      %get3A_1418 = tpu.vector_load %arg15[%get3A_1416, %get3A_1417] {strides = array<i32>} : memref<16x17xf32, #tpu.memory_space<vmem>>, vector<16xf32>,
      %get3A_1419 = arith.constant 5 : i32
      %get3A_1420 = arith.index_cast %get3A_1419 : i32 to index
      %get3A_1421 = arith.constant 0 : index
      %get3A_1422 = tpu.vector_load %arg15[%get3A_1420, %get3A_1421] {strides = array<i32>} : memref<16x17xf32, #tpu.memory_space<vmem>>, vector<16xf32>,
      %get3A_1423 = arith.constant 6 : i32
      %get3A_1424 = arith.index_cast %get3A_1423 : i32 to index
      %get3A_1425 = arith.constant 0 : index
      %get3A_1426 = tpu.vector_load %arg15[%get3A_1424, %get3A_1425] {strides = array<i32>} : memref<16x17xf32, #tpu.memory_space<vmem>>, vector<16xf32>,
      %get3A_1427 = arith.constant 7 : i32
      %get3A_1428 = arith.index_cast %get3A_1427 : i32 to index
      %get3A_1429 = arith.constant 0 : index
      %get3A_1430 = tpu.vector_load %arg15[%get3A_1428, %get3A_1429] {strides = array<i32>} : memref<16x17xf32, #tpu.memory_space<vmem>>, vector<16xf32>,
      %get3A_1431 = arith.constant 8 : i32
      %get3A_1432 = arith.index_cast %get3A_1431 : i32 to index
      %get3A_1433 = arith.constant 0 : index
      %get3A_1434 = tpu.vector_load %arg15[%get3A_1432, %get3A_1433] {strides = array<i32>} : memref<16x17xf32, #tpu.memory_space<vmem>>, vector<16xf32>,
      %get3A_1435 = arith.constant 9 : i32
      %get3A_1436 = arith.index_cast %get3A_1435 : i32 to index
      %get3A_1437 = arith.constant 0 : index
      %get3A_1438 = tpu.vector_load %arg15[%get3A_1436, %get3A_1437] {strides = array<i32>} : memref<16x17xf32, #tpu.memory_space<vmem>>, vector<16xf32>,
      %get3A_1439 = arith.constant 10 : i32
      %get3A_1440 = arith.index_cast %get3A_1439 : i32 to index
      %get3A_1441 = arith.constant 0 : index
      %get3A_1442 = tpu.vector_load %arg15[%get3A_1440, %get3A_1441] {strides = array<i32>} : memref<16x17xf32, #tpu.memory_space<vmem>>, vector<16xf32>,
      %get3A_1443 = arith.constant 11 : i32
      %get3A_1444 = arith.index_cast %get3A_1443 : i32 to index
      %get3A_1445 = arith.constant 0 : index
      %get3A_1446 = tpu.vector_load %arg15[%get3A_1444, %get3A_1445] {strides = array<i32>} : memref<16x17xf32, #tpu.memory_space<vmem>>, vector<16xf32>,
      %get3A_1447 = arith.constant 12 : i32
      %get3A_1448 = arith.index_cast %get3A_1447 : i32 to index
      %get3A_1449 = arith.constant 0 : index
      %get3A_1450 = tpu.vector_load %arg15[%get3A_1448, %get3A_1449] {strides = array<i32>} : memref<16x17xf32, #tpu.memory_space<vmem>>, vector<16xf32>,
      %get3A_1451 = arith.constant 13 : i32
      %get3A_1452 = arith.index_cast %get3A_1451 : i32 to index
      %get3A_1453 = arith.constant 0 : index
      %get3A_1454 = tpu.vector_load %arg15[%get3A_1452, %get3A_1453] {strides = array<i32>} : memref<16x17xf32, #tpu.memory_space<vmem>>, vector<16xf32>,
      %get3A_1455 = arith.constant 14 : i32
      %get3A_1456 = arith.index_cast %get3A_1455 : i32 to index
      %get3A_1457 = arith.constant 0 : index
      %get3A_1458 = tpu.vector_load %arg15[%get3A_1456, %get3A_1457] {strides = array<i32>} : memref<16x17xf32, #tpu.memory_space<vmem>>, vector<16xf32>,
      %get3A_1459 = arith.constant 15 : i32
      %get3A_1460 = arith.index_cast %get3A_1459 : i32 to index
      %get3A_1461 = arith.constant 0 : index
      %get3A_1462 = tpu.vector_load %arg15[%get3A_1460, %get3A_1461] {strides = array<i32>} : memref<16x17xf32, #tpu.memory_space<vmem>>, vector<16xf32>,
      %add3A_1463 = arith.addf %get3A_1402, %get3A_1406 : vector<16xf32>
      %add3A_1464 = arith.addf %get3A_1410, %get3A_1414 : vector<16xf32>
      %add3A_1465 = arith.addf %get3A_1418, %get3A_1422 : vector<16xf32>
      %add3A_1466 = arith.addf %get3A_1426, %get3A_1430 : vector<16xf32>
      %add3A_1467 = arith.addf %get3A_1434, %get3A_1438 : vector<16xf32>
      %add3A_1468 = arith.addf %get3A_1442, %get3A_1446 : vector<16xf32>
      %add3A_1469 = arith.addf %get3A_1450, %get3A_1454 : vector<16xf32>
      %add3A_1470 = arith.addf %get3A_1458, %get3A_1462 : vector<16xf32>
      %add3A_1471 = arith.addf %add3A_1463, %add3A_1464 : vector<16xf32>
      %add3A_1472 = arith.addf %add3A_1465, %add3A_1466 : vector<16xf32>
      %add3A_1473 = arith.addf %add3A_1467, %add3A_1468 : vector<16xf32>
      %add3A_1474 = arith.addf %add3A_1469, %add3A_1470 : vector<16xf32>
      %add3A_1475 = arith.addf %add3A_1471, %add3A_1472 : vector<16xf32>
      %add3A_1476 = arith.addf %add3A_1473, %add3A_1474 : vector<16xf32>
      %add3A_1477 = arith.addf %add3A_1475, %add3A_1476 : vector<16xf32>
      %mul3A_1478 = arith.constant 2.000000e+00 : f32
      %mul3A_1479 = vector.broadcast %mul3A_1478 : f32 to vector<16xf32>
      %mul3A_1480 = arith.mulf %mul3A_1479, %add3A_1477 : vector<16xf32>
      %sub3A = arith.constant 1.000000e+00 : f32
      %sub3A_1481 = vector.broadcast %sub3A : f32 to vector<16xf32>
      %sub3A_1482 = arith.subf %sub3A_1481, %mul3A_1480 : vector<16xf32>
      %add3A_1483 = arith.addf %sub3A_1482, %gather3A_42 : vector<16xf32>
      %sub3A_1484 = arith.constant 1.000000e+00 : f32
      %sub3A_1485 = vector.broadcast %sub3A_1484 : f32 to vector<16xf32>
      %sub3A_1486 = arith.subf %sub3A_1485, %gather3A : vector<16xf32>
      %mul3A_1487 = arith.constant 2.000000e+00 : f32
      %mul3A_1488 = vector.broadcast %mul3A_1487 : f32 to vector<16xf32>
      %mul3A_1489 = arith.mulf %mul3A_1488, %add3A_1477 : vector<16xf32>
      %sub3A_1490 = arith.constant 1.000000e+00 : f32
      %sub3A_1491 = vector.broadcast %sub3A_1490 : f32 to vector<16xf32>
      %sub3A_1492 = arith.subf %sub3A_1491, %mul3A_1489 : vector<16xf32>
      %mul3A_1493 = arith.mulf %gather3A, %gather3A_42 : vector<16xf32>
      %add3A_1494 = arith.addf %sub3A_1492, %mul3A_1493 : vector<16xf32>
      %max3A = arith.constant 1.000000e-15 : f32
      %max3A_1495 = vector.broadcast %max3A : f32 to vector<16xf32>
      %max3A_1496 = arith.maximumf %add3A_1494, %max3A_1495 : vector<16xf32>
      %mul3A_1497 = arith.mulf %add3A_1483, %add3A_1483 : vector<16xf32>
      %mul3A_1498 = arith.mulf %mul3A_1497, %gather3A : vector<16xf32>
      %mul3A_1499 = arith.constant 2.000000e+00 : f32
      %mul3A_1500 = vector.broadcast %mul3A_1499 : f32 to vector<16xf32>
      %mul3A_1501 = arith.mulf %mul3A_1500, %add3A_1483 : vector<16xf32>
      %mul3A_1502 = arith.mulf %mul3A_1501, %sub3A_1486 : vector<16xf32>
      %mul3A_1503 = arith.mulf %mul3A_1502, %add3A_1477 : vector<16xf32>
      %sub3A_1504 = arith.subf %mul3A_1498, %mul3A_1503 : vector<16xf32>
      %mul3A_1505 = arith.mulf %sub3A_1486, %sub3A_1486 : vector<16xf32>
      %mul3A_1506 = arith.mulf %mul3A_1505, %gather3A_42 : vector<16xf32>
      %add3A_1507 = arith.addf %sub3A_1504, %mul3A_1506 : vector<16xf32>
      %max3A_1508 = arith.constant 0.000000e+00 : f32
      %max3A_1509 = vector.broadcast %max3A_1508 : f32 to vector<16xf32>
      %max3A_1510 = arith.maximumf %add3A_1507, %max3A_1509 : vector<16xf32>
      %mul3A_1511 = arith.mulf %max3A_1496, %max3A_1496 : vector<16xf32>
      %div3A = arith.divf %max3A_1510, %mul3A_1511 : vector<16xf32>
      %swap3A = arith.index_cast %add3A_38 : i32 to index
      %swap3A_1512 = tpu.vector_load %arg10[%swap3A] {strides = array<i32>} : memref<10000xf32, #tpu.memory_space<vmem>>, vector<16xf32>,
      tpu.vector_store %arg10[%swap3A], %div3A {strides = array<i32>} : memref<10000xf32, #tpu.memory_space<vmem>>, vector<16xf32>,
    }
    %scan3A_29 = arith.constant 5 : i32
    "tpu.region"() ({
      %run_scoped3A = tpu.sem_alloc : memref<!tpu.dma_semaphore, #tpu.memory_space<semaphore_mem>>
      %dma_start3A_30 = tpu.memref_slice %arg6[%mul3A_2] : memref<320000xf32, #tpu.memory_space<hbm>> -> memref<10000xf32, #tpu.memory_space<hbm>>
      %dma_start3A_31 = tpu.memref_slice %arg6[%mul3A_2] : memref<320000xf32, #tpu.memory_space<hbm>> -> memref<10000xf32, #tpu.memory_space<hbm>>
      tpu.enqueue_dma source(%arg10 : memref<10000xf32, #tpu.memory_space<vmem>>) target(%dma_start3A_31 : memref<10000xf32, #tpu.memory_space<hbm>>) target_semaphore(%run_scoped3A : memref<!tpu.dma_semaphore, #tpu.memory_space<semaphore_mem>>)
      %dma_wait3A_32 = tpu.memref_slice %arg6[%mul3A_2] : memref<320000xf32, #tpu.memory_space<hbm>> -> memref<10000xf32, #tpu.memory_space<hbm>>
      %dma_wait3A_33 = tpu.memref_slice %arg6[%mul3A_2] : memref<320000xf32, #tpu.memory_space<hbm>> -> memref<10000xf32, #tpu.memory_space<hbm>>
      tpu.wait_dma2 semaphore(%run_scoped3A : memref<!tpu.dma_semaphore, #tpu.memory_space<semaphore_mem>>) src(%arg10 : memref<10000xf32, #tpu.memory_space<vmem>>) dst(%dma_wait3A_33 : memref<10000xf32, #tpu.memory_space<hbm>>)
      tpu.yield
    }) : () -> ()
    return
  }
}

module attributes {stable_mosaic.version = 14 : i64} {
  func.func @body(%arg0: memref<10000x128xf32, #tpu.memory_space<vmem>>, %arg1: memref<10000x1xf32, #tpu.memory_space<vmem>>) attributes {dimension_semantics = [], scalar_prefetch = 0 : i64, scratch_operands = 0 : i64, tpu.core_type = #tpu.core_type<tc>} {
    %get3A = arith.constant 0 : index
    %get3A_0 = arith.constant 0 : index
    %get3A_1 = vector.load %arg0[%get3A, %get3A_0] : memref<10000x128xf32, #tpu.memory_space<vmem>>, vector<10000x128xf32>
    %mul3A = arith.mulf %get3A_1, %get3A_1 : vector<10000x128xf32>
    %reduce_sum3A = arith.constant dense<0.000000e+00> : vector<10000xf32>
    %reduce_sum3A_2 = vector.multi_reduction <add>, %mul3A, %reduce_sum3A [1] : vector<10000x128xf32> to vector<10000xf32>
    %broadcast_in_dim3A = vector.shape_cast %reduce_sum3A_2 : vector<10000xf32> to vector<10000x1xf32>
    %swap3A = arith.constant 0 : index
    %swap3A_3 = arith.constant 0 : index
    %swap3A_4 = vector.load %arg1[%swap3A, %swap3A_3] : memref<10000x1xf32, #tpu.memory_space<vmem>>, vector<10000x1xf32>
    tpu.vector_store %arg1[%swap3A, %swap3A_3], %broadcast_in_dim3A {strides = array<i32>} : memref<10000x1xf32, #tpu.memory_space<vmem>>, vector<10000x1xf32>,
    return
  }
}

module attributes {stable_mosaic.version = 14 : i64} {
  func.func @body(%arg0: memref<1xf32, #tpu.memory_space<smem>>, %arg1: memref<1xf32, #tpu.memory_space<smem>>, %arg2: memref<625x512xf32, #tpu.memory_space<vmem>>, %arg3: memref<625x512xf32, #tpu.memory_space<vmem>>) attributes {dimension_semantics = [], scalar_prefetch = 0 : i64, scratch_operands = 0 : i64, tpu.core_type = #tpu.core_type<tc>} {
    %get3A = arith.constant 0 : index
    %get3A_0 = arith.constant 0 : index
    %get3A_1 = vector.load %arg2[%get3A, %get3A_0] : memref<625x512xf32, #tpu.memory_space<vmem>>, vector<625x512xf32>
    %sqrt3A = math.sqrt %get3A_1 : vector<625x512xf32>
    %jit3A = arith.constant -0.99999988 : f32
    %jit3A_2 = arith.constant 0.99999988 : f32
    %max3A = vector.broadcast %jit3A : f32 to vector<625x512xf32>
    %max3A_3 = arith.maximumf %max3A, %sqrt3A : vector<625x512xf32>
    %min3A = vector.broadcast %jit3A_2 : f32 to vector<625x512xf32>
    %min3A_4 = arith.minimumf %min3A, %max3A_3 : vector<625x512xf32>
    %log1p3A = math.log1p %min3A_4 : vector<625x512xf32>
    %neg3A = arith.constant 0.000000e+00 : f32
    %neg3A_5 = vector.broadcast %neg3A : f32 to vector<625x512xf32>
    %neg3A_6 = arith.subf %neg3A_5, %min3A_4 : vector<625x512xf32>
    %log1p3A_7 = math.log1p %neg3A_6 : vector<625x512xf32>
    %sub3A = arith.subf %log1p3A, %log1p3A_7 : vector<625x512xf32>
    %mul3A = arith.constant 5.000000e-01 : f32
    %mul3A_8 = vector.broadcast %mul3A : f32 to vector<625x512xf32>
    %mul3A_9 = arith.mulf %mul3A_8, %sub3A : vector<625x512xf32>
    %get3A_10 = arith.constant 0 : index
    %get3A_11 = memref.load %arg0[%get3A_10] : memref<1xf32, #tpu.memory_space<smem>>
    %mul3A_12 = arith.constant 4.000000e+00 : f32
    %mul3A_13 = vector.broadcast %mul3A_12 : f32 to vector<625x512xf32>
    %mul3A_14 = arith.mulf %mul3A_13, %mul3A_9 : vector<625x512xf32>
    %mul3A_15 = arith.mulf %mul3A_14, %mul3A_9 : vector<625x512xf32>
    %mul3A_16 = vector.broadcast %get3A_11 : f32 to vector<625x512xf32>
    %mul3A_17 = arith.mulf %mul3A_16, %mul3A_15 : vector<625x512xf32>
    %get3A_18 = arith.constant 0 : index
    %get3A_19 = memref.load %arg1[%get3A_18] : memref<1xf32, #tpu.memory_space<smem>>
    %add3A = vector.broadcast %get3A_19 : f32 to vector<625x512xf32>
    %add3A_20 = arith.addf %mul3A_17, %add3A : vector<625x512xf32>
    %tanh3A = math.tanh %add3A_20 : vector<625x512xf32>
    %swap3A = arith.constant 0 : index
    %swap3A_21 = arith.constant 0 : index
    %swap3A_22 = vector.load %arg3[%swap3A, %swap3A_21] : memref<625x512xf32, #tpu.memory_space<vmem>>, vector<625x512xf32>
    tpu.vector_store %arg3[%swap3A, %swap3A_21], %tanh3A {strides = array<i32>} : memref<625x512xf32, #tpu.memory_space<vmem>>, vector<625x512xf32>,
    return
  }
}

</mosaic_0001>

<sc_bundles>
// kernel: kernel.6.cloned.1.call-start
scs
__scs_entry_jumppad:
0x0: {  	(pc) =	sbr.rel $0x88, $3  }
0x1: {  	(tag) =	ssettag $0x0;
	lr =	simm.s32 $0x1  }
0x2: {  	[smem:$0x3F9D] =	sst lr;
	_ =	strace $0xD0000000  }
0x3: {  	_ = 	snop  }
0x4: {  	_ = 	snop  }
0x5: {  	_ = 	snop  }
0x6: {  	_ = 	snop  }
0x7: {  	_ = 	snop  }
__scs_overlays_trampoline_lowered:
0x8: {  	[smem:$0x3FAC] =	sst s0  }
0x9: {  	[smem:$0x3FAD] =	sst s1  }
0xa: {  	[smem:$0x3FAE] =	sst s2  }
0xb: {  	[smem:$0x3FAF] =	sst s3  }
0xc: {  	[smem:$0x3FB0] =	sst s4  }
0xd: {  	[smem:$0x3FB1] =	sst s5  }
0xe: {  	[smem:$0x3FB2] =	sst s6  }
0xf: {  	[smem:$0x3FB3] =	sst s7  }
0x10: {  	[smem:$0x3FB4] =	sst s8  }
0x11: {  	[smem:$0x3FB5] =	sst s9;
	s0 =	simm.s32 @!p0 $0x0  }
0x12: {  	s1 =	sld [smem:$0x3F9B];
	s0 =	simm.s32 @p0 $0x1  }
0x13: {  	[smem:$0x3FB6] =	sst s0;
	s0 =	simm.s32 @!p1 $0x0  }
0x14: {  	s2 =	sld [smem:$0x3F9A];
	s0 =	simm.s32 @p1 $0x1  }
0x15: {  	[smem:$0x3FB7] =	sst s0;
	s0 =	simm.s32 @!p2 $0x0  }
0x16: {  	s3 =	sld [smem:$0x3FDB];
	s0 =	simm.s32 @p2 $0x1  }
0x17: {  	s4 =	simm.s32 $0x1BF5;
	[smem:$0x3FB9] =	sst s0  }
0x18: {  	s0 =	sld [smem:$0x3F9C];
	_ =	swait.ge [sflag:s4], $0x0  }
0x19: {  	s7 =	sld [smem:$0x3F9D]  }
0x1a: {  	s8 =	sadd.s32 $0xFFFFE003, lr  }
0x1b: {  	s9 =	sadd.s32 $0xFFFFFEF7, lr;
	s5 =	simm.s32 $0xFFFFFFFF;
	p2 =	slt.u32 s8, $0xFFFFF086  }
0x1c: {  	p1 =	slt.u32 s9, $0xF7A;
	s5 =	simm.s32 @!p2 $0x0  }
0x1d: {  	s5 =	simm.s32 @p1 $0x1;
	p0 =	seq.s32 s7, s2  }
0x1e: {  	s7 =	smul.u32 @!p0 $0xF7A, s2;
	p2 =	seq.s32 @!p0 s5, $0x0  }
0x1f: {  	s9 =	smul.u32 $0xF7A, s1;
	s8 =	simm.s32 @!p0 $0x1BF5;
	p2 =	por !p2, p0  }
0x20: {  	[sflag:s8] =	ssyncset.s32 @!p0 $0xFFFFF086;
	s6 =	sadd.s32 @!p0 s3, s7;
	s7 =	simm.s32 @!p0 $0x108  }
0x21: {  	s3 =	sadd.s32 s3, s9;
	s6 =	sadd.s32 @!p0 $0x88, s6;
	s7 =	simm.s32 @p2 $0x1082  }
0x22: {  	[simem:s7], [sflag:s8] =	dma.local @!p0 [hbm:s6], $0xF7A  }
0x23: {  	s9 =	sor.u32 $0xD0000000, s2;
	s6 =	simm.s32 $0x108;
	_ =	swait.ge @!p0 [sflag:s8], $0x0  }
0x24: {  	s3 =	sadd.s32 $0x88, s3;
	s6 =	simm.s32 @!p1 $0x1082;
	[sflag:s4] =	ssyncset.s32 $0xFFFFF086  }
0x25: {  	[simem:s6], [sflag:s4] =	dma.local [hbm:s3], $0xF7A  }
0x26: {  	[smem:$0x3F9D] =	sst s1;
	(tag) =	ssettag s2;
	_ =	strace s9  }
0x27: {  	s1 =	sld [smem:$0x3FAD]  }
0x28: {  	s2 =	sld [smem:$0x3FAE]  }
0x29: {  	s4 =	sld [smem:$0x3FB0]  }
0x2a: {  	p0 =	seq.s32 s5, $0x0;
	s5 =	sld [smem:$0x3FB1]  }
0x2b: {  	s6 =	sld [smem:$0x3FB2]  }
0x2c: {  	s7 =	sld [smem:$0x3FB3]  }
0x2d: {  	s3 =	simm.s32 $0x108;
	s8 =	sld [smem:$0x3FB4]  }
0x2e: {  	s3 =	simm.s32 @!p0 $0x1082;
	s9 =	sld [smem:$0x3FB5]  }
0x2f: {  	lr =	sadd.s32 s0, s3;
	s0 =	sld [smem:$0x3FAC]  }
0x30: {  	s3 =	sld [smem:$0x3FAF]  }
0x31: {  	[smem:$0x3FB8] =	sst s10  }
0x32: {  	s10 =	sld [smem:$0x3FB6];
	_ =	sdelay $0x3  }
0x33: {  	p0 =	seq.s32 s10, $0x1;
	s10 =	sld [smem:$0x3FB8];
	_ =	sdelay $0x3  }
0x34: {  	[smem:$0x3FB8] =	sst s10  }
0x35: {  	s10 =	sld [smem:$0x3FB7];
	_ =	sdelay $0x3  }
0x36: {  	p1 =	seq.s32 s10, $0x1;
	s10 =	sld [smem:$0x3FB8];
	_ =	sdelay $0x3  }
0x37: {  	[smem:$0x3FB8] =	sst s10  }
0x38: {  	s10 =	sld [smem:$0x3FB9]  }
0x39: {  	_ = 	snop;
	(pc) =	sbr.ind lr, $3  }
0x3a: {  	_ = 	snop  }
0x3b: {  	_ = 	snop  }
0x3c: {  	p2 =	seq.s32 s10, $0x1;
	s10 =	sld [smem:$0x3FB8]  }
0x3d: {  	_ =	shalt  }
0x3e: {  	_ =	shalt  }
0x3f: {  	_ =	shalt  }
0x40: {  	_ =	shalt  }
0x41: {  	_ =	shalt  }
0x42: {  	_ =	shalt  }
0x43: {  	_ =	shalt  }
0x44: {  	_ =	shalt  }
0x45: {  	_ =	shalt  }
0x46: {  	_ =	shalt  }
0x47: {  	_ =	shalt  }
0x48: {  	_ =	shalt  }
0x49: {  	_ =	shalt  }
0x4a: {  	_ =	shalt  }
0x4b: {  	_ =	shalt  }
0x4c: {  	_ =	shalt  }
0x4d: {  	_ =	shalt  }
0x4e: {  	_ =	shalt  }
0x4f: {  	_ =	shalt  }
0x50: {  	_ =	shalt  }
0x51: {  	_ =	shalt  }
0x52: {  	_ =	shalt  }
0x53: {  	_ =	shalt  }
0x54: {  	_ =	shalt  }
0x55: {  	_ =	shalt  }
0x56: {  	_ =	shalt  }
0x57: {  	_ =	shalt  }
0x58: {  	_ =	shalt  }
0x59: {  	_ =	shalt  }
0x5a: {  	_ =	shalt  }
0x5b: {  	_ =	shalt  }
0x5c: {  	_ =	shalt  }
0x5d: {  	_ =	shalt  }
0x5e: {  	_ =	shalt  }
0x5f: {  	_ =	shalt  }
0x60: {  	_ =	shalt  }
0x61: {  	_ =	shalt  }
0x62: {  	_ =	shalt  }
0x63: {  	_ =	shalt  }
0x64: {  	_ =	shalt  }
0x65: {  	_ =	shalt  }
0x66: {  	_ =	shalt  }
0x67: {  	_ =	shalt  }
0x68: {  	_ =	shalt  }
0x69: {  	_ =	shalt  }
0x6a: {  	_ =	shalt  }
0x6b: {  	_ =	shalt  }
0x6c: {  	_ =	shalt  }
0x6d: {  	_ =	shalt  }
0x6e: {  	_ =	shalt  }
0x6f: {  	_ =	shalt  }
0x70: {  	_ =	shalt  }
0x71: {  	_ =	shalt  }
0x72: {  	_ =	shalt  }
0x73: {  	_ =	shalt  }
0x74: {  	_ =	shalt  }
0x75: {  	_ =	shalt  }
0x76: {  	_ =	shalt  }
0x77: {  	_ =	shalt  }
0x78: {  	_ =	shalt  }
0x79: {  	_ =	shalt  }
0x7a: {  	_ =	shalt  }
0x7b: {  	_ =	shalt  }
0x7c: {  	_ =	shalt  }
0x7d: {  	_ =	shalt  }
0x7e: {  	_ =	shalt  }
0x7f: {  	_ =	shalt  }
0x80: {  	_ =	shalt  }
0x81: {  	_ =	shalt  }
0x82: {  	_ =	shalt  }
0x83: {  	_ =	shalt  }
0x84: {  	_ =	shalt  }
0x85: {  	_ =	shalt  }
0x86: {  	_ =	shalt  }
0x87: {  	_ =	shalt  }
.Lfunc_end0:
.L_simem_size_0:
called_computation_lowered:
.L_overlay_start_0:
0x88: {  	s2 =	sld [smem:$0x3FD9]  }
0x89: {  	s3 =	sld [smem:$0x3FFE];
	_ =	sdelay $0x1  }
0x8a: {  	s1 =	srdreg.scid  }
0x8b: {  	s0 =	sand.u32 $0x1, s1  }
0x8c: {  	s14 =	sshll.u32 s0, $0xA;
	s2 =	sadd.s32 s3, s2  }
0x8d: {  	s2 =	sadd.s32 s2, s14  }
0x8e: {  	[smem:$0x3FC4] =	sst s2  }
0x8f: {  	_ = 	snop  }
0x90: {  	s2 =	sld [smem:$0x3FD0];
	_ =	sdelay $0x2  }
0x91: {  	s15 =	simm.s32 $0xA;
	s4 =	simm.s32 $0x10  }
0x92: {  	[smem:s4], [sflag:s15] =	dma.local [hbm:s2], $0x1  }
0x93: {  	_ =	swait.eq [sflag:s15], $0x1  }
0x94: {  	[sflag:s15] =	ssyncset.done $0x0  }
0x95: {  	[sflag:s15] =	ssyncadd.s32 $0xFFFFFFFF  }
0x96: {  	s16 =	sld [smem:$0x10];
	(tm) =	ssettm $0x1  }
0x97: {  	s17 =	sld [smem:$0x3FFB];
	_ =	sdelay $0x3  }
0x98: {  	_ =	strace s17  }
0x99: {  	s3 =	sld [smem:$0x3FFC];
	_ =	sdelay $0x3  }
0x9a: {  	_ =	strace s3  }
0x9b: {  	s3 =	sld [smem:$0x3FFD];
	_ =	sdelay $0x3  }
0x9c: {  	_ =	strace s3  }
0x9d: {  	_ =	strace $0x8FFFFFFF  }
0x9e: {  	s18 =	sld [smem:$0x3FDB];
	_ =	sdelay $0x1  }
0x9f: {  	s19 =	simm.s32 $_scs_section_size  }
0xa0: {  	s5 =	simm.s32 $_size__tile_overlayer_lowered;
	s6 =	simm.s32 $_tile_overlayer_lowered  }
0xa1: {  	s22 =	simm.s32 $0x1BFF;
	s21 =	sshll.u32 s6, $0x1;
	s3 =	sadd.s32 s19, s18  }
0xa2: {  	s7 =	simm.s32 $0x0;
	s20 =	sshll.u32 s5, $0x1;
	s5 =	sadd.s32 s21, s3  }
0xa3: {  	[timem:s7], [sflag:s22] =	dma.local [hbm:s5], s20  }
0xa4: {  	_ =	swait.ge [sflag:s22], s20  }
0xa5: {  	s4 =	ssub.s32 $0x0, s20;
	[sflag:s22] =	ssyncset.done $0x0  }
0xa6: {  	[sflag:s22] =	ssyncadd.s32 s4;
	_ =	sdelay $0x1  }
0xa7: {  	s23 =	simm.s32 $0x1B8B  }
0xa8: {  	_ =	swait.ge [sflag:s23], $0x1  }
0xa9: {  	[sflag:s23] =	ssyncset.done $0x0  }
0xaa: {  	s25 =	simm.s32 $0x1B8E;
	s24 =	sld [smem:$0x3FFE];
	[sflag:s23] =	ssyncadd.s32 $0xFFFFFFFF  }
0xab: {  	s26 =	simm.s32 $execute0_lowered;
	[smem:$0x3FD2] =	sst s25  }
0xac: {  	s5 =	sshll.u32 s26, $0x1;
	_ =	strace $0x80000046;
	[dreg:$0x1] =	wrdreg $0xFFFFFFFF  }
0xad: {  	s28 =	simm.s32 $_size_execute0_lowered;
	s3 =	sadd.s32 s3, s5;
	[dreg:$0x0] =	wrdreg $0x0  }
0xae: {  	s5 =	sshll.u32 s28, $0x1;
	[dreg:$0x2] =	wrdreg s3  }
0xaf: {  	[dreg:$0x3] =	wrdreg s5  }
0xb0: {  	[dreg:$0x4] =	wrdreg $0xC0  }
0xb1: {  	_ =	task [dreg:s7], $0x5FFFF  }
0xb2: {  	[dreg:$0x1] =	wrdreg $0xFFFFFFFF  }
0xb3: {  	[dreg:$0x0] =	wrdreg $0x60  }
0xb4: {  	[dreg:$0x2] =	wrdreg s24  }
0xb5: {  	[dreg:$0x3] =	wrdreg s16  }
0xb6: {  	[dreg:$0x4] =	wrdreg $0x9  }
0xb7: {  	_ =	task.clear_ibuf [dreg:s7], $0x5FFFF;
	_ =	strace $0x90000046  }
0xb8: {  	s29 =	simm.s32 $0x9;
	_ =	strace $0x80000048  }
0xb9: {  	_ =	swait.ge [sflag:s29], $0x1  }
0xba: {  	[sflag:s29] =	ssyncadd.s32 $0xFFFFFFFF  }
0xbb: {  	_ =	strace $0x90000048  }
0xbc: {  	_ =	sfence  }
0xbd: {  	s30 =	sld [smem:$0x0];
	_ =	sdelay $0x2  }
0xbe: {  	s31 =	sshll.u32 s1, $0xD;
	s1 =	sshrl.u32 s1, $0x2  }
0xbf: {  	s3 =	sand.u32 $0x4000, s31;
	s1 =	sadd.s32 s1, s30  }
0xc0: {  	s0 =	sor.u32 s3, s0;
	s1 =	sshll.u32 s1, $0x11  }
0xc1: {  	s0 =	sor.u32 s1, s0  }
0xc2: {  	s0 =	sadd.s32 $0x8F2B, s0  }
0xc3: {  	[sflag:s0] =	ssyncadd.remote.s32 $0x1  }
0xc4: {  	_ =	sfence.sel $0xFFFF  }
0xc5: {  	[dreg:$0x0] =	wrdreg $0xFFFFFFFF;
	(pc) =	sbr.abs _section_cstart, $3  }
0xc6: {  	[dreg:$0x1] =	wrdreg $0xFFFFFFFF  }
0xc7: {  	_ =	task.clear_ibuf [dreg:s7], $0x2FFFF;
	_ =	strace $0x9FFFFFFF  }
0xc8: {  	(tm) =	ssettm $0x7FFFFFFF  }
0xc9: {  	_ =	shalt  }
tec
execute0_lowered:
.L_overlay_start_1:
0x0: {  	(tag) =	ssettag $0x1  }
0x1: {  	s2 =	rddreg [dreg:$0x0];
	s0 =	srdreg.scid  }
0x2: {  	s3 =	stileid.u32;
	s1 =	rddreg [dreg:$0x1];
	s9 =	simm.s32 $0x5  }
0x3: {  	s10 =	simm.s32 $0x50;
	s11 =	simm.s32 $0x9C40;
	s12 =	simm.s32 $0xC440  }
0x4: {  	v0 =	vlaneseq.u32;
	s13 =	simm.s32 $0xB040;
	s14 =	simm.s32 $0xD840;
	s15 =	simm.s32 $0x1  }
0x5: {  	s16 =	simm.s32 $0x3;
	s17 =	simm.s32 $0xEC40;
	s18 =	simm.s32 $0x2;
	v0 =	vmul.u32 $0x18, v0  }
0x6: {  	s19 =	simm.s32 $0x4;
	s0 =	sand.u32 $0x1, s0;
	s4 =	sshll.u32 s3, $0x1  }
0x7: {  	s21 =	simm.s32 $0x0;
	s3 =	simm.s32 $0x0;
	s4 =	sor.u32 s0, s4;
	v1 =	vor.u32 $0x1, v0;
	v2 =	vor.u32 $0x2, v0;
	v3 =	vor.u32 $0x3, v0  }
0x8: {  	[smem:$0x7FF] =	sst s3;
	s0 =	ssub.s32 $0x2, s0;
	s6 =	smul.u32 $0x4E2, s4;
	v4 =	vor.u32 $0x4, v0;
	v5 =	vor.u32 $0x5, v0;
	v6 =	vor.u32 $0x6, v0  }
0x9: {  	_ =	strace $0x80000047;
	s4 =	sadd.s32 $0x1D800, s2;
	s5 =	sshrl.u32 s0, $0x1;
	v7 =	vor.u32 $0x7, v0;
	v8 =	vadd.s32 $0x8, v0;
	v9 =	vadd.s32 $0x9, v0  }
0xa: {  	v10 =	vadd.s32 $0xA, v0;
	v11 =	vadd.s32 $0xB, v0;
	v12 =	vadd.s32 $0xC, v0;
	s0 =	ssub.s32 s0, s5;
	s7 =	sadd.s32 s6, s2;
	s6 =	sadd.s32 s1, s6  }
0xb: {  	v13 =	vadd.s32 $0xD, v0;
	v14 =	vadd.s32 $0xE, v0;
	v15 =	vadd.s32 $0xF, v0;
	s8 =	smax.u32 s0, $0x1;
	s5 =	sadd.s32 $0x13A00, s7;
	s7 =	sadd.s32 $0x1DE00, s7  }
.LBB2_1:
0xc: {  	[tilespmem:s3], [sflag:$0x5] =	stream.linear.gather [hbm4b:s4+s3], $0x2710, $0x38;
	[tilespmem:$0xEDC0] =	vst v63  }
0xd: {  	_ =	swait.ge [sflag:s9], $0x2710  }
0xe: {  	[sflag:s9] =	ssyncset.done $0x0  }
0xf: {  	s22 =	simm.s32 $0x2710;
	[sflag:s9] =	ssyncadd.s32 $0xFFFFD8F0  }
0x10: {  	[tilespmem:s22], [sflag:$0x5] =	stream.linear.gather [hbm4b:s5+s3], $0x2710, $0x38;
	[tilespmem:$0xEDC0] =	vst v63  }
0x11: {  	_ =	swait.ge [sflag:s9], $0x2710  }
0x12: {  	[sflag:s9] =	ssyncset.done $0x0  }
0x13: {  	s23 =	simm.s32 $0x4E20;
	[sflag:s9] =	ssyncadd.s32 $0xFFFFD8F0  }
0x14: {  	[tilespmem:s23], [sflag:$0x5] =	stream.linear.gather [hbm4b:s6+s3], $0x2710, $0x38;
	[tilespmem:$0xEDC0] =	vst v63  }
0x15: {  	_ =	swait.ge [sflag:s9], $0x2710  }
0x16: {  	[sflag:s9] =	ssyncset.done $0x0  }
0x17: {  	s24 =	simm.s32 $0x7580;
	s25 =	simm.s32 $0x4E70;
	[sflag:s9] =	ssyncadd.s32 $0xFFFFD8F0  }
0x18: {  	[tilespmem:s11], [sflag:$0x1] =	stream.indirect.gather [hbm4b:s2+s10], $0x40, s22, s10, $0xb8;
	[tilespmem:$0xEDC0] =	vst v63  }
0x19: {  	s26 =	simm.s32 $0x2760;
	s28 =	simm.s32 $0x7530;
	s29 =	simm.s32 $0x0  }
0x1a: {  	[tilespmem:s12], [sflag:$0x3] =	stream.indirect.gather [hbm4b:s2+s10], $0x40, s23, s10, $0xb8;
	[tilespmem:$0xEDC0] =	vst v63  }
.LBB2_2:
0x1b: {  	s30 =	smul.u32 $0xA0, s29;
	_ =	sdelay $0x1  }
0x1c: {  	s0 =	sadd.s32 $0x2760, s30  }
0x1d: {  	[tilespmem:s13], [sflag:$0x2] =	stream.indirect.gather [hbm4b:s2+s10], $0x40, s0, s10, $0xb8;
	[tilespmem:$0xEDC0] =	vst v63  }
0x1e: {  	s20 =	sadd.s32 $0x4E70, s30  }
0x1f: {  	[tilespmem:s14], [sflag:$0x4] =	stream.indirect.gather [hbm4b:s2+s10], $0x40, s20, s10, $0xb8;
	[tilespmem:$0xEDC0] =	vst v63  }
0x20: {  	_ =	swait.ge [sflag:s15], $0x1400  }
0x21: {  	[sflag:s15] =	ssyncset.done $0x0  }
0x22: {  	[sflag:s15] =	ssyncadd.s32 $0xFFFFEC00  }
0x23: {  	_ =	swait.ge [sflag:s16], $0x1400  }
0x24: {  	s31 =	simm.s32 $0x0;
	[sflag:s16] =	ssyncset.done $0x0  }
0x25: {  	s1 =	simm.s32 $0x9E40;
	v16 =	vmov s22;
	v17 =	vmov s23;
	v18 =	vmov s28;
	s0 =	simm.s32 $0xC640;
	[sflag:s16] =	ssyncadd.s32 $0xFFFFEC00  }
.LBB2_3:
0x26: {  	v19 =	vld [tilespmem:s1+$0xFFFFFE00]  }
0x27: {  	v20 =	vld [tilespmem:s0+$0xFFFFFE00]  }
0x28: {  	v21 =	vld [tilespmem:s1+$0xFFFFFE10]  }
0x29: {  	v22 =	vld [tilespmem:s0+$0xFFFFFE10]  }
0x2a: {  	v23 =	vld [tilespmem:s1+$0xFFFFFE20]  }
0x2b: {  	v24 =	vld [tilespmem:s0+$0xFFFFFE20]  }
0x2c: {  	v25 =	vld [tilespmem:s1+$0xFFFFFE30]  }
0x2d: {  	v26 =	vld [tilespmem:s0+$0xFFFFFE30];
	_ =	sdelay $0x2  }
0x2e: {  	v19 =	vmul.bf16 v20, v19  }
0x2f: {  	v20 =	vmul.bf16 v22, v21  }
0x30: {  	s20 =	sshra.s32 s31, $0x2;
	v23 =	vmul.bf16 v24, v23;
	v25 =	vmul.bf16 v26, v25;
	v53 =	vand.u32 $0xFFFF0000, v19  }
0x31: {  	v52 =	vld.idx.msk [tilespmem:v16+s20+$0x0 ss:$0x1], $0xffff;
	v19 =	vshll.u32 v19, $0x10;
	v27 =	vand.u32 $0xFFFF0000, v20;
	v20 =	vshll.u32 v20, $0x10  }
0x32: {  	v54 =	vld.idx.msk [tilespmem:v17+s20+$0x0 ss:$0x1], $0xffff;
	v55 =	vand.u32 $0xFFFF0000, v23;
	v23 =	vshll.u32 v23, $0x10;
	v26 =	vand.u32 $0xFFFF0000, v25  }
0x33: {  	v25 =	vshll.u32 v25, $0x10;
	v19 =	vadd.f32 v19, v53;
	v20 =	vadd.f32 v20, v27  }
0x34: {  	v22 =	vadd.f32 v23, v55;
	v56 =	vadd.f32 v25, v26;
	_ =	sdelay $0x1  }
0x35: {  	v19 =	vadd.f32 v20, v19;
	v22 =	vadd.f32 v56, v22;
	_ =	sdelay $0x1  }
0x36: {  	v57 =	vadd.f32 v22, v19  }
0x37: {  	v20 =	vld.idx.msk [tilespmem:v52+s3+$0x0], $0xffff  }
0x38: {  	v19 =	vld.idx.msk [tilespmem:v54+s3+$0x0], $0xffff;
	[tilespmem:v0+s17+$0x0] =	vst.idx.msk $0xffff, v57  }
0x39: {  	v21 =	vld [tilespmem:s1+$0xFFFFFE40]  }
0x3a: {  	v58 =	vld [tilespmem:s0+$0xFFFFFE40]  }
0x3b: {  	v59 =	vld [tilespmem:s1+$0xFFFFFE50]  }
0x3c: {  	v60 =	vld [tilespmem:s0+$0xFFFFFE50]  }
0x3d: {  	v61 =	vld [tilespmem:s1+$0xFFFFFE60]  }
0x3e: {  	v62 =	vld [tilespmem:s0+$0xFFFFFE60]  }
0x3f: {  	v63 =	vld [tilespmem:s1+$0xFFFFFE70]  }
0x40: {  	v28 =	vld [tilespmem:s0+$0xFFFFFE70];
	_ =	sdelay $0x2  }
0x41: {  	v21 =	vmul.bf16 v58, v21  }
0x42: {  	v32 =	vmul.bf16 v60, v59  }
0x43: {  	v34 =	vmul.bf16 v62, v61;
	v36 =	vmul.bf16 v28, v63;
	v33 =	vand.u32 $0xFFFF0000, v21  }
0x44: {  	v21 =	vshll.u32 v21, $0x10;
	v35 =	vand.u32 $0xFFFF0000, v32;
	v22 =	vshll.u32 v32, $0x10  }
0x45: {  	v37 =	vand.u32 $0xFFFF0000, v34;
	v24 =	vshll.u32 v34, $0x10;
	v38 =	vand.u32 $0xFFFF0000, v36  }
0x46: {  	v26 =	vshll.u32 v36, $0x10;
	v21 =	vadd.f32 v21, v33;
	v22 =	vadd.f32 v22, v35  }
0x47: {  	v23 =	vadd.f32 v24, v37;
	v39 =	vadd.f32 v26, v38;
	_ =	sdelay $0x1  }
0x48: {  	v21 =	vadd.f32 v22, v21;
	v40 =	vadd.f32 v39, v23;
	_ =	sdelay $0x1  }
0x49: {  	v21 =	vadd.f32 v40, v21;
	_ =	sdelay $0x1  }
0x4a: {  	[tilespmem:v1+s17+$0x0] =	vst.idx.msk $0xffff, v21  }
0x4b: {  	v21 =	vld [tilespmem:s1+$0xFFFFFE80]  }
0x4c: {  	v41 =	vld [tilespmem:s0+$0xFFFFFE80]  }
0x4d: {  	v42 =	vld [tilespmem:s1+$0xFFFFFE90]  }
0x4e: {  	v43 =	vld [tilespmem:s0+$0xFFFFFE90]  }
0x4f: {  	v44 =	vld [tilespmem:s1+$0xFFFFFEA0]  }
0x50: {  	v45 =	vld [tilespmem:s0+$0xFFFFFEA0]  }
0x51: {  	v46 =	vld [tilespmem:s1+$0xFFFFFEB0]  }
0x52: {  	v47 =	vld [tilespmem:s0+$0xFFFFFEB0];
	_ =	sdelay $0x2  }
0x53: {  	v21 =	vmul.bf16 v41, v21  }
0x54: {  	v48 =	vmul.bf16 v43, v42  }
0x55: {  	v50 =	vmul.bf16 v45, v44;
	v52 =	vmul.bf16 v47, v46;
	v49 =	vand.u32 $0xFFFF0000, v21  }
0x56: {  	v21 =	vshll.u32 v21, $0x10;
	v51 =	vand.u32 $0xFFFF0000, v48;
	v22 =	vshll.u32 v48, $0x10  }
0x57: {  	v53 =	vand.u32 $0xFFFF0000, v50;
	v24 =	vshll.u32 v50, $0x10;
	v54 =	vand.u32 $0xFFFF0000, v52  }
0x58: {  	v26 =	vshll.u32 v52, $0x10;
	v21 =	vadd.f32 v21, v49;
	v22 =	vadd.f32 v22, v51  }
0x59: {  	v23 =	vadd.f32 v24, v53;
	v55 =	vadd.f32 v26, v54;
	_ =	sdelay $0x1  }
0x5a: {  	v21 =	vadd.f32 v22, v21;
	v56 =	vadd.f32 v55, v23;
	_ =	sdelay $0x1  }
0x5b: {  	v21 =	vadd.f32 v56, v21;
	_ =	sdelay $0x1  }
0x5c: {  	[tilespmem:v2+s17+$0x0] =	vst.idx.msk $0xffff, v21  }
0x5d: {  	v21 =	vld [tilespmem:s1+$0xFFFFFEC0]  }
0x5e: {  	v57 =	vld [tilespmem:s0+$0xFFFFFEC0]  }
0x5f: {  	v58 =	vld [tilespmem:s1+$0xFFFFFED0]  }
0x60: {  	v59 =	vld [tilespmem:s0+$0xFFFFFED0]  }
0x61: {  	v60 =	vld [tilespmem:s1+$0xFFFFFEE0]  }
0x62: {  	v61 =	vld [tilespmem:s0+$0xFFFFFEE0]  }
0x63: {  	v62 =	vld [tilespmem:s1+$0xFFFFFEF0]  }
0x64: {  	v63 =	vld [tilespmem:s0+$0xFFFFFEF0];
	_ =	sdelay $0x2  }
0x65: {  	v21 =	vmul.bf16 v57, v21  }
0x66: {  	v32 =	vmul.bf16 v59, v58  }
0x67: {  	v34 =	vmul.bf16 v61, v60;
	v36 =	vmul.bf16 v63, v62;
	v33 =	vand.u32 $0xFFFF0000, v21  }
0x68: {  	v21 =	vshll.u32 v21, $0x10;
	v35 =	vand.u32 $0xFFFF0000, v32;
	v22 =	vshll.u32 v32, $0x10  }
0x69: {  	v37 =	vand.u32 $0xFFFF0000, v34;
	v24 =	vshll.u32 v34, $0x10;
	v38 =	vand.u32 $0xFFFF0000, v36  }
0x6a: {  	v26 =	vshll.u32 v36, $0x10;
	v21 =	vadd.f32 v21, v33;
	v22 =	vadd.f32 v22, v35  }
0x6b: {  	v23 =	vadd.f32 v24, v37;
	v39 =	vadd.f32 v26, v38;
	_ =	sdelay $0x1  }
0x6c: {  	v21 =	vadd.f32 v22, v21;
	v40 =	vadd.f32 v39, v23;
	_ =	sdelay $0x1  }
0x6d: {  	v21 =	vadd.f32 v40, v21;
	_ =	sdelay $0x1  }
0x6e: {  	[tilespmem:v3+s17+$0x0] =	vst.idx.msk $0xffff, v21  }
0x6f: {  	v21 =	vld [tilespmem:s1+$0xFFFFFF00]  }
0x70: {  	v41 =	vld [tilespmem:s0+$0xFFFFFF00]  }
0x71: {  	v42 =	vld [tilespmem:s1+$0xFFFFFF10]  }
0x72: {  	v43 =	vld [tilespmem:s0+$0xFFFFFF10]  }
0x73: {  	v44 =	vld [tilespmem:s1+$0xFFFFFF20]  }
0x74: {  	v45 =	vld [tilespmem:s0+$0xFFFFFF20]  }
0x75: {  	v46 =	vld [tilespmem:s1+$0xFFFFFF30]  }
0x76: {  	v47 =	vld [tilespmem:s0+$0xFFFFFF30];
	_ =	sdelay $0x2  }
0x77: {  	v21 =	vmul.bf16 v41, v21  }
0x78: {  	v48 =	vmul.bf16 v43, v42  }
0x79: {  	v50 =	vmul.bf16 v45, v44;
	v52 =	vmul.bf16 v47, v46;
	v49 =	vand.u32 $0xFFFF0000, v21  }
0x7a: {  	v21 =	vshll.u32 v21, $0x10;
	v51 =	vand.u32 $0xFFFF0000, v48;
	v22 =	vshll.u32 v48, $0x10  }
0x7b: {  	v53 =	vand.u32 $0xFFFF0000, v50;
	v24 =	vshll.u32 v50, $0x10;
	v54 =	vand.u32 $0xFFFF0000, v52  }
0x7c: {  	v26 =	vshll.u32 v52, $0x10;
	v21 =	vadd.f32 v21, v49;
	v22 =	vadd.f32 v22, v51  }
0x7d: {  	v23 =	vadd.f32 v24, v53;
	v55 =	vadd.f32 v26, v54;
	_ =	sdelay $0x1  }
0x7e: {  	v21 =	vadd.f32 v22, v21;
	v56 =	vadd.f32 v55, v23;
	_ =	sdelay $0x1  }
0x7f: {  	v21 =	vadd.f32 v56, v21;
	_ =	sdelay $0x1  }
0x80: {  	[tilespmem:v4+s17+$0x0] =	vst.idx.msk $0xffff, v21  }
0x81: {  	v21 =	vld [tilespmem:s1+$0xFFFFFF40]  }
0x82: {  	v57 =	vld [tilespmem:s0+$0xFFFFFF40]  }
0x83: {  	v58 =	vld [tilespmem:s1+$0xFFFFFF50]  }
0x84: {  	v59 =	vld [tilespmem:s0+$0xFFFFFF50]  }
0x85: {  	v60 =	vld [tilespmem:s1+$0xFFFFFF60]  }
0x86: {  	v61 =	vld [tilespmem:s0+$0xFFFFFF60]  }
0x87: {  	v62 =	vld [tilespmem:s1+$0xFFFFFF70]  }
0x88: {  	v63 =	vld [tilespmem:s0+$0xFFFFFF70];
	_ =	sdelay $0x2  }
0x89: {  	v21 =	vmul.bf16 v57, v21  }
0x8a: {  	v32 =	vmul.bf16 v59, v58  }
0x8b: {  	v34 =	vmul.bf16 v61, v60;
	v36 =	vmul.bf16 v63, v62;
	v33 =	vand.u32 $0xFFFF0000, v21  }
0x8c: {  	v21 =	vshll.u32 v21, $0x10;
	v35 =	vand.u32 $0xFFFF0000, v32;
	v22 =	vshll.u32 v32, $0x10  }
0x8d: {  	v37 =	vand.u32 $0xFFFF0000, v34;
	v24 =	vshll.u32 v34, $0x10;
	v38 =	vand.u32 $0xFFFF0000, v36  }
0x8e: {  	v26 =	vshll.u32 v36, $0x10;
	v21 =	vadd.f32 v21, v33;
	v22 =	vadd.f32 v22, v35  }
0x8f: {  	v23 =	vadd.f32 v24, v37;
	v39 =	vadd.f32 v26, v38;
	_ =	sdelay $0x1  }
0x90: {  	v21 =	vadd.f32 v22, v21;
	v40 =	vadd.f32 v39, v23;
	_ =	sdelay $0x1  }
0x91: {  	v21 =	vadd.f32 v40, v21;
	_ =	sdelay $0x1  }
0x92: {  	[tilespmem:v5+s17+$0x0] =	vst.idx.msk $0xffff, v21  }
0x93: {  	v21 =	vld [tilespmem:s1+$0xFFFFFF80]  }
0x94: {  	v41 =	vld [tilespmem:s0+$0xFFFFFF80]  }
0x95: {  	v42 =	vld [tilespmem:s1+$0xFFFFFF90]  }
0x96: {  	v43 =	vld [tilespmem:s0+$0xFFFFFF90]  }
0x97: {  	v44 =	vld [tilespmem:s1+$0xFFFFFFA0]  }
0x98: {  	v45 =	vld [tilespmem:s0+$0xFFFFFFA0]  }
0x99: {  	v46 =	vld [tilespmem:s1+$0xFFFFFFB0]  }
0x9a: {  	v47 =	vld [tilespmem:s0+$0xFFFFFFB0];
	_ =	sdelay $0x2  }
0x9b: {  	v21 =	vmul.bf16 v41, v21  }
0x9c: {  	v48 =	vmul.bf16 v43, v42  }
0x9d: {  	v50 =	vmul.bf16 v45, v44;
	v52 =	vmul.bf16 v47, v46;
	v49 =	vand.u32 $0xFFFF0000, v21  }
0x9e: {  	v21 =	vshll.u32 v21, $0x10;
	v51 =	vand.u32 $0xFFFF0000, v48;
	v22 =	vshll.u32 v48, $0x10  }
0x9f: {  	v53 =	vand.u32 $0xFFFF0000, v50;
	v24 =	vshll.u32 v50, $0x10;
	v54 =	vand.u32 $0xFFFF0000, v52  }
0xa0: {  	v26 =	vshll.u32 v52, $0x10;
	v21 =	vadd.f32 v21, v49;
	v22 =	vadd.f32 v22, v51  }
0xa1: {  	v23 =	vadd.f32 v24, v53;
	v55 =	vadd.f32 v26, v54;
	_ =	sdelay $0x1  }
0xa2: {  	v21 =	vadd.f32 v22, v21;
	v56 =	vadd.f32 v55, v23;
	_ =	sdelay $0x1  }
0xa3: {  	v21 =	vadd.f32 v56, v21;
	_ =	sdelay $0x1  }
0xa4: {  	[tilespmem:v6+s17+$0x0] =	vst.idx.msk $0xffff, v21  }
0xa5: {  	v21 =	vld [tilespmem:s1+$0xFFFFFFC0]  }
0xa6: {  	v57 =	vld [tilespmem:s0+$0xFFFFFFC0]  }
0xa7: {  	v58 =	vld [tilespmem:s1+$0xFFFFFFD0]  }
0xa8: {  	v59 =	vld [tilespmem:s0+$0xFFFFFFD0]  }
0xa9: {  	v60 =	vld [tilespmem:s1+$0xFFFFFFE0]  }
0xaa: {  	v61 =	vld [tilespmem:s0+$0xFFFFFFE0]  }
0xab: {  	v62 =	vld [tilespmem:s1+$0xFFFFFFF0]  }
0xac: {  	v63 =	vld [tilespmem:s0+$0xFFFFFFF0];
	_ =	sdelay $0x2  }
0xad: {  	v21 =	vmul.bf16 v57, v21  }
0xae: {  	v32 =	vmul.bf16 v59, v58  }
0xaf: {  	v34 =	vmul.bf16 v61, v60;
	v36 =	vmul.bf16 v63, v62;
	v33 =	vand.u32 $0xFFFF0000, v21  }
0xb0: {  	v21 =	vshll.u32 v21, $0x10;
	v35 =	vand.u32 $0xFFFF0000, v32;
	v22 =	vshll.u32 v32, $0x10  }
0xb1: {  	v37 =	vand.u32 $0xFFFF0000, v34;
	v24 =	vshll.u32 v34, $0x10;
	v38 =	vand.u32 $0xFFFF0000, v36  }
0xb2: {  	v26 =	vshll.u32 v36, $0x10;
	v21 =	vadd.f32 v21, v33;
	v22 =	vadd.f32 v22, v35  }
0xb3: {  	v23 =	vadd.f32 v24, v37;
	v39 =	vadd.f32 v26, v38;
	_ =	sdelay $0x1  }
0xb4: {  	v21 =	vadd.f32 v22, v21;
	v40 =	vadd.f32 v39, v23;
	_ =	sdelay $0x1  }
0xb5: {  	v21 =	vadd.f32 v40, v21;
	_ =	sdelay $0x1  }
0xb6: {  	[tilespmem:v7+s17+$0x0] =	vst.idx.msk $0xffff, v21  }
0xb7: {  	v21 =	vld [tilespmem:s1+$0x0]  }
0xb8: {  	v41 =	vld [tilespmem:s0+$0x0]  }
0xb9: {  	v42 =	vld [tilespmem:s1+$0x10]  }
0xba: {  	v43 =	vld [tilespmem:s0+$0x10]  }
0xbb: {  	v44 =	vld [tilespmem:s1+$0x20]  }
0xbc: {  	v45 =	vld [tilespmem:s0+$0x20]  }
0xbd: {  	v46 =	vld [tilespmem:s1+$0x30]  }
0xbe: {  	v47 =	vld [tilespmem:s0+$0x30];
	_ =	sdelay $0x2  }
0xbf: {  	v21 =	vmul.bf16 v41, v21  }
0xc0: {  	v48 =	vmul.bf16 v43, v42  }
0xc1: {  	v50 =	vmul.bf16 v45, v44;
	v52 =	vmul.bf16 v47, v46;
	v49 =	vand.u32 $0xFFFF0000, v21  }
0xc2: {  	v21 =	vshll.u32 v21, $0x10;
	v51 =	vand.u32 $0xFFFF0000, v48;
	v22 =	vshll.u32 v48, $0x10  }
0xc3: {  	v53 =	vand.u32 $0xFFFF0000, v50;
	v24 =	vshll.u32 v50, $0x10;
	v54 =	vand.u32 $0xFFFF0000, v52  }
0xc4: {  	v26 =	vshll.u32 v52, $0x10;
	v21 =	vadd.f32 v21, v49;
	v22 =	vadd.f32 v22, v51  }
0xc5: {  	v23 =	vadd.f32 v24, v53;
	v55 =	vadd.f32 v26, v54;
	_ =	sdelay $0x1  }
0xc6: {  	v21 =	vadd.f32 v22, v21;
	v56 =	vadd.f32 v55, v23;
	_ =	sdelay $0x1  }
0xc7: {  	v21 =	vadd.f32 v56, v21;
	_ =	sdelay $0x1  }
0xc8: {  	[tilespmem:v8+s17+$0x0] =	vst.idx.msk $0xffff, v21  }
0xc9: {  	v21 =	vld [tilespmem:s1+$0x40]  }
0xca: {  	v57 =	vld [tilespmem:s0+$0x40]  }
0xcb: {  	v58 =	vld [tilespmem:s1+$0x50]  }
0xcc: {  	v59 =	vld [tilespmem:s0+$0x50]  }
0xcd: {  	v60 =	vld [tilespmem:s1+$0x60]  }
0xce: {  	v61 =	vld [tilespmem:s0+$0x60]  }
0xcf: {  	v62 =	vld [tilespmem:s1+$0x70]  }
0xd0: {  	v63 =	vld [tilespmem:s0+$0x70];
	_ =	sdelay $0x2  }
0xd1: {  	v21 =	vmul.bf16 v57, v21  }
0xd2: {  	v32 =	vmul.bf16 v59, v58  }
0xd3: {  	v34 =	vmul.bf16 v61, v60;
	v36 =	vmul.bf16 v63, v62;
	v33 =	vand.u32 $0xFFFF0000, v21  }
0xd4: {  	v21 =	vshll.u32 v21, $0x10;
	v35 =	vand.u32 $0xFFFF0000, v32;
	v22 =	vshll.u32 v32, $0x10  }
0xd5: {  	v37 =	vand.u32 $0xFFFF0000, v34;
	v24 =	vshll.u32 v34, $0x10;
	v38 =	vand.u32 $0xFFFF0000, v36  }
0xd6: {  	v26 =	vshll.u32 v36, $0x10;
	v21 =	vadd.f32 v21, v33;
	v22 =	vadd.f32 v22, v35  }
0xd7: {  	v23 =	vadd.f32 v24, v37;
	v39 =	vadd.f32 v26, v38;
	_ =	sdelay $0x1  }
0xd8: {  	v21 =	vadd.f32 v22, v21;
	v40 =	vadd.f32 v39, v23;
	_ =	sdelay $0x1  }
0xd9: {  	v21 =	vadd.f32 v40, v21;
	_ =	sdelay $0x1  }
0xda: {  	[tilespmem:v9+s17+$0x0] =	vst.idx.msk $0xffff, v21  }
0xdb: {  	v21 =	vld [tilespmem:s1+$0x80]  }
0xdc: {  	v41 =	vld [tilespmem:s0+$0x80]  }
0xdd: {  	v42 =	vld [tilespmem:s1+$0x90]  }
0xde: {  	v43 =	vld [tilespmem:s0+$0x90]  }
0xdf: {  	v44 =	vld [tilespmem:s1+$0xA0]  }
0xe0: {  	v45 =	vld [tilespmem:s0+$0xA0]  }
0xe1: {  	v46 =	vld [tilespmem:s1+$0xB0]  }
0xe2: {  	v47 =	vld [tilespmem:s0+$0xB0];
	_ =	sdelay $0x2  }
0xe3: {  	v21 =	vmul.bf16 v41, v21  }
0xe4: {  	v48 =	vmul.bf16 v43, v42  }
0xe5: {  	v50 =	vmul.bf16 v45, v44;
	v52 =	vmul.bf16 v47, v46;
	v49 =	vand.u32 $0xFFFF0000, v21  }
0xe6: {  	v21 =	vshll.u32 v21, $0x10;
	v51 =	vand.u32 $0xFFFF0000, v48;
	v22 =	vshll.u32 v48, $0x10  }
0xe7: {  	v53 =	vand.u32 $0xFFFF0000, v50;
	v24 =	vshll.u32 v50, $0x10;
	v54 =	vand.u32 $0xFFFF0000, v52  }
0xe8: {  	v26 =	vshll.u32 v52, $0x10;
	v21 =	vadd.f32 v21, v49;
	v22 =	vadd.f32 v22, v51  }
0xe9: {  	v23 =	vadd.f32 v24, v53;
	v55 =	vadd.f32 v26, v54;
	_ =	sdelay $0x1  }
0xea: {  	v21 =	vadd.f32 v22, v21;
	v56 =	vadd.f32 v55, v23;
	_ =	sdelay $0x1  }
0xeb: {  	v21 =	vadd.f32 v56, v21;
	_ =	sdelay $0x1  }
0xec: {  	[tilespmem:v10+s17+$0x0] =	vst.idx.msk $0xffff, v21  }
0xed: {  	v21 =	vld [tilespmem:s1+$0xC0]  }
0xee: {  	v57 =	vld [tilespmem:s0+$0xC0]  }
0xef: {  	v58 =	vld [tilespmem:s1+$0xD0]  }
0xf0: {  	v59 =	vld [tilespmem:s0+$0xD0]  }
0xf1: {  	v60 =	vld [tilespmem:s1+$0xE0]  }
0xf2: {  	v61 =	vld [tilespmem:s0+$0xE0]  }
0xf3: {  	v62 =	vld [tilespmem:s1+$0xF0]  }
0xf4: {  	v63 =	vld [tilespmem:s0+$0xF0];
	_ =	sdelay $0x2  }
0xf5: {  	v21 =	vmul.bf16 v57, v21  }
0xf6: {  	v32 =	vmul.bf16 v59, v58  }
0xf7: {  	v34 =	vmul.bf16 v61, v60;
	v36 =	vmul.bf16 v63, v62;
	v33 =	vand.u32 $0xFFFF0000, v21  }
0xf8: {  	v21 =	vshll.u32 v21, $0x10;
	v35 =	vand.u32 $0xFFFF0000, v32;
	v22 =	vshll.u32 v32, $0x10  }
0xf9: {  	v37 =	vand.u32 $0xFFFF0000, v34;
	v24 =	vshll.u32 v34, $0x10;
	v38 =	vand.u32 $0xFFFF0000, v36  }
0xfa: {  	v26 =	vshll.u32 v36, $0x10;
	v21 =	vadd.f32 v21, v33;
	v22 =	vadd.f32 v22, v35  }
0xfb: {  	v23 =	vadd.f32 v24, v37;
	v39 =	vadd.f32 v26, v38;
	_ =	sdelay $0x1  }
0xfc: {  	v21 =	vadd.f32 v22, v21;
	v40 =	vadd.f32 v39, v23;
	_ =	sdelay $0x1  }
0xfd: {  	v21 =	vadd.f32 v40, v21;
	_ =	sdelay $0x1  }
0xfe: {  	[tilespmem:v11+s17+$0x0] =	vst.idx.msk $0xffff, v21  }
0xff: {  	v21 =	vld [tilespmem:s1+$0x100]  }
0x100: {  	v41 =	vld [tilespmem:s0+$0x100]  }
0x101: {  	v42 =	vld [tilespmem:s1+$0x110]  }
0x102: {  	v43 =	vld [tilespmem:s0+$0x110]  }
0x103: {  	v44 =	vld [tilespmem:s1+$0x120]  }
0x104: {  	v45 =	vld [tilespmem:s0+$0x120]  }
0x105: {  	v46 =	vld [tilespmem:s1+$0x130]  }
0x106: {  	v47 =	vld [tilespmem:s0+$0x130];
	_ =	sdelay $0x2  }
0x107: {  	v21 =	vmul.bf16 v41, v21  }
0x108: {  	v48 =	vmul.bf16 v43, v42  }
0x109: {  	v50 =	vmul.bf16 v45, v44;
	v52 =	vmul.bf16 v47, v46;
	v49 =	vand.u32 $0xFFFF0000, v21  }
0x10a: {  	v21 =	vshll.u32 v21, $0x10;
	v51 =	vand.u32 $0xFFFF0000, v48;
	v22 =	vshll.u32 v48, $0x10  }
0x10b: {  	v53 =	vand.u32 $0xFFFF0000, v50;
	v24 =	vshll.u32 v50, $0x10;
	v54 =	vand.u32 $0xFFFF0000, v52  }
0x10c: {  	v26 =	vshll.u32 v52, $0x10;
	v21 =	vadd.f32 v21, v49;
	v22 =	vadd.f32 v22, v51  }
0x10d: {  	v23 =	vadd.f32 v24, v53;
	v55 =	vadd.f32 v26, v54;
	_ =	sdelay $0x1  }
0x10e: {  	v21 =	vadd.f32 v22, v21;
	v56 =	vadd.f32 v55, v23;
	_ =	sdelay $0x1  }
0x10f: {  	v21 =	vadd.f32 v56, v21;
	_ =	sdelay $0x1  }
0x110: {  	[tilespmem:v12+s17+$0x0] =	vst.idx.msk $0xffff, v21  }
0x111: {  	v21 =	vld [tilespmem:s1+$0x140]  }
0x112: {  	v57 =	vld [tilespmem:s0+$0x140]  }
0x113: {  	v58 =	vld [tilespmem:s1+$0x150]  }
0x114: {  	v59 =	vld [tilespmem:s0+$0x150]  }
0x115: {  	v60 =	vld [tilespmem:s1+$0x160]  }
0x116: {  	v61 =	vld [tilespmem:s0+$0x160]  }
0x117: {  	v62 =	vld [tilespmem:s1+$0x170]  }
0x118: {  	v63 =	vld [tilespmem:s0+$0x170];
	_ =	sdelay $0x2  }
0x119: {  	v21 =	vmul.bf16 v57, v21  }
0x11a: {  	v32 =	vmul.bf16 v59, v58  }
0x11b: {  	v34 =	vmul.bf16 v61, v60;
	v36 =	vmul.bf16 v63, v62;
	v33 =	vand.u32 $0xFFFF0000, v21  }
0x11c: {  	v21 =	vshll.u32 v21, $0x10;
	v35 =	vand.u32 $0xFFFF0000, v32;
	v22 =	vshll.u32 v32, $0x10  }
0x11d: {  	v37 =	vand.u32 $0xFFFF0000, v34;
	v24 =	vshll.u32 v34, $0x10;
	v38 =	vand.u32 $0xFFFF0000, v36  }
0x11e: {  	v26 =	vshll.u32 v36, $0x10;
	v21 =	vadd.f32 v21, v33;
	v22 =	vadd.f32 v22, v35  }
0x11f: {  	v23 =	vadd.f32 v24, v37;
	v39 =	vadd.f32 v26, v38;
	_ =	sdelay $0x1  }
0x120: {  	v21 =	vadd.f32 v22, v21;
	v40 =	vadd.f32 v39, v23;
	_ =	sdelay $0x1  }
0x121: {  	v21 =	vadd.f32 v40, v21;
	_ =	sdelay $0x1  }
0x122: {  	[tilespmem:v13+s17+$0x0] =	vst.idx.msk $0xffff, v21  }
0x123: {  	v21 =	vld [tilespmem:s1+$0x180]  }
0x124: {  	v41 =	vld [tilespmem:s0+$0x180]  }
0x125: {  	v42 =	vld [tilespmem:s1+$0x190]  }
0x126: {  	v43 =	vld [tilespmem:s0+$0x190]  }
0x127: {  	v44 =	vld [tilespmem:s1+$0x1A0]  }
0x128: {  	v45 =	vld [tilespmem:s0+$0x1A0]  }
0x129: {  	v46 =	vld [tilespmem:s1+$0x1B0]  }
0x12a: {  	v47 =	vld [tilespmem:s0+$0x1B0];
	_ =	sdelay $0x2  }
0x12b: {  	v21 =	vmul.bf16 v41, v21  }
0x12c: {  	v48 =	vmul.bf16 v43, v42  }
0x12d: {  	v50 =	vmul.bf16 v45, v44;
	v52 =	vmul.bf16 v47, v46;
	v49 =	vand.u32 $0xFFFF0000, v21  }
0x12e: {  	v21 =	vshll.u32 v21, $0x10;
	v51 =	vand.u32 $0xFFFF0000, v48;
	v22 =	vshll.u32 v48, $0x10  }
0x12f: {  	v53 =	vand.u32 $0xFFFF0000, v50;
	v24 =	vshll.u32 v50, $0x10;
	v54 =	vand.u32 $0xFFFF0000, v52  }
0x130: {  	v26 =	vshll.u32 v52, $0x10;
	v21 =	vadd.f32 v21, v49;
	v22 =	vadd.f32 v22, v51  }
0x131: {  	v23 =	vadd.f32 v24, v53;
	v55 =	vadd.f32 v26, v54;
	_ =	sdelay $0x1  }
0x132: {  	v21 =	vadd.f32 v22, v21;
	v56 =	vadd.f32 v55, v23;
	_ =	sdelay $0x1  }
0x133: {  	v21 =	vadd.f32 v56, v21;
	_ =	sdelay $0x1  }
0x134: {  	[tilespmem:v14+s17+$0x0] =	vst.idx.msk $0xffff, v21  }
0x135: {  	v21 =	vld [tilespmem:s1+$0x1C0]  }
0x136: {  	v57 =	vld [tilespmem:s0+$0x1C0]  }
0x137: {  	v58 =	vld [tilespmem:s1+$0x1D0]  }
0x138: {  	v59 =	vld [tilespmem:s0+$0x1D0]  }
0x139: {  	v60 =	vld [tilespmem:s1+$0x1E0]  }
0x13a: {  	v61 =	vld [tilespmem:s0+$0x1E0]  }
0x13b: {  	v62 =	vld [tilespmem:s1+$0x1F0]  }
0x13c: {  	v63 =	vld [tilespmem:s0+$0x1F0];
	_ =	sdelay $0x2  }
0x13d: {  	v21 =	vmul.bf16 v57, v21  }
0x13e: {  	v32 =	vmul.bf16 v59, v58  }
0x13f: {  	v34 =	vmul.bf16 v61, v60;
	v36 =	vmul.bf16 v63, v62;
	v33 =	vand.u32 $0xFFFF0000, v21  }
0x140: {  	v21 =	vshll.u32 v21, $0x10;
	v35 =	vand.u32 $0xFFFF0000, v32;
	v22 =	vshll.u32 v32, $0x10  }
0x141: {  	v37 =	vand.u32 $0xFFFF0000, v34;
	v24 =	vshll.u32 v34, $0x10;
	v38 =	vand.u32 $0xFFFF0000, v36  }
0x142: {  	v26 =	vshll.u32 v36, $0x10;
	v21 =	vadd.f32 v21, v33;
	v22 =	vadd.f32 v22, v35  }
0x143: {  	v23 =	vadd.f32 v24, v37;
	v39 =	vadd.f32 v26, v38;
	_ =	sdelay $0x1  }
0x144: {  	v21 =	vadd.f32 v22, v21;
	v40 =	vadd.f32 v39, v23;
	_ =	sdelay $0x1  }
0x145: {  	v21 =	vadd.f32 v40, v21;
	_ =	sdelay $0x1  }
0x146: {  	[tilespmem:v15+s17+$0x0] =	vst.idx.msk $0xffff, v21  }
0x147: {  	v21 =	vld [tilespmem:$0xEC40]  }
0x148: {  	v41 =	vld [tilespmem:$0xEC58]  }
0x149: {  	v42 =	vld [tilespmem:$0xEC70]  }
0x14a: {  	v43 =	vld [tilespmem:$0xEC88]  }
0x14b: {  	v44 =	vld [tilespmem:$0xECA0]  }
0x14c: {  	v45 =	vld [tilespmem:$0xECB8]  }
0x14d: {  	v46 =	vld [tilespmem:$0xECD0]  }
0x14e: {  	v47 =	vld [tilespmem:$0xECE8]  }
0x14f: {  	v29 =	vld [tilespmem:$0xED00]  }
0x150: {  	v30 =	vld [tilespmem:$0xED18]  }
0x151: {  	v31 =	vld [tilespmem:$0xED30]  }
0x152: {  	v32 =	vld [tilespmem:$0xED48]  }
0x153: {  	v33 =	vld [tilespmem:$0xED60]  }
0x154: {  	v34 =	vld [tilespmem:$0xED78]  }
0x155: {  	v35 =	vld [tilespmem:$0xED90]  }
0x156: {  	v36 =	vld [tilespmem:$0xEDA8];
	_ =	sdelay $0x1  }
0x157: {  	v21 =	vadd.f32 v41, v21;
	v48 =	vadd.f32 v43, v42  }
0x158: {  	v49 =	vadd.f32 v45, v44;
	v50 =	vadd.f32 v47, v46  }
0x159: {  	v51 =	vadd.f32 v30, v29;
	v52 =	vadd.f32 v32, v31  }
0x15a: {  	v53 =	vadd.f32 v34, v33;
	v54 =	vadd.f32 v36, v35  }
0x15b: {  	v21 =	vadd.f32 v48, v21;
	v55 =	vadd.f32 v50, v49  }
0x15c: {  	v56 =	vadd.f32 v52, v51;
	v57 =	vadd.f32 v54, v53;
	_ =	sdelay $0x1  }
0x15d: {  	v21 =	vadd.f32 v55, v21;
	v58 =	vadd.f32 v57, v56;
	_ =	sdelay $0x1  }
0x15e: {  	v21 =	vadd.f32 v58, v21;
	_ =	sdelay $0x1  }
0x15f: {  	v22 =	vadd.f32 v21, v21;
	_ =	sdelay $0x1  }
0x160: {  	v59 =	vmul.f32 v19, v20;
	v22 =	vsub.f32 $1.000000000e+00, v22;
	_ =	sdelay $0x1  }
0x161: {  	v23 =	vadd.f32 v22, v59;
	_ =	sdelay $0x1  }
0x162: {  	v22 =	vadd.f32 v22, v19;
	v23 =	vmax.f32 v23, $1.000000000e-15  }
0x163: {  	v23 =	vmul.f32 v23, v23  }
0x164: {  	v60 =	vsub.f32 $1.000000000e+00, v20;
	v61 =	vadd.f32 v22, v22  }
0x165: {  	(erf) = vrcp.f32 v23  }
0x166: {  	v22 =	vmul.f32 v22, v22;
	v62 =	vmul.f32 v61, v60  }
0x167: {  	v63 =	vmul.f32 v60, v60  }
0x168: {  	v20 =	vmul.f32 v22, v20;
	v21 =	vmul.f32 v62, v21;
	_ =	sdelay $0x1  }
0x169: {  	v19 =	vmul.f32 v63, v19;
	v20 =	vsub.f32 v20, v21;
	_ =	sdelay $0x1  }
0x16a: {  	p0 =	sne.s32 s31, $0x100;
	v19 =	vadd.f32 v20, v19  }
.Ltmp0:
0x16b: {  	_ = 	snop;
	(pc) =	sbr.rel @p0 .LBB2_3-.Ltmp0, $3  }
0x16c: {  	v19 =	vmax.f32 v19, $0.0e+00;
	v20 =	vpop (erf)  }
0x16d: {  	v19 =	vmul.f32 v19, v20;
	_ =	sdelay $0x1  }
0x16e: {  	s31 =	sadd.s32 $0x40, s31;
	s1 =	sadd.s32 $0x400, s1;
	s0 =	sadd.s32 $0x400, s0;
	[tilespmem:v18+s20+$0x0 ss:$0x1] =	vst.idx.msk $0xffff, v19  }
0x16f: {  	s0 =	sadd.s32 $0x27B0, s30  }
0x170: {  	[tilespmem:s11], [sflag:$0x1] =	stream.indirect.gather [hbm4b:s2+s10], $0x40, s0, s10, $0xb8;
	[tilespmem:$0xEDC0] =	vst v63  }
0x171: {  	s31 =	sadd.s32 $0x4EC0, s30  }
0x172: {  	[tilespmem:s12], [sflag:$0x3] =	stream.indirect.gather [hbm4b:s2+s10], $0x40, s31, s10, $0xb8;
	[tilespmem:$0xEDC0] =	vst v63  }
0x173: {  	_ =	swait.ge [sflag:s18], $0x1400  }
0x174: {  	[sflag:s18] =	ssyncset.done $0x0  }
0x175: {  	[sflag:s18] =	ssyncadd.s32 $0xFFFFEC00  }
0x176: {  	_ =	swait.ge [sflag:s19], $0x1400  }
0x177: {  	s30 =	simm.s32 $0x0;
	[sflag:s19] =	ssyncset.done $0x0  }
0x178: {  	s1 =	simm.s32 $0xB240;
	v16 =	vmov s26;
	v17 =	vmov s25;
	v18 =	vmov s24;
	s0 =	simm.s32 $0xDA40;
	[sflag:s19] =	ssyncadd.s32 $0xFFFFEC00  }
.LBB2_5:
0x179: {  	v19 =	vld [tilespmem:s1+$0xFFFFFE00]  }
0x17a: {  	v20 =	vld [tilespmem:s0+$0xFFFFFE00]  }
0x17b: {  	v21 =	vld [tilespmem:s1+$0xFFFFFE10]  }
0x17c: {  	v22 =	vld [tilespmem:s0+$0xFFFFFE10]  }
0x17d: {  	v23 =	vld [tilespmem:s1+$0xFFFFFE20]  }
0x17e: {  	v24 =	vld [tilespmem:s0+$0xFFFFFE20]  }
0x17f: {  	v25 =	vld [tilespmem:s1+$0xFFFFFE30]  }
0x180: {  	v26 =	vld [tilespmem:s0+$0xFFFFFE30];
	_ =	sdelay $0x2  }
0x181: {  	v19 =	vmul.bf16 v20, v19  }
0x182: {  	v20 =	vmul.bf16 v22, v21  }
0x183: {  	s20 =	sshra.s32 s30, $0x2;
	v23 =	vmul.bf16 v24, v23;
	v25 =	vmul.bf16 v26, v25;
	v53 =	vand.u32 $0xFFFF0000, v19  }
0x184: {  	v52 =	vld.idx.msk [tilespmem:v16+s20+$0x0 ss:$0x1], $0xffff;
	v19 =	vshll.u32 v19, $0x10;
	v27 =	vand.u32 $0xFFFF0000, v20;
	v20 =	vshll.u32 v20, $0x10  }
0x185: {  	v54 =	vld.idx.msk [tilespmem:v17+s20+$0x0 ss:$0x1], $0xffff;
	v55 =	vand.u32 $0xFFFF0000, v23;
	v23 =	vshll.u32 v23, $0x10;
	v26 =	vand.u32 $0xFFFF0000, v25  }
0x186: {  	v25 =	vshll.u32 v25, $0x10;
	v19 =	vadd.f32 v19, v53;
	v20 =	vadd.f32 v20, v27  }
0x187: {  	v22 =	vadd.f32 v23, v55;
	v56 =	vadd.f32 v25, v26;
	_ =	sdelay $0x1  }
0x188: {  	v19 =	vadd.f32 v20, v19;
	v22 =	vadd.f32 v56, v22;
	_ =	sdelay $0x1  }
0x189: {  	v57 =	vadd.f32 v22, v19  }
0x18a: {  	v20 =	vld.idx.msk [tilespmem:v52+s3+$0x0], $0xffff  }
0x18b: {  	v19 =	vld.idx.msk [tilespmem:v54+s3+$0x0], $0xffff;
	[tilespmem:v0+s17+$0x0] =	vst.idx.msk $0xffff, v57  }
0x18c: {  	v21 =	vld [tilespmem:s1+$0xFFFFFE40]  }
0x18d: {  	v58 =	vld [tilespmem:s0+$0xFFFFFE40]  }
0x18e: {  	v59 =	vld [tilespmem:s1+$0xFFFFFE50]  }
0x18f: {  	v60 =	vld [tilespmem:s0+$0xFFFFFE50]  }
0x190: {  	v61 =	vld [tilespmem:s1+$0xFFFFFE60]  }
0x191: {  	v62 =	vld [tilespmem:s0+$0xFFFFFE60]  }
0x192: {  	v63 =	vld [tilespmem:s1+$0xFFFFFE70]  }
0x193: {  	v28 =	vld [tilespmem:s0+$0xFFFFFE70];
	_ =	sdelay $0x2  }
0x194: {  	v21 =	vmul.bf16 v58, v21  }
0x195: {  	v32 =	vmul.bf16 v60, v59  }
0x196: {  	v34 =	vmul.bf16 v62, v61;
	v36 =	vmul.bf16 v28, v63;
	v33 =	vand.u32 $0xFFFF0000, v21  }
0x197: {  	v21 =	vshll.u32 v21, $0x10;
	v35 =	vand.u32 $0xFFFF0000, v32;
	v22 =	vshll.u32 v32, $0x10  }
0x198: {  	v37 =	vand.u32 $0xFFFF0000, v34;
	v24 =	vshll.u32 v34, $0x10;
	v38 =	vand.u32 $0xFFFF0000, v36  }
0x199: {  	v26 =	vshll.u32 v36, $0x10;
	v21 =	vadd.f32 v21, v33;
	v22 =	vadd.f32 v22, v35  }
0x19a: {  	v23 =	vadd.f32 v24, v37;
	v39 =	vadd.f32 v26, v38;
	_ =	sdelay $0x1  }
0x19b: {  	v21 =	vadd.f32 v22, v21;
	v40 =	vadd.f32 v39, v23;
	_ =	sdelay $0x1  }
0x19c: {  	v21 =	vadd.f32 v40, v21;
	_ =	sdelay $0x1  }
0x19d: {  	[tilespmem:v1+s17+$0x0] =	vst.idx.msk $0xffff, v21  }
0x19e: {  	v21 =	vld [tilespmem:s1+$0xFFFFFE80]  }
0x19f: {  	v41 =	vld [tilespmem:s0+$0xFFFFFE80]  }
0x1a0: {  	v42 =	vld [tilespmem:s1+$0xFFFFFE90]  }
0x1a1: {  	v43 =	vld [tilespmem:s0+$0xFFFFFE90]  }
0x1a2: {  	v44 =	vld [tilespmem:s1+$0xFFFFFEA0]  }
0x1a3: {  	v45 =	vld [tilespmem:s0+$0xFFFFFEA0]  }
0x1a4: {  	v46 =	vld [tilespmem:s1+$0xFFFFFEB0]  }
0x1a5: {  	v47 =	vld [tilespmem:s0+$0xFFFFFEB0];
	_ =	sdelay $0x2  }
0x1a6: {  	v21 =	vmul.bf16 v41, v21  }
0x1a7: {  	v48 =	vmul.bf16 v43, v42  }
0x1a8: {  	v50 =	vmul.bf16 v45, v44;
	v52 =	vmul.bf16 v47, v46;
	v49 =	vand.u32 $0xFFFF0000, v21  }
0x1a9: {  	v21 =	vshll.u32 v21, $0x10;
	v51 =	vand.u32 $0xFFFF0000, v48;
	v22 =	vshll.u32 v48, $0x10  }
0x1aa: {  	v53 =	vand.u32 $0xFFFF0000, v50;
	v24 =	vshll.u32 v50, $0x10;
	v54 =	vand.u32 $0xFFFF0000, v52  }
0x1ab: {  	v26 =	vshll.u32 v52, $0x10;
	v21 =	vadd.f32 v21, v49;
	v22 =	vadd.f32 v22, v51  }
0x1ac: {  	v23 =	vadd.f32 v24, v53;
	v55 =	vadd.f32 v26, v54;
	_ =	sdelay $0x1  }
0x1ad: {  	v21 =	vadd.f32 v22, v21;
	v56 =	vadd.f32 v55, v23;
	_ =	sdelay $0x1  }
0x1ae: {  	v21 =	vadd.f32 v56, v21;
	_ =	sdelay $0x1  }
0x1af: {  	[tilespmem:v2+s17+$0x0] =	vst.idx.msk $0xffff, v21  }
0x1b0: {  	v21 =	vld [tilespmem:s1+$0xFFFFFEC0]  }
0x1b1: {  	v57 =	vld [tilespmem:s0+$0xFFFFFEC0]  }
0x1b2: {  	v58 =	vld [tilespmem:s1+$0xFFFFFED0]  }
0x1b3: {  	v59 =	vld [tilespmem:s0+$0xFFFFFED0]  }
0x1b4: {  	v60 =	vld [tilespmem:s1+$0xFFFFFEE0]  }
0x1b5: {  	v61 =	vld [tilespmem:s0+$0xFFFFFEE0]  }
0x1b6: {  	v62 =	vld [tilespmem:s1+$0xFFFFFEF0]  }
0x1b7: {  	v63 =	vld [tilespmem:s0+$0xFFFFFEF0];
	_ =	sdelay $0x2  }
0x1b8: {  	v21 =	vmul.bf16 v57, v21  }
0x1b9: {  	v32 =	vmul.bf16 v59, v58  }
0x1ba: {  	v34 =	vmul.bf16 v61, v60;
	v36 =	vmul.bf16 v63, v62;
	v33 =	vand.u32 $0xFFFF0000, v21  }
0x1bb: {  	v21 =	vshll.u32 v21, $0x10;
	v35 =	vand.u32 $0xFFFF0000, v32;
	v22 =	vshll.u32 v32, $0x10  }
0x1bc: {  	v37 =	vand.u32 $0xFFFF0000, v34;
	v24 =	vshll.u32 v34, $0x10;
	v38 =	vand.u32 $0xFFFF0000, v36  }
0x1bd: {  	v26 =	vshll.u32 v36, $0x10;
	v21 =	vadd.f32 v21, v33;
	v22 =	vadd.f32 v22, v35  }
0x1be: {  	v23 =	vadd.f32 v24, v37;
	v39 =	vadd.f32 v26, v38;
	_ =	sdelay $0x1  }
0x1bf: {  	v21 =	vadd.f32 v22, v21;
	v40 =	vadd.f32 v39, v23;
	_ =	sdelay $0x1  }
0x1c0: {  	v21 =	vadd.f32 v40, v21;
	_ =	sdelay $0x1  }
0x1c1: {  	[tilespmem:v3+s17+$0x0] =	vst.idx.msk $0xffff, v21  }
0x1c2: {  	v21 =	vld [tilespmem:s1+$0xFFFFFF00]  }
0x1c3: {  	v41 =	vld [tilespmem:s0+$0xFFFFFF00]  }
0x1c4: {  	v42 =	vld [tilespmem:s1+$0xFFFFFF10]  }
0x1c5: {  	v43 =	vld [tilespmem:s0+$0xFFFFFF10]  }
0x1c6: {  	v44 =	vld [tilespmem:s1+$0xFFFFFF20]  }
0x1c7: {  	v45 =	vld [tilespmem:s0+$0xFFFFFF20]  }
0x1c8: {  	v46 =	vld [tilespmem:s1+$0xFFFFFF30]  }
0x1c9: {  	v47 =	vld [tilespmem:s0+$0xFFFFFF30];
	_ =	sdelay $0x2  }
0x1ca: {  	v21 =	vmul.bf16 v41, v21  }
0x1cb: {  	v48 =	vmul.bf16 v43, v42  }
0x1cc: {  	v50 =	vmul.bf16 v45, v44;
	v52 =	vmul.bf16 v47, v46;
	v49 =	vand.u32 $0xFFFF0000, v21  }
0x1cd: {  	v21 =	vshll.u32 v21, $0x10;
	v51 =	vand.u32 $0xFFFF0000, v48;
	v22 =	vshll.u32 v48, $0x10  }
0x1ce: {  	v53 =	vand.u32 $0xFFFF0000, v50;
	v24 =	vshll.u32 v50, $0x10;
	v54 =	vand.u32 $0xFFFF0000, v52  }
0x1cf: {  	v26 =	vshll.u32 v52, $0x10;
	v21 =	vadd.f32 v21, v49;
	v22 =	vadd.f32 v22, v51  }
0x1d0: {  	v23 =	vadd.f32 v24, v53;
	v55 =	vadd.f32 v26, v54;
	_ =	sdelay $0x1  }
0x1d1: {  	v21 =	vadd.f32 v22, v21;
	v56 =	vadd.f32 v55, v23;
	_ =	sdelay $0x1  }
0x1d2: {  	v21 =	vadd.f32 v56, v21;
	_ =	sdelay $0x1  }
0x1d3: {  	[tilespmem:v4+s17+$0x0] =	vst.idx.msk $0xffff, v21  }
0x1d4: {  	v21 =	vld [tilespmem:s1+$0xFFFFFF40]  }
0x1d5: {  	v57 =	vld [tilespmem:s0+$0xFFFFFF40]  }
0x1d6: {  	v58 =	vld [tilespmem:s1+$0xFFFFFF50]  }
0x1d7: {  	v59 =	vld [tilespmem:s0+$0xFFFFFF50]  }
0x1d8: {  	v60 =	vld [tilespmem:s1+$0xFFFFFF60]  }
0x1d9: {  	v61 =	vld [tilespmem:s0+$0xFFFFFF60]  }
0x1da: {  	v62 =	vld [tilespmem:s1+$0xFFFFFF70]  }
0x1db: {  	v63 =	vld [tilespmem:s0+$0xFFFFFF70];
	_ =	sdelay $0x2  }
0x1dc: {  	v21 =	vmul.bf16 v57, v21  }
0x1dd: {  	v32 =	vmul.bf16 v59, v58  }
0x1de: {  	v34 =	vmul.bf16 v61, v60;
	v36 =	vmul.bf16 v63, v62;
	v33 =	vand.u32 $0xFFFF0000, v21  }
0x1df: {  	v21 =	vshll.u32 v21, $0x10;
	v35 =	vand.u32 $0xFFFF0000, v32;
	v22 =	vshll.u32 v32, $0x10  }
0x1e0: {  	v37 =	vand.u32 $0xFFFF0000, v34;
	v24 =	vshll.u32 v34, $0x10;
	v38 =	vand.u32 $0xFFFF0000, v36  }
0x1e1: {  	v26 =	vshll.u32 v36, $0x10;
	v21 =	vadd.f32 v21, v33;
	v22 =	vadd.f32 v22, v35  }
0x1e2: {  	v23 =	vadd.f32 v24, v37;
	v39 =	vadd.f32 v26, v38;
	_ =	sdelay $0x1  }
0x1e3: {  	v21 =	vadd.f32 v22, v21;
	v40 =	vadd.f32 v39, v23;
	_ =	sdelay $0x1  }
0x1e4: {  	v21 =	vadd.f32 v40, v21;
	_ =	sdelay $0x1  }
0x1e5: {  	[tilespmem:v5+s17+$0x0] =	vst.idx.msk $0xffff, v21  }
0x1e6: {  	v21 =	vld [tilespmem:s1+$0xFFFFFF80]  }
0x1e7: {  	v41 =	vld [tilespmem:s0+$0xFFFFFF80]  }
0x1e8: {  	v42 =	vld [tilespmem:s1+$0xFFFFFF90]  }
0x1e9: {  	v43 =	vld [tilespmem:s0+$0xFFFFFF90]  }
0x1ea: {  	v44 =	vld [tilespmem:s1+$0xFFFFFFA0]  }
0x1eb: {  	v45 =	vld [tilespmem:s0+$0xFFFFFFA0]  }
0x1ec: {  	v46 =	vld [tilespmem:s1+$0xFFFFFFB0]  }
0x1ed: {  	v47 =	vld [tilespmem:s0+$0xFFFFFFB0];
	_ =	sdelay $0x2  }
0x1ee: {  	v21 =	vmul.bf16 v41, v21  }
0x1ef: {  	v48 =	vmul.bf16 v43, v42  }
0x1f0: {  	v50 =	vmul.bf16 v45, v44;
	v52 =	vmul.bf16 v47, v46;
	v49 =	vand.u32 $0xFFFF0000, v21  }
0x1f1: {  	v21 =	vshll.u32 v21, $0x10;
	v51 =	vand.u32 $0xFFFF0000, v48;
	v22 =	vshll.u32 v48, $0x10  }
0x1f2: {  	v53 =	vand.u32 $0xFFFF0000, v50;
	v24 =	vshll.u32 v50, $0x10;
	v54 =	vand.u32 $0xFFFF0000, v52  }
0x1f3: {  	v26 =	vshll.u32 v52, $0x10;
	v21 =	vadd.f32 v21, v49;
	v22 =	vadd.f32 v22, v51  }
0x1f4: {  	v23 =	vadd.f32 v24, v53;
	v55 =	vadd.f32 v26, v54;
	_ =	sdelay $0x1  }
0x1f5: {  	v21 =	vadd.f32 v22, v21;
	v56 =	vadd.f32 v55, v23;
	_ =	sdelay $0x1  }
0x1f6: {  	v21 =	vadd.f32 v56, v21;
	_ =	sdelay $0x1  }
0x1f7: {  	[tilespmem:v6+s17+$0x0] =	vst.idx.msk $0xffff, v21  }
0x1f8: {  	v21 =	vld [tilespmem:s1+$0xFFFFFFC0]  }
0x1f9: {  	v57 =	vld [tilespmem:s0+$0xFFFFFFC0]  }
0x1fa: {  	v58 =	vld [tilespmem:s1+$0xFFFFFFD0]  }
0x1fb: {  	v59 =	vld [tilespmem:s0+$0xFFFFFFD0]  }
0x1fc: {  	v60 =	vld [tilespmem:s1+$0xFFFFFFE0]  }
0x1fd: {  	v61 =	vld [tilespmem:s0+$0xFFFFFFE0]  }
0x1fe: {  	v62 =	vld [tilespmem:s1+$0xFFFFFFF0]  }
0x1ff: {  	v63 =	vld [tilespmem:s0+$0xFFFFFFF0];
	_ =	sdelay $0x2  }
0x200: {  	v21 =	vmul.bf16 v57, v21  }
0x201: {  	v32 =	vmul.bf16 v59, v58  }
0x202: {  	v34 =	vmul.bf16 v61, v60;
	v36 =	vmul.bf16 v63, v62;
	v33 =	vand.u32 $0xFFFF0000, v21  }
0x203: {  	v21 =	vshll.u32 v21, $0x10;
	v35 =	vand.u32 $0xFFFF0000, v32;
	v22 =	vshll.u32 v32, $0x10  }
0x204: {  	v37 =	vand.u32 $0xFFFF0000, v34;
	v24 =	vshll.u32 v34, $0x10;
	v38 =	vand.u32 $0xFFFF0000, v36  }
0x205: {  	v26 =	vshll.u32 v36, $0x10;
	v21 =	vadd.f32 v21, v33;
	v22 =	vadd.f32 v22, v35  }
0x206: {  	v23 =	vadd.f32 v24, v37;
	v39 =	vadd.f32 v26, v38;
	_ =	sdelay $0x1  }
0x207: {  	v21 =	vadd.f32 v22, v21;
	v40 =	vadd.f32 v39, v23;
	_ =	sdelay $0x1  }
0x208: {  	v21 =	vadd.f32 v40, v21;
	_ =	sdelay $0x1  }
0x209: {  	[tilespmem:v7+s17+$0x0] =	vst.idx.msk $0xffff, v21  }
0x20a: {  	v21 =	vld [tilespmem:s1+$0x0]  }
0x20b: {  	v41 =	vld [tilespmem:s0+$0x0]  }
0x20c: {  	v42 =	vld [tilespmem:s1+$0x10]  }
0x20d: {  	v43 =	vld [tilespmem:s0+$0x10]  }
0x20e: {  	v44 =	vld [tilespmem:s1+$0x20]  }
0x20f: {  	v45 =	vld [tilespmem:s0+$0x20]  }
0x210: {  	v46 =	vld [tilespmem:s1+$0x30]  }
0x211: {  	v47 =	vld [tilespmem:s0+$0x30];
	_ =	sdelay $0x2  }
0x212: {  	v21 =	vmul.bf16 v41, v21  }
0x213: {  	v48 =	vmul.bf16 v43, v42  }
0x214: {  	v50 =	vmul.bf16 v45, v44;
	v52 =	vmul.bf16 v47, v46;
	v49 =	vand.u32 $0xFFFF0000, v21  }
0x215: {  	v21 =	vshll.u32 v21, $0x10;
	v51 =	vand.u32 $0xFFFF0000, v48;
	v22 =	vshll.u32 v48, $0x10  }
0x216: {  	v53 =	vand.u32 $0xFFFF0000, v50;
	v24 =	vshll.u32 v50, $0x10;
	v54 =	vand.u32 $0xFFFF0000, v52  }
0x217: {  	v26 =	vshll.u32 v52, $0x10;
	v21 =	vadd.f32 v21, v49;
	v22 =	vadd.f32 v22, v51  }
0x218: {  	v23 =	vadd.f32 v24, v53;
	v55 =	vadd.f32 v26, v54;
	_ =	sdelay $0x1  }
0x219: {  	v21 =	vadd.f32 v22, v21;
	v56 =	vadd.f32 v55, v23;
	_ =	sdelay $0x1  }
0x21a: {  	v21 =	vadd.f32 v56, v21;
	_ =	sdelay $0x1  }
0x21b: {  	[tilespmem:v8+s17+$0x0] =	vst.idx.msk $0xffff, v21  }
0x21c: {  	v21 =	vld [tilespmem:s1+$0x40]  }
0x21d: {  	v57 =	vld [tilespmem:s0+$0x40]  }
0x21e: {  	v58 =	vld [tilespmem:s1+$0x50]  }
0x21f: {  	v59 =	vld [tilespmem:s0+$0x50]  }
0x220: {  	v60 =	vld [tilespmem:s1+$0x60]  }
0x221: {  	v61 =	vld [tilespmem:s0+$0x60]  }
0x222: {  	v62 =	vld [tilespmem:s1+$0x70]  }
0x223: {  	v63 =	vld [tilespmem:s0+$0x70];
	_ =	sdelay $0x2  }
0x224: {  	v21 =	vmul.bf16 v57, v21  }
0x225: {  	v32 =	vmul.bf16 v59, v58  }
0x226: {  	v34 =	vmul.bf16 v61, v60;
	v36 =	vmul.bf16 v63, v62;
	v33 =	vand.u32 $0xFFFF0000, v21  }
0x227: {  	v21 =	vshll.u32 v21, $0x10;
	v35 =	vand.u32 $0xFFFF0000, v32;
	v22 =	vshll.u32 v32, $0x10  }
0x228: {  	v37 =	vand.u32 $0xFFFF0000, v34;
	v24 =	vshll.u32 v34, $0x10;
	v38 =	vand.u32 $0xFFFF0000, v36  }
0x229: {  	v26 =	vshll.u32 v36, $0x10;
	v21 =	vadd.f32 v21, v33;
	v22 =	vadd.f32 v22, v35  }
0x22a: {  	v23 =	vadd.f32 v24, v37;
	v39 =	vadd.f32 v26, v38;
	_ =	sdelay $0x1  }
0x22b: {  	v21 =	vadd.f32 v22, v21;
	v40 =	vadd.f32 v39, v23;
	_ =	sdelay $0x1  }
0x22c: {  	v21 =	vadd.f32 v40, v21;
	_ =	sdelay $0x1  }
0x22d: {  	[tilespmem:v9+s17+$0x0] =	vst.idx.msk $0xffff, v21  }
0x22e: {  	v21 =	vld [tilespmem:s1+$0x80]  }
0x22f: {  	v41 =	vld [tilespmem:s0+$0x80]  }
0x230: {  	v42 =	vld [tilespmem:s1+$0x90]  }
0x231: {  	v43 =	vld [tilespmem:s0+$0x90]  }
0x232: {  	v44 =	vld [tilespmem:s1+$0xA0]  }
0x233: {  	v45 =	vld [tilespmem:s0+$0xA0]  }
0x234: {  	v46 =	vld [tilespmem:s1+$0xB0]  }
0x235: {  	v47 =	vld [tilespmem:s0+$0xB0];
	_ =	sdelay $0x2  }
0x236: {  	v21 =	vmul.bf16 v41, v21  }
0x237: {  	v48 =	vmul.bf16 v43, v42  }
0x238: {  	v50 =	vmul.bf16 v45, v44;
	v52 =	vmul.bf16 v47, v46;
	v49 =	vand.u32 $0xFFFF0000, v21  }
0x239: {  	v21 =	vshll.u32 v21, $0x10;
	v51 =	vand.u32 $0xFFFF0000, v48;
	v22 =	vshll.u32 v48, $0x10  }
0x23a: {  	v53 =	vand.u32 $0xFFFF0000, v50;
	v24 =	vshll.u32 v50, $0x10;
	v54 =	vand.u32 $0xFFFF0000, v52  }
0x23b: {  	v26 =	vshll.u32 v52, $0x10;
	v21 =	vadd.f32 v21, v49;
	v22 =	vadd.f32 v22, v51  }
0x23c: {  	v23 =	vadd.f32 v24, v53;
	v55 =	vadd.f32 v26, v54;
	_ =	sdelay $0x1  }
0x23d: {  	v21 =	vadd.f32 v22, v21;
	v56 =	vadd.f32 v55, v23;
	_ =	sdelay $0x1  }
0x23e: {  	v21 =	vadd.f32 v56, v21;
	_ =	sdelay $0x1  }
0x23f: {  	[tilespmem:v10+s17+$0x0] =	vst.idx.msk $0xffff, v21  }
0x240: {  	v21 =	vld [tilespmem:s1+$0xC0]  }
0x241: {  	v57 =	vld [tilespmem:s0+$0xC0]  }
0x242: {  	v58 =	vld [tilespmem:s1+$0xD0]  }
0x243: {  	v59 =	vld [tilespmem:s0+$0xD0]  }
0x244: {  	v60 =	vld [tilespmem:s1+$0xE0]  }
0x245: {  	v61 =	vld [tilespmem:s0+$0xE0]  }
0x246: {  	v62 =	vld [tilespmem:s1+$0xF0]  }
0x247: {  	v63 =	vld [tilespmem:s0+$0xF0];
	_ =	sdelay $0x2  }
0x248: {  	v21 =	vmul.bf16 v57, v21  }
0x249: {  	v32 =	vmul.bf16 v59, v58  }
0x24a: {  	v34 =	vmul.bf16 v61, v60;
	v36 =	vmul.bf16 v63, v62;
	v33 =	vand.u32 $0xFFFF0000, v21  }
0x24b: {  	v21 =	vshll.u32 v21, $0x10;
	v35 =	vand.u32 $0xFFFF0000, v32;
	v22 =	vshll.u32 v32, $0x10  }
0x24c: {  	v37 =	vand.u32 $0xFFFF0000, v34;
	v24 =	vshll.u32 v34, $0x10;
	v38 =	vand.u32 $0xFFFF0000, v36  }
0x24d: {  	v26 =	vshll.u32 v36, $0x10;
	v21 =	vadd.f32 v21, v33;
	v22 =	vadd.f32 v22, v35  }
0x24e: {  	v23 =	vadd.f32 v24, v37;
	v39 =	vadd.f32 v26, v38;
	_ =	sdelay $0x1  }
0x24f: {  	v21 =	vadd.f32 v22, v21;
	v40 =	vadd.f32 v39, v23;
	_ =	sdelay $0x1  }
0x250: {  	v21 =	vadd.f32 v40, v21;
	_ =	sdelay $0x1  }
0x251: {  	[tilespmem:v11+s17+$0x0] =	vst.idx.msk $0xffff, v21  }
0x252: {  	v21 =	vld [tilespmem:s1+$0x100]  }
0x253: {  	v41 =	vld [tilespmem:s0+$0x100]  }
0x254: {  	v42 =	vld [tilespmem:s1+$0x110]  }
0x255: {  	v43 =	vld [tilespmem:s0+$0x110]  }
0x256: {  	v44 =	vld [tilespmem:s1+$0x120]  }
0x257: {  	v45 =	vld [tilespmem:s0+$0x120]  }
0x258: {  	v46 =	vld [tilespmem:s1+$0x130]  }
0x259: {  	v47 =	vld [tilespmem:s0+$0x130];
	_ =	sdelay $0x2  }
0x25a: {  	v21 =	vmul.bf16 v41, v21  }
0x25b: {  	v48 =	vmul.bf16 v43, v42  }
0x25c: {  	v50 =	vmul.bf16 v45, v44;
	v52 =	vmul.bf16 v47, v46;
	v49 =	vand.u32 $0xFFFF0000, v21  }
0x25d: {  	v21 =	vshll.u32 v21, $0x10;
	v51 =	vand.u32 $0xFFFF0000, v48;
	v22 =	vshll.u32 v48, $0x10  }
0x25e: {  	v53 =	vand.u32 $0xFFFF0000, v50;
	v24 =	vshll.u32 v50, $0x10;
	v54 =	vand.u32 $0xFFFF0000, v52  }
0x25f: {  	v26 =	vshll.u32 v52, $0x10;
	v21 =	vadd.f32 v21, v49;
	v22 =	vadd.f32 v22, v51  }
0x260: {  	v23 =	vadd.f32 v24, v53;
	v55 =	vadd.f32 v26, v54;
	_ =	sdelay $0x1  }
0x261: {  	v21 =	vadd.f32 v22, v21;
	v56 =	vadd.f32 v55, v23;
	_ =	sdelay $0x1  }
0x262: {  	v21 =	vadd.f32 v56, v21;
	_ =	sdelay $0x1  }
0x263: {  	[tilespmem:v12+s17+$0x0] =	vst.idx.msk $0xffff, v21  }
0x264: {  	v21 =	vld [tilespmem:s1+$0x140]  }
0x265: {  	v57 =	vld [tilespmem:s0+$0x140]  }
0x266: {  	v58 =	vld [tilespmem:s1+$0x150]  }
0x267: {  	v59 =	vld [tilespmem:s0+$0x150]  }
0x268: {  	v60 =	vld [tilespmem:s1+$0x160]  }
0x269: {  	v61 =	vld [tilespmem:s0+$0x160]  }
0x26a: {  	v62 =	vld [tilespmem:s1+$0x170]  }
0x26b: {  	v63 =	vld [tilespmem:s0+$0x170];
	_ =	sdelay $0x2  }
0x26c: {  	v21 =	vmul.bf16 v57, v21  }
0x26d: {  	v32 =	vmul.bf16 v59, v58  }
0x26e: {  	v34 =	vmul.bf16 v61, v60;
	v36 =	vmul.bf16 v63, v62;
	v33 =	vand.u32 $0xFFFF0000, v21  }
0x26f: {  	v21 =	vshll.u32 v21, $0x10;
	v35 =	vand.u32 $0xFFFF0000, v32;
	v22 =	vshll.u32 v32, $0x10  }
0x270: {  	v37 =	vand.u32 $0xFFFF0000, v34;
	v24 =	vshll.u32 v34, $0x10;
	v38 =	vand.u32 $0xFFFF0000, v36  }
0x271: {  	v26 =	vshll.u32 v36, $0x10;
	v21 =	vadd.f32 v21, v33;
	v22 =	vadd.f32 v22, v35  }
0x272: {  	v23 =	vadd.f32 v24, v37;
	v39 =	vadd.f32 v26, v38;
	_ =	sdelay $0x1  }
0x273: {  	v21 =	vadd.f32 v22, v21;
	v40 =	vadd.f32 v39, v23;
	_ =	sdelay $0x1  }
0x274: {  	v21 =	vadd.f32 v40, v21;
	_ =	sdelay $0x1  }
0x275: {  	[tilespmem:v13+s17+$0x0] =	vst.idx.msk $0xffff, v21  }
0x276: {  	v21 =	vld [tilespmem:s1+$0x180]  }
0x277: {  	v41 =	vld [tilespmem:s0+$0x180]  }
0x278: {  	v42 =	vld [tilespmem:s1+$0x190]  }
0x279: {  	v43 =	vld [tilespmem:s0+$0x190]  }
0x27a: {  	v44 =	vld [tilespmem:s1+$0x1A0]  }
0x27b: {  	v45 =	vld [tilespmem:s0+$0x1A0]  }
0x27c: {  	v46 =	vld [tilespmem:s1+$0x1B0]  }
0x27d: {  	v47 =	vld [tilespmem:s0+$0x1B0];
	_ =	sdelay $0x2  }
0x27e: {  	v21 =	vmul.bf16 v41, v21  }
0x27f: {  	v48 =	vmul.bf16 v43, v42  }
0x280: {  	v50 =	vmul.bf16 v45, v44;
	v52 =	vmul.bf16 v47, v46;
	v49 =	vand.u32 $0xFFFF0000, v21  }
0x281: {  	v21 =	vshll.u32 v21, $0x10;
	v51 =	vand.u32 $0xFFFF0000, v48;
	v22 =	vshll.u32 v48, $0x10  }
0x282: {  	v53 =	vand.u32 $0xFFFF0000, v50;
	v24 =	vshll.u32 v50, $0x10;
	v54 =	vand.u32 $0xFFFF0000, v52  }
0x283: {  	v26 =	vshll.u32 v52, $0x10;
	v21 =	vadd.f32 v21, v49;
	v22 =	vadd.f32 v22, v51  }
0x284: {  	v23 =	vadd.f32 v24, v53;
	v55 =	vadd.f32 v26, v54;
	_ =	sdelay $0x1  }
0x285: {  	v21 =	vadd.f32 v22, v21;
	v56 =	vadd.f32 v55, v23;
	_ =	sdelay $0x1  }
0x286: {  	v21 =	vadd.f32 v56, v21;
	_ =	sdelay $0x1  }
0x287: {  	[tilespmem:v14+s17+$0x0] =	vst.idx.msk $0xffff, v21  }
0x288: {  	v21 =	vld [tilespmem:s1+$0x1C0]  }
0x289: {  	v57 =	vld [tilespmem:s0+$0x1C0]  }
0x28a: {  	v58 =	vld [tilespmem:s1+$0x1D0]  }
0x28b: {  	v59 =	vld [tilespmem:s0+$0x1D0]  }
0x28c: {  	v60 =	vld [tilespmem:s1+$0x1E0]  }
0x28d: {  	v61 =	vld [tilespmem:s0+$0x1E0]  }
0x28e: {  	v62 =	vld [tilespmem:s1+$0x1F0]  }
0x28f: {  	v63 =	vld [tilespmem:s0+$0x1F0];
	_ =	sdelay $0x2  }
0x290: {  	v21 =	vmul.bf16 v57, v21  }
0x291: {  	v32 =	vmul.bf16 v59, v58  }
0x292: {  	v34 =	vmul.bf16 v61, v60;
	v36 =	vmul.bf16 v63, v62;
	v33 =	vand.u32 $0xFFFF0000, v21  }
0x293: {  	v21 =	vshll.u32 v21, $0x10;
	v35 =	vand.u32 $0xFFFF0000, v32;
	v22 =	vshll.u32 v32, $0x10  }
0x294: {  	v37 =	vand.u32 $0xFFFF0000, v34;
	v24 =	vshll.u32 v34, $0x10;
	v38 =	vand.u32 $0xFFFF0000, v36  }
0x295: {  	v26 =	vshll.u32 v36, $0x10;
	v21 =	vadd.f32 v21, v33;
	v22 =	vadd.f32 v22, v35  }
0x296: {  	v23 =	vadd.f32 v24, v37;
	v39 =	vadd.f32 v26, v38;
	_ =	sdelay $0x1  }
0x297: {  	v21 =	vadd.f32 v22, v21;
	v40 =	vadd.f32 v39, v23;
	_ =	sdelay $0x1  }
0x298: {  	v21 =	vadd.f32 v40, v21;
	_ =	sdelay $0x1  }
0x299: {  	[tilespmem:v15+s17+$0x0] =	vst.idx.msk $0xffff, v21  }
0x29a: {  	v21 =	vld [tilespmem:$0xEC40]  }
0x29b: {  	v41 =	vld [tilespmem:$0xEC58]  }
0x29c: {  	v42 =	vld [tilespmem:$0xEC70]  }
0x29d: {  	v43 =	vld [tilespmem:$0xEC88]  }
0x29e: {  	v44 =	vld [tilespmem:$0xECA0]  }
0x29f: {  	v45 =	vld [tilespmem:$0xECB8]  }
0x2a0: {  	v46 =	vld [tilespmem:$0xECD0]  }
0x2a1: {  	v47 =	vld [tilespmem:$0xECE8]  }
0x2a2: {  	v29 =	vld [tilespmem:$0xED00]  }
0x2a3: {  	v30 =	vld [tilespmem:$0xED18]  }
0x2a4: {  	v31 =	vld [tilespmem:$0xED30]  }
0x2a5: {  	v32 =	vld [tilespmem:$0xED48]  }
0x2a6: {  	v33 =	vld [tilespmem:$0xED60]  }
0x2a7: {  	v34 =	vld [tilespmem:$0xED78]  }
0x2a8: {  	v35 =	vld [tilespmem:$0xED90]  }
0x2a9: {  	v36 =	vld [tilespmem:$0xEDA8];
	_ =	sdelay $0x1  }
0x2aa: {  	v21 =	vadd.f32 v41, v21;
	v48 =	vadd.f32 v43, v42  }
0x2ab: {  	v49 =	vadd.f32 v45, v44;
	v50 =	vadd.f32 v47, v46  }
0x2ac: {  	v51 =	vadd.f32 v30, v29;
	v52 =	vadd.f32 v32, v31  }
0x2ad: {  	v53 =	vadd.f32 v34, v33;
	v54 =	vadd.f32 v36, v35  }
0x2ae: {  	v21 =	vadd.f32 v48, v21;
	v55 =	vadd.f32 v50, v49  }
0x2af: {  	v56 =	vadd.f32 v52, v51;
	v57 =	vadd.f32 v54, v53;
	_ =	sdelay $0x1  }
0x2b0: {  	v21 =	vadd.f32 v55, v21;
	v58 =	vadd.f32 v57, v56;
	_ =	sdelay $0x1  }
0x2b1: {  	v21 =	vadd.f32 v58, v21;
	_ =	sdelay $0x1  }
0x2b2: {  	v22 =	vadd.f32 v21, v21;
	_ =	sdelay $0x1  }
0x2b3: {  	v59 =	vmul.f32 v19, v20;
	v22 =	vsub.f32 $1.000000000e+00, v22;
	_ =	sdelay $0x1  }
0x2b4: {  	v23 =	vadd.f32 v22, v59;
	_ =	sdelay $0x1  }
0x2b5: {  	v22 =	vadd.f32 v22, v19;
	v23 =	vmax.f32 v23, $1.000000000e-15  }
0x2b6: {  	v23 =	vmul.f32 v23, v23  }
0x2b7: {  	v60 =	vsub.f32 $1.000000000e+00, v20;
	v61 =	vadd.f32 v22, v22  }
0x2b8: {  	(erf) = vrcp.f32 v23  }
0x2b9: {  	v22 =	vmul.f32 v22, v22;
	v62 =	vmul.f32 v61, v60  }
0x2ba: {  	v63 =	vmul.f32 v60, v60  }
0x2bb: {  	v20 =	vmul.f32 v22, v20;
	v21 =	vmul.f32 v62, v21;
	_ =	sdelay $0x1  }
0x2bc: {  	v19 =	vmul.f32 v63, v19;
	v20 =	vsub.f32 v20, v21;
	_ =	sdelay $0x1  }
0x2bd: {  	p0 =	sne.s32 s30, $0x100;
	v19 =	vadd.f32 v20, v19  }
.Ltmp1:
0x2be: {  	_ = 	snop;
	(pc) =	sbr.rel @p0 .LBB2_5-.Ltmp1, $3  }
0x2bf: {  	v19 =	vmax.f32 v19, $0.0e+00;
	v20 =	vpop (erf)  }
0x2c0: {  	v19 =	vmul.f32 v19, v20;
	_ =	sdelay $0x1  }
0x2c1: {  	s30 =	sadd.s32 $0x40, s30;
	s1 =	sadd.s32 $0x400, s1;
	s0 =	sadd.s32 $0x400, s0;
	[tilespmem:v18+s20+$0x0 ss:$0x1] =	vst.idx.msk $0xffff, v19  }
0x2c2: {  	s29 =	sadd.s32 $0x1, s29  }
0x2c3: {  	p0 =	sne.s32 s29, $0x3E  }
.Ltmp2:
0x2c4: {  	_ = 	snop;
	(pc) =	sbr.rel @p0 .LBB2_2-.Ltmp2, $3  }
0x2c5: {  	_ =	sdelay $0x1  }
0x2c6: {  	s28 =	sadd.s32 $0xA0, s28;
	s23 =	sadd.s32 $0xA0, s23;
	s22 =	sadd.s32 $0xA0, s22  }
0x2c7: {  	s24 =	sadd.s32 $0xA0, s24;
	s25 =	sadd.s32 $0xA0, s25;
	s26 =	sadd.s32 $0xA0, s26  }
0x2c8: {  	_ =	swait.ge [sflag:s15], $0x1400  }
0x2c9: {  	[sflag:s15] =	ssyncset.done $0x0  }
0x2ca: {  	[sflag:s15] =	ssyncadd.s32 $0xFFFFEC00  }
0x2cb: {  	_ =	swait.ge [sflag:s16], $0x1400  }
0x2cc: {  	s0 =	simm.s32 $0x0;
	[sflag:s16] =	ssyncset.done $0x0  }
0x2cd: {  	s1 =	simm.s32 $0x9E40;
	s22 =	simm.s32 $0xC640;
	[sflag:s16] =	ssyncadd.s32 $0xFFFFEC00  }
.LBB2_8:
0x2ce: {  	v16 =	vld [tilespmem:s1+$0xFFFFFE00]  }
0x2cf: {  	v17 =	vld [tilespmem:s22+$0xFFFFFE00]  }
0x2d0: {  	v18 =	vld [tilespmem:s1+$0xFFFFFE10]  }
0x2d1: {  	v19 =	vld [tilespmem:s22+$0xFFFFFE10]  }
0x2d2: {  	v20 =	vld [tilespmem:s1+$0xFFFFFE20]  }
0x2d3: {  	v21 =	vld [tilespmem:s22+$0xFFFFFE20]  }
0x2d4: {  	v22 =	vld [tilespmem:s1+$0xFFFFFE30]  }
0x2d5: {  	v23 =	vld [tilespmem:s22+$0xFFFFFE30];
	_ =	sdelay $0x2  }
0x2d6: {  	v16 =	vmul.bf16 v17, v16  }
0x2d7: {  	v17 =	vmul.bf16 v19, v18  }
0x2d8: {  	s20 =	sshra.s32 s0, $0x2;
	v20 =	vmul.bf16 v21, v20;
	v22 =	vmul.bf16 v23, v22;
	v57 =	vand.u32 $0xFFFF0000, v16  }
0x2d9: {  	v56 =	vld [tilespmem:s20+$0x4DD0];
	v16 =	vshll.u32 v16, $0x10;
	v24 =	vand.u32 $0xFFFF0000, v17;
	v17 =	vshll.u32 v17, $0x10  }
0x2da: {  	v58 =	vld [tilespmem:s20+$0x74E0];
	v59 =	vand.u32 $0xFFFF0000, v20;
	v20 =	vshll.u32 v20, $0x10;
	v23 =	vand.u32 $0xFFFF0000, v22  }
0x2db: {  	v22 =	vshll.u32 v22, $0x10;
	v16 =	vadd.f32 v16, v57;
	v17 =	vadd.f32 v17, v24  }
0x2dc: {  	v19 =	vadd.f32 v20, v59;
	v60 =	vadd.f32 v22, v23;
	_ =	sdelay $0x1  }
0x2dd: {  	v16 =	vadd.f32 v17, v16;
	v19 =	vadd.f32 v60, v19;
	_ =	sdelay $0x1  }
0x2de: {  	v61 =	vadd.f32 v19, v16  }
0x2df: {  	v17 =	vld.idx.msk [tilespmem:v56+s3+$0x0], $0xffff  }
0x2e0: {  	v16 =	vld.idx.msk [tilespmem:v58+s3+$0x0], $0xffff;
	[tilespmem:v0+s17+$0x0] =	vst.idx.msk $0xffff, v61  }
0x2e1: {  	v18 =	vld [tilespmem:s1+$0xFFFFFE40]  }
0x2e2: {  	v62 =	vld [tilespmem:s22+$0xFFFFFE40]  }
0x2e3: {  	v63 =	vld [tilespmem:s1+$0xFFFFFE50]  }
0x2e4: {  	v28 =	vld [tilespmem:s22+$0xFFFFFE50]  }
0x2e5: {  	v29 =	vld [tilespmem:s1+$0xFFFFFE60]  }
0x2e6: {  	v30 =	vld [tilespmem:s22+$0xFFFFFE60]  }
0x2e7: {  	v31 =	vld [tilespmem:s1+$0xFFFFFE70]  }
0x2e8: {  	v25 =	vld [tilespmem:s22+$0xFFFFFE70];
	_ =	sdelay $0x2  }
0x2e9: {  	v18 =	vmul.bf16 v62, v18  }
0x2ea: {  	v32 =	vmul.bf16 v28, v63  }
0x2eb: {  	v34 =	vmul.bf16 v30, v29;
	v36 =	vmul.bf16 v25, v31;
	v33 =	vand.u32 $0xFFFF0000, v18  }
0x2ec: {  	v18 =	vshll.u32 v18, $0x10;
	v35 =	vand.u32 $0xFFFF0000, v32;
	v19 =	vshll.u32 v32, $0x10  }
0x2ed: {  	v37 =	vand.u32 $0xFFFF0000, v34;
	v21 =	vshll.u32 v34, $0x10;
	v38 =	vand.u32 $0xFFFF0000, v36  }
0x2ee: {  	v23 =	vshll.u32 v36, $0x10;
	v18 =	vadd.f32 v18, v33;
	v19 =	vadd.f32 v19, v35  }
0x2ef: {  	v20 =	vadd.f32 v21, v37;
	v39 =	vadd.f32 v23, v38;
	_ =	sdelay $0x1  }
0x2f0: {  	v18 =	vadd.f32 v19, v18;
	v40 =	vadd.f32 v39, v20;
	_ =	sdelay $0x1  }
0x2f1: {  	v18 =	vadd.f32 v40, v18;
	_ =	sdelay $0x1  }
0x2f2: {  	[tilespmem:v1+s17+$0x0] =	vst.idx.msk $0xffff, v18  }
0x2f3: {  	v18 =	vld [tilespmem:s1+$0xFFFFFE80]  }
0x2f4: {  	v41 =	vld [tilespmem:s22+$0xFFFFFE80]  }
0x2f5: {  	v42 =	vld [tilespmem:s1+$0xFFFFFE90]  }
0x2f6: {  	v43 =	vld [tilespmem:s22+$0xFFFFFE90]  }
0x2f7: {  	v44 =	vld [tilespmem:s1+$0xFFFFFEA0]  }
0x2f8: {  	v45 =	vld [tilespmem:s22+$0xFFFFFEA0]  }
0x2f9: {  	v46 =	vld [tilespmem:s1+$0xFFFFFEB0]  }
0x2fa: {  	v47 =	vld [tilespmem:s22+$0xFFFFFEB0];
	_ =	sdelay $0x2  }
0x2fb: {  	v18 =	vmul.bf16 v41, v18  }
0x2fc: {  	v48 =	vmul.bf16 v43, v42  }
0x2fd: {  	v50 =	vmul.bf16 v45, v44;
	v52 =	vmul.bf16 v47, v46;
	v49 =	vand.u32 $0xFFFF0000, v18  }
0x2fe: {  	v18 =	vshll.u32 v18, $0x10;
	v51 =	vand.u32 $0xFFFF0000, v48;
	v19 =	vshll.u32 v48, $0x10  }
0x2ff: {  	v53 =	vand.u32 $0xFFFF0000, v50;
	v21 =	vshll.u32 v50, $0x10;
	v54 =	vand.u32 $0xFFFF0000, v52  }
0x300: {  	v23 =	vshll.u32 v52, $0x10;
	v18 =	vadd.f32 v18, v49;
	v19 =	vadd.f32 v19, v51  }
0x301: {  	v20 =	vadd.f32 v21, v53;
	v55 =	vadd.f32 v23, v54;
	_ =	sdelay $0x1  }
0x302: {  	v18 =	vadd.f32 v19, v18;
	v56 =	vadd.f32 v55, v20;
	_ =	sdelay $0x1  }
0x303: {  	v18 =	vadd.f32 v56, v18;
	_ =	sdelay $0x1  }
0x304: {  	[tilespmem:v2+s17+$0x0] =	vst.idx.msk $0xffff, v18  }
0x305: {  	v18 =	vld [tilespmem:s1+$0xFFFFFEC0]  }
0x306: {  	v57 =	vld [tilespmem:s22+$0xFFFFFEC0]  }
0x307: {  	v58 =	vld [tilespmem:s1+$0xFFFFFED0]  }
0x308: {  	v59 =	vld [tilespmem:s22+$0xFFFFFED0]  }
0x309: {  	v60 =	vld [tilespmem:s1+$0xFFFFFEE0]  }
0x30a: {  	v61 =	vld [tilespmem:s22+$0xFFFFFEE0]  }
0x30b: {  	v62 =	vld [tilespmem:s1+$0xFFFFFEF0]  }
0x30c: {  	v63 =	vld [tilespmem:s22+$0xFFFFFEF0];
	_ =	sdelay $0x2  }
0x30d: {  	v18 =	vmul.bf16 v57, v18  }
0x30e: {  	v28 =	vmul.bf16 v59, v58  }
0x30f: {  	v30 =	vmul.bf16 v61, v60;
	v32 =	vmul.bf16 v63, v62;
	v29 =	vand.u32 $0xFFFF0000, v18  }
0x310: {  	v18 =	vshll.u32 v18, $0x10;
	v31 =	vand.u32 $0xFFFF0000, v28;
	v19 =	vshll.u32 v28, $0x10  }
0x311: {  	v33 =	vand.u32 $0xFFFF0000, v30;
	v21 =	vshll.u32 v30, $0x10;
	v34 =	vand.u32 $0xFFFF0000, v32  }
0x312: {  	v23 =	vshll.u32 v32, $0x10;
	v18 =	vadd.f32 v18, v29;
	v19 =	vadd.f32 v19, v31  }
0x313: {  	v20 =	vadd.f32 v21, v33;
	v35 =	vadd.f32 v23, v34;
	_ =	sdelay $0x1  }
0x314: {  	v18 =	vadd.f32 v19, v18;
	v36 =	vadd.f32 v35, v20;
	_ =	sdelay $0x1  }
0x315: {  	v18 =	vadd.f32 v36, v18;
	_ =	sdelay $0x1  }
0x316: {  	[tilespmem:v3+s17+$0x0] =	vst.idx.msk $0xffff, v18  }
0x317: {  	v18 =	vld [tilespmem:s1+$0xFFFFFF00]  }
0x318: {  	v37 =	vld [tilespmem:s22+$0xFFFFFF00]  }
0x319: {  	v38 =	vld [tilespmem:s1+$0xFFFFFF10]  }
0x31a: {  	v39 =	vld [tilespmem:s22+$0xFFFFFF10]  }
0x31b: {  	v40 =	vld [tilespmem:s1+$0xFFFFFF20]  }
0x31c: {  	v41 =	vld [tilespmem:s22+$0xFFFFFF20]  }
0x31d: {  	v42 =	vld [tilespmem:s1+$0xFFFFFF30]  }
0x31e: {  	v43 =	vld [tilespmem:s22+$0xFFFFFF30];
	_ =	sdelay $0x2  }
0x31f: {  	v18 =	vmul.bf16 v37, v18  }
0x320: {  	v44 =	vmul.bf16 v39, v38  }
0x321: {  	v46 =	vmul.bf16 v41, v40;
	v48 =	vmul.bf16 v43, v42;
	v45 =	vand.u32 $0xFFFF0000, v18  }
0x322: {  	v18 =	vshll.u32 v18, $0x10;
	v47 =	vand.u32 $0xFFFF0000, v44;
	v19 =	vshll.u32 v44, $0x10  }
0x323: {  	v49 =	vand.u32 $0xFFFF0000, v46;
	v21 =	vshll.u32 v46, $0x10;
	v50 =	vand.u32 $0xFFFF0000, v48  }
0x324: {  	v23 =	vshll.u32 v48, $0x10;
	v18 =	vadd.f32 v18, v45;
	v19 =	vadd.f32 v19, v47  }
0x325: {  	v20 =	vadd.f32 v21, v49;
	v51 =	vadd.f32 v23, v50;
	_ =	sdelay $0x1  }
0x326: {  	v18 =	vadd.f32 v19, v18;
	v52 =	vadd.f32 v51, v20;
	_ =	sdelay $0x1  }
0x327: {  	v18 =	vadd.f32 v52, v18;
	_ =	sdelay $0x1  }
0x328: {  	[tilespmem:v4+s17+$0x0] =	vst.idx.msk $0xffff, v18  }
0x329: {  	v18 =	vld [tilespmem:s1+$0xFFFFFF40]  }
0x32a: {  	v53 =	vld [tilespmem:s22+$0xFFFFFF40]  }
0x32b: {  	v54 =	vld [tilespmem:s1+$0xFFFFFF50]  }
0x32c: {  	v55 =	vld [tilespmem:s22+$0xFFFFFF50]  }
0x32d: {  	v56 =	vld [tilespmem:s1+$0xFFFFFF60]  }
0x32e: {  	v57 =	vld [tilespmem:s22+$0xFFFFFF60]  }
0x32f: {  	v58 =	vld [tilespmem:s1+$0xFFFFFF70]  }
0x330: {  	v59 =	vld [tilespmem:s22+$0xFFFFFF70];
	_ =	sdelay $0x2  }
0x331: {  	v18 =	vmul.bf16 v53, v18  }
0x332: {  	v60 =	vmul.bf16 v55, v54  }
0x333: {  	v62 =	vmul.bf16 v57, v56;
	v24 =	vmul.bf16 v59, v58;
	v61 =	vand.u32 $0xFFFF0000, v18  }
0x334: {  	v18 =	vshll.u32 v18, $0x10;
	v63 =	vand.u32 $0xFFFF0000, v60;
	v19 =	vshll.u32 v60, $0x10  }
0x335: {  	v25 =	vand.u32 $0xFFFF0000, v62;
	v21 =	vshll.u32 v62, $0x10;
	v26 =	vand.u32 $0xFFFF0000, v24  }
0x336: {  	v23 =	vshll.u32 v24, $0x10;
	v18 =	vadd.f32 v18, v61;
	v19 =	vadd.f32 v19, v63  }
0x337: {  	v20 =	vadd.f32 v21, v25;
	v27 =	vadd.f32 v23, v26;
	_ =	sdelay $0x1  }
0x338: {  	v18 =	vadd.f32 v19, v18;
	v28 =	vadd.f32 v27, v20;
	_ =	sdelay $0x1  }
0x339: {  	v18 =	vadd.f32 v28, v18;
	_ =	sdelay $0x1  }
0x33a: {  	[tilespmem:v5+s17+$0x0] =	vst.idx.msk $0xffff, v18  }
0x33b: {  	v18 =	vld [tilespmem:s1+$0xFFFFFF80]  }
0x33c: {  	v29 =	vld [tilespmem:s22+$0xFFFFFF80]  }
0x33d: {  	v30 =	vld [tilespmem:s1+$0xFFFFFF90]  }
0x33e: {  	v31 =	vld [tilespmem:s22+$0xFFFFFF90]  }
0x33f: {  	v32 =	vld [tilespmem:s1+$0xFFFFFFA0]  }
0x340: {  	v33 =	vld [tilespmem:s22+$0xFFFFFFA0]  }
0x341: {  	v34 =	vld [tilespmem:s1+$0xFFFFFFB0]  }
0x342: {  	v35 =	vld [tilespmem:s22+$0xFFFFFFB0];
	_ =	sdelay $0x2  }
0x343: {  	v18 =	vmul.bf16 v29, v18  }
0x344: {  	v36 =	vmul.bf16 v31, v30  }
0x345: {  	v38 =	vmul.bf16 v33, v32;
	v40 =	vmul.bf16 v35, v34;
	v37 =	vand.u32 $0xFFFF0000, v18  }
0x346: {  	v18 =	vshll.u32 v18, $0x10;
	v39 =	vand.u32 $0xFFFF0000, v36;
	v19 =	vshll.u32 v36, $0x10  }
0x347: {  	v41 =	vand.u32 $0xFFFF0000, v38;
	v21 =	vshll.u32 v38, $0x10;
	v42 =	vand.u32 $0xFFFF0000, v40  }
0x348: {  	v23 =	vshll.u32 v40, $0x10;
	v18 =	vadd.f32 v18, v37;
	v19 =	vadd.f32 v19, v39  }
0x349: {  	v20 =	vadd.f32 v21, v41;
	v43 =	vadd.f32 v23, v42;
	_ =	sdelay $0x1  }
0x34a: {  	v18 =	vadd.f32 v19, v18;
	v44 =	vadd.f32 v43, v20;
	_ =	sdelay $0x1  }
0x34b: {  	v18 =	vadd.f32 v44, v18;
	_ =	sdelay $0x1  }
0x34c: {  	[tilespmem:v6+s17+$0x0] =	vst.idx.msk $0xffff, v18  }
0x34d: {  	v18 =	vld [tilespmem:s1+$0xFFFFFFC0]  }
0x34e: {  	v45 =	vld [tilespmem:s22+$0xFFFFFFC0]  }
0x34f: {  	v46 =	vld [tilespmem:s1+$0xFFFFFFD0]  }
0x350: {  	v47 =	vld [tilespmem:s22+$0xFFFFFFD0]  }
0x351: {  	v48 =	vld [tilespmem:s1+$0xFFFFFFE0]  }
0x352: {  	v49 =	vld [tilespmem:s22+$0xFFFFFFE0]  }
0x353: {  	v50 =	vld [tilespmem:s1+$0xFFFFFFF0]  }
0x354: {  	v51 =	vld [tilespmem:s22+$0xFFFFFFF0];
	_ =	sdelay $0x2  }
0x355: {  	v18 =	vmul.bf16 v45, v18  }
0x356: {  	v52 =	vmul.bf16 v47, v46  }
0x357: {  	v54 =	vmul.bf16 v49, v48;
	v56 =	vmul.bf16 v51, v50;
	v53 =	vand.u32 $0xFFFF0000, v18  }
0x358: {  	v18 =	vshll.u32 v18, $0x10;
	v55 =	vand.u32 $0xFFFF0000, v52;
	v19 =	vshll.u32 v52, $0x10  }
0x359: {  	v57 =	vand.u32 $0xFFFF0000, v54;
	v21 =	vshll.u32 v54, $0x10;
	v58 =	vand.u32 $0xFFFF0000, v56  }
0x35a: {  	v23 =	vshll.u32 v56, $0x10;
	v18 =	vadd.f32 v18, v53;
	v19 =	vadd.f32 v19, v55  }
0x35b: {  	v20 =	vadd.f32 v21, v57;
	v59 =	vadd.f32 v23, v58;
	_ =	sdelay $0x1  }
0x35c: {  	v18 =	vadd.f32 v19, v18;
	v60 =	vadd.f32 v59, v20;
	_ =	sdelay $0x1  }
0x35d: {  	v18 =	vadd.f32 v60, v18;
	_ =	sdelay $0x1  }
0x35e: {  	[tilespmem:v7+s17+$0x0] =	vst.idx.msk $0xffff, v18  }
0x35f: {  	v18 =	vld [tilespmem:s1+$0x0]  }
0x360: {  	v61 =	vld [tilespmem:s22+$0x0]  }
0x361: {  	v62 =	vld [tilespmem:s1+$0x10]  }
0x362: {  	v63 =	vld [tilespmem:s22+$0x10]  }
0x363: {  	v28 =	vld [tilespmem:s1+$0x20]  }
0x364: {  	v29 =	vld [tilespmem:s22+$0x20]  }
0x365: {  	v30 =	vld [tilespmem:s1+$0x30]  }
0x366: {  	v31 =	vld [tilespmem:s22+$0x30];
	_ =	sdelay $0x2  }
0x367: {  	v18 =	vmul.bf16 v61, v18  }
0x368: {  	v32 =	vmul.bf16 v63, v62  }
0x369: {  	v34 =	vmul.bf16 v29, v28;
	v36 =	vmul.bf16 v31, v30;
	v33 =	vand.u32 $0xFFFF0000, v18  }
0x36a: {  	v18 =	vshll.u32 v18, $0x10;
	v35 =	vand.u32 $0xFFFF0000, v32;
	v19 =	vshll.u32 v32, $0x10  }
0x36b: {  	v37 =	vand.u32 $0xFFFF0000, v34;
	v21 =	vshll.u32 v34, $0x10;
	v38 =	vand.u32 $0xFFFF0000, v36  }
0x36c: {  	v23 =	vshll.u32 v36, $0x10;
	v18 =	vadd.f32 v18, v33;
	v19 =	vadd.f32 v19, v35  }
0x36d: {  	v20 =	vadd.f32 v21, v37;
	v39 =	vadd.f32 v23, v38;
	_ =	sdelay $0x1  }
0x36e: {  	v18 =	vadd.f32 v19, v18;
	v40 =	vadd.f32 v39, v20;
	_ =	sdelay $0x1  }
0x36f: {  	v18 =	vadd.f32 v40, v18;
	_ =	sdelay $0x1  }
0x370: {  	[tilespmem:v8+s17+$0x0] =	vst.idx.msk $0xffff, v18  }
0x371: {  	v18 =	vld [tilespmem:s1+$0x40]  }
0x372: {  	v41 =	vld [tilespmem:s22+$0x40]  }
0x373: {  	v42 =	vld [tilespmem:s1+$0x50]  }
0x374: {  	v43 =	vld [tilespmem:s22+$0x50]  }
0x375: {  	v44 =	vld [tilespmem:s1+$0x60]  }
0x376: {  	v45 =	vld [tilespmem:s22+$0x60]  }
0x377: {  	v46 =	vld [tilespmem:s1+$0x70]  }
0x378: {  	v47 =	vld [tilespmem:s22+$0x70];
	_ =	sdelay $0x2  }
0x379: {  	v18 =	vmul.bf16 v41, v18  }
0x37a: {  	v48 =	vmul.bf16 v43, v42  }
0x37b: {  	v50 =	vmul.bf16 v45, v44;
	v52 =	vmul.bf16 v47, v46;
	v49 =	vand.u32 $0xFFFF0000, v18  }
0x37c: {  	v18 =	vshll.u32 v18, $0x10;
	v51 =	vand.u32 $0xFFFF0000, v48;
	v19 =	vshll.u32 v48, $0x10  }
0x37d: {  	v53 =	vand.u32 $0xFFFF0000, v50;
	v21 =	vshll.u32 v50, $0x10;
	v54 =	vand.u32 $0xFFFF0000, v52  }
0x37e: {  	v23 =	vshll.u32 v52, $0x10;
	v18 =	vadd.f32 v18, v49;
	v19 =	vadd.f32 v19, v51  }
0x37f: {  	v20 =	vadd.f32 v21, v53;
	v55 =	vadd.f32 v23, v54;
	_ =	sdelay $0x1  }
0x380: {  	v18 =	vadd.f32 v19, v18;
	v56 =	vadd.f32 v55, v20;
	_ =	sdelay $0x1  }
0x381: {  	v18 =	vadd.f32 v56, v18;
	_ =	sdelay $0x1  }
0x382: {  	[tilespmem:v9+s17+$0x0] =	vst.idx.msk $0xffff, v18  }
0x383: {  	v18 =	vld [tilespmem:s1+$0x80]  }
0x384: {  	v57 =	vld [tilespmem:s22+$0x80]  }
0x385: {  	v58 =	vld [tilespmem:s1+$0x90]  }
0x386: {  	v59 =	vld [tilespmem:s22+$0x90]  }
0x387: {  	v60 =	vld [tilespmem:s1+$0xA0]  }
0x388: {  	v61 =	vld [tilespmem:s22+$0xA0]  }
0x389: {  	v62 =	vld [tilespmem:s1+$0xB0]  }
0x38a: {  	v63 =	vld [tilespmem:s22+$0xB0];
	_ =	sdelay $0x2  }
0x38b: {  	v18 =	vmul.bf16 v57, v18  }
0x38c: {  	v28 =	vmul.bf16 v59, v58  }
0x38d: {  	v30 =	vmul.bf16 v61, v60;
	v32 =	vmul.bf16 v63, v62;
	v29 =	vand.u32 $0xFFFF0000, v18  }
0x38e: {  	v18 =	vshll.u32 v18, $0x10;
	v31 =	vand.u32 $0xFFFF0000, v28;
	v19 =	vshll.u32 v28, $0x10  }
0x38f: {  	v33 =	vand.u32 $0xFFFF0000, v30;
	v21 =	vshll.u32 v30, $0x10;
	v34 =	vand.u32 $0xFFFF0000, v32  }
0x390: {  	v23 =	vshll.u32 v32, $0x10;
	v18 =	vadd.f32 v18, v29;
	v19 =	vadd.f32 v19, v31  }
0x391: {  	v20 =	vadd.f32 v21, v33;
	v35 =	vadd.f32 v23, v34;
	_ =	sdelay $0x1  }
0x392: {  	v18 =	vadd.f32 v19, v18;
	v36 =	vadd.f32 v35, v20;
	_ =	sdelay $0x1  }
0x393: {  	v18 =	vadd.f32 v36, v18;
	_ =	sdelay $0x1  }
0x394: {  	[tilespmem:v10+s17+$0x0] =	vst.idx.msk $0xffff, v18  }
0x395: {  	v18 =	vld [tilespmem:s1+$0xC0]  }
0x396: {  	v37 =	vld [tilespmem:s22+$0xC0]  }
0x397: {  	v38 =	vld [tilespmem:s1+$0xD0]  }
0x398: {  	v39 =	vld [tilespmem:s22+$0xD0]  }
0x399: {  	v40 =	vld [tilespmem:s1+$0xE0]  }
0x39a: {  	v41 =	vld [tilespmem:s22+$0xE0]  }
0x39b: {  	v42 =	vld [tilespmem:s1+$0xF0]  }
0x39c: {  	v43 =	vld [tilespmem:s22+$0xF0];
	_ =	sdelay $0x2  }
0x39d: {  	v18 =	vmul.bf16 v37, v18  }
0x39e: {  	v44 =	vmul.bf16 v39, v38  }
0x39f: {  	v46 =	vmul.bf16 v41, v40;
	v48 =	vmul.bf16 v43, v42;
	v45 =	vand.u32 $0xFFFF0000, v18  }
0x3a0: {  	v18 =	vshll.u32 v18, $0x10;
	v47 =	vand.u32 $0xFFFF0000, v44;
	v19 =	vshll.u32 v44, $0x10  }
0x3a1: {  	v49 =	vand.u32 $0xFFFF0000, v46;
	v21 =	vshll.u32 v46, $0x10;
	v50 =	vand.u32 $0xFFFF0000, v48  }
0x3a2: {  	v23 =	vshll.u32 v48, $0x10;
	v18 =	vadd.f32 v18, v45;
	v19 =	vadd.f32 v19, v47  }
0x3a3: {  	v20 =	vadd.f32 v21, v49;
	v51 =	vadd.f32 v23, v50;
	_ =	sdelay $0x1  }
0x3a4: {  	v18 =	vadd.f32 v19, v18;
	v52 =	vadd.f32 v51, v20;
	_ =	sdelay $0x1  }
0x3a5: {  	v18 =	vadd.f32 v52, v18;
	_ =	sdelay $0x1  }
0x3a6: {  	[tilespmem:v11+s17+$0x0] =	vst.idx.msk $0xffff, v18  }
0x3a7: {  	v18 =	vld [tilespmem:s1+$0x100]  }
0x3a8: {  	v53 =	vld [tilespmem:s22+$0x100]  }
0x3a9: {  	v54 =	vld [tilespmem:s1+$0x110]  }
0x3aa: {  	v55 =	vld [tilespmem:s22+$0x110]  }
0x3ab: {  	v56 =	vld [tilespmem:s1+$0x120]  }
0x3ac: {  	v57 =	vld [tilespmem:s22+$0x120]  }
0x3ad: {  	v58 =	vld [tilespmem:s1+$0x130]  }
0x3ae: {  	v59 =	vld [tilespmem:s22+$0x130];
	_ =	sdelay $0x2  }
0x3af: {  	v18 =	vmul.bf16 v53, v18  }
0x3b0: {  	v60 =	vmul.bf16 v55, v54  }
0x3b1: {  	v62 =	vmul.bf16 v57, v56;
	v24 =	vmul.bf16 v59, v58;
	v61 =	vand.u32 $0xFFFF0000, v18  }
0x3b2: {  	v18 =	vshll.u32 v18, $0x10;
	v63 =	vand.u32 $0xFFFF0000, v60;
	v19 =	vshll.u32 v60, $0x10  }
0x3b3: {  	v25 =	vand.u32 $0xFFFF0000, v62;
	v21 =	vshll.u32 v62, $0x10;
	v26 =	vand.u32 $0xFFFF0000, v24  }
0x3b4: {  	v23 =	vshll.u32 v24, $0x10;
	v18 =	vadd.f32 v18, v61;
	v19 =	vadd.f32 v19, v63  }
0x3b5: {  	v20 =	vadd.f32 v21, v25;
	v27 =	vadd.f32 v23, v26;
	_ =	sdelay $0x1  }
0x3b6: {  	v18 =	vadd.f32 v19, v18;
	v28 =	vadd.f32 v27, v20;
	_ =	sdelay $0x1  }
0x3b7: {  	v18 =	vadd.f32 v28, v18;
	_ =	sdelay $0x1  }
0x3b8: {  	[tilespmem:v12+s17+$0x0] =	vst.idx.msk $0xffff, v18  }
0x3b9: {  	v18 =	vld [tilespmem:s1+$0x140]  }
0x3ba: {  	v29 =	vld [tilespmem:s22+$0x140]  }
0x3bb: {  	v30 =	vld [tilespmem:s1+$0x150]  }
0x3bc: {  	v31 =	vld [tilespmem:s22+$0x150]  }
0x3bd: {  	v32 =	vld [tilespmem:s1+$0x160]  }
0x3be: {  	v33 =	vld [tilespmem:s22+$0x160]  }
0x3bf: {  	v34 =	vld [tilespmem:s1+$0x170]  }
0x3c0: {  	v35 =	vld [tilespmem:s22+$0x170];
	_ =	sdelay $0x2  }
0x3c1: {  	v18 =	vmul.bf16 v29, v18  }
0x3c2: {  	v36 =	vmul.bf16 v31, v30  }
0x3c3: {  	v38 =	vmul.bf16 v33, v32;
	v40 =	vmul.bf16 v35, v34;
	v37 =	vand.u32 $0xFFFF0000, v18  }
0x3c4: {  	v18 =	vshll.u32 v18, $0x10;
	v39 =	vand.u32 $0xFFFF0000, v36;
	v19 =	vshll.u32 v36, $0x10  }
0x3c5: {  	v41 =	vand.u32 $0xFFFF0000, v38;
	v21 =	vshll.u32 v38, $0x10;
	v42 =	vand.u32 $0xFFFF0000, v40  }
0x3c6: {  	v23 =	vshll.u32 v40, $0x10;
	v18 =	vadd.f32 v18, v37;
	v19 =	vadd.f32 v19, v39  }
0x3c7: {  	v20 =	vadd.f32 v21, v41;
	v43 =	vadd.f32 v23, v42;
	_ =	sdelay $0x1  }
0x3c8: {  	v18 =	vadd.f32 v19, v18;
	v44 =	vadd.f32 v43, v20;
	_ =	sdelay $0x1  }
0x3c9: {  	v18 =	vadd.f32 v44, v18;
	_ =	sdelay $0x1  }
0x3ca: {  	[tilespmem:v13+s17+$0x0] =	vst.idx.msk $0xffff, v18  }
0x3cb: {  	v18 =	vld [tilespmem:s1+$0x180]  }
0x3cc: {  	v45 =	vld [tilespmem:s22+$0x180]  }
0x3cd: {  	v46 =	vld [tilespmem:s1+$0x190]  }
0x3ce: {  	v47 =	vld [tilespmem:s22+$0x190]  }
0x3cf: {  	v48 =	vld [tilespmem:s1+$0x1A0]  }
0x3d0: {  	v49 =	vld [tilespmem:s22+$0x1A0]  }
0x3d1: {  	v50 =	vld [tilespmem:s1+$0x1B0]  }
0x3d2: {  	v51 =	vld [tilespmem:s22+$0x1B0];
	_ =	sdelay $0x2  }
0x3d3: {  	v18 =	vmul.bf16 v45, v18  }
0x3d4: {  	v52 =	vmul.bf16 v47, v46  }
0x3d5: {  	v54 =	vmul.bf16 v49, v48;
	v56 =	vmul.bf16 v51, v50;
	v53 =	vand.u32 $0xFFFF0000, v18  }
0x3d6: {  	v18 =	vshll.u32 v18, $0x10;
	v55 =	vand.u32 $0xFFFF0000, v52;
	v19 =	vshll.u32 v52, $0x10  }
0x3d7: {  	v57 =	vand.u32 $0xFFFF0000, v54;
	v21 =	vshll.u32 v54, $0x10;
	v58 =	vand.u32 $0xFFFF0000, v56  }
0x3d8: {  	v23 =	vshll.u32 v56, $0x10;
	v18 =	vadd.f32 v18, v53;
	v19 =	vadd.f32 v19, v55  }
0x3d9: {  	v20 =	vadd.f32 v21, v57;
	v59 =	vadd.f32 v23, v58;
	_ =	sdelay $0x1  }
0x3da: {  	v18 =	vadd.f32 v19, v18;
	v60 =	vadd.f32 v59, v20;
	_ =	sdelay $0x1  }
0x3db: {  	v18 =	vadd.f32 v60, v18;
	_ =	sdelay $0x1  }
0x3dc: {  	[tilespmem:v14+s17+$0x0] =	vst.idx.msk $0xffff, v18  }
0x3dd: {  	v18 =	vld [tilespmem:s1+$0x1C0]  }
0x3de: {  	v61 =	vld [tilespmem:s22+$0x1C0]  }
0x3df: {  	v62 =	vld [tilespmem:s1+$0x1D0]  }
0x3e0: {  	v63 =	vld [tilespmem:s22+$0x1D0]  }
0x3e1: {  	v28 =	vld [tilespmem:s1+$0x1E0]  }
0x3e2: {  	v29 =	vld [tilespmem:s22+$0x1E0]  }
0x3e3: {  	v30 =	vld [tilespmem:s1+$0x1F0]  }
0x3e4: {  	v31 =	vld [tilespmem:s22+$0x1F0];
	_ =	sdelay $0x2  }
0x3e5: {  	v18 =	vmul.bf16 v61, v18  }
0x3e6: {  	v32 =	vmul.bf16 v63, v62  }
0x3e7: {  	v34 =	vmul.bf16 v29, v28;
	v36 =	vmul.bf16 v31, v30;
	v33 =	vand.u32 $0xFFFF0000, v18  }
0x3e8: {  	v18 =	vshll.u32 v18, $0x10;
	v35 =	vand.u32 $0xFFFF0000, v32;
	v19 =	vshll.u32 v32, $0x10  }
0x3e9: {  	v37 =	vand.u32 $0xFFFF0000, v34;
	v21 =	vshll.u32 v34, $0x10;
	v38 =	vand.u32 $0xFFFF0000, v36  }
0x3ea: {  	v23 =	vshll.u32 v36, $0x10;
	v18 =	vadd.f32 v18, v33;
	v19 =	vadd.f32 v19, v35  }
0x3eb: {  	v20 =	vadd.f32 v21, v37;
	v39 =	vadd.f32 v23, v38;
	_ =	sdelay $0x1  }
0x3ec: {  	v18 =	vadd.f32 v19, v18;
	v40 =	vadd.f32 v39, v20;
	_ =	sdelay $0x1  }
0x3ed: {  	v18 =	vadd.f32 v40, v18;
	_ =	sdelay $0x1  }
0x3ee: {  	[tilespmem:v15+s17+$0x0] =	vst.idx.msk $0xffff, v18  }
0x3ef: {  	v18 =	vld [tilespmem:$0xEC40]  }
0x3f0: {  	v41 =	vld [tilespmem:$0xEC58]  }
0x3f1: {  	v42 =	vld [tilespmem:$0xEC70]  }
0x3f2: {  	v43 =	vld [tilespmem:$0xEC88]  }
0x3f3: {  	v44 =	vld [tilespmem:$0xECA0]  }
0x3f4: {  	v45 =	vld [tilespmem:$0xECB8]  }
0x3f5: {  	v46 =	vld [tilespmem:$0xECD0]  }
0x3f6: {  	v47 =	vld [tilespmem:$0xECE8]  }
0x3f7: {  	v26 =	vld [tilespmem:$0xED00]  }
0x3f8: {  	v27 =	vld [tilespmem:$0xED18]  }
0x3f9: {  	v28 =	vld [tilespmem:$0xED30]  }
0x3fa: {  	v29 =	vld [tilespmem:$0xED48]  }
0x3fb: {  	v30 =	vld [tilespmem:$0xED60]  }
0x3fc: {  	v31 =	vld [tilespmem:$0xED78]  }
0x3fd: {  	v32 =	vld [tilespmem:$0xED90]  }
0x3fe: {  	v33 =	vld [tilespmem:$0xEDA8];
	_ =	sdelay $0x1  }
0x3ff: {  	v18 =	vadd.f32 v41, v18;
	v48 =	vadd.f32 v43, v42  }
0x400: {  	v49 =	vadd.f32 v45, v44;
	v50 =	vadd.f32 v47, v46  }
0x401: {  	v51 =	vadd.f32 v27, v26;
	v52 =	vadd.f32 v29, v28  }
0x402: {  	v53 =	vadd.f32 v31, v30;
	v54 =	vadd.f32 v33, v32  }
0x403: {  	v18 =	vadd.f32 v48, v18;
	v55 =	vadd.f32 v50, v49  }
0x404: {  	v56 =	vadd.f32 v52, v51;
	v57 =	vadd.f32 v54, v53;
	_ =	sdelay $0x1  }
0x405: {  	v18 =	vadd.f32 v55, v18;
	v58 =	vadd.f32 v57, v56;
	_ =	sdelay $0x1  }
0x406: {  	v18 =	vadd.f32 v58, v18;
	_ =	sdelay $0x1  }
0x407: {  	v19 =	vadd.f32 v18, v18;
	_ =	sdelay $0x1  }
0x408: {  	v59 =	vmul.f32 v16, v17;
	v19 =	vsub.f32 $1.000000000e+00, v19;
	_ =	sdelay $0x1  }
0x409: {  	v20 =	vadd.f32 v19, v59;
	_ =	sdelay $0x1  }
0x40a: {  	v19 =	vadd.f32 v19, v16;
	v20 =	vmax.f32 v20, $1.000000000e-15  }
0x40b: {  	v20 =	vmul.f32 v20, v20  }
0x40c: {  	v60 =	vsub.f32 $1.000000000e+00, v17;
	v61 =	vadd.f32 v19, v19  }
0x40d: {  	(erf) = vrcp.f32 v20  }
0x40e: {  	v19 =	vmul.f32 v19, v19;
	v62 =	vmul.f32 v61, v60  }
0x40f: {  	v63 =	vmul.f32 v60, v60  }
0x410: {  	v17 =	vmul.f32 v19, v17;
	v18 =	vmul.f32 v62, v18;
	_ =	sdelay $0x1  }
0x411: {  	v16 =	vmul.f32 v63, v16;
	v17 =	vsub.f32 v17, v18;
	_ =	sdelay $0x1  }
0x412: {  	p0 =	sne.s32 s0, $0x100;
	v16 =	vadd.f32 v17, v16  }
.Ltmp3:
0x413: {  	_ = 	snop;
	(pc) =	sbr.rel @p0 .LBB2_8-.Ltmp3, $3  }
0x414: {  	v16 =	vmax.f32 v16, $0.0e+00;
	v17 =	vpop (erf)  }
0x415: {  	v16 =	vmul.f32 v16, v17;
	_ =	sdelay $0x1  }
0x416: {  	s0 =	sadd.s32 $0x40, s0;
	s1 =	sadd.s32 $0x400, s1;
	s22 =	sadd.s32 $0x400, s22;
	[tilespmem:s20+$0x9BF0] =	vst v16  }
0x417: {  	s21 =	sadd.s32 $0x1, s21  }
0x418: {  	p0 =	sne.s32 s21, s8  }
.Ltmp4:
0x419: {  	s0 =	simm.s32 $0x7530;
	(pc) =	sbr.rel @p0 .LBB2_1-.Ltmp4, $4  }
0x41a: {  	[hbm4b:s7+s3] =	stream.linear.scatter [tilespmem:s0], [sflag:$0x5], $0x2710, $0x38;
	[tilespmem:$0xEDC0] =	vst v63  }
0x41b: {  	_ =	swait.ge [sflag:s9], $0x2710  }
0x41c: {  	[sflag:s9] =	ssyncset.done $0x0  }
0x41d: {  	[sflag:s9] =	ssyncadd.s32 $0xFFFFD8F0  }
0x41e: {  	_ =	sfence.sel $0x180000  }
0x41f: {  	[bflag:$0x0] =	sbarrier.arrive $0xFFFF  }
0x420: {  	_ =	strace $0x90000047  }
0x421: {  	s0 =	stileid.u32;
	[bflag:$0x2] =	sbarrier.arrive $0xFFFF  }
0x422: {  	p0 =	sne.s32 s0, $0x0;
	s0 =	rddreg [dreg:$0x2]  }
0x423: {  	s0 =	sadd.s32 @!p0 $0x100000, s0  }
0x424: {  	[sflag:s0] =	ssyncadd.tile.s32 @!p0 $0x1;
	_ =	shalt  }
.Lfunc_end2:
_tile_overlayer_lowered:
.L_overlay_start_2:
0x425: {  	(tag) =	ssettag $0x2  }
0x426: {  	s0 =	rddreg [dreg:$0x0];
	s2 =	stileid.u32  }
0x427: {  	s1 =	rddreg [dreg:$0x1];
	p0 =	sne.s32 s2, $0x0  }
0x428: {  	s3 =	rddreg [dreg:$0x2];
	[bflag:$0x3] =	sbarrier.arrive $0xFFFF;
	s2 =	simm.s32 @!p0 $0x1C05  }
0x429: {  	[timem:s3], [sflag:s2] =	dma.local @!p0 [hbm:s0], s1  }
0x42a: {  	s0 =	simm.s32 @!p0 $0x5  }
0x42b: {  	_ =	swait.ge @!p0 [sflag:s0], s1  }
0x42c: {  	s1 =	ssub.s32 @!p0 $0x0, s1;
	[sflag:s0] =	ssyncset.done @!p0 $0x0  }
0x42d: {  	[sflag:s0] =	ssyncadd.s32 @!p0 s1  }
0x42e: {  	[bflag:$0x3] =	sbarrier.arrive $0xFFFF  }
0x42f: {  	_ =	shalt  }

// kernel: kernel.9.cloned.1.call-start
scs
__scs_entry_jumppad:
0x0: {  	(pc) =	sbr.rel $0x88, $3  }
0x1: {  	(tag) =	ssettag $0x0;
	lr =	simm.s32 $0x1  }
0x2: {  	[smem:$0x3F9D] =	sst lr;
	_ =	strace $0xD0000000  }
0x3: {  	_ = 	snop  }
0x4: {  	_ = 	snop  }
0x5: {  	_ = 	snop  }
0x6: {  	_ = 	snop  }
0x7: {  	_ = 	snop  }
__scs_overlays_trampoline_lowered:
0x8: {  	[smem:$0x3FAC] =	sst s0  }
0x9: {  	[smem:$0x3FAD] =	sst s1  }
0xa: {  	[smem:$0x3FAE] =	sst s2  }
0xb: {  	[smem:$0x3FAF] =	sst s3  }
0xc: {  	[smem:$0x3FB0] =	sst s4  }
0xd: {  	[smem:$0x3FB1] =	sst s5  }
0xe: {  	[smem:$0x3FB2] =	sst s6  }
0xf: {  	[smem:$0x3FB3] =	sst s7  }
0x10: {  	[smem:$0x3FB4] =	sst s8  }
0x11: {  	[smem:$0x3FB5] =	sst s9;
	s0 =	simm.s32 @!p0 $0x0  }
0x12: {  	s1 =	sld [smem:$0x3F9B];
	s0 =	simm.s32 @p0 $0x1  }
0x13: {  	[smem:$0x3FB6] =	sst s0;
	s0 =	simm.s32 @!p1 $0x0  }
0x14: {  	s2 =	sld [smem:$0x3F9A];
	s0 =	simm.s32 @p1 $0x1  }
0x15: {  	[smem:$0x3FB7] =	sst s0;
	s0 =	simm.s32 @!p2 $0x0  }
0x16: {  	s3 =	sld [smem:$0x3FDB];
	s0 =	simm.s32 @p2 $0x1  }
0x17: {  	s4 =	simm.s32 $0x1BF5;
	[smem:$0x3FB9] =	sst s0  }
0x18: {  	s0 =	sld [smem:$0x3F9C];
	_ =	swait.ge [sflag:s4], $0x0  }
0x19: {  	s7 =	sld [smem:$0x3F9D]  }
0x1a: {  	s8 =	sadd.s32 $0xFFFFE003, lr  }
0x1b: {  	s9 =	sadd.s32 $0xFFFFFEF7, lr;
	s5 =	simm.s32 $0xFFFFFFFF;
	p2 =	slt.u32 s8, $0xFFFFF086  }
0x1c: {  	p1 =	slt.u32 s9, $0xF7A;
	s5 =	simm.s32 @!p2 $0x0  }
0x1d: {  	s5 =	simm.s32 @p1 $0x1;
	p0 =	seq.s32 s7, s2  }
0x1e: {  	s7 =	smul.u32 @!p0 $0xF7A, s2;
	p2 =	seq.s32 @!p0 s5, $0x0  }
0x1f: {  	s9 =	smul.u32 $0xF7A, s1;
	s8 =	simm.s32 @!p0 $0x1BF5;
	p2 =	por !p2, p0  }
0x20: {  	[sflag:s8] =	ssyncset.s32 @!p0 $0xFFFFF086;
	s6 =	sadd.s32 @!p0 s3, s7;
	s7 =	simm.s32 @!p0 $0x108  }
0x21: {  	s3 =	sadd.s32 s3, s9;
	s6 =	sadd.s32 @!p0 $0x88, s6;
	s7 =	simm.s32 @p2 $0x1082  }
0x22: {  	[simem:s7], [sflag:s8] =	dma.local @!p0 [hbm:s6], $0xF7A  }
0x23: {  	s9 =	sor.u32 $0xD0000000, s2;
	s6 =	simm.s32 $0x108;
	_ =	swait.ge @!p0 [sflag:s8], $0x0  }
0x24: {  	s3 =	sadd.s32 $0x88, s3;
	s6 =	simm.s32 @!p1 $0x1082;
	[sflag:s4] =	ssyncset.s32 $0xFFFFF086  }
0x25: {  	[simem:s6], [sflag:s4] =	dma.local [hbm:s3], $0xF7A  }
0x26: {  	[smem:$0x3F9D] =	sst s1;
	(tag) =	ssettag s2;
	_ =	strace s9  }
0x27: {  	s1 =	sld [smem:$0x3FAD]  }
0x28: {  	s2 =	sld [smem:$0x3FAE]  }
0x29: {  	s4 =	sld [smem:$0x3FB0]  }
0x2a: {  	p0 =	seq.s32 s5, $0x0;
	s5 =	sld [smem:$0x3FB1]  }
0x2b: {  	s6 =	sld [smem:$0x3FB2]  }
0x2c: {  	s7 =	sld [smem:$0x3FB3]  }
0x2d: {  	s3 =	simm.s32 $0x108;
	s8 =	sld [smem:$0x3FB4]  }
0x2e: {  	s3 =	simm.s32 @!p0 $0x1082;
	s9 =	sld [smem:$0x3FB5]  }
0x2f: {  	lr =	sadd.s32 s0, s3;
	s0 =	sld [smem:$0x3FAC]  }
0x30: {  	s3 =	sld [smem:$0x3FAF]  }
0x31: {  	[smem:$0x3FB8] =	sst s10  }
0x32: {  	s10 =	sld [smem:$0x3FB6];
	_ =	sdelay $0x3  }
0x33: {  	p0 =	seq.s32 s10, $0x1;
	s10 =	sld [smem:$0x3FB8];
	_ =	sdelay $0x3  }
0x34: {  	[smem:$0x3FB8] =	sst s10  }
0x35: {  	s10 =	sld [smem:$0x3FB7];
	_ =	sdelay $0x3  }
0x36: {  	p1 =	seq.s32 s10, $0x1;
	s10 =	sld [smem:$0x3FB8];
	_ =	sdelay $0x3  }
0x37: {  	[smem:$0x3FB8] =	sst s10  }
0x38: {  	s10 =	sld [smem:$0x3FB9]  }
0x39: {  	_ = 	snop;
	(pc) =	sbr.ind lr, $3  }
0x3a: {  	_ = 	snop  }
0x3b: {  	_ = 	snop  }
0x3c: {  	p2 =	seq.s32 s10, $0x1;
	s10 =	sld [smem:$0x3FB8]  }
0x3d: {  	_ =	shalt  }
0x3e: {  	_ =	shalt  }
0x3f: {  	_ =	shalt  }
0x40: {  	_ =	shalt  }
0x41: {  	_ =	shalt  }
0x42: {  	_ =	shalt  }
0x43: {  	_ =	shalt  }
0x44: {  	_ =	shalt  }
0x45: {  	_ =	shalt  }
0x46: {  	_ =	shalt  }
0x47: {  	_ =	shalt  }
0x48: {  	_ =	shalt  }
0x49: {  	_ =	shalt  }
0x4a: {  	_ =	shalt  }
0x4b: {  	_ =	shalt  }
0x4c: {  	_ =	shalt  }
0x4d: {  	_ =	shalt  }
0x4e: {  	_ =	shalt  }
0x4f: {  	_ =	shalt  }
0x50: {  	_ =	shalt  }
0x51: {  	_ =	shalt  }
0x52: {  	_ =	shalt  }
0x53: {  	_ =	shalt  }
0x54: {  	_ =	shalt  }
0x55: {  	_ =	shalt  }
0x56: {  	_ =	shalt  }
0x57: {  	_ =	shalt  }
0x58: {  	_ =	shalt  }
0x59: {  	_ =	shalt  }
0x5a: {  	_ =	shalt  }
0x5b: {  	_ =	shalt  }
0x5c: {  	_ =	shalt  }
0x5d: {  	_ =	shalt  }
0x5e: {  	_ =	shalt  }
0x5f: {  	_ =	shalt  }
0x60: {  	_ =	shalt  }
0x61: {  	_ =	shalt  }
0x62: {  	_ =	shalt  }
0x63: {  	_ =	shalt  }
0x64: {  	_ =	shalt  }
0x65: {  	_ =	shalt  }
0x66: {  	_ =	shalt  }
0x67: {  	_ =	shalt  }
0x68: {  	_ =	shalt  }
0x69: {  	_ =	shalt  }
0x6a: {  	_ =	shalt  }
0x6b: {  	_ =	shalt  }
0x6c: {  	_ =	shalt  }
0x6d: {  	_ =	shalt  }
0x6e: {  	_ =	shalt  }
0x6f: {  	_ =	shalt  }
0x70: {  	_ =	shalt  }
0x71: {  	_ =	shalt  }
0x72: {  	_ =	shalt  }
0x73: {  	_ =	shalt  }
0x74: {  	_ =	shalt  }
0x75: {  	_ =	shalt  }
0x76: {  	_ =	shalt  }
0x77: {  	_ =	shalt  }
0x78: {  	_ =	shalt  }
0x79: {  	_ =	shalt  }
0x7a: {  	_ =	shalt  }
0x7b: {  	_ =	shalt  }
0x7c: {  	_ =	shalt  }
0x7d: {  	_ =	shalt  }
0x7e: {  	_ =	shalt  }
0x7f: {  	_ =	shalt  }
0x80: {  	_ =	shalt  }
0x81: {  	_ =	shalt  }
0x82: {  	_ =	shalt  }
0x83: {  	_ =	shalt  }
0x84: {  	_ =	shalt  }
0x85: {  	_ =	shalt  }
0x86: {  	_ =	shalt  }
0x87: {  	_ =	shalt  }
.Lfunc_end0:
.L_simem_size_0:
called_computation.1_lowered:
.L_overlay_start_0:
0x88: {  	s2 =	sld [smem:$0x3FD9]  }
0x89: {  	s3 =	sld [smem:$0x3FFE];
	_ =	sdelay $0x1  }
0x8a: {  	s1 =	srdreg.scid  }
0x8b: {  	s0 =	sand.u32 $0x1, s1  }
0x8c: {  	s14 =	sshll.u32 s0, $0xA;
	s2 =	sadd.s32 s3, s2  }
0x8d: {  	s2 =	sadd.s32 s2, s14  }
0x8e: {  	[smem:$0x3FC4] =	sst s2  }
0x8f: {  	_ = 	snop  }
0x90: {  	s2 =	sld [smem:$0x3FD0];
	_ =	sdelay $0x2  }
0x91: {  	s15 =	simm.s32 $0xA;
	s4 =	simm.s32 $0x10  }
0x92: {  	[smem:s4], [sflag:s15] =	dma.local [hbm:s2], $0x1  }
0x93: {  	_ =	swait.eq [sflag:s15], $0x1  }
0x94: {  	[sflag:s15] =	ssyncset.done $0x0  }
0x95: {  	[sflag:s15] =	ssyncadd.s32 $0xFFFFFFFF  }
0x96: {  	s16 =	sld [smem:$0x10];
	(tm) =	ssettm $0x1  }
0x97: {  	s17 =	sld [smem:$0x3FFB];
	_ =	sdelay $0x3  }
0x98: {  	_ =	strace s17  }
0x99: {  	s3 =	sld [smem:$0x3FFC];
	_ =	sdelay $0x3  }
0x9a: {  	_ =	strace s3  }
0x9b: {  	s3 =	sld [smem:$0x3FFD];
	_ =	sdelay $0x3  }
0x9c: {  	_ =	strace s3  }
0x9d: {  	_ =	strace $0x8FFFFFFF  }
0x9e: {  	s18 =	sld [smem:$0x3FDB];
	_ =	sdelay $0x1  }
0x9f: {  	s19 =	simm.s32 $_scs_section_size  }
0xa0: {  	s5 =	simm.s32 $_size__tile_overlayer_lowered;
	s6 =	simm.s32 $_tile_overlayer_lowered  }
0xa1: {  	s22 =	simm.s32 $0x1BFF;
	s21 =	sshll.u32 s6, $0x1;
	s3 =	sadd.s32 s19, s18  }
0xa2: {  	s7 =	simm.s32 $0x0;
	s20 =	sshll.u32 s5, $0x1;
	s5 =	sadd.s32 s21, s3  }
0xa3: {  	[timem:s7], [sflag:s22] =	dma.local [hbm:s5], s20  }
0xa4: {  	_ =	swait.ge [sflag:s22], s20  }
0xa5: {  	s4 =	ssub.s32 $0x0, s20;
	[sflag:s22] =	ssyncset.done $0x0  }
0xa6: {  	[sflag:s22] =	ssyncadd.s32 s4;
	_ =	sdelay $0x1  }
0xa7: {  	s23 =	simm.s32 $0x1B8B  }
0xa8: {  	_ =	swait.ge [sflag:s23], $0x1  }
0xa9: {  	[sflag:s23] =	ssyncset.done $0x0  }
0xaa: {  	s25 =	simm.s32 $0x1B8E;
	s24 =	sld [smem:$0x3FFE];
	[sflag:s23] =	ssyncadd.s32 $0xFFFFFFFF  }
0xab: {  	s26 =	simm.s32 $execute0_lowered;
	[smem:$0x3FD2] =	sst s25  }
0xac: {  	s5 =	sshll.u32 s26, $0x1;
	_ =	strace $0x80000049;
	[dreg:$0x1] =	wrdreg $0xFFFFFFFF  }
0xad: {  	s28 =	simm.s32 $_size_execute0_lowered;
	s3 =	sadd.s32 s3, s5;
	[dreg:$0x0] =	wrdreg $0x0  }
0xae: {  	s5 =	sshll.u32 s28, $0x1;
	[dreg:$0x2] =	wrdreg s3  }
0xaf: {  	[dreg:$0x3] =	wrdreg s5  }
0xb0: {  	[dreg:$0x4] =	wrdreg $0xC0  }
0xb1: {  	_ =	task [dreg:s7], $0x5FFFF  }
0xb2: {  	[dreg:$0x1] =	wrdreg $0xFFFFFFFF  }
0xb3: {  	[dreg:$0x0] =	wrdreg $0x60  }
0xb4: {  	[dreg:$0x2] =	wrdreg s24  }
0xb5: {  	[dreg:$0x3] =	wrdreg s16  }
0xb6: {  	[dreg:$0x4] =	wrdreg $0x76700  }
0xb7: {  	[dreg:$0x5] =	wrdreg $0x9  }
0xb8: {  	_ =	task.clear_ibuf [dreg:s7], $0x6FFFF;
	_ =	strace $0x90000049  }
0xb9: {  	s29 =	simm.s32 $0x9;
	_ =	strace $0x8000004B  }
0xba: {  	_ =	swait.ge [sflag:s29], $0x1  }
0xbb: {  	[sflag:s29] =	ssyncadd.s32 $0xFFFFFFFF  }
0xbc: {  	_ =	strace $0x9000004B  }
0xbd: {  	_ =	sfence  }
0xbe: {  	s30 =	sld [smem:$0x0];
	_ =	sdelay $0x2  }
0xbf: {  	s31 =	sshll.u32 s1, $0xD;
	s1 =	sshrl.u32 s1, $0x2  }
0xc0: {  	s3 =	sand.u32 $0x4000, s31;
	s1 =	sadd.s32 s1, s30  }
0xc1: {  	s0 =	sor.u32 s3, s0;
	s1 =	sshll.u32 s1, $0x11  }
0xc2: {  	s0 =	sor.u32 s1, s0  }
0xc3: {  	s0 =	sadd.s32 $0x8F2B, s0  }
0xc4: {  	[sflag:s0] =	ssyncadd.remote.s32 $0x1  }
0xc5: {  	_ =	sfence.sel $0xFFFF  }
0xc6: {  	[dreg:$0x0] =	wrdreg $0xFFFFFFFF;
	(pc) =	sbr.abs _section_cstart, $3  }
0xc7: {  	[dreg:$0x1] =	wrdreg $0xFFFFFFFF  }
0xc8: {  	_ =	task.clear_ibuf [dreg:s7], $0x2FFFF;
	_ =	strace $0x9FFFFFFF  }
0xc9: {  	(tm) =	ssettm $0x7FFFFFFF  }
tec
execute0_lowered:
.L_overlay_start_1:
0x0: {  	(tag) =	ssettag $0x1  }
0x1: {  	s5 =	rddreg [dreg:$0x0]  }
0x2: {  	s4 =	rddreg [dreg:$0x1];
	s0 =	srdreg.scid  }
0x3: {  	s7 =	stileid.u32;
	s1 =	rddreg [dreg:$0x2]  }
0x4: {  	s2 =	simm.s32 $0x0;
	s3 =	sand.u32 $0x1, s0;
	s0 =	rddreg [dreg:$0x3]  }
0x5: {  	s6 =	sshll.u32 s7, $0x1;
	[smem:$0x7FF] =	sst s2;
	p0 =	sne.s32 s7, $0x0  }
0x6: {  	s7 =	simm.s32 $0x1;
	s6 =	sor.u32 s3, s6;
	s8 =	ssub.s32 $0x2, s3  }
0x7: {  	_ =	strace $0x8000004A;
	s6 =	smul.u32 $0x4E2, s6;
	s10 =	sshrl.u32 s8, $0x1  }
0x8: {  	s11 =	smul.u32 $0x500, s3;
	s12 =	sshrl.u32 @!p0 s1, $0x3;
	s8 =	ssub.s32 s8, s10  }
0x9: {  	v0 =	vlaneseq.u32;
	s10 =	simm.s32 $0x50;
	s9 =	sadd.s32 s6, s5;
	s4 =	sadd.s32 s4, s6  }
0xa: {  	v1 =	vimm.f32 $0.0e+00;
	v2 =	vor.u32 $0x10, v0;
	s5 =	sadd.s32 s5, s11;
	s6 =	smax.u32 s8, $0x1;
	s8 =	simm.s32 $0x2710  }
0xb: {  	v3 =	vor.u32 $0x20, v0;
	v4 =	vor.u32 $0x30, v0;
	v5 =	vor.u32 $0x40, v0;
	s11 =	simm.s32 $0x7620;
	s3 =	sadd.s32 $0x13A00, s9;
	s9 =	simm.s32 $0x4E20  }
.LBB2_1:
0xc: {  	s13 =	simm.s32 $0x0;
	s14 =	simm.s32 $0x200  }
.LBB2_2:
0xd: {  	p1 =	sne.s32 s14, $0x9E00;
	[tilespmem:s13+$0x4E90] =	vst v1  }
0xe: {  	[tilespmem:s13+$0x4E20] =	vst v1  }
0xf: {  	[tilespmem:s13+$0x4E30] =	vst v1  }
.Ltmp0:
0x10: {  	[tilespmem:s13+$0x4E40] =	vst v1;
	(pc) =	sbr.rel @p1 .LBB2_2-.Ltmp0, $4  }
0x11: {  	[tilespmem:s13+$0x4E50] =	vst v1  }
0x12: {  	[tilespmem:s13+$0x4E60] =	vst v1  }
0x13: {  	[tilespmem:s13+$0x4E70] =	vst v1  }
0x14: {  	[tilespmem:s13+$0x4E80] =	vst v1;
	s13 =	sshra.s32 s14, $0x2;
	s14 =	sadd.s32 $0x200, s14  }
0x15: {  	[tilespmem:s13+$0x4E90] =	vst v1  }
0x16: {  	[tilespmem:s13+$0x4E20] =	vst v1  }
0x17: {  	[tilespmem:s13+$0x4E30] =	vst v1  }
0x18: {  	[tilespmem:s13+$0x4E40] =	vst v1  }
0x19: {  	[tilespmem:s13+$0x4E50] =	vst v1  }
0x1a: {  	[tilespmem:s13+$0x4E60] =	vst v1  }
0x1b: {  	[tilespmem:s13+$0x4E70] =	vst v1  }
0x1c: {  	[tilespmem:s13+$0x4E80] =	vst v1  }
0x1d: {  	[tilespmem:$0x7620] =	vst v0  }
0x1e: {  	[tilespmem:$0x7630] =	vst v2  }
0x1f: {  	[tilespmem:$0x7640] =	vst v3  }
0x20: {  	[tilespmem:$0x7650] =	vst v4  }
0x21: {  	s13 =	simm.s32 @!p0 $0x4E20;
	[tilespmem:$0x7660] =	vst v5  }
0x22: {  	[spmem:s1] =	stream.linear.scatter @!p0 [tilespmem:s13], [sflag:$0x1], $0x2800, $0x38;
	[tilespmem:$0x78F0] =	vst v63  }
0x23: {  	s13 =	simm.s32 @!p0 $0x1  }
0x24: {  	_ =	swait.ge @!p0 [sflag:s13], $0x2800  }
0x25: {  	[sflag:s13] =	ssyncset.done @!p0 $0x0  }
0x26: {  	[sflag:s13] =	ssyncadd.s32 @!p0 $0xFFFFD800  }
0x27: {  	s31 =	simm.s32 $0x0;
	[bflag:$0x0] =	sbarrier.arrive $0xFFFF  }
0x28: {  	[tilespmem:s31], [sflag:$0x1] =	stream.linear.gather [hbm4b:s3+s31], $0x2710, $0x38;
	[tilespmem:$0x78F0] =	vst v63  }
0x29: {  	_ =	swait.ge [sflag:s7], $0x2710  }
0x2a: {  	[sflag:s7] =	ssyncset.done $0x0  }
0x2b: {  	[sflag:s7] =	ssyncadd.s32 $0xFFFFD8F0  }
0x2c: {  	[tilespmem:s8], [sflag:$0x1] =	stream.linear.gather [hbm4b:s4+s31], $0x2710, $0x38;
	[tilespmem:$0x78F0] =	vst v63  }
0x2d: {  	_ =	swait.ge [sflag:s7], $0x2710  }
0x2e: {  	[sflag:s7] =	ssyncset.done $0x0  }
0x2f: {  	s14 =	simm.s32 $0x0;
	s13 =	simm.s32 $0x40;
	[sflag:s7] =	ssyncadd.s32 $0xFFFFD8F0  }
.LBB2_4:
0x30: {  	p1 =	sne.s32 s13, $0x9C00;
	v6 =	vld [tilespmem:s14+$0x0];
	_ =	sdelay $0x1  }
0x31: {  	v7 =	vld [tilespmem:s14+$0x2710];
	_ =	sdelay $0x1  }
.Ltmp1:
0x32: {  	(pc) =	sbr.rel @p1 .LBB2_4-.Ltmp1, $3  }
0x33: {  	_ =	sdelay $0x1  }
0x34: {  	v7 =	vand.u32 $0x7FFFFFFF, v7  }
0x35: {  	s14 =	sshra.s32 s13, $0x2;
	s13 =	sadd.s32 $0x40, s13;
	[tilespmem:v6+s9+$0x0] =	vst.idx.add.f32.msk $0xffff, v7  }
0x36: {  	v6 =	vld [tilespmem:s14+$0x0];
	_ =	sdelay $0x1  }
0x37: {  	v7 =	vld [tilespmem:s14+$0x2710];
	_ =	sdelay $0x4  }
0x38: {  	v7 =	vand.u32 $0x7FFFFFFF, v7  }
0x39: {  	[tilespmem:v6+s9+$0x0] =	vst.idx.add.f32.msk $0xffff, v7  }
0x3a: {  	[spmem:s1] =	stream.indirect.scatter.add.f32 [tilespmem:s9], [sflag:$0x1], $0x80, s11, s10, $0xb8;
	[tilespmem:$0x78F0] =	vst v63  }
0x3b: {  	_ =	swait.ge [sflag:s7], $0x2800  }
0x3c: {  	[sflag:s7] =	ssyncset.done $0x0  }
0x3d: {  	s2 =	sadd.s32 $0x1, s2;
	[sflag:s7] =	ssyncadd.s32 $0xFFFFD800  }
0x3e: {  	s13 =	simm.s32 @!p0 $0x1C01;
	p1 =	sne.s32 s2, s6;
	[bflag:$0x0] =	sbarrier.arrive $0xFFFF  }
0x3f: {  	[hbm:s5], [sflag:s13] =	dma.local @!p0 [spmem:s12], $0x500  }
.Ltmp2:
0x40: {  	_ = 	snop;
	(pc) =	sbr.rel @p1 .LBB2_1-.Ltmp2, $4  }
0x41: {  	s13 =	simm.s32 @!p0 $0x1  }
0x42: {  	_ =	swait.ge @!p0 [sflag:s13], $0x500  }
0x43: {  	[sflag:s13] =	ssyncset.done @!p0 $0x0  }
0x44: {  	[sflag:s13] =	ssyncadd.s32 @!p0 $0xFFFFFB00  }
0x45: {  	_ =	sfence.sel $0x180000  }
0x46: {  	[bflag:$0x0] =	sbarrier.arrive $0xFFFF  }
0x47: {  	_ =	strace $0x9000004A  }
0x48: {  	s0 =	sadd.s32 @!p0 $0x100000, s0;
	[bflag:$0x2] =	sbarrier.arrive $0xFFFF  }
0x49: {  	[sflag:s0] =	ssyncadd.tile.s32 @!p0 $0x1;
	_ =	shalt  }
.Lfunc_end2:
_tile_overlayer_lowered:
.L_overlay_start_2:
0x4a: {  	(tag) =	ssettag $0x2  }
0x4b: {  	s0 =	rddreg [dreg:$0x0];
	s2 =	stileid.u32  }
0x4c: {  	s1 =	rddreg [dreg:$0x1];
	p0 =	sne.s32 s2, $0x0  }
0x4d: {  	s3 =	rddreg [dreg:$0x2];
	[bflag:$0x3] =	sbarrier.arrive $0xFFFF;
	s2 =	simm.s32 @!p0 $0x1C01  }
0x4e: {  	[timem:s3], [sflag:s2] =	dma.local @!p0 [hbm:s0], s1  }
0x4f: {  	s0 =	simm.s32 @!p0 $0x1  }
0x50: {  	_ =	swait.ge @!p0 [sflag:s0], s1  }
0x51: {  	s1 =	ssub.s32 @!p0 $0x0, s1;
	[sflag:s0] =	ssyncset.done @!p0 $0x0  }
0x52: {  	[sflag:s0] =	ssyncadd.s32 @!p0 s1  }
0x53: {  	[bflag:$0x3] =	sbarrier.arrive $0xFFFF  }
0x54: {  	_ =	shalt  }

</sc_bundles>
